<compile_context>
chip_gen: v7x
topology: tpu7x:2x2x1
jax: 0.10.2.dev20260603
libtpu: 0.0.44.dev20260713+nightly
codegen_flags: <defaults>
</compile_context>

<pallas_src>
import functools

import jax
import jax.numpy as jnp
from jax import lax
from jax.experimental import pallas as pl
from jax.experimental.pallas import tpu as pltpu
from jax.experimental.pallas import tpu_sc as plsc

NC = 2
NS = 16
NW = NC * NS

NBUF = 5


@functools.partial(jax.jit, static_argnames=("n_s", "n_bb", "d"))
def _sc_embedding_gather(idx_t, table, *, n_s, n_bb, d):
    v = table.shape[0]
    mesh = plsc.VectorSubcoreMesh(core_axis_name="c", subcore_axis_name="s")
    ndb = d // 8
    bpw = n_bb // NW
    units = bpw * n_s
    UNROLL = 8

    @functools.partial(
        pl.kernel,
        mesh=mesh,
        out_type=jax.ShapeDtypeStruct((n_s, ndb, n_bb, 8, 128), jnp.float32),
        scratch_types=[
            pltpu.VMEM((n_s, bpw * 128), jnp.int32),
            pltpu.VMEM((NBUF, 128, d), jnp.float32),
            pltpu.VMEM((NBUF, ndb, 8, 132), jnp.float32),
            pltpu.SemaphoreType.DMA,
            pltpu.SemaphoreType.DMA,
        ],
        compiler_params=pltpu.CompilerParams(
            use_tc_tiling_on_sc=False,
            needs_layout_passes=False,
            disable_bounds_checks=True,
        ),
    )
    def k(idx_hbm, table_hbm, out_hbm, idx_v, rows_v, tbuf_v, gsem, osem):
        wid = lax.axis_index("s") * NC + lax.axis_index("c")
        pltpu.sync_copy(idx_hbm.at[:, pl.ds(wid * bpw * 128, bpw * 128)], idx_v)

        lane = lax.iota(jnp.int32, 16)
        dhi = [(lane + 16 * j) >> 3 for j in range(d // 16)]
        dmid = [(lane + 16 * j) & 7 for j in range(d // 16)]

        def gather_start(u, buf):
            blk = u // n_s
            s = u % n_s
            idxref = idx_v.at[s, pl.ds(blk * 128, 128)]
            return pltpu.async_copy(table_hbm.at[idxref], rows_v.at[buf], gsem)

        def transpose_unit(buf):
            @plsc.parallel_loop(0, 128, unroll=UNROLL)
            def body(b):
                ibi = jnp.full((16,), b, jnp.int32)
                for j in range(d // 16):
                    val = rows_v[buf, b, pl.ds(16 * j, 16)]
                    plsc.store_scatter(
                        tbuf_v.at[buf], [dhi[j], dmid[j], ibi], val
                    )

        def write_start(u, buf):
            blk = u // n_s
            s = u % n_s
            bb = wid * bpw + blk
            return [
                pltpu.async_copy(
                    tbuf_v.at[buf, db, :, pl.ds(0, 128)],
                    out_hbm.at[s, db, bb, :, :],
                    osem,
                )
                for db in range(ndb)
            ]

        def step(t, _):
            gathers = [gather_start(t * NBUF + b, b) for b in range(NBUF)]
            writes = []
            for b in range(NBUF):
                gathers[b].wait()
                transpose_unit(b)
                writes.extend(write_start(t * NBUF + b, b))
            for w in writes:
                w.wait()
            return _

        lax.fori_loop(0, units // NBUF, step, 0)

    return k(idx_t, table)


def kernel(inputs, table):
    b0, s = inputs.shape
    v, d = table.shape
    idx_t = inputs.T.astype(jnp.int32)
    out5 = _sc_embedding_gather(idx_t, table, n_s=s, n_bb=b0 // 128, d=d)
    return out5.transpose((2, 4, 0, 1, 3)).reshape(b0, s, d)

# --- scband reference (transcript-rebuilt; emitter-appended) ---
"""Pipeline reference for scband-skip-gram-61366492725415 (READ-ONLY COPY).

The authoritative reference and input builder live on the scoring server;
editing this copy changes nothing except your own understanding.
"""

import jax, jax.numpy as jnp
import numpy as np

VOCAB_SIZE = 1000000
EMBED_DIM = 64

def setup_inputs(seed: int = 0) -> dict:
    key = jax.random.key(seed)
    k1, k2 = jax.random.split(key)
    inputs = jax.random.randint(k1, (16384, 50), 0, VOCAB_SIZE, dtype=jnp.int64 if jax.config.jax_enable_x64 else jnp.int32)
    # Keras Embedding default init: uniform(-0.05, 0.05)
    table = jax.random.uniform(k2, (VOCAB_SIZE, EMBED_DIM), dtype=jnp.float32, minval=-0.05, maxval=0.05)
    return {"inputs": inputs, "table": table}

def reference(inputs, table):
    # SkipGram.call: embedding lookup
    return jnp.take(table, inputs, axis=0)

if __name__ == "__main__":
    import jax
    _d = setup_inputs()
    print(jax.jit(kernel)(*tuple(_d.values())))

</pallas_src>

<mosaic_0001>
#map = affine_map<(d0, d1) -> (0, 0)>
#map1 = affine_map<(d0, d1) -> (0, 0, 0, 0, 0)>
module attributes {stable_mosaic.version = 14 : i64} {
  func.func @k(%arg0: i32, %arg1: i32, %arg2: memref<50x16384xi32, #tpu.memory_space<hbm>>, %arg3: memref<1000000x64xf32, #tpu.memory_space<hbm>>, %arg4: memref<50x8x128x8x128xf32, #tpu.memory_space<hbm>>, %arg5: memref<50x512xi32, #tpu.memory_space<vmem>>, %arg6: memref<5x128x64xf32, #tpu.memory_space<vmem>>, %arg7: memref<5x8x8x132xf32, #tpu.memory_space<vmem>>, %arg8: memref<!tpu.dma_semaphore, #tpu.memory_space<semaphore_mem>>, %arg9: memref<!tpu.dma_semaphore, #tpu.memory_space<semaphore_mem>>) attributes {dimension_semantics = [#tpu.dimension_semantics<core_parallel>, #tpu.dimension_semantics<subcore_parallel>], iteration_bounds = array<i64: 2, 16>, scalar_prefetch = 0 : i64, scratch_operands = 5 : i64, tpu.core_type = #tpu.core_type<sc_vector_subcore>, window_params = [{transform_indices = #map}, {transform_indices = #map}, {transform_indices = #map1}]} {
    %mul3A = arith.constant 2 : i32
    %mul3A_0 = arith.muli %arg1, %mul3A : i32
    %add3A = arith.addi %mul3A_0, %arg0 : i32
    %mul3A_1 = arith.constant 4 : i32
    %mul3A_2 = arith.muli %add3A, %mul3A_1 : i32
    %mul3A_3 = arith.constant 128 : i32
    %mul3A_4 = arith.muli %mul3A_2, %mul3A_3 : i32
    "tpu.region"() ({
      %run_scoped3A = tpu.sem_alloc : memref<!tpu.dma_semaphore, #tpu.memory_space<semaphore_mem>>
      %dma_start3A = arith.constant 0 : i32
      %dma_start3A_56 = tpu.memref_slice %arg2[%dma_start3A, %mul3A_4] : memref<50x16384xi32, #tpu.memory_space<hbm>> -> memref<50x512xi32, #tpu.memory_space<hbm>>
      %dma_start3A_57 = arith.constant 0 : i32
      %dma_start3A_58 = tpu.memref_slice %arg2[%dma_start3A_57, %mul3A_4] : memref<50x16384xi32, #tpu.memory_space<hbm>> -> memref<50x512xi32, #tpu.memory_space<hbm>>
      tpu.enqueue_dma source(%dma_start3A_58 : memref<50x512xi32, #tpu.memory_space<hbm>>) target(%arg5 : memref<50x512xi32, #tpu.memory_space<vmem>>) target_semaphore(%run_scoped3A : memref<!tpu.dma_semaphore, #tpu.memory_space<semaphore_mem>>)
      %dma_wait3A = arith.constant 0 : i32
      %dma_wait3A_59 = tpu.memref_slice %arg2[%dma_wait3A, %mul3A_4] : memref<50x16384xi32, #tpu.memory_space<hbm>> -> memref<50x512xi32, #tpu.memory_space<hbm>>
      %dma_wait3A_60 = arith.constant 0 : i32
      %dma_wait3A_61 = tpu.memref_slice %arg2[%dma_wait3A_60, %mul3A_4] : memref<50x16384xi32, #tpu.memory_space<hbm>> -> memref<50x512xi32, #tpu.memory_space<hbm>>
      tpu.wait_dma2 semaphore(%run_scoped3A : memref<!tpu.dma_semaphore, #tpu.memory_space<semaphore_mem>>) src(%dma_wait3A_61 : memref<50x512xi32, #tpu.memory_space<hbm>>) dst(%arg5 : memref<50x512xi32, #tpu.memory_space<vmem>>)
      tpu.yield
    }) : () -> ()
    %iota3A = tpu.iota {dimensions = array<i32: 0>} : vector<16xi32>
    %add3A_5 = arith.constant 0 : i32
    %add3A_6 = vector.broadcast %add3A_5 : i32 to vector<16xi32>
    %add3A_7 = arith.addi %iota3A, %add3A_6 : vector<16xi32>
    %shift_right_arithmetic3A = arith.constant 3 : i32
    %shift_right_arithmetic3A_8 = vector.broadcast %shift_right_arithmetic3A : i32 to vector<16xi32>
    %shift_right_arithmetic3A_9 = arith.shrsi %add3A_7, %shift_right_arithmetic3A_8 : vector<16xi32>
    %add3A_10 = arith.constant 16 : i32
    %add3A_11 = vector.broadcast %add3A_10 : i32 to vector<16xi32>
    %add3A_12 = arith.addi %iota3A, %add3A_11 : vector<16xi32>
    %shift_right_arithmetic3A_13 = arith.constant 3 : i32
    %shift_right_arithmetic3A_14 = vector.broadcast %shift_right_arithmetic3A_13 : i32 to vector<16xi32>
    %shift_right_arithmetic3A_15 = arith.shrsi %add3A_12, %shift_right_arithmetic3A_14 : vector<16xi32>
    %add3A_16 = arith.constant 32 : i32
    %add3A_17 = vector.broadcast %add3A_16 : i32 to vector<16xi32>
    %add3A_18 = arith.addi %iota3A, %add3A_17 : vector<16xi32>
    %shift_right_arithmetic3A_19 = arith.constant 3 : i32
    %shift_right_arithmetic3A_20 = vector.broadcast %shift_right_arithmetic3A_19 : i32 to vector<16xi32>
    %shift_right_arithmetic3A_21 = arith.shrsi %add3A_18, %shift_right_arithmetic3A_20 : vector<16xi32>
    %add3A_22 = arith.constant 48 : i32
    %add3A_23 = vector.broadcast %add3A_22 : i32 to vector<16xi32>
    %add3A_24 = arith.addi %iota3A, %add3A_23 : vector<16xi32>
    %shift_right_arithmetic3A_25 = arith.constant 3 : i32
    %shift_right_arithmetic3A_26 = vector.broadcast %shift_right_arithmetic3A_25 : i32 to vector<16xi32>
    %shift_right_arithmetic3A_27 = arith.shrsi %add3A_24, %shift_right_arithmetic3A_26 : vector<16xi32>
    %add3A_28 = arith.constant 0 : i32
    %add3A_29 = vector.broadcast %add3A_28 : i32 to vector<16xi32>
    %add3A_30 = arith.addi %iota3A, %add3A_29 : vector<16xi32>
    %and3A = arith.constant 7 : i32
    %and3A_31 = vector.broadcast %and3A : i32 to vector<16xi32>
    %and3A_32 = arith.andi %add3A_30, %and3A_31 : vector<16xi32>
    %add3A_33 = arith.constant 16 : i32
    %add3A_34 = vector.broadcast %add3A_33 : i32 to vector<16xi32>
    %add3A_35 = arith.addi %iota3A, %add3A_34 : vector<16xi32>
    %and3A_36 = arith.constant 7 : i32
    %and3A_37 = vector.broadcast %and3A_36 : i32 to vector<16xi32>
    %and3A_38 = arith.andi %add3A_35, %and3A_37 : vector<16xi32>
    %add3A_39 = arith.constant 32 : i32
    %add3A_40 = vector.broadcast %add3A_39 : i32 to vector<16xi32>
    %add3A_41 = arith.addi %iota3A, %add3A_40 : vector<16xi32>
    %and3A_42 = arith.constant 7 : i32
    %and3A_43 = vector.broadcast %and3A_42 : i32 to vector<16xi32>
    %and3A_44 = arith.andi %add3A_41, %and3A_43 : vector<16xi32>
    %add3A_45 = arith.constant 48 : i32
    %add3A_46 = vector.broadcast %add3A_45 : i32 to vector<16xi32>
    %add3A_47 = arith.addi %iota3A, %add3A_46 : vector<16xi32>
    %and3A_48 = arith.constant 7 : i32
    %and3A_49 = vector.broadcast %and3A_48 : i32 to vector<16xi32>
    %and3A_50 = arith.andi %add3A_47, %and3A_49 : vector<16xi32>
    %scan3A = arith.constant 0 : i32
    %scan3A_51 = arith.constant 0 : i32
    %scan3A_52 = arith.constant 40 : i32
    %scan3A_53 = arith.addi %scan3A_51, %scan3A_52 : i32
    %scan3A_54 = arith.constant 1 : i32
    scf.for %scan3A_56 = %scan3A_51 to %scan3A_53 step %scan3A_54  : i32 {
      %mul3A_57 = arith.constant 5 : i32
      %mul3A_58 = arith.muli %scan3A_56, %mul3A_57 : i32
      %add3A_59 = arith.constant 0 : i32
      %add3A_60 = arith.addi %mul3A_58, %add3A_59 : i32
      %jit3A = arith.constant 50 : i32
      %div3A = arith.divsi %add3A_60, %jit3A : i32
      %sign3A = arith.constant 0 : i32
      %sign3A_61 = arith.cmpi sgt, %add3A_60, %sign3A : i32
      %sign3A_62 = arith.extui %sign3A_61 : i1 to i32
      %sign3A_63 = arith.constant 0 : i32
      %sign3A_64 = arith.cmpi slt, %add3A_60, %sign3A_63 : i32
      %sign3A_65 = arith.extui %sign3A_64 : i1 to i32
      %sign3A_66 = arith.subi %sign3A_62, %sign3A_65 : i32
      %sign3A_67 = arith.constant 0 : i32
      %sign3A_68 = arith.cmpi sgt, %jit3A, %sign3A_67 : i32
      %sign3A_69 = arith.extui %sign3A_68 : i1 to i32
      %sign3A_70 = arith.constant 0 : i32
      %sign3A_71 = arith.cmpi slt, %jit3A, %sign3A_70 : i32
      %sign3A_72 = arith.extui %sign3A_71 : i1 to i32
      %sign3A_73 = arith.subi %sign3A_69, %sign3A_72 : i32
      %ne3A = arith.cmpi ne, %sign3A_66, %sign3A_73 : i32
      %rem3A = arith.remsi %add3A_60, %jit3A : i32
      %ne3A_74 = arith.constant 0 : i32
      %ne3A_75 = arith.cmpi ne, %rem3A, %ne3A_74 : i32
      %and3A_76 = arith.andi %ne3A, %ne3A_75 : i1
      %sub3A = arith.constant 1 : i32
      %sub3A_77 = arith.subi %div3A, %sub3A : i32
      %select_n3A = arith.select %and3A_76, %sub3A_77, %div3A : i32
      %jit3A_78 = arith.constant 50 : i32
      %eq3A = arith.constant 0 : i32
      %eq3A_79 = arith.cmpi eq, %jit3A_78, %eq3A : i32
      %jit3A_80 = arith.constant 1 : i32
      %select_n3A_81 = arith.select %eq3A_79, %jit3A_80, %jit3A_78 : i32
      %rem3A_82 = arith.remsi %add3A_60, %select_n3A_81 : i32
      %ne3A_83 = arith.constant 0 : i32
      %ne3A_84 = arith.cmpi ne, %rem3A_82, %ne3A_83 : i32
      %lt3A = arith.constant 0 : i32
      %lt3A_85 = arith.cmpi slt, %rem3A_82, %lt3A : i32
      %lt3A_86 = arith.constant 0 : i32
      %lt3A_87 = arith.cmpi slt, %select_n3A_81, %lt3A_86 : i32
      %ne3A_88 = arith.xori %lt3A_85, %lt3A_87 : i1
      %and3A_89 = arith.andi %ne3A_88, %ne3A_84 : i1
      %add3A_90 = arith.addi %rem3A_82, %select_n3A_81 : i32
      %select_n3A_91 = arith.select %and3A_89, %add3A_90, %rem3A_82 : i32
      %mul3A_92 = arith.constant 128 : i32
      %mul3A_93 = arith.muli %select_n3A, %mul3A_92 : i32
      %dma_start3A = arith.constant 0 : i32
      %dma_start3A_94 = arith.constant 0 : i32
      %dma_start3A_95 = arith.constant 0 : i32
      %dma_start3A_96 = tpu.memref_slice %arg6[%dma_start3A, %dma_start3A_94, %dma_start3A_95] : memref<5x128x64xf32, #tpu.memory_space<vmem>> -> memref<1x128x64xf32, #tpu.memory_space<vmem>>
      %dma_start3A_97 = tpu.memref_squeeze %dma_start3A_96 : memref<1x128x64xf32, #tpu.memory_space<vmem>> -> memref<128x64xf32, #tpu.memory_space<vmem>>
      %dma_start3A_98 = tpu.memref_slice %arg5[%select_n3A_91, %mul3A_93] : memref<50x512xi32, #tpu.memory_space<vmem>> -> memref<1x128xi32, #tpu.memory_space<vmem>>
      %dma_start3A_99 = tpu.memref_squeeze %dma_start3A_98 : memref<1x128xi32, #tpu.memory_space<vmem>> -> memref<128xi32, #tpu.memory_space<vmem>>
      %dma_start3A_100 = arith.constant 0 : i32
      %dma_start3A_101 = arith.constant 0 : i32
      %dma_start3A_102 = tpu.memref_slice %arg3[%dma_start3A_100, %dma_start3A_101] : memref<1000000x64xf32, #tpu.memory_space<hbm>> -> memref<1000000x64xf32, #tpu.memory_space<hbm>>
      tpu.enqueue_indirect_dma source(%dma_start3A_102 : memref<1000000x64xf32, #tpu.memory_space<hbm>>) target(%dma_start3A_97 : memref<128x64xf32, #tpu.memory_space<vmem>>) offsets(%dma_start3A_99 : memref<128xi32, #tpu.memory_space<vmem>>) semaphore(%arg8 : memref<!tpu.dma_semaphore, #tpu.memory_space<semaphore_mem>>)
      %mul3A_103 = arith.constant 5 : i32
      %mul3A_104 = arith.muli %scan3A_56, %mul3A_103 : i32
      %add3A_105 = arith.constant 1 : i32
      %add3A_106 = arith.addi %mul3A_104, %add3A_105 : i32
      %jit3A_107 = arith.constant 50 : i32
      %div3A_108 = arith.divsi %add3A_106, %jit3A_107 : i32
      %sign3A_109 = arith.constant 0 : i32
      %sign3A_110 = arith.cmpi sgt, %add3A_106, %sign3A_109 : i32
      %sign3A_111 = arith.extui %sign3A_110 : i1 to i32
      %sign3A_112 = arith.constant 0 : i32
      %sign3A_113 = arith.cmpi slt, %add3A_106, %sign3A_112 : i32
      %sign3A_114 = arith.extui %sign3A_113 : i1 to i32
      %sign3A_115 = arith.subi %sign3A_111, %sign3A_114 : i32
      %sign3A_116 = arith.constant 0 : i32
      %sign3A_117 = arith.cmpi sgt, %jit3A_107, %sign3A_116 : i32
      %sign3A_118 = arith.extui %sign3A_117 : i1 to i32
      %sign3A_119 = arith.constant 0 : i32
      %sign3A_120 = arith.cmpi slt, %jit3A_107, %sign3A_119 : i32
      %sign3A_121 = arith.extui %sign3A_120 : i1 to i32
      %sign3A_122 = arith.subi %sign3A_118, %sign3A_121 : i32
      %ne3A_123 = arith.cmpi ne, %sign3A_115, %sign3A_122 : i32
      %rem3A_124 = arith.remsi %add3A_106, %jit3A_107 : i32
      %ne3A_125 = arith.constant 0 : i32
      %ne3A_126 = arith.cmpi ne, %rem3A_124, %ne3A_125 : i32
      %and3A_127 = arith.andi %ne3A_123, %ne3A_126 : i1
      %sub3A_128 = arith.constant 1 : i32
      %sub3A_129 = arith.subi %div3A_108, %sub3A_128 : i32
      %select_n3A_130 = arith.select %and3A_127, %sub3A_129, %div3A_108 : i32
      %jit3A_131 = arith.constant 50 : i32
      %eq3A_132 = arith.constant 0 : i32
      %eq3A_133 = arith.cmpi eq, %jit3A_131, %eq3A_132 : i32
      %jit3A_134 = arith.constant 1 : i32
      %select_n3A_135 = arith.select %eq3A_133, %jit3A_134, %jit3A_131 : i32
      %rem3A_136 = arith.remsi %add3A_106, %select_n3A_135 : i32
      %ne3A_137 = arith.constant 0 : i32
      %ne3A_138 = arith.cmpi ne, %rem3A_136, %ne3A_137 : i32
      %lt3A_139 = arith.constant 0 : i32
      %lt3A_140 = arith.cmpi slt, %rem3A_136, %lt3A_139 : i32
      %lt3A_141 = arith.constant 0 : i32
      %lt3A_142 = arith.cmpi slt, %select_n3A_135, %lt3A_141 : i32
      %ne3A_143 = arith.xori %lt3A_140, %lt3A_142 : i1
      %and3A_144 = arith.andi %ne3A_143, %ne3A_138 : i1
      %add3A_145 = arith.addi %rem3A_136, %select_n3A_135 : i32
      %select_n3A_146 = arith.select %and3A_144, %add3A_145, %rem3A_136 : i32
      %mul3A_147 = arith.constant 128 : i32
      %mul3A_148 = arith.muli %select_n3A_130, %mul3A_147 : i32
      %dma_start3A_149 = arith.constant 1 : i32
      %dma_start3A_150 = arith.constant 0 : i32
      %dma_start3A_151 = arith.constant 0 : i32
      %dma_start3A_152 = tpu.memref_slice %arg6[%dma_start3A_149, %dma_start3A_150, %dma_start3A_151] : memref<5x128x64xf32, #tpu.memory_space<vmem>> -> memref<1x128x64xf32, #tpu.memory_space<vmem>>
      %dma_start3A_153 = tpu.memref_squeeze %dma_start3A_152 : memref<1x128x64xf32, #tpu.memory_space<vmem>> -> memref<128x64xf32, #tpu.memory_space<vmem>>
      %dma_start3A_154 = tpu.memref_slice %arg5[%select_n3A_146, %mul3A_148] : memref<50x512xi32, #tpu.memory_space<vmem>> -> memref<1x128xi32, #tpu.memory_space<vmem>>
      %dma_start3A_155 = tpu.memref_squeeze %dma_start3A_154 : memref<1x128xi32, #tpu.memory_space<vmem>> -> memref<128xi32, #tpu.memory_space<vmem>>
      %dma_start3A_156 = arith.constant 0 : i32
      %dma_start3A_157 = arith.constant 0 : i32
      %dma_start3A_158 = tpu.memref_slice %arg3[%dma_start3A_156, %dma_start3A_157] : memref<1000000x64xf32, #tpu.memory_space<hbm>> -> memref<1000000x64xf32, #tpu.memory_space<hbm>>
      tpu.enqueue_indirect_dma source(%dma_start3A_158 : memref<1000000x64xf32, #tpu.memory_space<hbm>>) target(%dma_start3A_153 : memref<128x64xf32, #tpu.memory_space<vmem>>) offsets(%dma_start3A_155 : memref<128xi32, #tpu.memory_space<vmem>>) semaphore(%arg8 : memref<!tpu.dma_semaphore, #tpu.memory_space<semaphore_mem>>)
      %mul3A_159 = arith.constant 5 : i32
      %mul3A_160 = arith.muli %scan3A_56, %mul3A_159 : i32
      %add3A_161 = arith.constant 2 : i32
      %add3A_162 = arith.addi %mul3A_160, %add3A_161 : i32
      %jit3A_163 = arith.constant 50 : i32
      %div3A_164 = arith.divsi %add3A_162, %jit3A_163 : i32
      %sign3A_165 = arith.constant 0 : i32
      %sign3A_166 = arith.cmpi sgt, %add3A_162, %sign3A_165 : i32
      %sign3A_167 = arith.extui %sign3A_166 : i1 to i32
      %sign3A_168 = arith.constant 0 : i32
      %sign3A_169 = arith.cmpi slt, %add3A_162, %sign3A_168 : i32
      %sign3A_170 = arith.extui %sign3A_169 : i1 to i32
      %sign3A_171 = arith.subi %sign3A_167, %sign3A_170 : i32
      %sign3A_172 = arith.constant 0 : i32
      %sign3A_173 = arith.cmpi sgt, %jit3A_163, %sign3A_172 : i32
      %sign3A_174 = arith.extui %sign3A_173 : i1 to i32
      %sign3A_175 = arith.constant 0 : i32
      %sign3A_176 = arith.cmpi slt, %jit3A_163, %sign3A_175 : i32
      %sign3A_177 = arith.extui %sign3A_176 : i1 to i32
      %sign3A_178 = arith.subi %sign3A_174, %sign3A_177 : i32
      %ne3A_179 = arith.cmpi ne, %sign3A_171, %sign3A_178 : i32
      %rem3A_180 = arith.remsi %add3A_162, %jit3A_163 : i32
      %ne3A_181 = arith.constant 0 : i32
      %ne3A_182 = arith.cmpi ne, %rem3A_180, %ne3A_181 : i32
      %and3A_183 = arith.andi %ne3A_179, %ne3A_182 : i1
      %sub3A_184 = arith.constant 1 : i32
      %sub3A_185 = arith.subi %div3A_164, %sub3A_184 : i32
      %select_n3A_186 = arith.select %and3A_183, %sub3A_185, %div3A_164 : i32
      %jit3A_187 = arith.constant 50 : i32
      %eq3A_188 = arith.constant 0 : i32
      %eq3A_189 = arith.cmpi eq, %jit3A_187, %eq3A_188 : i32
      %jit3A_190 = arith.constant 1 : i32
      %select_n3A_191 = arith.select %eq3A_189, %jit3A_190, %jit3A_187 : i32
      %rem3A_192 = arith.remsi %add3A_162, %select_n3A_191 : i32
      %ne3A_193 = arith.constant 0 : i32
      %ne3A_194 = arith.cmpi ne, %rem3A_192, %ne3A_193 : i32
      %lt3A_195 = arith.constant 0 : i32
      %lt3A_196 = arith.cmpi slt, %rem3A_192, %lt3A_195 : i32
      %lt3A_197 = arith.constant 0 : i32
      %lt3A_198 = arith.cmpi slt, %select_n3A_191, %lt3A_197 : i32
      %ne3A_199 = arith.xori %lt3A_196, %lt3A_198 : i1
      %and3A_200 = arith.andi %ne3A_199, %ne3A_194 : i1
      %add3A_201 = arith.addi %rem3A_192, %select_n3A_191 : i32
      %select_n3A_202 = arith.select %and3A_200, %add3A_201, %rem3A_192 : i32
      %mul3A_203 = arith.constant 128 : i32
      %mul3A_204 = arith.muli %select_n3A_186, %mul3A_203 : i32
      %dma_start3A_205 = arith.constant 2 : i32
      %dma_start3A_206 = arith.constant 0 : i32
      %dma_start3A_207 = arith.constant 0 : i32
      %dma_start3A_208 = tpu.memref_slice %arg6[%dma_start3A_205, %dma_start3A_206, %dma_start3A_207] : memref<5x128x64xf32, #tpu.memory_space<vmem>> -> memref<1x128x64xf32, #tpu.memory_space<vmem>>
      %dma_start3A_209 = tpu.memref_squeeze %dma_start3A_208 : memref<1x128x64xf32, #tpu.memory_space<vmem>> -> memref<128x64xf32, #tpu.memory_space<vmem>>
      %dma_start3A_210 = tpu.memref_slice %arg5[%select_n3A_202, %mul3A_204] : memref<50x512xi32, #tpu.memory_space<vmem>> -> memref<1x128xi32, #tpu.memory_space<vmem>>
      %dma_start3A_211 = tpu.memref_squeeze %dma_start3A_210 : memref<1x128xi32, #tpu.memory_space<vmem>> -> memref<128xi32, #tpu.memory_space<vmem>>
      %dma_start3A_212 = arith.constant 0 : i32
      %dma_start3A_213 = arith.constant 0 : i32
      %dma_start3A_214 = tpu.memref_slice %arg3[%dma_start3A_212, %dma_start3A_213] : memref<1000000x64xf32, #tpu.memory_space<hbm>> -> memref<1000000x64xf32, #tpu.memory_space<hbm>>
      tpu.enqueue_indirect_dma source(%dma_start3A_214 : memref<1000000x64xf32, #tpu.memory_space<hbm>>) target(%dma_start3A_209 : memref<128x64xf32, #tpu.memory_space<vmem>>) offsets(%dma_start3A_211 : memref<128xi32, #tpu.memory_space<vmem>>) semaphore(%arg8 : memref<!tpu.dma_semaphore, #tpu.memory_space<semaphore_mem>>)
      %mul3A_215 = arith.constant 5 : i32
      %mul3A_216 = arith.muli %scan3A_56, %mul3A_215 : i32
      %add3A_217 = arith.constant 3 : i32
      %add3A_218 = arith.addi %mul3A_216, %add3A_217 : i32
      %jit3A_219 = arith.constant 50 : i32
      %div3A_220 = arith.divsi %add3A_218, %jit3A_219 : i32
      %sign3A_221 = arith.constant 0 : i32
      %sign3A_222 = arith.cmpi sgt, %add3A_218, %sign3A_221 : i32
      %sign3A_223 = arith.extui %sign3A_222 : i1 to i32
      %sign3A_224 = arith.constant 0 : i32
      %sign3A_225 = arith.cmpi slt, %add3A_218, %sign3A_224 : i32
      %sign3A_226 = arith.extui %sign3A_225 : i1 to i32
      %sign3A_227 = arith.subi %sign3A_223, %sign3A_226 : i32
      %sign3A_228 = arith.constant 0 : i32
      %sign3A_229 = arith.cmpi sgt, %jit3A_219, %sign3A_228 : i32
      %sign3A_230 = arith.extui %sign3A_229 : i1 to i32
      %sign3A_231 = arith.constant 0 : i32
      %sign3A_232 = arith.cmpi slt, %jit3A_219, %sign3A_231 : i32
      %sign3A_233 = arith.extui %sign3A_232 : i1 to i32
      %sign3A_234 = arith.subi %sign3A_230, %sign3A_233 : i32
      %ne3A_235 = arith.cmpi ne, %sign3A_227, %sign3A_234 : i32
      %rem3A_236 = arith.remsi %add3A_218, %jit3A_219 : i32
      %ne3A_237 = arith.constant 0 : i32
      %ne3A_238 = arith.cmpi ne, %rem3A_236, %ne3A_237 : i32
      %and3A_239 = arith.andi %ne3A_235, %ne3A_238 : i1
      %sub3A_240 = arith.constant 1 : i32
      %sub3A_241 = arith.subi %div3A_220, %sub3A_240 : i32
      %select_n3A_242 = arith.select %and3A_239, %sub3A_241, %div3A_220 : i32
      %jit3A_243 = arith.constant 50 : i32
      %eq3A_244 = arith.constant 0 : i32
      %eq3A_245 = arith.cmpi eq, %jit3A_243, %eq3A_244 : i32
      %jit3A_246 = arith.constant 1 : i32
      %select_n3A_247 = arith.select %eq3A_245, %jit3A_246, %jit3A_243 : i32
      %rem3A_248 = arith.remsi %add3A_218, %select_n3A_247 : i32
      %ne3A_249 = arith.constant 0 : i32
      %ne3A_250 = arith.cmpi ne, %rem3A_248, %ne3A_249 : i32
      %lt3A_251 = arith.constant 0 : i32
      %lt3A_252 = arith.cmpi slt, %rem3A_248, %lt3A_251 : i32
      %lt3A_253 = arith.constant 0 : i32
      %lt3A_254 = arith.cmpi slt, %select_n3A_247, %lt3A_253 : i32
      %ne3A_255 = arith.xori %lt3A_252, %lt3A_254 : i1
      %and3A_256 = arith.andi %ne3A_255, %ne3A_250 : i1
      %add3A_257 = arith.addi %rem3A_248, %select_n3A_247 : i32
      %select_n3A_258 = arith.select %and3A_256, %add3A_257, %rem3A_248 : i32
      %mul3A_259 = arith.constant 128 : i32
      %mul3A_260 = arith.muli %select_n3A_242, %mul3A_259 : i32
      %dma_start3A_261 = arith.constant 3 : i32
      %dma_start3A_262 = arith.constant 0 : i32
      %dma_start3A_263 = arith.constant 0 : i32
      %dma_start3A_264 = tpu.memref_slice %arg6[%dma_start3A_261, %dma_start3A_262, %dma_start3A_263] : memref<5x128x64xf32, #tpu.memory_space<vmem>> -> memref<1x128x64xf32, #tpu.memory_space<vmem>>
      %dma_start3A_265 = tpu.memref_squeeze %dma_start3A_264 : memref<1x128x64xf32, #tpu.memory_space<vmem>> -> memref<128x64xf32, #tpu.memory_space<vmem>>
      %dma_start3A_266 = tpu.memref_slice %arg5[%select_n3A_258, %mul3A_260] : memref<50x512xi32, #tpu.memory_space<vmem>> -> memref<1x128xi32, #tpu.memory_space<vmem>>
      %dma_start3A_267 = tpu.memref_squeeze %dma_start3A_266 : memref<1x128xi32, #tpu.memory_space<vmem>> -> memref<128xi32, #tpu.memory_space<vmem>>
      %dma_start3A_268 = arith.constant 0 : i32
      %dma_start3A_269 = arith.constant 0 : i32
      %dma_start3A_270 = tpu.memref_slice %arg3[%dma_start3A_268, %dma_start3A_269] : memref<1000000x64xf32, #tpu.memory_space<hbm>> -> memref<1000000x64xf32, #tpu.memory_space<hbm>>
      tpu.enqueue_indirect_dma source(%dma_start3A_270 : memref<1000000x64xf32, #tpu.memory_space<hbm>>) target(%dma_start3A_265 : memref<128x64xf32, #tpu.memory_space<vmem>>) offsets(%dma_start3A_267 : memref<128xi32, #tpu.memory_space<vmem>>) semaphore(%arg8 : memref<!tpu.dma_semaphore, #tpu.memory_space<semaphore_mem>>)
      %mul3A_271 = arith.constant 5 : i32
      %mul3A_272 = arith.muli %scan3A_56, %mul3A_271 : i32
      %add3A_273 = arith.constant 4 : i32
      %add3A_274 = arith.addi %mul3A_272, %add3A_273 : i32
      %jit3A_275 = arith.constant 50 : i32
      %div3A_276 = arith.divsi %add3A_274, %jit3A_275 : i32
      %sign3A_277 = arith.constant 0 : i32
      %sign3A_278 = arith.cmpi sgt, %add3A_274, %sign3A_277 : i32
      %sign3A_279 = arith.extui %sign3A_278 : i1 to i32
      %sign3A_280 = arith.constant 0 : i32
      %sign3A_281 = arith.cmpi slt, %add3A_274, %sign3A_280 : i32
      %sign3A_282 = arith.extui %sign3A_281 : i1 to i32
      %sign3A_283 = arith.subi %sign3A_279, %sign3A_282 : i32
      %sign3A_284 = arith.constant 0 : i32
      %sign3A_285 = arith.cmpi sgt, %jit3A_275, %sign3A_284 : i32
      %sign3A_286 = arith.extui %sign3A_285 : i1 to i32
      %sign3A_287 = arith.constant 0 : i32
      %sign3A_288 = arith.cmpi slt, %jit3A_275, %sign3A_287 : i32
      %sign3A_289 = arith.extui %sign3A_288 : i1 to i32
      %sign3A_290 = arith.subi %sign3A_286, %sign3A_289 : i32
      %ne3A_291 = arith.cmpi ne, %sign3A_283, %sign3A_290 : i32
      %rem3A_292 = arith.remsi %add3A_274, %jit3A_275 : i32
      %ne3A_293 = arith.constant 0 : i32
      %ne3A_294 = arith.cmpi ne, %rem3A_292, %ne3A_293 : i32
      %and3A_295 = arith.andi %ne3A_291, %ne3A_294 : i1
      %sub3A_296 = arith.constant 1 : i32
      %sub3A_297 = arith.subi %div3A_276, %sub3A_296 : i32
      %select_n3A_298 = arith.select %and3A_295, %sub3A_297, %div3A_276 : i32
      %jit3A_299 = arith.constant 50 : i32
      %eq3A_300 = arith.constant 0 : i32
      %eq3A_301 = arith.cmpi eq, %jit3A_299, %eq3A_300 : i32
      %jit3A_302 = arith.constant 1 : i32
      %select_n3A_303 = arith.select %eq3A_301, %jit3A_302, %jit3A_299 : i32
      %rem3A_304 = arith.remsi %add3A_274, %select_n3A_303 : i32
      %ne3A_305 = arith.constant 0 : i32
      %ne3A_306 = arith.cmpi ne, %rem3A_304, %ne3A_305 : i32
      %lt3A_307 = arith.constant 0 : i32
      %lt3A_308 = arith.cmpi slt, %rem3A_304, %lt3A_307 : i32
      %lt3A_309 = arith.constant 0 : i32
      %lt3A_310 = arith.cmpi slt, %select_n3A_303, %lt3A_309 : i32
      %ne3A_311 = arith.xori %lt3A_308, %lt3A_310 : i1
      %and3A_312 = arith.andi %ne3A_311, %ne3A_306 : i1
      %add3A_313 = arith.addi %rem3A_304, %select_n3A_303 : i32
      %select_n3A_314 = arith.select %and3A_312, %add3A_313, %rem3A_304 : i32
      %mul3A_315 = arith.constant 128 : i32
      %mul3A_316 = arith.muli %select_n3A_298, %mul3A_315 : i32
      %dma_start3A_317 = arith.constant 4 : i32
      %dma_start3A_318 = arith.constant 0 : i32
      %dma_start3A_319 = arith.constant 0 : i32
      %dma_start3A_320 = tpu.memref_slice %arg6[%dma_start3A_317, %dma_start3A_318, %dma_start3A_319] : memref<5x128x64xf32, #tpu.memory_space<vmem>> -> memref<1x128x64xf32, #tpu.memory_space<vmem>>
      %dma_start3A_321 = tpu.memref_squeeze %dma_start3A_320 : memref<1x128x64xf32, #tpu.memory_space<vmem>> -> memref<128x64xf32, #tpu.memory_space<vmem>>
      %dma_start3A_322 = tpu.memref_slice %arg5[%select_n3A_314, %mul3A_316] : memref<50x512xi32, #tpu.memory_space<vmem>> -> memref<1x128xi32, #tpu.memory_space<vmem>>
      %dma_start3A_323 = tpu.memref_squeeze %dma_start3A_322 : memref<1x128xi32, #tpu.memory_space<vmem>> -> memref<128xi32, #tpu.memory_space<vmem>>
      %dma_start3A_324 = arith.constant 0 : i32
      %dma_start3A_325 = arith.constant 0 : i32
      %dma_start3A_326 = tpu.memref_slice %arg3[%dma_start3A_324, %dma_start3A_325] : memref<1000000x64xf32, #tpu.memory_space<hbm>> -> memref<1000000x64xf32, #tpu.memory_space<hbm>>
      tpu.enqueue_indirect_dma source(%dma_start3A_326 : memref<1000000x64xf32, #tpu.memory_space<hbm>>) target(%dma_start3A_321 : memref<128x64xf32, #tpu.memory_space<vmem>>) offsets(%dma_start3A_323 : memref<128xi32, #tpu.memory_space<vmem>>) semaphore(%arg8 : memref<!tpu.dma_semaphore, #tpu.memory_space<semaphore_mem>>)
      %dma_wait3A = arith.constant 0 : i32
      %dma_wait3A_327 = arith.constant 0 : i32
      %dma_wait3A_328 = arith.constant 0 : i32
      %dma_wait3A_329 = tpu.memref_slice %arg6[%dma_wait3A, %dma_wait3A_327, %dma_wait3A_328] : memref<5x128x64xf32, #tpu.memory_space<vmem>> -> memref<1x128x64xf32, #tpu.memory_space<vmem>>
      %dma_wait3A_330 = tpu.memref_squeeze %dma_wait3A_329 : memref<1x128x64xf32, #tpu.memory_space<vmem>> -> memref<128x64xf32, #tpu.memory_space<vmem>>
      %dma_wait3A_331 = tpu.memref_slice %arg5[%select_n3A_91, %mul3A_93] : memref<50x512xi32, #tpu.memory_space<vmem>> -> memref<1x128xi32, #tpu.memory_space<vmem>>
      %dma_wait3A_332 = tpu.memref_squeeze %dma_wait3A_331 : memref<1x128xi32, #tpu.memory_space<vmem>> -> memref<128xi32, #tpu.memory_space<vmem>>
      %dma_wait3A_333 = arith.constant 0 : i32
      %dma_wait3A_334 = arith.constant 0 : i32
      %dma_wait3A_335 = tpu.memref_slice %arg3[%dma_wait3A_333, %dma_wait3A_334] : memref<1000000x64xf32, #tpu.memory_space<hbm>> -> memref<1000000x64xf32, #tpu.memory_space<hbm>>
      tpu.wait_indirect_dma semaphore(%arg8 : memref<!tpu.dma_semaphore, #tpu.memory_space<semaphore_mem>>) src(%dma_wait3A_335 : memref<1000000x64xf32, #tpu.memory_space<hbm>>) dst(%dma_wait3A_330 : memref<128x64xf32, #tpu.memory_space<vmem>>)
      %parallel_loop3A = arith.constant 0 : i32
      %parallel_loop3A_336 = arith.constant 128 : i32
      %parallel_loop3A_337 = arith.constant 1 : i32
      scf.for %parallel_loop3A_2145 = %parallel_loop3A to %parallel_loop3A_336 step %parallel_loop3A_337  : i32 {
        %parallel_loop3A_2146 = vector.broadcast %parallel_loop3A_2145 : i32 to vector<16xi32>
        %parallel_loop3A_2147 = arith.constant 0 : i32
        %parallel_loop3A_2148 = arith.index_cast %parallel_loop3A_2147 : i32 to index
        %parallel_loop3A_2149 = arith.index_cast %parallel_loop3A_2145 : i32 to index
        %parallel_loop3A_2150 = arith.constant 0 : index
        %parallel_loop3A_2151 = tpu.vector_load %arg6[%parallel_loop3A_2148, %parallel_loop3A_2149, %parallel_loop3A_2150] {strides = array<i32>} : memref<5x128x64xf32, #tpu.memory_space<vmem>>, vector<16xf32>,
        %parallel_loop3A_2152 = arith.constant 0 : i32
        %parallel_loop3A_2153 = arith.constant 0 : i32
        %parallel_loop3A_2154 = arith.constant 0 : i32
        %parallel_loop3A_2155 = arith.constant 0 : i32
        %parallel_loop3A_2156 = tpu.memref_slice %arg7[%parallel_loop3A_2152, %parallel_loop3A_2153, %parallel_loop3A_2154, %parallel_loop3A_2155] : memref<5x8x8x132xf32, #tpu.memory_space<vmem>> -> memref<1x8x8x132xf32, #tpu.memory_space<vmem>>
        %parallel_loop3A_2157 = tpu.memref_squeeze %parallel_loop3A_2156 : memref<1x8x8x132xf32, #tpu.memory_space<vmem>> -> memref<8x8x132xf32, #tpu.memory_space<vmem>>
        tpu.vector_store_idx %parallel_loop3A_2157[%shift_right_arithmetic3A_9, %and3A_32, %parallel_loop3A_2146], %parallel_loop3A_2151 : memref<8x8x132xf32, #tpu.memory_space<vmem>>[vector<16xi32>, vector<16xi32>, vector<16xi32>], vector<16xf32>,
        %parallel_loop3A_2158 = arith.constant 0 : i32
        %parallel_loop3A_2159 = arith.index_cast %parallel_loop3A_2158 : i32 to index
        %parallel_loop3A_2160 = arith.index_cast %parallel_loop3A_2145 : i32 to index
        %parallel_loop3A_2161 = arith.constant 16 : index
        %parallel_loop3A_2162 = tpu.vector_load %arg6[%parallel_loop3A_2159, %parallel_loop3A_2160, %parallel_loop3A_2161] {strides = array<i32>} : memref<5x128x64xf32, #tpu.memory_space<vmem>>, vector<16xf32>,
        %parallel_loop3A_2163 = arith.constant 0 : i32
        %parallel_loop3A_2164 = arith.constant 0 : i32
        %parallel_loop3A_2165 = arith.constant 0 : i32
        %parallel_loop3A_2166 = arith.constant 0 : i32
        %parallel_loop3A_2167 = tpu.memref_slice %arg7[%parallel_loop3A_2163, %parallel_loop3A_2164, %parallel_loop3A_2165, %parallel_loop3A_2166] : memref<5x8x8x132xf32, #tpu.memory_space<vmem>> -> memref<1x8x8x132xf32, #tpu.memory_space<vmem>>
        %parallel_loop3A_2168 = tpu.memref_squeeze %parallel_loop3A_2167 : memref<1x8x8x132xf32, #tpu.memory_space<vmem>> -> memref<8x8x132xf32, #tpu.memory_space<vmem>>
        tpu.vector_store_idx %parallel_loop3A_2168[%shift_right_arithmetic3A_15, %and3A_38, %parallel_loop3A_2146], %parallel_loop3A_2162 : memref<8x8x132xf32, #tpu.memory_space<vmem>>[vector<16xi32>, vector<16xi32>, vector<16xi32>], vector<16xf32>,
        %parallel_loop3A_2169 = arith.constant 0 : i32
        %parallel_loop3A_2170 = arith.index_cast %parallel_loop3A_2169 : i32 to index
        %parallel_loop3A_2171 = arith.index_cast %parallel_loop3A_2145 : i32 to index
        %parallel_loop3A_2172 = arith.constant 32 : index
        %parallel_loop3A_2173 = tpu.vector_load %arg6[%parallel_loop3A_2170, %parallel_loop3A_2171, %parallel_loop3A_2172] {strides = array<i32>} : memref<5x128x64xf32, #tpu.memory_space<vmem>>, vector<16xf32>,
        %parallel_loop3A_2174 = arith.constant 0 : i32
        %parallel_loop3A_2175 = arith.constant 0 : i32
        %parallel_loop3A_2176 = arith.constant 0 : i32
        %parallel_loop3A_2177 = arith.constant 0 : i32
        %parallel_loop3A_2178 = tpu.memref_slice %arg7[%parallel_loop3A_2174, %parallel_loop3A_2175, %parallel_loop3A_2176, %parallel_loop3A_2177] : memref<5x8x8x132xf32, #tpu.memory_space<vmem>> -> memref<1x8x8x132xf32, #tpu.memory_space<vmem>>
        %parallel_loop3A_2179 = tpu.memref_squeeze %parallel_loop3A_2178 : memref<1x8x8x132xf32, #tpu.memory_space<vmem>> -> memref<8x8x132xf32, #tpu.memory_space<vmem>>
        tpu.vector_store_idx %parallel_loop3A_2179[%shift_right_arithmetic3A_21, %and3A_44, %parallel_loop3A_2146], %parallel_loop3A_2173 : memref<8x8x132xf32, #tpu.memory_space<vmem>>[vector<16xi32>, vector<16xi32>, vector<16xi32>], vector<16xf32>,
        %parallel_loop3A_2180 = arith.constant 0 : i32
        %parallel_loop3A_2181 = arith.index_cast %parallel_loop3A_2180 : i32 to index
        %parallel_loop3A_2182 = arith.index_cast %parallel_loop3A_2145 : i32 to index
        %parallel_loop3A_2183 = arith.constant 48 : index
        %parallel_loop3A_2184 = tpu.vector_load %arg6[%parallel_loop3A_2181, %parallel_loop3A_2182, %parallel_loop3A_2183] {strides = array<i32>} : memref<5x128x64xf32, #tpu.memory_space<vmem>>, vector<16xf32>,
        %parallel_loop3A_2185 = arith.constant 0 : i32
        %parallel_loop3A_2186 = arith.constant 0 : i32
        %parallel_loop3A_2187 = arith.constant 0 : i32
        %parallel_loop3A_2188 = arith.constant 0 : i32
        %parallel_loop3A_2189 = tpu.memref_slice %arg7[%parallel_loop3A_2185, %parallel_loop3A_2186, %parallel_loop3A_2187, %parallel_loop3A_2188] : memref<5x8x8x132xf32, #tpu.memory_space<vmem>> -> memref<1x8x8x132xf32, #tpu.memory_space<vmem>>
        %parallel_loop3A_2190 = tpu.memref_squeeze %parallel_loop3A_2189 : memref<1x8x8x132xf32, #tpu.memory_space<vmem>> -> memref<8x8x132xf32, #tpu.memory_space<vmem>>
        tpu.vector_store_idx %parallel_loop3A_2190[%shift_right_arithmetic3A_27, %and3A_50, %parallel_loop3A_2146], %parallel_loop3A_2184 : memref<8x8x132xf32, #tpu.memory_space<vmem>>[vector<16xi32>, vector<16xi32>, vector<16xi32>], vector<16xf32>,
      } {sc.loop_unroll_factor = 8 : i64, sc.parallel_access}
      %mul3A_338 = arith.constant 5 : i32
      %mul3A_339 = arith.muli %scan3A_56, %mul3A_338 : i32
      %add3A_340 = arith.constant 0 : i32
      %add3A_341 = arith.addi %mul3A_339, %add3A_340 : i32
      %jit3A_342 = arith.constant 50 : i32
      %div3A_343 = arith.divsi %add3A_341, %jit3A_342 : i32
      %sign3A_344 = arith.constant 0 : i32
      %sign3A_345 = arith.cmpi sgt, %add3A_341, %sign3A_344 : i32
      %sign3A_346 = arith.extui %sign3A_345 : i1 to i32
      %sign3A_347 = arith.constant 0 : i32
      %sign3A_348 = arith.cmpi slt, %add3A_341, %sign3A_347 : i32
      %sign3A_349 = arith.extui %sign3A_348 : i1 to i32
      %sign3A_350 = arith.subi %sign3A_346, %sign3A_349 : i32
      %sign3A_351 = arith.constant 0 : i32
      %sign3A_352 = arith.cmpi sgt, %jit3A_342, %sign3A_351 : i32
      %sign3A_353 = arith.extui %sign3A_352 : i1 to i32
      %sign3A_354 = arith.constant 0 : i32
      %sign3A_355 = arith.cmpi slt, %jit3A_342, %sign3A_354 : i32
      %sign3A_356 = arith.extui %sign3A_355 : i1 to i32
      %sign3A_357 = arith.subi %sign3A_353, %sign3A_356 : i32
      %ne3A_358 = arith.cmpi ne, %sign3A_350, %sign3A_357 : i32
      %rem3A_359 = arith.remsi %add3A_341, %jit3A_342 : i32
      %ne3A_360 = arith.constant 0 : i32
      %ne3A_361 = arith.cmpi ne, %rem3A_359, %ne3A_360 : i32
      %and3A_362 = arith.andi %ne3A_358, %ne3A_361 : i1
      %sub3A_363 = arith.constant 1 : i32
      %sub3A_364 = arith.subi %div3A_343, %sub3A_363 : i32
      %select_n3A_365 = arith.select %and3A_362, %sub3A_364, %div3A_343 : i32
      %jit3A_366 = arith.constant 50 : i32
      %eq3A_367 = arith.constant 0 : i32
      %eq3A_368 = arith.cmpi eq, %jit3A_366, %eq3A_367 : i32
      %jit3A_369 = arith.constant 1 : i32
      %select_n3A_370 = arith.select %eq3A_368, %jit3A_369, %jit3A_366 : i32
      %rem3A_371 = arith.remsi %add3A_341, %select_n3A_370 : i32
      %ne3A_372 = arith.constant 0 : i32
      %ne3A_373 = arith.cmpi ne, %rem3A_371, %ne3A_372 : i32
      %lt3A_374 = arith.constant 0 : i32
      %lt3A_375 = arith.cmpi slt, %rem3A_371, %lt3A_374 : i32
      %lt3A_376 = arith.constant 0 : i32
      %lt3A_377 = arith.cmpi slt, %select_n3A_370, %lt3A_376 : i32
      %ne3A_378 = arith.xori %lt3A_375, %lt3A_377 : i1
      %and3A_379 = arith.andi %ne3A_378, %ne3A_373 : i1
      %add3A_380 = arith.addi %rem3A_371, %select_n3A_370 : i32
      %select_n3A_381 = arith.select %and3A_379, %add3A_380, %rem3A_371 : i32
      %mul3A_382 = arith.constant 4 : i32
      %mul3A_383 = arith.muli %add3A, %mul3A_382 : i32
      %add3A_384 = arith.addi %mul3A_383, %select_n3A_365 : i32
      %dma_start3A_385 = arith.constant 0 : i32
      %dma_start3A_386 = arith.constant 0 : i32
      %dma_start3A_387 = arith.constant 0 : i32
      %dma_start3A_388 = arith.constant 0 : i32
      %dma_start3A_389 = arith.constant 0 : i32
      %dma_start3A_390 = tpu.memref_slice %arg7[%dma_start3A_385, %dma_start3A_386, %dma_start3A_388, %dma_start3A_389] : memref<5x8x8x132xf32, #tpu.memory_space<vmem>> -> memref<1x1x8x128xf32, #tpu.memory_space<vmem>>
      %dma_start3A_391 = tpu.memref_squeeze %dma_start3A_390 : memref<1x1x8x128xf32, #tpu.memory_space<vmem>> -> memref<8x128xf32, #tpu.memory_space<vmem>>
      %dma_start3A_392 = arith.constant 0 : i32
      %dma_start3A_393 = arith.constant 0 : i32
      %dma_start3A_394 = tpu.memref_slice %arg4[%select_n3A_381, %dma_start3A_387, %add3A_384, %dma_start3A_392, %dma_start3A_393] : memref<50x8x128x8x128xf32, #tpu.memory_space<hbm>> -> memref<1x1x1x8x128xf32, #tpu.memory_space<hbm>>
      %dma_start3A_395 = tpu.memref_squeeze %dma_start3A_394 : memref<1x1x1x8x128xf32, #tpu.memory_space<hbm>> -> memref<8x128xf32, #tpu.memory_space<hbm>>
      %dma_start3A_396 = arith.constant 0 : i32
      %dma_start3A_397 = arith.constant 0 : i32
      %dma_start3A_398 = tpu.memref_slice %arg4[%select_n3A_381, %dma_start3A_387, %add3A_384, %dma_start3A_396, %dma_start3A_397] : memref<50x8x128x8x128xf32, #tpu.memory_space<hbm>> -> memref<1x1x1x8x128xf32, #tpu.memory_space<hbm>>
      %dma_start3A_399 = tpu.memref_squeeze %dma_start3A_398 : memref<1x1x1x8x128xf32, #tpu.memory_space<hbm>> -> memref<8x128xf32, #tpu.memory_space<hbm>>
      %dma_start3A_400 = arith.constant 0 : i32
      %dma_start3A_401 = arith.constant 0 : i32
      %dma_start3A_402 = tpu.memref_slice %arg7[%dma_start3A_385, %dma_start3A_386, %dma_start3A_400, %dma_start3A_401] : memref<5x8x8x132xf32, #tpu.memory_space<vmem>> -> memref<1x1x8x128xf32, #tpu.memory_space<vmem>>
      %dma_start3A_403 = tpu.memref_squeeze %dma_start3A_402 : memref<1x1x8x128xf32, #tpu.memory_space<vmem>> -> memref<8x128xf32, #tpu.memory_space<vmem>>
      tpu.enqueue_dma source(%dma_start3A_403 : memref<8x128xf32, #tpu.memory_space<vmem>>) target(%dma_start3A_399 : memref<8x128xf32, #tpu.memory_space<hbm>>) target_semaphore(%arg9 : memref<!tpu.dma_semaphore, #tpu.memory_space<semaphore_mem>>)
      %dma_start3A_404 = arith.constant 0 : i32
      %dma_start3A_405 = arith.constant 1 : i32
      %dma_start3A_406 = arith.constant 1 : i32
      %dma_start3A_407 = arith.constant 0 : i32
      %dma_start3A_408 = arith.constant 0 : i32
      %dma_start3A_409 = tpu.memref_slice %arg7[%dma_start3A_404, %dma_start3A_405, %dma_start3A_407, %dma_start3A_408] : memref<5x8x8x132xf32, #tpu.memory_space<vmem>> -> memref<1x1x8x128xf32, #tpu.memory_space<vmem>>
      %dma_start3A_410 = tpu.memref_squeeze %dma_start3A_409 : memref<1x1x8x128xf32, #tpu.memory_space<vmem>> -> memref<8x128xf32, #tpu.memory_space<vmem>>
      %dma_start3A_411 = arith.constant 0 : i32
      %dma_start3A_412 = arith.constant 0 : i32
      %dma_start3A_413 = tpu.memref_slice %arg4[%select_n3A_381, %dma_start3A_406, %add3A_384, %dma_start3A_411, %dma_start3A_412] : memref<50x8x128x8x128xf32, #tpu.memory_space<hbm>> -> memref<1x1x1x8x128xf32, #tpu.memory_space<hbm>>
      %dma_start3A_414 = tpu.memref_squeeze %dma_start3A_413 : memref<1x1x1x8x128xf32, #tpu.memory_space<hbm>> -> memref<8x128xf32, #tpu.memory_space<hbm>>
      %dma_start3A_415 = arith.constant 0 : i32
      %dma_start3A_416 = arith.constant 0 : i32
      %dma_start3A_417 = tpu.memref_slice %arg4[%select_n3A_381, %dma_start3A_406, %add3A_384, %dma_start3A_415, %dma_start3A_416] : memref<50x8x128x8x128xf32, #tpu.memory_space<hbm>> -> memref<1x1x1x8x128xf32, #tpu.memory_space<hbm>>
      %dma_start3A_418 = tpu.memref_squeeze %dma_start3A_417 : memref<1x1x1x8x128xf32, #tpu.memory_space<hbm>> -> memref<8x128xf32, #tpu.memory_space<hbm>>
      %dma_start3A_419 = arith.constant 0 : i32
      %dma_start3A_420 = arith.constant 0 : i32
      %dma_start3A_421 = tpu.memref_slice %arg7[%dma_start3A_404, %dma_start3A_405, %dma_start3A_419, %dma_start3A_420] : memref<5x8x8x132xf32, #tpu.memory_space<vmem>> -> memref<1x1x8x128xf32, #tpu.memory_space<vmem>>
      %dma_start3A_422 = tpu.memref_squeeze %dma_start3A_421 : memref<1x1x8x128xf32, #tpu.memory_space<vmem>> -> memref<8x128xf32, #tpu.memory_space<vmem>>
      tpu.enqueue_dma source(%dma_start3A_422 : memref<8x128xf32, #tpu.memory_space<vmem>>) target(%dma_start3A_418 : memref<8x128xf32, #tpu.memory_space<hbm>>) target_semaphore(%arg9 : memref<!tpu.dma_semaphore, #tpu.memory_space<semaphore_mem>>)
      %dma_start3A_423 = arith.constant 0 : i32
      %dma_start3A_424 = arith.constant 2 : i32
      %dma_start3A_425 = arith.constant 2 : i32
      %dma_start3A_426 = arith.constant 0 : i32
      %dma_start3A_427 = arith.constant 0 : i32
      %dma_start3A_428 = tpu.memref_slice %arg7[%dma_start3A_423, %dma_start3A_424, %dma_start3A_426, %dma_start3A_427] : memref<5x8x8x132xf32, #tpu.memory_space<vmem>> -> memref<1x1x8x128xf32, #tpu.memory_space<vmem>>
      %dma_start3A_429 = tpu.memref_squeeze %dma_start3A_428 : memref<1x1x8x128xf32, #tpu.memory_space<vmem>> -> memref<8x128xf32, #tpu.memory_space<vmem>>
      %dma_start3A_430 = arith.constant 0 : i32
      %dma_start3A_431 = arith.constant 0 : i32
      %dma_start3A_432 = tpu.memref_slice %arg4[%select_n3A_381, %dma_start3A_425, %add3A_384, %dma_start3A_430, %dma_start3A_431] : memref<50x8x128x8x128xf32, #tpu.memory_space<hbm>> -> memref<1x1x1x8x128xf32, #tpu.memory_space<hbm>>
      %dma_start3A_433 = tpu.memref_squeeze %dma_start3A_432 : memref<1x1x1x8x128xf32, #tpu.memory_space<hbm>> -> memref<8x128xf32, #tpu.memory_space<hbm>>
      %dma_start3A_434 = arith.constant 0 : i32
      %dma_start3A_435 = arith.constant 0 : i32
      %dma_start3A_436 = tpu.memref_slice %arg4[%select_n3A_381, %dma_start3A_425, %add3A_384, %dma_start3A_434, %dma_start3A_435] : memref<50x8x128x8x128xf32, #tpu.memory_space<hbm>> -> memref<1x1x1x8x128xf32, #tpu.memory_space<hbm>>
      %dma_start3A_437 = tpu.memref_squeeze %dma_start3A_436 : memref<1x1x1x8x128xf32, #tpu.memory_space<hbm>> -> memref<8x128xf32, #tpu.memory_space<hbm>>
      %dma_start3A_438 = arith.constant 0 : i32
      %dma_start3A_439 = arith.constant 0 : i32
      %dma_start3A_440 = tpu.memref_slice %arg7[%dma_start3A_423, %dma_start3A_424, %dma_start3A_438, %dma_start3A_439] : memref<5x8x8x132xf32, #tpu.memory_space<vmem>> -> memref<1x1x8x128xf32, #tpu.memory_space<vmem>>
      %dma_start3A_441 = tpu.memref_squeeze %dma_start3A_440 : memref<1x1x8x128xf32, #tpu.memory_space<vmem>> -> memref<8x128xf32, #tpu.memory_space<vmem>>
      tpu.enqueue_dma source(%dma_start3A_441 : memref<8x128xf32, #tpu.memory_space<vmem>>) target(%dma_start3A_437 : memref<8x128xf32, #tpu.memory_space<hbm>>) target_semaphore(%arg9 : memref<!tpu.dma_semaphore, #tpu.memory_space<semaphore_mem>>)
      %dma_start3A_442 = arith.constant 0 : i32
      %dma_start3A_443 = arith.constant 3 : i32
      %dma_start3A_444 = arith.constant 3 : i32
      %dma_start3A_445 = arith.constant 0 : i32
      %dma_start3A_446 = arith.constant 0 : i32
      %dma_start3A_447 = tpu.memref_slice %arg7[%dma_start3A_442, %dma_start3A_443, %dma_start3A_445, %dma_start3A_446] : memref<5x8x8x132xf32, #tpu.memory_space<vmem>> -> memref<1x1x8x128xf32, #tpu.memory_space<vmem>>
      %dma_start3A_448 = tpu.memref_squeeze %dma_start3A_447 : memref<1x1x8x128xf32, #tpu.memory_space<vmem>> -> memref<8x128xf32, #tpu.memory_space<vmem>>
      %dma_start3A_449 = arith.constant 0 : i32
      %dma_start3A_450 = arith.constant 0 : i32
      %dma_start3A_451 = tpu.memref_slice %arg4[%select_n3A_381, %dma_start3A_444, %add3A_384, %dma_start3A_449, %dma_start3A_450] : memref<50x8x128x8x128xf32, #tpu.memory_space<hbm>> -> memref<1x1x1x8x128xf32, #tpu.memory_space<hbm>>
      %dma_start3A_452 = tpu.memref_squeeze %dma_start3A_451 : memref<1x1x1x8x128xf32, #tpu.memory_space<hbm>> -> memref<8x128xf32, #tpu.memory_space<hbm>>
      %dma_start3A_453 = arith.constant 0 : i32
      %dma_start3A_454 = arith.constant 0 : i32
      %dma_start3A_455 = tpu.memref_slice %arg4[%select_n3A_381, %dma_start3A_444, %add3A_384, %dma_start3A_453, %dma_start3A_454] : memref<50x8x128x8x128xf32, #tpu.memory_space<hbm>> -> memref<1x1x1x8x128xf32, #tpu.memory_space<hbm>>
      %dma_start3A_456 = tpu.memref_squeeze %dma_start3A_455 : memref<1x1x1x8x128xf32, #tpu.memory_space<hbm>> -> memref<8x128xf32, #tpu.memory_space<hbm>>
      %dma_start3A_457 = arith.constant 0 : i32
      %dma_start3A_458 = arith.constant 0 : i32
      %dma_start3A_459 = tpu.memref_slice %arg7[%dma_start3A_442, %dma_start3A_443, %dma_start3A_457, %dma_start3A_458] : memref<5x8x8x132xf32, #tpu.memory_space<vmem>> -> memref<1x1x8x128xf32, #tpu.memory_space<vmem>>
      %dma_start3A_460 = tpu.memref_squeeze %dma_start3A_459 : memref<1x1x8x128xf32, #tpu.memory_space<vmem>> -> memref<8x128xf32, #tpu.memory_space<vmem>>
      tpu.enqueue_dma source(%dma_start3A_460 : memref<8x128xf32, #tpu.memory_space<vmem>>) target(%dma_start3A_456 : memref<8x128xf32, #tpu.memory_space<hbm>>) target_semaphore(%arg9 : memref<!tpu.dma_semaphore, #tpu.memory_space<semaphore_mem>>)
      %dma_start3A_461 = arith.constant 0 : i32
      %dma_start3A_462 = arith.constant 4 : i32
      %dma_start3A_463 = arith.constant 4 : i32
      %dma_start3A_464 = arith.constant 0 : i32
      %dma_start3A_465 = arith.constant 0 : i32
      %dma_start3A_466 = tpu.memref_slice %arg7[%dma_start3A_461, %dma_start3A_462, %dma_start3A_464, %dma_start3A_465] : memref<5x8x8x132xf32, #tpu.memory_space<vmem>> -> memref<1x1x8x128xf32, #tpu.memory_space<vmem>>
      %dma_start3A_467 = tpu.memref_squeeze %dma_start3A_466 : memref<1x1x8x128xf32, #tpu.memory_space<vmem>> -> memref<8x128xf32, #tpu.memory_space<vmem>>
      %dma_start3A_468 = arith.constant 0 : i32
      %dma_start3A_469 = arith.constant 0 : i32
      %dma_start3A_470 = tpu.memref_slice %arg4[%select_n3A_381, %dma_start3A_463, %add3A_384, %dma_start3A_468, %dma_start3A_469] : memref<50x8x128x8x128xf32, #tpu.memory_space<hbm>> -> memref<1x1x1x8x128xf32, #tpu.memory_space<hbm>>
      %dma_start3A_471 = tpu.memref_squeeze %dma_start3A_470 : memref<1x1x1x8x128xf32, #tpu.memory_space<hbm>> -> memref<8x128xf32, #tpu.memory_space<hbm>>
      %dma_start3A_472 = arith.constant 0 : i32
      %dma_start3A_473 = arith.constant 0 : i32
      %dma_start3A_474 = tpu.memref_slice %arg4[%select_n3A_381, %dma_start3A_463, %add3A_384, %dma_start3A_472, %dma_start3A_473] : memref<50x8x128x8x128xf32, #tpu.memory_space<hbm>> -> memref<1x1x1x8x128xf32, #tpu.memory_space<hbm>>
      %dma_start3A_475 = tpu.memref_squeeze %dma_start3A_474 : memref<1x1x1x8x128xf32, #tpu.memory_space<hbm>> -> memref<8x128xf32, #tpu.memory_space<hbm>>
      %dma_start3A_476 = arith.constant 0 : i32
      %dma_start3A_477 = arith.constant 0 : i32
      %dma_start3A_478 = tpu.memref_slice %arg7[%dma_start3A_461, %dma_start3A_462, %dma_start3A_476, %dma_start3A_477] : memref<5x8x8x132xf32, #tpu.memory_space<vmem>> -> memref<1x1x8x128xf32, #tpu.memory_space<vmem>>
      %dma_start3A_479 = tpu.memref_squeeze %dma_start3A_478 : memref<1x1x8x128xf32, #tpu.memory_space<vmem>> -> memref<8x128xf32, #tpu.memory_space<vmem>>
      tpu.enqueue_dma source(%dma_start3A_479 : memref<8x128xf32, #tpu.memory_space<vmem>>) target(%dma_start3A_475 : memref<8x128xf32, #tpu.memory_space<hbm>>) target_semaphore(%arg9 : memref<!tpu.dma_semaphore, #tpu.memory_space<semaphore_mem>>)
      %dma_start3A_480 = arith.constant 0 : i32
      %dma_start3A_481 = arith.constant 5 : i32
      %dma_start3A_482 = arith.constant 5 : i32
      %dma_start3A_483 = arith.constant 0 : i32
      %dma_start3A_484 = arith.constant 0 : i32
      %dma_start3A_485 = tpu.memref_slice %arg7[%dma_start3A_480, %dma_start3A_481, %dma_start3A_483, %dma_start3A_484] : memref<5x8x8x132xf32, #tpu.memory_space<vmem>> -> memref<1x1x8x128xf32, #tpu.memory_space<vmem>>
      %dma_start3A_486 = tpu.memref_squeeze %dma_start3A_485 : memref<1x1x8x128xf32, #tpu.memory_space<vmem>> -> memref<8x128xf32, #tpu.memory_space<vmem>>
      %dma_start3A_487 = arith.constant 0 : i32
      %dma_start3A_488 = arith.constant 0 : i32
      %dma_start3A_489 = tpu.memref_slice %arg4[%select_n3A_381, %dma_start3A_482, %add3A_384, %dma_start3A_487, %dma_start3A_488] : memref<50x8x128x8x128xf32, #tpu.memory_space<hbm>> -> memref<1x1x1x8x128xf32, #tpu.memory_space<hbm>>
      %dma_start3A_490 = tpu.memref_squeeze %dma_start3A_489 : memref<1x1x1x8x128xf32, #tpu.memory_space<hbm>> -> memref<8x128xf32, #tpu.memory_space<hbm>>
      %dma_start3A_491 = arith.constant 0 : i32
      %dma_start3A_492 = arith.constant 0 : i32
      %dma_start3A_493 = tpu.memref_slice %arg4[%select_n3A_381, %dma_start3A_482, %add3A_384, %dma_start3A_491, %dma_start3A_492] : memref<50x8x128x8x128xf32, #tpu.memory_space<hbm>> -> memref<1x1x1x8x128xf32, #tpu.memory_space<hbm>>
      %dma_start3A_494 = tpu.memref_squeeze %dma_start3A_493 : memref<1x1x1x8x128xf32, #tpu.memory_space<hbm>> -> memref<8x128xf32, #tpu.memory_space<hbm>>
      %dma_start3A_495 = arith.constant 0 : i32
      %dma_start3A_496 = arith.constant 0 : i32
      %dma_start3A_497 = tpu.memref_slice %arg7[%dma_start3A_480, %dma_start3A_481, %dma_start3A_495, %dma_start3A_496] : memref<5x8x8x132xf32, #tpu.memory_space<vmem>> -> memref<1x1x8x128xf32, #tpu.memory_space<vmem>>
      %dma_start3A_498 = tpu.memref_squeeze %dma_start3A_497 : memref<1x1x8x128xf32, #tpu.memory_space<vmem>> -> memref<8x128xf32, #tpu.memory_space<vmem>>
      tpu.enqueue_dma source(%dma_start3A_498 : memref<8x128xf32, #tpu.memory_space<vmem>>) target(%dma_start3A_494 : memref<8x128xf32, #tpu.memory_space<hbm>>) target_semaphore(%arg9 : memref<!tpu.dma_semaphore, #tpu.memory_space<semaphore_mem>>)
      %dma_start3A_499 = arith.constant 0 : i32
      %dma_start3A_500 = arith.constant 6 : i32
      %dma_start3A_501 = arith.constant 6 : i32
      %dma_start3A_502 = arith.constant 0 : i32
      %dma_start3A_503 = arith.constant 0 : i32
      %dma_start3A_504 = tpu.memref_slice %arg7[%dma_start3A_499, %dma_start3A_500, %dma_start3A_502, %dma_start3A_503] : memref<5x8x8x132xf32, #tpu.memory_space<vmem>> -> memref<1x1x8x128xf32, #tpu.memory_space<vmem>>
      %dma_start3A_505 = tpu.memref_squeeze %dma_start3A_504 : memref<1x1x8x128xf32, #tpu.memory_space<vmem>> -> memref<8x128xf32, #tpu.memory_space<vmem>>
      %dma_start3A_506 = arith.constant 0 : i32
      %dma_start3A_507 = arith.constant 0 : i32
      %dma_start3A_508 = tpu.memref_slice %arg4[%select_n3A_381, %dma_start3A_501, %add3A_384, %dma_start3A_506, %dma_start3A_507] : memref<50x8x128x8x128xf32, #tpu.memory_space<hbm>> -> memref<1x1x1x8x128xf32, #tpu.memory_space<hbm>>
      %dma_start3A_509 = tpu.memref_squeeze %dma_start3A_508 : memref<1x1x1x8x128xf32, #tpu.memory_space<hbm>> -> memref<8x128xf32, #tpu.memory_space<hbm>>
      %dma_start3A_510 = arith.constant 0 : i32
      %dma_start3A_511 = arith.constant 0 : i32
      %dma_start3A_512 = tpu.memref_slice %arg4[%select_n3A_381, %dma_start3A_501, %add3A_384, %dma_start3A_510, %dma_start3A_511] : memref<50x8x128x8x128xf32, #tpu.memory_space<hbm>> -> memref<1x1x1x8x128xf32, #tpu.memory_space<hbm>>
      %dma_start3A_513 = tpu.memref_squeeze %dma_start3A_512 : memref<1x1x1x8x128xf32, #tpu.memory_space<hbm>> -> memref<8x128xf32, #tpu.memory_space<hbm>>
      %dma_start3A_514 = arith.constant 0 : i32
      %dma_start3A_515 = arith.constant 0 : i32
      %dma_start3A_516 = tpu.memref_slice %arg7[%dma_start3A_499, %dma_start3A_500, %dma_start3A_514, %dma_start3A_515] : memref<5x8x8x132xf32, #tpu.memory_space<vmem>> -> memref<1x1x8x128xf32, #tpu.memory_space<vmem>>
      %dma_start3A_517 = tpu.memref_squeeze %dma_start3A_516 : memref<1x1x8x128xf32, #tpu.memory_space<vmem>> -> memref<8x128xf32, #tpu.memory_space<vmem>>
      tpu.enqueue_dma source(%dma_start3A_517 : memref<8x128xf32, #tpu.memory_space<vmem>>) target(%dma_start3A_513 : memref<8x128xf32, #tpu.memory_space<hbm>>) target_semaphore(%arg9 : memref<!tpu.dma_semaphore, #tpu.memory_space<semaphore_mem>>)
      %dma_start3A_518 = arith.constant 0 : i32
      %dma_start3A_519 = arith.constant 7 : i32
      %dma_start3A_520 = arith.constant 7 : i32
      %dma_start3A_521 = arith.constant 0 : i32
      %dma_start3A_522 = arith.constant 0 : i32
      %dma_start3A_523 = tpu.memref_slice %arg7[%dma_start3A_518, %dma_start3A_519, %dma_start3A_521, %dma_start3A_522] : memref<5x8x8x132xf32, #tpu.memory_space<vmem>> -> memref<1x1x8x128xf32, #tpu.memory_space<vmem>>
      %dma_start3A_524 = tpu.memref_squeeze %dma_start3A_523 : memref<1x1x8x128xf32, #tpu.memory_space<vmem>> -> memref<8x128xf32, #tpu.memory_space<vmem>>
      %dma_start3A_525 = arith.constant 0 : i32
      %dma_start3A_526 = arith.constant 0 : i32
      %dma_start3A_527 = tpu.memref_slice %arg4[%select_n3A_381, %dma_start3A_520, %add3A_384, %dma_start3A_525, %dma_start3A_526] : memref<50x8x128x8x128xf32, #tpu.memory_space<hbm>> -> memref<1x1x1x8x128xf32, #tpu.memory_space<hbm>>
      %dma_start3A_528 = tpu.memref_squeeze %dma_start3A_527 : memref<1x1x1x8x128xf32, #tpu.memory_space<hbm>> -> memref<8x128xf32, #tpu.memory_space<hbm>>
      %dma_start3A_529 = arith.constant 0 : i32
      %dma_start3A_530 = arith.constant 0 : i32
      %dma_start3A_531 = tpu.memref_slice %arg4[%select_n3A_381, %dma_start3A_520, %add3A_384, %dma_start3A_529, %dma_start3A_530] : memref<50x8x128x8x128xf32, #tpu.memory_space<hbm>> -> memref<1x1x1x8x128xf32, #tpu.memory_space<hbm>>
      %dma_start3A_532 = tpu.memref_squeeze %dma_start3A_531 : memref<1x1x1x8x128xf32, #tpu.memory_space<hbm>> -> memref<8x128xf32, #tpu.memory_space<hbm>>
      %dma_start3A_533 = arith.constant 0 : i32
      %dma_start3A_534 = arith.constant 0 : i32
      %dma_start3A_535 = tpu.memref_slice %arg7[%dma_start3A_518, %dma_start3A_519, %dma_start3A_533, %dma_start3A_534] : memref<5x8x8x132xf32, #tpu.memory_space<vmem>> -> memref<1x1x8x128xf32, #tpu.memory_space<vmem>>
      %dma_start3A_536 = tpu.memref_squeeze %dma_start3A_535 : memref<1x1x8x128xf32, #tpu.memory_space<vmem>> -> memref<8x128xf32, #tpu.memory_space<vmem>>
      tpu.enqueue_dma source(%dma_start3A_536 : memref<8x128xf32, #tpu.memory_space<vmem>>) target(%dma_start3A_532 : memref<8x128xf32, #tpu.memory_space<hbm>>) target_semaphore(%arg9 : memref<!tpu.dma_semaphore, #tpu.memory_space<semaphore_mem>>)
      %dma_wait3A_537 = arith.constant 1 : i32
      %dma_wait3A_538 = arith.constant 0 : i32
      %dma_wait3A_539 = arith.constant 0 : i32
      %dma_wait3A_540 = tpu.memref_slice %arg6[%dma_wait3A_537, %dma_wait3A_538, %dma_wait3A_539] : memref<5x128x64xf32, #tpu.memory_space<vmem>> -> memref<1x128x64xf32, #tpu.memory_space<vmem>>
      %dma_wait3A_541 = tpu.memref_squeeze %dma_wait3A_540 : memref<1x128x64xf32, #tpu.memory_space<vmem>> -> memref<128x64xf32, #tpu.memory_space<vmem>>
      %dma_wait3A_542 = tpu.memref_slice %arg5[%select_n3A_146, %mul3A_148] : memref<50x512xi32, #tpu.memory_space<vmem>> -> memref<1x128xi32, #tpu.memory_space<vmem>>
      %dma_wait3A_543 = tpu.memref_squeeze %dma_wait3A_542 : memref<1x128xi32, #tpu.memory_space<vmem>> -> memref<128xi32, #tpu.memory_space<vmem>>
      %dma_wait3A_544 = arith.constant 0 : i32
      %dma_wait3A_545 = arith.constant 0 : i32
      %dma_wait3A_546 = tpu.memref_slice %arg3[%dma_wait3A_544, %dma_wait3A_545] : memref<1000000x64xf32, #tpu.memory_space<hbm>> -> memref<1000000x64xf32, #tpu.memory_space<hbm>>
      tpu.wait_indirect_dma semaphore(%arg8 : memref<!tpu.dma_semaphore, #tpu.memory_space<semaphore_mem>>) src(%dma_wait3A_546 : memref<1000000x64xf32, #tpu.memory_space<hbm>>) dst(%dma_wait3A_541 : memref<128x64xf32, #tpu.memory_space<vmem>>)
      %parallel_loop3A_547 = arith.constant 0 : i32
      %parallel_loop3A_548 = arith.constant 128 : i32
      %parallel_loop3A_549 = arith.constant 1 : i32
      scf.for %parallel_loop3A_2145 = %parallel_loop3A_547 to %parallel_loop3A_548 step %parallel_loop3A_549  : i32 {
        %parallel_loop3A_2146 = vector.broadcast %parallel_loop3A_2145 : i32 to vector<16xi32>
        %parallel_loop3A_2147 = arith.constant 1 : i32
        %parallel_loop3A_2148 = arith.index_cast %parallel_loop3A_2147 : i32 to index
        %parallel_loop3A_2149 = arith.index_cast %parallel_loop3A_2145 : i32 to index
        %parallel_loop3A_2150 = arith.constant 0 : index
        %parallel_loop3A_2151 = tpu.vector_load %arg6[%parallel_loop3A_2148, %parallel_loop3A_2149, %parallel_loop3A_2150] {strides = array<i32>} : memref<5x128x64xf32, #tpu.memory_space<vmem>>, vector<16xf32>,
        %parallel_loop3A_2152 = arith.constant 1 : i32
        %parallel_loop3A_2153 = arith.constant 0 : i32
        %parallel_loop3A_2154 = arith.constant 0 : i32
        %parallel_loop3A_2155 = arith.constant 0 : i32
        %parallel_loop3A_2156 = tpu.memref_slice %arg7[%parallel_loop3A_2152, %parallel_loop3A_2153, %parallel_loop3A_2154, %parallel_loop3A_2155] : memref<5x8x8x132xf32, #tpu.memory_space<vmem>> -> memref<1x8x8x132xf32, #tpu.memory_space<vmem>>
        %parallel_loop3A_2157 = tpu.memref_squeeze %parallel_loop3A_2156 : memref<1x8x8x132xf32, #tpu.memory_space<vmem>> -> memref<8x8x132xf32, #tpu.memory_space<vmem>>
        tpu.vector_store_idx %parallel_loop3A_2157[%shift_right_arithmetic3A_9, %and3A_32, %parallel_loop3A_2146], %parallel_loop3A_2151 : memref<8x8x132xf32, #tpu.memory_space<vmem>>[vector<16xi32>, vector<16xi32>, vector<16xi32>], vector<16xf32>,
        %parallel_loop3A_2158 = arith.constant 1 : i32
        %parallel_loop3A_2159 = arith.index_cast %parallel_loop3A_2158 : i32 to index
        %parallel_loop3A_2160 = arith.index_cast %parallel_loop3A_2145 : i32 to index
        %parallel_loop3A_2161 = arith.constant 16 : index
        %parallel_loop3A_2162 = tpu.vector_load %arg6[%parallel_loop3A_2159, %parallel_loop3A_2160, %parallel_loop3A_2161] {strides = array<i32>} : memref<5x128x64xf32, #tpu.memory_space<vmem>>, vector<16xf32>,
        %parallel_loop3A_2163 = arith.constant 1 : i32
        %parallel_loop3A_2164 = arith.constant 0 : i32
        %parallel_loop3A_2165 = arith.constant 0 : i32
        %parallel_loop3A_2166 = arith.constant 0 : i32
        %parallel_loop3A_2167 = tpu.memref_slice %arg7[%parallel_loop3A_2163, %parallel_loop3A_2164, %parallel_loop3A_2165, %parallel_loop3A_2166] : memref<5x8x8x132xf32, #tpu.memory_space<vmem>> -> memref<1x8x8x132xf32, #tpu.memory_space<vmem>>
        %parallel_loop3A_2168 = tpu.memref_squeeze %parallel_loop3A_2167 : memref<1x8x8x132xf32, #tpu.memory_space<vmem>> -> memref<8x8x132xf32, #tpu.memory_space<vmem>>
        tpu.vector_store_idx %parallel_loop3A_2168[%shift_right_arithmetic3A_15, %and3A_38, %parallel_loop3A_2146], %parallel_loop3A_2162 : memref<8x8x132xf32, #tpu.memory_space<vmem>>[vector<16xi32>, vector<16xi32>, vector<16xi32>], vector<16xf32>,
        %parallel_loop3A_2169 = arith.constant 1 : i32
        %parallel_loop3A_2170 = arith.index_cast %parallel_loop3A_2169 : i32 to index
        %parallel_loop3A_2171 = arith.index_cast %parallel_loop3A_2145 : i32 to index
        %parallel_loop3A_2172 = arith.constant 32 : index
        %parallel_loop3A_2173 = tpu.vector_load %arg6[%parallel_loop3A_2170, %parallel_loop3A_2171, %parallel_loop3A_2172] {strides = array<i32>} : memref<5x128x64xf32, #tpu.memory_space<vmem>>, vector<16xf32>,
        %parallel_loop3A_2174 = arith.constant 1 : i32
        %parallel_loop3A_2175 = arith.constant 0 : i32
        %parallel_loop3A_2176 = arith.constant 0 : i32
        %parallel_loop3A_2177 = arith.constant 0 : i32
        %parallel_loop3A_2178 = tpu.memref_slice %arg7[%parallel_loop3A_2174, %parallel_loop3A_2175, %parallel_loop3A_2176, %parallel_loop3A_2177] : memref<5x8x8x132xf32, #tpu.memory_space<vmem>> -> memref<1x8x8x132xf32, #tpu.memory_space<vmem>>
        %parallel_loop3A_2179 = tpu.memref_squeeze %parallel_loop3A_2178 : memref<1x8x8x132xf32, #tpu.memory_space<vmem>> -> memref<8x8x132xf32, #tpu.memory_space<vmem>>
        tpu.vector_store_idx %parallel_loop3A_2179[%shift_right_arithmetic3A_21, %and3A_44, %parallel_loop3A_2146], %parallel_loop3A_2173 : memref<8x8x132xf32, #tpu.memory_space<vmem>>[vector<16xi32>, vector<16xi32>, vector<16xi32>], vector<16xf32>,
        %parallel_loop3A_2180 = arith.constant 1 : i32
        %parallel_loop3A_2181 = arith.index_cast %parallel_loop3A_2180 : i32 to index
        %parallel_loop3A_2182 = arith.index_cast %parallel_loop3A_2145 : i32 to index
        %parallel_loop3A_2183 = arith.constant 48 : index
        %parallel_loop3A_2184 = tpu.vector_load %arg6[%parallel_loop3A_2181, %parallel_loop3A_2182, %parallel_loop3A_2183] {strides = array<i32>} : memref<5x128x64xf32, #tpu.memory_space<vmem>>, vector<16xf32>,
        %parallel_loop3A_2185 = arith.constant 1 : i32
        %parallel_loop3A_2186 = arith.constant 0 : i32
        %parallel_loop3A_2187 = arith.constant 0 : i32
        %parallel_loop3A_2188 = arith.constant 0 : i32
        %parallel_loop3A_2189 = tpu.memref_slice %arg7[%parallel_loop3A_2185, %parallel_loop3A_2186, %parallel_loop3A_2187, %parallel_loop3A_2188] : memref<5x8x8x132xf32, #tpu.memory_space<vmem>> -> memref<1x8x8x132xf32, #tpu.memory_space<vmem>>
        %parallel_loop3A_2190 = tpu.memref_squeeze %parallel_loop3A_2189 : memref<1x8x8x132xf32, #tpu.memory_space<vmem>> -> memref<8x8x132xf32, #tpu.memory_space<vmem>>
        tpu.vector_store_idx %parallel_loop3A_2190[%shift_right_arithmetic3A_27, %and3A_50, %parallel_loop3A_2146], %parallel_loop3A_2184 : memref<8x8x132xf32, #tpu.memory_space<vmem>>[vector<16xi32>, vector<16xi32>, vector<16xi32>], vector<16xf32>,
      } {sc.loop_unroll_factor = 8 : i64, sc.parallel_access}
      %mul3A_550 = arith.constant 5 : i32
      %mul3A_551 = arith.muli %scan3A_56, %mul3A_550 : i32
      %add3A_552 = arith.constant 1 : i32
      %add3A_553 = arith.addi %mul3A_551, %add3A_552 : i32
      %jit3A_554 = arith.constant 50 : i32
      %div3A_555 = arith.divsi %add3A_553, %jit3A_554 : i32
      %sign3A_556 = arith.constant 0 : i32
      %sign3A_557 = arith.cmpi sgt, %add3A_553, %sign3A_556 : i32
      %sign3A_558 = arith.extui %sign3A_557 : i1 to i32
      %sign3A_559 = arith.constant 0 : i32
      %sign3A_560 = arith.cmpi slt, %add3A_553, %sign3A_559 : i32
      %sign3A_561 = arith.extui %sign3A_560 : i1 to i32
      %sign3A_562 = arith.subi %sign3A_558, %sign3A_561 : i32
      %sign3A_563 = arith.constant 0 : i32
      %sign3A_564 = arith.cmpi sgt, %jit3A_554, %sign3A_563 : i32
      %sign3A_565 = arith.extui %sign3A_564 : i1 to i32
      %sign3A_566 = arith.constant 0 : i32
      %sign3A_567 = arith.cmpi slt, %jit3A_554, %sign3A_566 : i32
      %sign3A_568 = arith.extui %sign3A_567 : i1 to i32
      %sign3A_569 = arith.subi %sign3A_565, %sign3A_568 : i32
      %ne3A_570 = arith.cmpi ne, %sign3A_562, %sign3A_569 : i32
      %rem3A_571 = arith.remsi %add3A_553, %jit3A_554 : i32
      %ne3A_572 = arith.constant 0 : i32
      %ne3A_573 = arith.cmpi ne, %rem3A_571, %ne3A_572 : i32
      %and3A_574 = arith.andi %ne3A_570, %ne3A_573 : i1
      %sub3A_575 = arith.constant 1 : i32
      %sub3A_576 = arith.subi %div3A_555, %sub3A_575 : i32
      %select_n3A_577 = arith.select %and3A_574, %sub3A_576, %div3A_555 : i32
      %jit3A_578 = arith.constant 50 : i32
      %eq3A_579 = arith.constant 0 : i32
      %eq3A_580 = arith.cmpi eq, %jit3A_578, %eq3A_579 : i32
      %jit3A_581 = arith.constant 1 : i32
      %select_n3A_582 = arith.select %eq3A_580, %jit3A_581, %jit3A_578 : i32
      %rem3A_583 = arith.remsi %add3A_553, %select_n3A_582 : i32
      %ne3A_584 = arith.constant 0 : i32
      %ne3A_585 = arith.cmpi ne, %rem3A_583, %ne3A_584 : i32
      %lt3A_586 = arith.constant 0 : i32
      %lt3A_587 = arith.cmpi slt, %rem3A_583, %lt3A_586 : i32
      %lt3A_588 = arith.constant 0 : i32
      %lt3A_589 = arith.cmpi slt, %select_n3A_582, %lt3A_588 : i32
      %ne3A_590 = arith.xori %lt3A_587, %lt3A_589 : i1
      %and3A_591 = arith.andi %ne3A_590, %ne3A_585 : i1
      %add3A_592 = arith.addi %rem3A_583, %select_n3A_582 : i32
      %select_n3A_593 = arith.select %and3A_591, %add3A_592, %rem3A_583 : i32
      %mul3A_594 = arith.constant 4 : i32
      %mul3A_595 = arith.muli %add3A, %mul3A_594 : i32
      %add3A_596 = arith.addi %mul3A_595, %select_n3A_577 : i32
      %dma_start3A_597 = arith.constant 1 : i32
      %dma_start3A_598 = arith.constant 0 : i32
      %dma_start3A_599 = arith.constant 0 : i32
      %dma_start3A_600 = arith.constant 0 : i32
      %dma_start3A_601 = arith.constant 0 : i32
      %dma_start3A_602 = tpu.memref_slice %arg7[%dma_start3A_597, %dma_start3A_598, %dma_start3A_600, %dma_start3A_601] : memref<5x8x8x132xf32, #tpu.memory_space<vmem>> -> memref<1x1x8x128xf32, #tpu.memory_space<vmem>>
      %dma_start3A_603 = tpu.memref_squeeze %dma_start3A_602 : memref<1x1x8x128xf32, #tpu.memory_space<vmem>> -> memref<8x128xf32, #tpu.memory_space<vmem>>
      %dma_start3A_604 = arith.constant 0 : i32
      %dma_start3A_605 = arith.constant 0 : i32
      %dma_start3A_606 = tpu.memref_slice %arg4[%select_n3A_593, %dma_start3A_599, %add3A_596, %dma_start3A_604, %dma_start3A_605] : memref<50x8x128x8x128xf32, #tpu.memory_space<hbm>> -> memref<1x1x1x8x128xf32, #tpu.memory_space<hbm>>
      %dma_start3A_607 = tpu.memref_squeeze %dma_start3A_606 : memref<1x1x1x8x128xf32, #tpu.memory_space<hbm>> -> memref<8x128xf32, #tpu.memory_space<hbm>>
      %dma_start3A_608 = arith.constant 0 : i32
      %dma_start3A_609 = arith.constant 0 : i32
      %dma_start3A_610 = tpu.memref_slice %arg4[%select_n3A_593, %dma_start3A_599, %add3A_596, %dma_start3A_608, %dma_start3A_609] : memref<50x8x128x8x128xf32, #tpu.memory_space<hbm>> -> memref<1x1x1x8x128xf32, #tpu.memory_space<hbm>>
      %dma_start3A_611 = tpu.memref_squeeze %dma_start3A_610 : memref<1x1x1x8x128xf32, #tpu.memory_space<hbm>> -> memref<8x128xf32, #tpu.memory_space<hbm>>
      %dma_start3A_612 = arith.constant 0 : i32
      %dma_start3A_613 = arith.constant 0 : i32
      %dma_start3A_614 = tpu.memref_slice %arg7[%dma_start3A_597, %dma_start3A_598, %dma_start3A_612, %dma_start3A_613] : memref<5x8x8x132xf32, #tpu.memory_space<vmem>> -> memref<1x1x8x128xf32, #tpu.memory_space<vmem>>
      %dma_start3A_615 = tpu.memref_squeeze %dma_start3A_614 : memref<1x1x8x128xf32, #tpu.memory_space<vmem>> -> memref<8x128xf32, #tpu.memory_space<vmem>>
      tpu.enqueue_dma source(%dma_start3A_615 : memref<8x128xf32, #tpu.memory_space<vmem>>) target(%dma_start3A_611 : memref<8x128xf32, #tpu.memory_space<hbm>>) target_semaphore(%arg9 : memref<!tpu.dma_semaphore, #tpu.memory_space<semaphore_mem>>)
      %dma_start3A_616 = arith.constant 1 : i32
      %dma_start3A_617 = arith.constant 1 : i32
      %dma_start3A_618 = arith.constant 1 : i32
      %dma_start3A_619 = arith.constant 0 : i32
      %dma_start3A_620 = arith.constant 0 : i32
      %dma_start3A_621 = tpu.memref_slice %arg7[%dma_start3A_616, %dma_start3A_617, %dma_start3A_619, %dma_start3A_620] : memref<5x8x8x132xf32, #tpu.memory_space<vmem>> -> memref<1x1x8x128xf32, #tpu.memory_space<vmem>>
      %dma_start3A_622 = tpu.memref_squeeze %dma_start3A_621 : memref<1x1x8x128xf32, #tpu.memory_space<vmem>> -> memref<8x128xf32, #tpu.memory_space<vmem>>
      %dma_start3A_623 = arith.constant 0 : i32
      %dma_start3A_624 = arith.constant 0 : i32
      %dma_start3A_625 = tpu.memref_slice %arg4[%select_n3A_593, %dma_start3A_618, %add3A_596, %dma_start3A_623, %dma_start3A_624] : memref<50x8x128x8x128xf32, #tpu.memory_space<hbm>> -> memref<1x1x1x8x128xf32, #tpu.memory_space<hbm>>
      %dma_start3A_626 = tpu.memref_squeeze %dma_start3A_625 : memref<1x1x1x8x128xf32, #tpu.memory_space<hbm>> -> memref<8x128xf32, #tpu.memory_space<hbm>>
      %dma_start3A_627 = arith.constant 0 : i32
      %dma_start3A_628 = arith.constant 0 : i32
      %dma_start3A_629 = tpu.memref_slice %arg4[%select_n3A_593, %dma_start3A_618, %add3A_596, %dma_start3A_627, %dma_start3A_628] : memref<50x8x128x8x128xf32, #tpu.memory_space<hbm>> -> memref<1x1x1x8x128xf32, #tpu.memory_space<hbm>>
      %dma_start3A_630 = tpu.memref_squeeze %dma_start3A_629 : memref<1x1x1x8x128xf32, #tpu.memory_space<hbm>> -> memref<8x128xf32, #tpu.memory_space<hbm>>
      %dma_start3A_631 = arith.constant 0 : i32
      %dma_start3A_632 = arith.constant 0 : i32
      %dma_start3A_633 = tpu.memref_slice %arg7[%dma_start3A_616, %dma_start3A_617, %dma_start3A_631, %dma_start3A_632] : memref<5x8x8x132xf32, #tpu.memory_space<vmem>> -> memref<1x1x8x128xf32, #tpu.memory_space<vmem>>
      %dma_start3A_634 = tpu.memref_squeeze %dma_start3A_633 : memref<1x1x8x128xf32, #tpu.memory_space<vmem>> -> memref<8x128xf32, #tpu.memory_space<vmem>>
      tpu.enqueue_dma source(%dma_start3A_634 : memref<8x128xf32, #tpu.memory_space<vmem>>) target(%dma_start3A_630 : memref<8x128xf32, #tpu.memory_space<hbm>>) target_semaphore(%arg9 : memref<!tpu.dma_semaphore, #tpu.memory_space<semaphore_mem>>)
      %dma_start3A_635 = arith.constant 1 : i32
      %dma_start3A_636 = arith.constant 2 : i32
      %dma_start3A_637 = arith.constant 2 : i32
      %dma_start3A_638 = arith.constant 0 : i32
      %dma_start3A_639 = arith.constant 0 : i32
      %dma_start3A_640 = tpu.memref_slice %arg7[%dma_start3A_635, %dma_start3A_636, %dma_start3A_638, %dma_start3A_639] : memref<5x8x8x132xf32, #tpu.memory_space<vmem>> -> memref<1x1x8x128xf32, #tpu.memory_space<vmem>>
      %dma_start3A_641 = tpu.memref_squeeze %dma_start3A_640 : memref<1x1x8x128xf32, #tpu.memory_space<vmem>> -> memref<8x128xf32, #tpu.memory_space<vmem>>
      %dma_start3A_642 = arith.constant 0 : i32
      %dma_start3A_643 = arith.constant 0 : i32
      %dma_start3A_644 = tpu.memref_slice %arg4[%select_n3A_593, %dma_start3A_637, %add3A_596, %dma_start3A_642, %dma_start3A_643] : memref<50x8x128x8x128xf32, #tpu.memory_space<hbm>> -> memref<1x1x1x8x128xf32, #tpu.memory_space<hbm>>
      %dma_start3A_645 = tpu.memref_squeeze %dma_start3A_644 : memref<1x1x1x8x128xf32, #tpu.memory_space<hbm>> -> memref<8x128xf32, #tpu.memory_space<hbm>>
      %dma_start3A_646 = arith.constant 0 : i32
      %dma_start3A_647 = arith.constant 0 : i32
      %dma_start3A_648 = tpu.memref_slice %arg4[%select_n3A_593, %dma_start3A_637, %add3A_596, %dma_start3A_646, %dma_start3A_647] : memref<50x8x128x8x128xf32, #tpu.memory_space<hbm>> -> memref<1x1x1x8x128xf32, #tpu.memory_space<hbm>>
      %dma_start3A_649 = tpu.memref_squeeze %dma_start3A_648 : memref<1x1x1x8x128xf32, #tpu.memory_space<hbm>> -> memref<8x128xf32, #tpu.memory_space<hbm>>
      %dma_start3A_650 = arith.constant 0 : i32
      %dma_start3A_651 = arith.constant 0 : i32
      %dma_start3A_652 = tpu.memref_slice %arg7[%dma_start3A_635, %dma_start3A_636, %dma_start3A_650, %dma_start3A_651] : memref<5x8x8x132xf32, #tpu.memory_space<vmem>> -> memref<1x1x8x128xf32, #tpu.memory_space<vmem>>
      %dma_start3A_653 = tpu.memref_squeeze %dma_start3A_652 : memref<1x1x8x128xf32, #tpu.memory_space<vmem>> -> memref<8x128xf32, #tpu.memory_space<vmem>>
      tpu.enqueue_dma source(%dma_start3A_653 : memref<8x128xf32, #tpu.memory_space<vmem>>) target(%dma_start3A_649 : memref<8x128xf32, #tpu.memory_space<hbm>>) target_semaphore(%arg9 : memref<!tpu.dma_semaphore, #tpu.memory_space<semaphore_mem>>)
      %dma_start3A_654 = arith.constant 1 : i32
      %dma_start3A_655 = arith.constant 3 : i32
      %dma_start3A_656 = arith.constant 3 : i32
      %dma_start3A_657 = arith.constant 0 : i32
      %dma_start3A_658 = arith.constant 0 : i32
      %dma_start3A_659 = tpu.memref_slice %arg7[%dma_start3A_654, %dma_start3A_655, %dma_start3A_657, %dma_start3A_658] : memref<5x8x8x132xf32, #tpu.memory_space<vmem>> -> memref<1x1x8x128xf32, #tpu.memory_space<vmem>>
      %dma_start3A_660 = tpu.memref_squeeze %dma_start3A_659 : memref<1x1x8x128xf32, #tpu.memory_space<vmem>> -> memref<8x128xf32, #tpu.memory_space<vmem>>
      %dma_start3A_661 = arith.constant 0 : i32
      %dma_start3A_662 = arith.constant 0 : i32
      %dma_start3A_663 = tpu.memref_slice %arg4[%select_n3A_593, %dma_start3A_656, %add3A_596, %dma_start3A_661, %dma_start3A_662] : memref<50x8x128x8x128xf32, #tpu.memory_space<hbm>> -> memref<1x1x1x8x128xf32, #tpu.memory_space<hbm>>
      %dma_start3A_664 = tpu.memref_squeeze %dma_start3A_663 : memref<1x1x1x8x128xf32, #tpu.memory_space<hbm>> -> memref<8x128xf32, #tpu.memory_space<hbm>>
      %dma_start3A_665 = arith.constant 0 : i32
      %dma_start3A_666 = arith.constant 0 : i32
      %dma_start3A_667 = tpu.memref_slice %arg4[%select_n3A_593, %dma_start3A_656, %add3A_596, %dma_start3A_665, %dma_start3A_666] : memref<50x8x128x8x128xf32, #tpu.memory_space<hbm>> -> memref<1x1x1x8x128xf32, #tpu.memory_space<hbm>>
      %dma_start3A_668 = tpu.memref_squeeze %dma_start3A_667 : memref<1x1x1x8x128xf32, #tpu.memory_space<hbm>> -> memref<8x128xf32, #tpu.memory_space<hbm>>
      %dma_start3A_669 = arith.constant 0 : i32
      %dma_start3A_670 = arith.constant 0 : i32
      %dma_start3A_671 = tpu.memref_slice %arg7[%dma_start3A_654, %dma_start3A_655, %dma_start3A_669, %dma_start3A_670] : memref<5x8x8x132xf32, #tpu.memory_space<vmem>> -> memref<1x1x8x128xf32, #tpu.memory_space<vmem>>
      %dma_start3A_672 = tpu.memref_squeeze %dma_start3A_671 : memref<1x1x8x128xf32, #tpu.memory_space<vmem>> -> memref<8x128xf32, #tpu.memory_space<vmem>>
      tpu.enqueue_dma source(%dma_start3A_672 : memref<8x128xf32, #tpu.memory_space<vmem>>) target(%dma_start3A_668 : memref<8x128xf32, #tpu.memory_space<hbm>>) target_semaphore(%arg9 : memref<!tpu.dma_semaphore, #tpu.memory_space<semaphore_mem>>)
      %dma_start3A_673 = arith.constant 1 : i32
      %dma_start3A_674 = arith.constant 4 : i32
      %dma_start3A_675 = arith.constant 4 : i32
      %dma_start3A_676 = arith.constant 0 : i32
      %dma_start3A_677 = arith.constant 0 : i32
      %dma_start3A_678 = tpu.memref_slice %arg7[%dma_start3A_673, %dma_start3A_674, %dma_start3A_676, %dma_start3A_677] : memref<5x8x8x132xf32, #tpu.memory_space<vmem>> -> memref<1x1x8x128xf32, #tpu.memory_space<vmem>>
      %dma_start3A_679 = tpu.memref_squeeze %dma_start3A_678 : memref<1x1x8x128xf32, #tpu.memory_space<vmem>> -> memref<8x128xf32, #tpu.memory_space<vmem>>
      %dma_start3A_680 = arith.constant 0 : i32
      %dma_start3A_681 = arith.constant 0 : i32
      %dma_start3A_682 = tpu.memref_slice %arg4[%select_n3A_593, %dma_start3A_675, %add3A_596, %dma_start3A_680, %dma_start3A_681] : memref<50x8x128x8x128xf32, #tpu.memory_space<hbm>> -> memref<1x1x1x8x128xf32, #tpu.memory_space<hbm>>
      %dma_start3A_683 = tpu.memref_squeeze %dma_start3A_682 : memref<1x1x1x8x128xf32, #tpu.memory_space<hbm>> -> memref<8x128xf32, #tpu.memory_space<hbm>>
      %dma_start3A_684 = arith.constant 0 : i32
      %dma_start3A_685 = arith.constant 0 : i32
      %dma_start3A_686 = tpu.memref_slice %arg4[%select_n3A_593, %dma_start3A_675, %add3A_596, %dma_start3A_684, %dma_start3A_685] : memref<50x8x128x8x128xf32, #tpu.memory_space<hbm>> -> memref<1x1x1x8x128xf32, #tpu.memory_space<hbm>>
      %dma_start3A_687 = tpu.memref_squeeze %dma_start3A_686 : memref<1x1x1x8x128xf32, #tpu.memory_space<hbm>> -> memref<8x128xf32, #tpu.memory_space<hbm>>
      %dma_start3A_688 = arith.constant 0 : i32
      %dma_start3A_689 = arith.constant 0 : i32
      %dma_start3A_690 = tpu.memref_slice %arg7[%dma_start3A_673, %dma_start3A_674, %dma_start3A_688, %dma_start3A_689] : memref<5x8x8x132xf32, #tpu.memory_space<vmem>> -> memref<1x1x8x128xf32, #tpu.memory_space<vmem>>
      %dma_start3A_691 = tpu.memref_squeeze %dma_start3A_690 : memref<1x1x8x128xf32, #tpu.memory_space<vmem>> -> memref<8x128xf32, #tpu.memory_space<vmem>>
      tpu.enqueue_dma source(%dma_start3A_691 : memref<8x128xf32, #tpu.memory_space<vmem>>) target(%dma_start3A_687 : memref<8x128xf32, #tpu.memory_space<hbm>>) target_semaphore(%arg9 : memref<!tpu.dma_semaphore, #tpu.memory_space<semaphore_mem>>)
      %dma_start3A_692 = arith.constant 1 : i32
      %dma_start3A_693 = arith.constant 5 : i32
      %dma_start3A_694 = arith.constant 5 : i32
      %dma_start3A_695 = arith.constant 0 : i32
      %dma_start3A_696 = arith.constant 0 : i32
      %dma_start3A_697 = tpu.memref_slice %arg7[%dma_start3A_692, %dma_start3A_693, %dma_start3A_695, %dma_start3A_696] : memref<5x8x8x132xf32, #tpu.memory_space<vmem>> -> memref<1x1x8x128xf32, #tpu.memory_space<vmem>>
      %dma_start3A_698 = tpu.memref_squeeze %dma_start3A_697 : memref<1x1x8x128xf32, #tpu.memory_space<vmem>> -> memref<8x128xf32, #tpu.memory_space<vmem>>
      %dma_start3A_699 = arith.constant 0 : i32
      %dma_start3A_700 = arith.constant 0 : i32
      %dma_start3A_701 = tpu.memref_slice %arg4[%select_n3A_593, %dma_start3A_694, %add3A_596, %dma_start3A_699, %dma_start3A_700] : memref<50x8x128x8x128xf32, #tpu.memory_space<hbm>> -> memref<1x1x1x8x128xf32, #tpu.memory_space<hbm>>
      %dma_start3A_702 = tpu.memref_squeeze %dma_start3A_701 : memref<1x1x1x8x128xf32, #tpu.memory_space<hbm>> -> memref<8x128xf32, #tpu.memory_space<hbm>>
      %dma_start3A_703 = arith.constant 0 : i32
      %dma_start3A_704 = arith.constant 0 : i32
      %dma_start3A_705 = tpu.memref_slice %arg4[%select_n3A_593, %dma_start3A_694, %add3A_596, %dma_start3A_703, %dma_start3A_704] : memref<50x8x128x8x128xf32, #tpu.memory_space<hbm>> -> memref<1x1x1x8x128xf32, #tpu.memory_space<hbm>>
      %dma_start3A_706 = tpu.memref_squeeze %dma_start3A_705 : memref<1x1x1x8x128xf32, #tpu.memory_space<hbm>> -> memref<8x128xf32, #tpu.memory_space<hbm>>
      %dma_start3A_707 = arith.constant 0 : i32
      %dma_start3A_708 = arith.constant 0 : i32
      %dma_start3A_709 = tpu.memref_slice %arg7[%dma_start3A_692, %dma_start3A_693, %dma_start3A_707, %dma_start3A_708] : memref<5x8x8x132xf32, #tpu.memory_space<vmem>> -> memref<1x1x8x128xf32, #tpu.memory_space<vmem>>
      %dma_start3A_710 = tpu.memref_squeeze %dma_start3A_709 : memref<1x1x8x128xf32, #tpu.memory_space<vmem>> -> memref<8x128xf32, #tpu.memory_space<vmem>>
      tpu.enqueue_dma source(%dma_start3A_710 : memref<8x128xf32, #tpu.memory_space<vmem>>) target(%dma_start3A_706 : memref<8x128xf32, #tpu.memory_space<hbm>>) target_semaphore(%arg9 : memref<!tpu.dma_semaphore, #tpu.memory_space<semaphore_mem>>)
      %dma_start3A_711 = arith.constant 1 : i32
      %dma_start3A_712 = arith.constant 6 : i32
      %dma_start3A_713 = arith.constant 6 : i32
      %dma_start3A_714 = arith.constant 0 : i32
      %dma_start3A_715 = arith.constant 0 : i32
      %dma_start3A_716 = tpu.memref_slice %arg7[%dma_start3A_711, %dma_start3A_712, %dma_start3A_714, %dma_start3A_715] : memref<5x8x8x132xf32, #tpu.memory_space<vmem>> -> memref<1x1x8x128xf32, #tpu.memory_space<vmem>>
      %dma_start3A_717 = tpu.memref_squeeze %dma_start3A_716 : memref<1x1x8x128xf32, #tpu.memory_space<vmem>> -> memref<8x128xf32, #tpu.memory_space<vmem>>
      %dma_start3A_718 = arith.constant 0 : i32
      %dma_start3A_719 = arith.constant 0 : i32
      %dma_start3A_720 = tpu.memref_slice %arg4[%select_n3A_593, %dma_start3A_713, %add3A_596, %dma_start3A_718, %dma_start3A_719] : memref<50x8x128x8x128xf32, #tpu.memory_space<hbm>> -> memref<1x1x1x8x128xf32, #tpu.memory_space<hbm>>
      %dma_start3A_721 = tpu.memref_squeeze %dma_start3A_720 : memref<1x1x1x8x128xf32, #tpu.memory_space<hbm>> -> memref<8x128xf32, #tpu.memory_space<hbm>>
      %dma_start3A_722 = arith.constant 0 : i32
      %dma_start3A_723 = arith.constant 0 : i32
      %dma_start3A_724 = tpu.memref_slice %arg4[%select_n3A_593, %dma_start3A_713, %add3A_596, %dma_start3A_722, %dma_start3A_723] : memref<50x8x128x8x128xf32, #tpu.memory_space<hbm>> -> memref<1x1x1x8x128xf32, #tpu.memory_space<hbm>>
      %dma_start3A_725 = tpu.memref_squeeze %dma_start3A_724 : memref<1x1x1x8x128xf32, #tpu.memory_space<hbm>> -> memref<8x128xf32, #tpu.memory_space<hbm>>
      %dma_start3A_726 = arith.constant 0 : i32
      %dma_start3A_727 = arith.constant 0 : i32
      %dma_start3A_728 = tpu.memref_slice %arg7[%dma_start3A_711, %dma_start3A_712, %dma_start3A_726, %dma_start3A_727] : memref<5x8x8x132xf32, #tpu.memory_space<vmem>> -> memref<1x1x8x128xf32, #tpu.memory_space<vmem>>
      %dma_start3A_729 = tpu.memref_squeeze %dma_start3A_728 : memref<1x1x8x128xf32, #tpu.memory_space<vmem>> -> memref<8x128xf32, #tpu.memory_space<vmem>>
      tpu.enqueue_dma source(%dma_start3A_729 : memref<8x128xf32, #tpu.memory_space<vmem>>) target(%dma_start3A_725 : memref<8x128xf32, #tpu.memory_space<hbm>>) target_semaphore(%arg9 : memref<!tpu.dma_semaphore, #tpu.memory_space<semaphore_mem>>)
      %dma_start3A_730 = arith.constant 1 : i32
      %dma_start3A_731 = arith.constant 7 : i32
      %dma_start3A_732 = arith.constant 7 : i32
      %dma_start3A_733 = arith.constant 0 : i32
      %dma_start3A_734 = arith.constant 0 : i32
      %dma_start3A_735 = tpu.memref_slice %arg7[%dma_start3A_730, %dma_start3A_731, %dma_start3A_733, %dma_start3A_734] : memref<5x8x8x132xf32, #tpu.memory_space<vmem>> -> memref<1x1x8x128xf32, #tpu.memory_space<vmem>>
      %dma_start3A_736 = tpu.memref_squeeze %dma_start3A_735 : memref<1x1x8x128xf32, #tpu.memory_space<vmem>> -> memref<8x128xf32, #tpu.memory_space<vmem>>
      %dma_start3A_737 = arith.constant 0 : i32
      %dma_start3A_738 = arith.constant 0 : i32
      %dma_start3A_739 = tpu.memref_slice %arg4[%select_n3A_593, %dma_start3A_732, %add3A_596, %dma_start3A_737, %dma_start3A_738] : memref<50x8x128x8x128xf32, #tpu.memory_space<hbm>> -> memref<1x1x1x8x128xf32, #tpu.memory_space<hbm>>
      %dma_start3A_740 = tpu.memref_squeeze %dma_start3A_739 : memref<1x1x1x8x128xf32, #tpu.memory_space<hbm>> -> memref<8x128xf32, #tpu.memory_space<hbm>>
      %dma_start3A_741 = arith.constant 0 : i32
      %dma_start3A_742 = arith.constant 0 : i32
      %dma_start3A_743 = tpu.memref_slice %arg4[%select_n3A_593, %dma_start3A_732, %add3A_596, %dma_start3A_741, %dma_start3A_742] : memref<50x8x128x8x128xf32, #tpu.memory_space<hbm>> -> memref<1x1x1x8x128xf32, #tpu.memory_space<hbm>>
      %dma_start3A_744 = tpu.memref_squeeze %dma_start3A_743 : memref<1x1x1x8x128xf32, #tpu.memory_space<hbm>> -> memref<8x128xf32, #tpu.memory_space<hbm>>
      %dma_start3A_745 = arith.constant 0 : i32
      %dma_start3A_746 = arith.constant 0 : i32
      %dma_start3A_747 = tpu.memref_slice %arg7[%dma_start3A_730, %dma_start3A_731, %dma_start3A_745, %dma_start3A_746] : memref<5x8x8x132xf32, #tpu.memory_space<vmem>> -> memref<1x1x8x128xf32, #tpu.memory_space<vmem>>
      %dma_start3A_748 = tpu.memref_squeeze %dma_start3A_747 : memref<1x1x8x128xf32, #tpu.memory_space<vmem>> -> memref<8x128xf32, #tpu.memory_space<vmem>>
      tpu.enqueue_dma source(%dma_start3A_748 : memref<8x128xf32, #tpu.memory_space<vmem>>) target(%dma_start3A_744 : memref<8x128xf32, #tpu.memory_space<hbm>>) target_semaphore(%arg9 : memref<!tpu.dma_semaphore, #tpu.memory_space<semaphore_mem>>)
      %dma_wait3A_749 = arith.constant 2 : i32
      %dma_wait3A_750 = arith.constant 0 : i32
      %dma_wait3A_751 = arith.constant 0 : i32
      %dma_wait3A_752 = tpu.memref_slice %arg6[%dma_wait3A_749, %dma_wait3A_750, %dma_wait3A_751] : memref<5x128x64xf32, #tpu.memory_space<vmem>> -> memref<1x128x64xf32, #tpu.memory_space<vmem>>
      %dma_wait3A_753 = tpu.memref_squeeze %dma_wait3A_752 : memref<1x128x64xf32, #tpu.memory_space<vmem>> -> memref<128x64xf32, #tpu.memory_space<vmem>>
      %dma_wait3A_754 = tpu.memref_slice %arg5[%select_n3A_202, %mul3A_204] : memref<50x512xi32, #tpu.memory_space<vmem>> -> memref<1x128xi32, #tpu.memory_space<vmem>>
      %dma_wait3A_755 = tpu.memref_squeeze %dma_wait3A_754 : memref<1x128xi32, #tpu.memory_space<vmem>> -> memref<128xi32, #tpu.memory_space<vmem>>
      %dma_wait3A_756 = arith.constant 0 : i32
      %dma_wait3A_757 = arith.constant 0 : i32
      %dma_wait3A_758 = tpu.memref_slice %arg3[%dma_wait3A_756, %dma_wait3A_757] : memref<1000000x64xf32, #tpu.memory_space<hbm>> -> memref<1000000x64xf32, #tpu.memory_space<hbm>>
      tpu.wait_indirect_dma semaphore(%arg8 : memref<!tpu.dma_semaphore, #tpu.memory_space<semaphore_mem>>) src(%dma_wait3A_758 : memref<1000000x64xf32, #tpu.memory_space<hbm>>) dst(%dma_wait3A_753 : memref<128x64xf32, #tpu.memory_space<vmem>>)
      %parallel_loop3A_759 = arith.constant 0 : i32
      %parallel_loop3A_760 = arith.constant 128 : i32
      %parallel_loop3A_761 = arith.constant 1 : i32
      scf.for %parallel_loop3A_2145 = %parallel_loop3A_759 to %parallel_loop3A_760 step %parallel_loop3A_761  : i32 {
        %parallel_loop3A_2146 = vector.broadcast %parallel_loop3A_2145 : i32 to vector<16xi32>
        %parallel_loop3A_2147 = arith.constant 2 : i32
        %parallel_loop3A_2148 = arith.index_cast %parallel_loop3A_2147 : i32 to index
        %parallel_loop3A_2149 = arith.index_cast %parallel_loop3A_2145 : i32 to index
        %parallel_loop3A_2150 = arith.constant 0 : index
        %parallel_loop3A_2151 = tpu.vector_load %arg6[%parallel_loop3A_2148, %parallel_loop3A_2149, %parallel_loop3A_2150] {strides = array<i32>} : memref<5x128x64xf32, #tpu.memory_space<vmem>>, vector<16xf32>,
        %parallel_loop3A_2152 = arith.constant 2 : i32
        %parallel_loop3A_2153 = arith.constant 0 : i32
        %parallel_loop3A_2154 = arith.constant 0 : i32
        %parallel_loop3A_2155 = arith.constant 0 : i32
        %parallel_loop3A_2156 = tpu.memref_slice %arg7[%parallel_loop3A_2152, %parallel_loop3A_2153, %parallel_loop3A_2154, %parallel_loop3A_2155] : memref<5x8x8x132xf32, #tpu.memory_space<vmem>> -> memref<1x8x8x132xf32, #tpu.memory_space<vmem>>
        %parallel_loop3A_2157 = tpu.memref_squeeze %parallel_loop3A_2156 : memref<1x8x8x132xf32, #tpu.memory_space<vmem>> -> memref<8x8x132xf32, #tpu.memory_space<vmem>>
        tpu.vector_store_idx %parallel_loop3A_2157[%shift_right_arithmetic3A_9, %and3A_32, %parallel_loop3A_2146], %parallel_loop3A_2151 : memref<8x8x132xf32, #tpu.memory_space<vmem>>[vector<16xi32>, vector<16xi32>, vector<16xi32>], vector<16xf32>,
        %parallel_loop3A_2158 = arith.constant 2 : i32
        %parallel_loop3A_2159 = arith.index_cast %parallel_loop3A_2158 : i32 to index
        %parallel_loop3A_2160 = arith.index_cast %parallel_loop3A_2145 : i32 to index
        %parallel_loop3A_2161 = arith.constant 16 : index
        %parallel_loop3A_2162 = tpu.vector_load %arg6[%parallel_loop3A_2159, %parallel_loop3A_2160, %parallel_loop3A_2161] {strides = array<i32>} : memref<5x128x64xf32, #tpu.memory_space<vmem>>, vector<16xf32>,
        %parallel_loop3A_2163 = arith.constant 2 : i32
        %parallel_loop3A_2164 = arith.constant 0 : i32
        %parallel_loop3A_2165 = arith.constant 0 : i32
        %parallel_loop3A_2166 = arith.constant 0 : i32
        %parallel_loop3A_2167 = tpu.memref_slice %arg7[%parallel_loop3A_2163, %parallel_loop3A_2164, %parallel_loop3A_2165, %parallel_loop3A_2166] : memref<5x8x8x132xf32, #tpu.memory_space<vmem>> -> memref<1x8x8x132xf32, #tpu.memory_space<vmem>>
        %parallel_loop3A_2168 = tpu.memref_squeeze %parallel_loop3A_2167 : memref<1x8x8x132xf32, #tpu.memory_space<vmem>> -> memref<8x8x132xf32, #tpu.memory_space<vmem>>
        tpu.vector_store_idx %parallel_loop3A_2168[%shift_right_arithmetic3A_15, %and3A_38, %parallel_loop3A_2146], %parallel_loop3A_2162 : memref<8x8x132xf32, #tpu.memory_space<vmem>>[vector<16xi32>, vector<16xi32>, vector<16xi32>], vector<16xf32>,
        %parallel_loop3A_2169 = arith.constant 2 : i32
        %parallel_loop3A_2170 = arith.index_cast %parallel_loop3A_2169 : i32 to index
        %parallel_loop3A_2171 = arith.index_cast %parallel_loop3A_2145 : i32 to index
        %parallel_loop3A_2172 = arith.constant 32 : index
        %parallel_loop3A_2173 = tpu.vector_load %arg6[%parallel_loop3A_2170, %parallel_loop3A_2171, %parallel_loop3A_2172] {strides = array<i32>} : memref<5x128x64xf32, #tpu.memory_space<vmem>>, vector<16xf32>,
        %parallel_loop3A_2174 = arith.constant 2 : i32
        %parallel_loop3A_2175 = arith.constant 0 : i32
        %parallel_loop3A_2176 = arith.constant 0 : i32
        %parallel_loop3A_2177 = arith.constant 0 : i32
        %parallel_loop3A_2178 = tpu.memref_slice %arg7[%parallel_loop3A_2174, %parallel_loop3A_2175, %parallel_loop3A_2176, %parallel_loop3A_2177] : memref<5x8x8x132xf32, #tpu.memory_space<vmem>> -> memref<1x8x8x132xf32, #tpu.memory_space<vmem>>
        %parallel_loop3A_2179 = tpu.memref_squeeze %parallel_loop3A_2178 : memref<1x8x8x132xf32, #tpu.memory_space<vmem>> -> memref<8x8x132xf32, #tpu.memory_space<vmem>>
        tpu.vector_store_idx %parallel_loop3A_2179[%shift_right_arithmetic3A_21, %and3A_44, %parallel_loop3A_2146], %parallel_loop3A_2173 : memref<8x8x132xf32, #tpu.memory_space<vmem>>[vector<16xi32>, vector<16xi32>, vector<16xi32>], vector<16xf32>,
        %parallel_loop3A_2180 = arith.constant 2 : i32
        %parallel_loop3A_2181 = arith.index_cast %parallel_loop3A_2180 : i32 to index
        %parallel_loop3A_2182 = arith.index_cast %parallel_loop3A_2145 : i32 to index
        %parallel_loop3A_2183 = arith.constant 48 : index
        %parallel_loop3A_2184 = tpu.vector_load %arg6[%parallel_loop3A_2181, %parallel_loop3A_2182, %parallel_loop3A_2183] {strides = array<i32>} : memref<5x128x64xf32, #tpu.memory_space<vmem>>, vector<16xf32>,
        %parallel_loop3A_2185 = arith.constant 2 : i32
        %parallel_loop3A_2186 = arith.constant 0 : i32
        %parallel_loop3A_2187 = arith.constant 0 : i32
        %parallel_loop3A_2188 = arith.constant 0 : i32
        %parallel_loop3A_2189 = tpu.memref_slice %arg7[%parallel_loop3A_2185, %parallel_loop3A_2186, %parallel_loop3A_2187, %parallel_loop3A_2188] : memref<5x8x8x132xf32, #tpu.memory_space<vmem>> -> memref<1x8x8x132xf32, #tpu.memory_space<vmem>>
        %parallel_loop3A_2190 = tpu.memref_squeeze %parallel_loop3A_2189 : memref<1x8x8x132xf32, #tpu.memory_space<vmem>> -> memref<8x8x132xf32, #tpu.memory_space<vmem>>
        tpu.vector_store_idx %parallel_loop3A_2190[%shift_right_arithmetic3A_27, %and3A_50, %parallel_loop3A_2146], %parallel_loop3A_2184 : memref<8x8x132xf32, #tpu.memory_space<vmem>>[vector<16xi32>, vector<16xi32>, vector<16xi32>], vector<16xf32>,
      } {sc.loop_unroll_factor = 8 : i64, sc.parallel_access}
      %mul3A_762 = arith.constant 5 : i32
      %mul3A_763 = arith.muli %scan3A_56, %mul3A_762 : i32
      %add3A_764 = arith.constant 2 : i32
      %add3A_765 = arith.addi %mul3A_763, %add3A_764 : i32
      %jit3A_766 = arith.constant 50 : i32
      %div3A_767 = arith.divsi %add3A_765, %jit3A_766 : i32
      %sign3A_768 = arith.constant 0 : i32
      %sign3A_769 = arith.cmpi sgt, %add3A_765, %sign3A_768 : i32
      %sign3A_770 = arith.extui %sign3A_769 : i1 to i32
      %sign3A_771 = arith.constant 0 : i32
      %sign3A_772 = arith.cmpi slt, %add3A_765, %sign3A_771 : i32
      %sign3A_773 = arith.extui %sign3A_772 : i1 to i32
      %sign3A_774 = arith.subi %sign3A_770, %sign3A_773 : i32
      %sign3A_775 = arith.constant 0 : i32
      %sign3A_776 = arith.cmpi sgt, %jit3A_766, %sign3A_775 : i32
      %sign3A_777 = arith.extui %sign3A_776 : i1 to i32
      %sign3A_778 = arith.constant 0 : i32
      %sign3A_779 = arith.cmpi slt, %jit3A_766, %sign3A_778 : i32
      %sign3A_780 = arith.extui %sign3A_779 : i1 to i32
      %sign3A_781 = arith.subi %sign3A_777, %sign3A_780 : i32
      %ne3A_782 = arith.cmpi ne, %sign3A_774, %sign3A_781 : i32
      %rem3A_783 = arith.remsi %add3A_765, %jit3A_766 : i32
      %ne3A_784 = arith.constant 0 : i32
      %ne3A_785 = arith.cmpi ne, %rem3A_783, %ne3A_784 : i32
      %and3A_786 = arith.andi %ne3A_782, %ne3A_785 : i1
      %sub3A_787 = arith.constant 1 : i32
      %sub3A_788 = arith.subi %div3A_767, %sub3A_787 : i32
      %select_n3A_789 = arith.select %and3A_786, %sub3A_788, %div3A_767 : i32
      %jit3A_790 = arith.constant 50 : i32
      %eq3A_791 = arith.constant 0 : i32
      %eq3A_792 = arith.cmpi eq, %jit3A_790, %eq3A_791 : i32
      %jit3A_793 = arith.constant 1 : i32
      %select_n3A_794 = arith.select %eq3A_792, %jit3A_793, %jit3A_790 : i32
      %rem3A_795 = arith.remsi %add3A_765, %select_n3A_794 : i32
      %ne3A_796 = arith.constant 0 : i32
      %ne3A_797 = arith.cmpi ne, %rem3A_795, %ne3A_796 : i32
      %lt3A_798 = arith.constant 0 : i32
      %lt3A_799 = arith.cmpi slt, %rem3A_795, %lt3A_798 : i32
      %lt3A_800 = arith.constant 0 : i32
      %lt3A_801 = arith.cmpi slt, %select_n3A_794, %lt3A_800 : i32
      %ne3A_802 = arith.xori %lt3A_799, %lt3A_801 : i1
      %and3A_803 = arith.andi %ne3A_802, %ne3A_797 : i1
      %add3A_804 = arith.addi %rem3A_795, %select_n3A_794 : i32
      %select_n3A_805 = arith.select %and3A_803, %add3A_804, %rem3A_795 : i32
      %mul3A_806 = arith.constant 4 : i32
      %mul3A_807 = arith.muli %add3A, %mul3A_806 : i32
      %add3A_808 = arith.addi %mul3A_807, %select_n3A_789 : i32
      %dma_start3A_809 = arith.constant 2 : i32
      %dma_start3A_810 = arith.constant 0 : i32
      %dma_start3A_811 = arith.constant 0 : i32
      %dma_start3A_812 = arith.constant 0 : i32
      %dma_start3A_813 = arith.constant 0 : i32
      %dma_start3A_814 = tpu.memref_slice %arg7[%dma_start3A_809, %dma_start3A_810, %dma_start3A_812, %dma_start3A_813] : memref<5x8x8x132xf32, #tpu.memory_space<vmem>> -> memref<1x1x8x128xf32, #tpu.memory_space<vmem>>
      %dma_start3A_815 = tpu.memref_squeeze %dma_start3A_814 : memref<1x1x8x128xf32, #tpu.memory_space<vmem>> -> memref<8x128xf32, #tpu.memory_space<vmem>>
      %dma_start3A_816 = arith.constant 0 : i32
      %dma_start3A_817 = arith.constant 0 : i32
      %dma_start3A_818 = tpu.memref_slice %arg4[%select_n3A_805, %dma_start3A_811, %add3A_808, %dma_start3A_816, %dma_start3A_817] : memref<50x8x128x8x128xf32, #tpu.memory_space<hbm>> -> memref<1x1x1x8x128xf32, #tpu.memory_space<hbm>>
      %dma_start3A_819 = tpu.memref_squeeze %dma_start3A_818 : memref<1x1x1x8x128xf32, #tpu.memory_space<hbm>> -> memref<8x128xf32, #tpu.memory_space<hbm>>
      %dma_start3A_820 = arith.constant 0 : i32
      %dma_start3A_821 = arith.constant 0 : i32
      %dma_start3A_822 = tpu.memref_slice %arg4[%select_n3A_805, %dma_start3A_811, %add3A_808, %dma_start3A_820, %dma_start3A_821] : memref<50x8x128x8x128xf32, #tpu.memory_space<hbm>> -> memref<1x1x1x8x128xf32, #tpu.memory_space<hbm>>
      %dma_start3A_823 = tpu.memref_squeeze %dma_start3A_822 : memref<1x1x1x8x128xf32, #tpu.memory_space<hbm>> -> memref<8x128xf32, #tpu.memory_space<hbm>>
      %dma_start3A_824 = arith.constant 0 : i32
      %dma_start3A_825 = arith.constant 0 : i32
      %dma_start3A_826 = tpu.memref_slice %arg7[%dma_start3A_809, %dma_start3A_810, %dma_start3A_824, %dma_start3A_825] : memref<5x8x8x132xf32, #tpu.memory_space<vmem>> -> memref<1x1x8x128xf32, #tpu.memory_space<vmem>>
      %dma_start3A_827 = tpu.memref_squeeze %dma_start3A_826 : memref<1x1x8x128xf32, #tpu.memory_space<vmem>> -> memref<8x128xf32, #tpu.memory_space<vmem>>
      tpu.enqueue_dma source(%dma_start3A_827 : memref<8x128xf32, #tpu.memory_space<vmem>>) target(%dma_start3A_823 : memref<8x128xf32, #tpu.memory_space<hbm>>) target_semaphore(%arg9 : memref<!tpu.dma_semaphore, #tpu.memory_space<semaphore_mem>>)
      %dma_start3A_828 = arith.constant 2 : i32
      %dma_start3A_829 = arith.constant 1 : i32
      %dma_start3A_830 = arith.constant 1 : i32
      %dma_start3A_831 = arith.constant 0 : i32
      %dma_start3A_832 = arith.constant 0 : i32
      %dma_start3A_833 = tpu.memref_slice %arg7[%dma_start3A_828, %dma_start3A_829, %dma_start3A_831, %dma_start3A_832] : memref<5x8x8x132xf32, #tpu.memory_space<vmem>> -> memref<1x1x8x128xf32, #tpu.memory_space<vmem>>
      %dma_start3A_834 = tpu.memref_squeeze %dma_start3A_833 : memref<1x1x8x128xf32, #tpu.memory_space<vmem>> -> memref<8x128xf32, #tpu.memory_space<vmem>>
      %dma_start3A_835 = arith.constant 0 : i32
      %dma_start3A_836 = arith.constant 0 : i32
      %dma_start3A_837 = tpu.memref_slice %arg4[%select_n3A_805, %dma_start3A_830, %add3A_808, %dma_start3A_835, %dma_start3A_836] : memref<50x8x128x8x128xf32, #tpu.memory_space<hbm>> -> memref<1x1x1x8x128xf32, #tpu.memory_space<hbm>>
      %dma_start3A_838 = tpu.memref_squeeze %dma_start3A_837 : memref<1x1x1x8x128xf32, #tpu.memory_space<hbm>> -> memref<8x128xf32, #tpu.memory_space<hbm>>
      %dma_start3A_839 = arith.constant 0 : i32
      %dma_start3A_840 = arith.constant 0 : i32
      %dma_start3A_841 = tpu.memref_slice %arg4[%select_n3A_805, %dma_start3A_830, %add3A_808, %dma_start3A_839, %dma_start3A_840] : memref<50x8x128x8x128xf32, #tpu.memory_space<hbm>> -> memref<1x1x1x8x128xf32, #tpu.memory_space<hbm>>
      %dma_start3A_842 = tpu.memref_squeeze %dma_start3A_841 : memref<1x1x1x8x128xf32, #tpu.memory_space<hbm>> -> memref<8x128xf32, #tpu.memory_space<hbm>>
      %dma_start3A_843 = arith.constant 0 : i32
      %dma_start3A_844 = arith.constant 0 : i32
      %dma_start3A_845 = tpu.memref_slice %arg7[%dma_start3A_828, %dma_start3A_829, %dma_start3A_843, %dma_start3A_844] : memref<5x8x8x132xf32, #tpu.memory_space<vmem>> -> memref<1x1x8x128xf32, #tpu.memory_space<vmem>>
      %dma_start3A_846 = tpu.memref_squeeze %dma_start3A_845 : memref<1x1x8x128xf32, #tpu.memory_space<vmem>> -> memref<8x128xf32, #tpu.memory_space<vmem>>
      tpu.enqueue_dma source(%dma_start3A_846 : memref<8x128xf32, #tpu.memory_space<vmem>>) target(%dma_start3A_842 : memref<8x128xf32, #tpu.memory_space<hbm>>) target_semaphore(%arg9 : memref<!tpu.dma_semaphore, #tpu.memory_space<semaphore_mem>>)
      %dma_start3A_847 = arith.constant 2 : i32
      %dma_start3A_848 = arith.constant 2 : i32
      %dma_start3A_849 = arith.constant 2 : i32
      %dma_start3A_850 = arith.constant 0 : i32
      %dma_start3A_851 = arith.constant 0 : i32
      %dma_start3A_852 = tpu.memref_slice %arg7[%dma_start3A_847, %dma_start3A_848, %dma_start3A_850, %dma_start3A_851] : memref<5x8x8x132xf32, #tpu.memory_space<vmem>> -> memref<1x1x8x128xf32, #tpu.memory_space<vmem>>
      %dma_start3A_853 = tpu.memref_squeeze %dma_start3A_852 : memref<1x1x8x128xf32, #tpu.memory_space<vmem>> -> memref<8x128xf32, #tpu.memory_space<vmem>>
      %dma_start3A_854 = arith.constant 0 : i32
      %dma_start3A_855 = arith.constant 0 : i32
      %dma_start3A_856 = tpu.memref_slice %arg4[%select_n3A_805, %dma_start3A_849, %add3A_808, %dma_start3A_854, %dma_start3A_855] : memref<50x8x128x8x128xf32, #tpu.memory_space<hbm>> -> memref<1x1x1x8x128xf32, #tpu.memory_space<hbm>>
      %dma_start3A_857 = tpu.memref_squeeze %dma_start3A_856 : memref<1x1x1x8x128xf32, #tpu.memory_space<hbm>> -> memref<8x128xf32, #tpu.memory_space<hbm>>
      %dma_start3A_858 = arith.constant 0 : i32
      %dma_start3A_859 = arith.constant 0 : i32
      %dma_start3A_860 = tpu.memref_slice %arg4[%select_n3A_805, %dma_start3A_849, %add3A_808, %dma_start3A_858, %dma_start3A_859] : memref<50x8x128x8x128xf32, #tpu.memory_space<hbm>> -> memref<1x1x1x8x128xf32, #tpu.memory_space<hbm>>
      %dma_start3A_861 = tpu.memref_squeeze %dma_start3A_860 : memref<1x1x1x8x128xf32, #tpu.memory_space<hbm>> -> memref<8x128xf32, #tpu.memory_space<hbm>>
      %dma_start3A_862 = arith.constant 0 : i32
      %dma_start3A_863 = arith.constant 0 : i32
      %dma_start3A_864 = tpu.memref_slice %arg7[%dma_start3A_847, %dma_start3A_848, %dma_start3A_862, %dma_start3A_863] : memref<5x8x8x132xf32, #tpu.memory_space<vmem>> -> memref<1x1x8x128xf32, #tpu.memory_space<vmem>>
      %dma_start3A_865 = tpu.memref_squeeze %dma_start3A_864 : memref<1x1x8x128xf32, #tpu.memory_space<vmem>> -> memref<8x128xf32, #tpu.memory_space<vmem>>
      tpu.enqueue_dma source(%dma_start3A_865 : memref<8x128xf32, #tpu.memory_space<vmem>>) target(%dma_start3A_861 : memref<8x128xf32, #tpu.memory_space<hbm>>) target_semaphore(%arg9 : memref<!tpu.dma_semaphore, #tpu.memory_space<semaphore_mem>>)
      %dma_start3A_866 = arith.constant 2 : i32
      %dma_start3A_867 = arith.constant 3 : i32
      %dma_start3A_868 = arith.constant 3 : i32
      %dma_start3A_869 = arith.constant 0 : i32
      %dma_start3A_870 = arith.constant 0 : i32
      %dma_start3A_871 = tpu.memref_slice %arg7[%dma_start3A_866, %dma_start3A_867, %dma_start3A_869, %dma_start3A_870] : memref<5x8x8x132xf32, #tpu.memory_space<vmem>> -> memref<1x1x8x128xf32, #tpu.memory_space<vmem>>
      %dma_start3A_872 = tpu.memref_squeeze %dma_start3A_871 : memref<1x1x8x128xf32, #tpu.memory_space<vmem>> -> memref<8x128xf32, #tpu.memory_space<vmem>>
      %dma_start3A_873 = arith.constant 0 : i32
      %dma_start3A_874 = arith.constant 0 : i32
      %dma_start3A_875 = tpu.memref_slice %arg4[%select_n3A_805, %dma_start3A_868, %add3A_808, %dma_start3A_873, %dma_start3A_874] : memref<50x8x128x8x128xf32, #tpu.memory_space<hbm>> -> memref<1x1x1x8x128xf32, #tpu.memory_space<hbm>>
      %dma_start3A_876 = tpu.memref_squeeze %dma_start3A_875 : memref<1x1x1x8x128xf32, #tpu.memory_space<hbm>> -> memref<8x128xf32, #tpu.memory_space<hbm>>
      %dma_start3A_877 = arith.constant 0 : i32
      %dma_start3A_878 = arith.constant 0 : i32
      %dma_start3A_879 = tpu.memref_slice %arg4[%select_n3A_805, %dma_start3A_868, %add3A_808, %dma_start3A_877, %dma_start3A_878] : memref<50x8x128x8x128xf32, #tpu.memory_space<hbm>> -> memref<1x1x1x8x128xf32, #tpu.memory_space<hbm>>
      %dma_start3A_880 = tpu.memref_squeeze %dma_start3A_879 : memref<1x1x1x8x128xf32, #tpu.memory_space<hbm>> -> memref<8x128xf32, #tpu.memory_space<hbm>>
      %dma_start3A_881 = arith.constant 0 : i32
      %dma_start3A_882 = arith.constant 0 : i32
      %dma_start3A_883 = tpu.memref_slice %arg7[%dma_start3A_866, %dma_start3A_867, %dma_start3A_881, %dma_start3A_882] : memref<5x8x8x132xf32, #tpu.memory_space<vmem>> -> memref<1x1x8x128xf32, #tpu.memory_space<vmem>>
      %dma_start3A_884 = tpu.memref_squeeze %dma_start3A_883 : memref<1x1x8x128xf32, #tpu.memory_space<vmem>> -> memref<8x128xf32, #tpu.memory_space<vmem>>
      tpu.enqueue_dma source(%dma_start3A_884 : memref<8x128xf32, #tpu.memory_space<vmem>>) target(%dma_start3A_880 : memref<8x128xf32, #tpu.memory_space<hbm>>) target_semaphore(%arg9 : memref<!tpu.dma_semaphore, #tpu.memory_space<semaphore_mem>>)
      %dma_start3A_885 = arith.constant 2 : i32
      %dma_start3A_886 = arith.constant 4 : i32
      %dma_start3A_887 = arith.constant 4 : i32
      %dma_start3A_888 = arith.constant 0 : i32
      %dma_start3A_889 = arith.constant 0 : i32
      %dma_start3A_890 = tpu.memref_slice %arg7[%dma_start3A_885, %dma_start3A_886, %dma_start3A_888, %dma_start3A_889] : memref<5x8x8x132xf32, #tpu.memory_space<vmem>> -> memref<1x1x8x128xf32, #tpu.memory_space<vmem>>
      %dma_start3A_891 = tpu.memref_squeeze %dma_start3A_890 : memref<1x1x8x128xf32, #tpu.memory_space<vmem>> -> memref<8x128xf32, #tpu.memory_space<vmem>>
      %dma_start3A_892 = arith.constant 0 : i32
      %dma_start3A_893 = arith.constant 0 : i32
      %dma_start3A_894 = tpu.memref_slice %arg4[%select_n3A_805, %dma_start3A_887, %add3A_808, %dma_start3A_892, %dma_start3A_893] : memref<50x8x128x8x128xf32, #tpu.memory_space<hbm>> -> memref<1x1x1x8x128xf32, #tpu.memory_space<hbm>>
      %dma_start3A_895 = tpu.memref_squeeze %dma_start3A_894 : memref<1x1x1x8x128xf32, #tpu.memory_space<hbm>> -> memref<8x128xf32, #tpu.memory_space<hbm>>
      %dma_start3A_896 = arith.constant 0 : i32
      %dma_start3A_897 = arith.constant 0 : i32
      %dma_start3A_898 = tpu.memref_slice %arg4[%select_n3A_805, %dma_start3A_887, %add3A_808, %dma_start3A_896, %dma_start3A_897] : memref<50x8x128x8x128xf32, #tpu.memory_space<hbm>> -> memref<1x1x1x8x128xf32, #tpu.memory_space<hbm>>
      %dma_start3A_899 = tpu.memref_squeeze %dma_start3A_898 : memref<1x1x1x8x128xf32, #tpu.memory_space<hbm>> -> memref<8x128xf32, #tpu.memory_space<hbm>>
      %dma_start3A_900 = arith.constant 0 : i32
      %dma_start3A_901 = arith.constant 0 : i32
      %dma_start3A_902 = tpu.memref_slice %arg7[%dma_start3A_885, %dma_start3A_886, %dma_start3A_900, %dma_start3A_901] : memref<5x8x8x132xf32, #tpu.memory_space<vmem>> -> memref<1x1x8x128xf32, #tpu.memory_space<vmem>>
      %dma_start3A_903 = tpu.memref_squeeze %dma_start3A_902 : memref<1x1x8x128xf32, #tpu.memory_space<vmem>> -> memref<8x128xf32, #tpu.memory_space<vmem>>
      tpu.enqueue_dma source(%dma_start3A_903 : memref<8x128xf32, #tpu.memory_space<vmem>>) target(%dma_start3A_899 : memref<8x128xf32, #tpu.memory_space<hbm>>) target_semaphore(%arg9 : memref<!tpu.dma_semaphore, #tpu.memory_space<semaphore_mem>>)
      %dma_start3A_904 = arith.constant 2 : i32
      %dma_start3A_905 = arith.constant 5 : i32
      %dma_start3A_906 = arith.constant 5 : i32
      %dma_start3A_907 = arith.constant 0 : i32
      %dma_start3A_908 = arith.constant 0 : i32
      %dma_start3A_909 = tpu.memref_slice %arg7[%dma_start3A_904, %dma_start3A_905, %dma_start3A_907, %dma_start3A_908] : memref<5x8x8x132xf32, #tpu.memory_space<vmem>> -> memref<1x1x8x128xf32, #tpu.memory_space<vmem>>
      %dma_start3A_910 = tpu.memref_squeeze %dma_start3A_909 : memref<1x1x8x128xf32, #tpu.memory_space<vmem>> -> memref<8x128xf32, #tpu.memory_space<vmem>>
      %dma_start3A_911 = arith.constant 0 : i32
      %dma_start3A_912 = arith.constant 0 : i32
      %dma_start3A_913 = tpu.memref_slice %arg4[%select_n3A_805, %dma_start3A_906, %add3A_808, %dma_start3A_911, %dma_start3A_912] : memref<50x8x128x8x128xf32, #tpu.memory_space<hbm>> -> memref<1x1x1x8x128xf32, #tpu.memory_space<hbm>>
      %dma_start3A_914 = tpu.memref_squeeze %dma_start3A_913 : memref<1x1x1x8x128xf32, #tpu.memory_space<hbm>> -> memref<8x128xf32, #tpu.memory_space<hbm>>
      %dma_start3A_915 = arith.constant 0 : i32
      %dma_start3A_916 = arith.constant 0 : i32
      %dma_start3A_917 = tpu.memref_slice %arg4[%select_n3A_805, %dma_start3A_906, %add3A_808, %dma_start3A_915, %dma_start3A_916] : memref<50x8x128x8x128xf32, #tpu.memory_space<hbm>> -> memref<1x1x1x8x128xf32, #tpu.memory_space<hbm>>
      %dma_start3A_918 = tpu.memref_squeeze %dma_start3A_917 : memref<1x1x1x8x128xf32, #tpu.memory_space<hbm>> -> memref<8x128xf32, #tpu.memory_space<hbm>>
      %dma_start3A_919 = arith.constant 0 : i32
      %dma_start3A_920 = arith.constant 0 : i32
      %dma_start3A_921 = tpu.memref_slice %arg7[%dma_start3A_904, %dma_start3A_905, %dma_start3A_919, %dma_start3A_920] : memref<5x8x8x132xf32, #tpu.memory_space<vmem>> -> memref<1x1x8x128xf32, #tpu.memory_space<vmem>>
      %dma_start3A_922 = tpu.memref_squeeze %dma_start3A_921 : memref<1x1x8x128xf32, #tpu.memory_space<vmem>> -> memref<8x128xf32, #tpu.memory_space<vmem>>
      tpu.enqueue_dma source(%dma_start3A_922 : memref<8x128xf32, #tpu.memory_space<vmem>>) target(%dma_start3A_918 : memref<8x128xf32, #tpu.memory_space<hbm>>) target_semaphore(%arg9 : memref<!tpu.dma_semaphore, #tpu.memory_space<semaphore_mem>>)
      %dma_start3A_923 = arith.constant 2 : i32
      %dma_start3A_924 = arith.constant 6 : i32
      %dma_start3A_925 = arith.constant 6 : i32
      %dma_start3A_926 = arith.constant 0 : i32
      %dma_start3A_927 = arith.constant 0 : i32
      %dma_start3A_928 = tpu.memref_slice %arg7[%dma_start3A_923, %dma_start3A_924, %dma_start3A_926, %dma_start3A_927] : memref<5x8x8x132xf32, #tpu.memory_space<vmem>> -> memref<1x1x8x128xf32, #tpu.memory_space<vmem>>
      %dma_start3A_929 = tpu.memref_squeeze %dma_start3A_928 : memref<1x1x8x128xf32, #tpu.memory_space<vmem>> -> memref<8x128xf32, #tpu.memory_space<vmem>>
      %dma_start3A_930 = arith.constant 0 : i32
      %dma_start3A_931 = arith.constant 0 : i32
      %dma_start3A_932 = tpu.memref_slice %arg4[%select_n3A_805, %dma_start3A_925, %add3A_808, %dma_start3A_930, %dma_start3A_931] : memref<50x8x128x8x128xf32, #tpu.memory_space<hbm>> -> memref<1x1x1x8x128xf32, #tpu.memory_space<hbm>>
      %dma_start3A_933 = tpu.memref_squeeze %dma_start3A_932 : memref<1x1x1x8x128xf32, #tpu.memory_space<hbm>> -> memref<8x128xf32, #tpu.memory_space<hbm>>
      %dma_start3A_934 = arith.constant 0 : i32
      %dma_start3A_935 = arith.constant 0 : i32
      %dma_start3A_936 = tpu.memref_slice %arg4[%select_n3A_805, %dma_start3A_925, %add3A_808, %dma_start3A_934, %dma_start3A_935] : memref<50x8x128x8x128xf32, #tpu.memory_space<hbm>> -> memref<1x1x1x8x128xf32, #tpu.memory_space<hbm>>
      %dma_start3A_937 = tpu.memref_squeeze %dma_start3A_936 : memref<1x1x1x8x128xf32, #tpu.memory_space<hbm>> -> memref<8x128xf32, #tpu.memory_space<hbm>>
      %dma_start3A_938 = arith.constant 0 : i32
      %dma_start3A_939 = arith.constant 0 : i32
      %dma_start3A_940 = tpu.memref_slice %arg7[%dma_start3A_923, %dma_start3A_924, %dma_start3A_938, %dma_start3A_939] : memref<5x8x8x132xf32, #tpu.memory_space<vmem>> -> memref<1x1x8x128xf32, #tpu.memory_space<vmem>>
      %dma_start3A_941 = tpu.memref_squeeze %dma_start3A_940 : memref<1x1x8x128xf32, #tpu.memory_space<vmem>> -> memref<8x128xf32, #tpu.memory_space<vmem>>
      tpu.enqueue_dma source(%dma_start3A_941 : memref<8x128xf32, #tpu.memory_space<vmem>>) target(%dma_start3A_937 : memref<8x128xf32, #tpu.memory_space<hbm>>) target_semaphore(%arg9 : memref<!tpu.dma_semaphore, #tpu.memory_space<semaphore_mem>>)
      %dma_start3A_942 = arith.constant 2 : i32
      %dma_start3A_943 = arith.constant 7 : i32
      %dma_start3A_944 = arith.constant 7 : i32
      %dma_start3A_945 = arith.constant 0 : i32
      %dma_start3A_946 = arith.constant 0 : i32
      %dma_start3A_947 = tpu.memref_slice %arg7[%dma_start3A_942, %dma_start3A_943, %dma_start3A_945, %dma_start3A_946] : memref<5x8x8x132xf32, #tpu.memory_space<vmem>> -> memref<1x1x8x128xf32, #tpu.memory_space<vmem>>
      %dma_start3A_948 = tpu.memref_squeeze %dma_start3A_947 : memref<1x1x8x128xf32, #tpu.memory_space<vmem>> -> memref<8x128xf32, #tpu.memory_space<vmem>>
      %dma_start3A_949 = arith.constant 0 : i32
      %dma_start3A_950 = arith.constant 0 : i32
      %dma_start3A_951 = tpu.memref_slice %arg4[%select_n3A_805, %dma_start3A_944, %add3A_808, %dma_start3A_949, %dma_start3A_950] : memref<50x8x128x8x128xf32, #tpu.memory_space<hbm>> -> memref<1x1x1x8x128xf32, #tpu.memory_space<hbm>>
      %dma_start3A_952 = tpu.memref_squeeze %dma_start3A_951 : memref<1x1x1x8x128xf32, #tpu.memory_space<hbm>> -> memref<8x128xf32, #tpu.memory_space<hbm>>
      %dma_start3A_953 = arith.constant 0 : i32
      %dma_start3A_954 = arith.constant 0 : i32
      %dma_start3A_955 = tpu.memref_slice %arg4[%select_n3A_805, %dma_start3A_944, %add3A_808, %dma_start3A_953, %dma_start3A_954] : memref<50x8x128x8x128xf32, #tpu.memory_space<hbm>> -> memref<1x1x1x8x128xf32, #tpu.memory_space<hbm>>
      %dma_start3A_956 = tpu.memref_squeeze %dma_start3A_955 : memref<1x1x1x8x128xf32, #tpu.memory_space<hbm>> -> memref<8x128xf32, #tpu.memory_space<hbm>>
      %dma_start3A_957 = arith.constant 0 : i32
      %dma_start3A_958 = arith.constant 0 : i32
      %dma_start3A_959 = tpu.memref_slice %arg7[%dma_start3A_942, %dma_start3A_943, %dma_start3A_957, %dma_start3A_958] : memref<5x8x8x132xf32, #tpu.memory_space<vmem>> -> memref<1x1x8x128xf32, #tpu.memory_space<vmem>>
      %dma_start3A_960 = tpu.memref_squeeze %dma_start3A_959 : memref<1x1x8x128xf32, #tpu.memory_space<vmem>> -> memref<8x128xf32, #tpu.memory_space<vmem>>
      tpu.enqueue_dma source(%dma_start3A_960 : memref<8x128xf32, #tpu.memory_space<vmem>>) target(%dma_start3A_956 : memref<8x128xf32, #tpu.memory_space<hbm>>) target_semaphore(%arg9 : memref<!tpu.dma_semaphore, #tpu.memory_space<semaphore_mem>>)
      %dma_wait3A_961 = arith.constant 3 : i32
      %dma_wait3A_962 = arith.constant 0 : i32
      %dma_wait3A_963 = arith.constant 0 : i32
      %dma_wait3A_964 = tpu.memref_slice %arg6[%dma_wait3A_961, %dma_wait3A_962, %dma_wait3A_963] : memref<5x128x64xf32, #tpu.memory_space<vmem>> -> memref<1x128x64xf32, #tpu.memory_space<vmem>>
      %dma_wait3A_965 = tpu.memref_squeeze %dma_wait3A_964 : memref<1x128x64xf32, #tpu.memory_space<vmem>> -> memref<128x64xf32, #tpu.memory_space<vmem>>
      %dma_wait3A_966 = tpu.memref_slice %arg5[%select_n3A_258, %mul3A_260] : memref<50x512xi32, #tpu.memory_space<vmem>> -> memref<1x128xi32, #tpu.memory_space<vmem>>
      %dma_wait3A_967 = tpu.memref_squeeze %dma_wait3A_966 : memref<1x128xi32, #tpu.memory_space<vmem>> -> memref<128xi32, #tpu.memory_space<vmem>>
      %dma_wait3A_968 = arith.constant 0 : i32
      %dma_wait3A_969 = arith.constant 0 : i32
      %dma_wait3A_970 = tpu.memref_slice %arg3[%dma_wait3A_968, %dma_wait3A_969] : memref<1000000x64xf32, #tpu.memory_space<hbm>> -> memref<1000000x64xf32, #tpu.memory_space<hbm>>
      tpu.wait_indirect_dma semaphore(%arg8 : memref<!tpu.dma_semaphore, #tpu.memory_space<semaphore_mem>>) src(%dma_wait3A_970 : memref<1000000x64xf32, #tpu.memory_space<hbm>>) dst(%dma_wait3A_965 : memref<128x64xf32, #tpu.memory_space<vmem>>)
      %parallel_loop3A_971 = arith.constant 0 : i32
      %parallel_loop3A_972 = arith.constant 128 : i32
      %parallel_loop3A_973 = arith.constant 1 : i32
      scf.for %parallel_loop3A_2145 = %parallel_loop3A_971 to %parallel_loop3A_972 step %parallel_loop3A_973  : i32 {
        %parallel_loop3A_2146 = vector.broadcast %parallel_loop3A_2145 : i32 to vector<16xi32>
        %parallel_loop3A_2147 = arith.constant 3 : i32
        %parallel_loop3A_2148 = arith.index_cast %parallel_loop3A_2147 : i32 to index
        %parallel_loop3A_2149 = arith.index_cast %parallel_loop3A_2145 : i32 to index
        %parallel_loop3A_2150 = arith.constant 0 : index
        %parallel_loop3A_2151 = tpu.vector_load %arg6[%parallel_loop3A_2148, %parallel_loop3A_2149, %parallel_loop3A_2150] {strides = array<i32>} : memref<5x128x64xf32, #tpu.memory_space<vmem>>, vector<16xf32>,
        %parallel_loop3A_2152 = arith.constant 3 : i32
        %parallel_loop3A_2153 = arith.constant 0 : i32
        %parallel_loop3A_2154 = arith.constant 0 : i32
        %parallel_loop3A_2155 = arith.constant 0 : i32
        %parallel_loop3A_2156 = tpu.memref_slice %arg7[%parallel_loop3A_2152, %parallel_loop3A_2153, %parallel_loop3A_2154, %parallel_loop3A_2155] : memref<5x8x8x132xf32, #tpu.memory_space<vmem>> -> memref<1x8x8x132xf32, #tpu.memory_space<vmem>>
        %parallel_loop3A_2157 = tpu.memref_squeeze %parallel_loop3A_2156 : memref<1x8x8x132xf32, #tpu.memory_space<vmem>> -> memref<8x8x132xf32, #tpu.memory_space<vmem>>
        tpu.vector_store_idx %parallel_loop3A_2157[%shift_right_arithmetic3A_9, %and3A_32, %parallel_loop3A_2146], %parallel_loop3A_2151 : memref<8x8x132xf32, #tpu.memory_space<vmem>>[vector<16xi32>, vector<16xi32>, vector<16xi32>], vector<16xf32>,
        %parallel_loop3A_2158 = arith.constant 3 : i32
        %parallel_loop3A_2159 = arith.index_cast %parallel_loop3A_2158 : i32 to index
        %parallel_loop3A_2160 = arith.index_cast %parallel_loop3A_2145 : i32 to index
        %parallel_loop3A_2161 = arith.constant 16 : index
        %parallel_loop3A_2162 = tpu.vector_load %arg6[%parallel_loop3A_2159, %parallel_loop3A_2160, %parallel_loop3A_2161] {strides = array<i32>} : memref<5x128x64xf32, #tpu.memory_space<vmem>>, vector<16xf32>,
        %parallel_loop3A_2163 = arith.constant 3 : i32
        %parallel_loop3A_2164 = arith.constant 0 : i32
        %parallel_loop3A_2165 = arith.constant 0 : i32
        %parallel_loop3A_2166 = arith.constant 0 : i32
        %parallel_loop3A_2167 = tpu.memref_slice %arg7[%parallel_loop3A_2163, %parallel_loop3A_2164, %parallel_loop3A_2165, %parallel_loop3A_2166] : memref<5x8x8x132xf32, #tpu.memory_space<vmem>> -> memref<1x8x8x132xf32, #tpu.memory_space<vmem>>
        %parallel_loop3A_2168 = tpu.memref_squeeze %parallel_loop3A_2167 : memref<1x8x8x132xf32, #tpu.memory_space<vmem>> -> memref<8x8x132xf32, #tpu.memory_space<vmem>>
        tpu.vector_store_idx %parallel_loop3A_2168[%shift_right_arithmetic3A_15, %and3A_38, %parallel_loop3A_2146], %parallel_loop3A_2162 : memref<8x8x132xf32, #tpu.memory_space<vmem>>[vector<16xi32>, vector<16xi32>, vector<16xi32>], vector<16xf32>,
        %parallel_loop3A_2169 = arith.constant 3 : i32
        %parallel_loop3A_2170 = arith.index_cast %parallel_loop3A_2169 : i32 to index
        %parallel_loop3A_2171 = arith.index_cast %parallel_loop3A_2145 : i32 to index
        %parallel_loop3A_2172 = arith.constant 32 : index
        %parallel_loop3A_2173 = tpu.vector_load %arg6[%parallel_loop3A_2170, %parallel_loop3A_2171, %parallel_loop3A_2172] {strides = array<i32>} : memref<5x128x64xf32, #tpu.memory_space<vmem>>, vector<16xf32>,
        %parallel_loop3A_2174 = arith.constant 3 : i32
        %parallel_loop3A_2175 = arith.constant 0 : i32
        %parallel_loop3A_2176 = arith.constant 0 : i32
        %parallel_loop3A_2177 = arith.constant 0 : i32
        %parallel_loop3A_2178 = tpu.memref_slice %arg7[%parallel_loop3A_2174, %parallel_loop3A_2175, %parallel_loop3A_2176, %parallel_loop3A_2177] : memref<5x8x8x132xf32, #tpu.memory_space<vmem>> -> memref<1x8x8x132xf32, #tpu.memory_space<vmem>>
        %parallel_loop3A_2179 = tpu.memref_squeeze %parallel_loop3A_2178 : memref<1x8x8x132xf32, #tpu.memory_space<vmem>> -> memref<8x8x132xf32, #tpu.memory_space<vmem>>
        tpu.vector_store_idx %parallel_loop3A_2179[%shift_right_arithmetic3A_21, %and3A_44, %parallel_loop3A_2146], %parallel_loop3A_2173 : memref<8x8x132xf32, #tpu.memory_space<vmem>>[vector<16xi32>, vector<16xi32>, vector<16xi32>], vector<16xf32>,
        %parallel_loop3A_2180 = arith.constant 3 : i32
        %parallel_loop3A_2181 = arith.index_cast %parallel_loop3A_2180 : i32 to index
        %parallel_loop3A_2182 = arith.index_cast %parallel_loop3A_2145 : i32 to index
        %parallel_loop3A_2183 = arith.constant 48 : index
        %parallel_loop3A_2184 = tpu.vector_load %arg6[%parallel_loop3A_2181, %parallel_loop3A_2182, %parallel_loop3A_2183] {strides = array<i32>} : memref<5x128x64xf32, #tpu.memory_space<vmem>>, vector<16xf32>,
        %parallel_loop3A_2185 = arith.constant 3 : i32
        %parallel_loop3A_2186 = arith.constant 0 : i32
        %parallel_loop3A_2187 = arith.constant 0 : i32
        %parallel_loop3A_2188 = arith.constant 0 : i32
        %parallel_loop3A_2189 = tpu.memref_slice %arg7[%parallel_loop3A_2185, %parallel_loop3A_2186, %parallel_loop3A_2187, %parallel_loop3A_2188] : memref<5x8x8x132xf32, #tpu.memory_space<vmem>> -> memref<1x8x8x132xf32, #tpu.memory_space<vmem>>
        %parallel_loop3A_2190 = tpu.memref_squeeze %parallel_loop3A_2189 : memref<1x8x8x132xf32, #tpu.memory_space<vmem>> -> memref<8x8x132xf32, #tpu.memory_space<vmem>>
        tpu.vector_store_idx %parallel_loop3A_2190[%shift_right_arithmetic3A_27, %and3A_50, %parallel_loop3A_2146], %parallel_loop3A_2184 : memref<8x8x132xf32, #tpu.memory_space<vmem>>[vector<16xi32>, vector<16xi32>, vector<16xi32>], vector<16xf32>,
      } {sc.loop_unroll_factor = 8 : i64, sc.parallel_access}
      %mul3A_974 = arith.constant 5 : i32
      %mul3A_975 = arith.muli %scan3A_56, %mul3A_974 : i32
      %add3A_976 = arith.constant 3 : i32
      %add3A_977 = arith.addi %mul3A_975, %add3A_976 : i32
      %jit3A_978 = arith.constant 50 : i32
      %div3A_979 = arith.divsi %add3A_977, %jit3A_978 : i32
      %sign3A_980 = arith.constant 0 : i32
      %sign3A_981 = arith.cmpi sgt, %add3A_977, %sign3A_980 : i32
      %sign3A_982 = arith.extui %sign3A_981 : i1 to i32
      %sign3A_983 = arith.constant 0 : i32
      %sign3A_984 = arith.cmpi slt, %add3A_977, %sign3A_983 : i32
      %sign3A_985 = arith.extui %sign3A_984 : i1 to i32
      %sign3A_986 = arith.subi %sign3A_982, %sign3A_985 : i32
      %sign3A_987 = arith.constant 0 : i32
      %sign3A_988 = arith.cmpi sgt, %jit3A_978, %sign3A_987 : i32
      %sign3A_989 = arith.extui %sign3A_988 : i1 to i32
      %sign3A_990 = arith.constant 0 : i32
      %sign3A_991 = arith.cmpi slt, %jit3A_978, %sign3A_990 : i32
      %sign3A_992 = arith.extui %sign3A_991 : i1 to i32
      %sign3A_993 = arith.subi %sign3A_989, %sign3A_992 : i32
      %ne3A_994 = arith.cmpi ne, %sign3A_986, %sign3A_993 : i32
      %rem3A_995 = arith.remsi %add3A_977, %jit3A_978 : i32
      %ne3A_996 = arith.constant 0 : i32
      %ne3A_997 = arith.cmpi ne, %rem3A_995, %ne3A_996 : i32
      %and3A_998 = arith.andi %ne3A_994, %ne3A_997 : i1
      %sub3A_999 = arith.constant 1 : i32
      %sub3A_1000 = arith.subi %div3A_979, %sub3A_999 : i32
      %select_n3A_1001 = arith.select %and3A_998, %sub3A_1000, %div3A_979 : i32
      %jit3A_1002 = arith.constant 50 : i32
      %eq3A_1003 = arith.constant 0 : i32
      %eq3A_1004 = arith.cmpi eq, %jit3A_1002, %eq3A_1003 : i32
      %jit3A_1005 = arith.constant 1 : i32
      %select_n3A_1006 = arith.select %eq3A_1004, %jit3A_1005, %jit3A_1002 : i32
      %rem3A_1007 = arith.remsi %add3A_977, %select_n3A_1006 : i32
      %ne3A_1008 = arith.constant 0 : i32
      %ne3A_1009 = arith.cmpi ne, %rem3A_1007, %ne3A_1008 : i32
      %lt3A_1010 = arith.constant 0 : i32
      %lt3A_1011 = arith.cmpi slt, %rem3A_1007, %lt3A_1010 : i32
      %lt3A_1012 = arith.constant 0 : i32
      %lt3A_1013 = arith.cmpi slt, %select_n3A_1006, %lt3A_1012 : i32
      %ne3A_1014 = arith.xori %lt3A_1011, %lt3A_1013 : i1
      %and3A_1015 = arith.andi %ne3A_1014, %ne3A_1009 : i1
      %add3A_1016 = arith.addi %rem3A_1007, %select_n3A_1006 : i32
      %select_n3A_1017 = arith.select %and3A_1015, %add3A_1016, %rem3A_1007 : i32
      %mul3A_1018 = arith.constant 4 : i32
      %mul3A_1019 = arith.muli %add3A, %mul3A_1018 : i32
      %add3A_1020 = arith.addi %mul3A_1019, %select_n3A_1001 : i32
      %dma_start3A_1021 = arith.constant 3 : i32
      %dma_start3A_1022 = arith.constant 0 : i32
      %dma_start3A_1023 = arith.constant 0 : i32
      %dma_start3A_1024 = arith.constant 0 : i32
      %dma_start3A_1025 = arith.constant 0 : i32
      %dma_start3A_1026 = tpu.memref_slice %arg7[%dma_start3A_1021, %dma_start3A_1022, %dma_start3A_1024, %dma_start3A_1025] : memref<5x8x8x132xf32, #tpu.memory_space<vmem>> -> memref<1x1x8x128xf32, #tpu.memory_space<vmem>>
      %dma_start3A_1027 = tpu.memref_squeeze %dma_start3A_1026 : memref<1x1x8x128xf32, #tpu.memory_space<vmem>> -> memref<8x128xf32, #tpu.memory_space<vmem>>
      %dma_start3A_1028 = arith.constant 0 : i32
      %dma_start3A_1029 = arith.constant 0 : i32
      %dma_start3A_1030 = tpu.memref_slice %arg4[%select_n3A_1017, %dma_start3A_1023, %add3A_1020, %dma_start3A_1028, %dma_start3A_1029] : memref<50x8x128x8x128xf32, #tpu.memory_space<hbm>> -> memref<1x1x1x8x128xf32, #tpu.memory_space<hbm>>
      %dma_start3A_1031 = tpu.memref_squeeze %dma_start3A_1030 : memref<1x1x1x8x128xf32, #tpu.memory_space<hbm>> -> memref<8x128xf32, #tpu.memory_space<hbm>>
      %dma_start3A_1032 = arith.constant 0 : i32
      %dma_start3A_1033 = arith.constant 0 : i32
      %dma_start3A_1034 = tpu.memref_slice %arg4[%select_n3A_1017, %dma_start3A_1023, %add3A_1020, %dma_start3A_1032, %dma_start3A_1033] : memref<50x8x128x8x128xf32, #tpu.memory_space<hbm>> -> memref<1x1x1x8x128xf32, #tpu.memory_space<hbm>>
      %dma_start3A_1035 = tpu.memref_squeeze %dma_start3A_1034 : memref<1x1x1x8x128xf32, #tpu.memory_space<hbm>> -> memref<8x128xf32, #tpu.memory_space<hbm>>
      %dma_start3A_1036 = arith.constant 0 : i32
      %dma_start3A_1037 = arith.constant 0 : i32
      %dma_start3A_1038 = tpu.memref_slice %arg7[%dma_start3A_1021, %dma_start3A_1022, %dma_start3A_1036, %dma_start3A_1037] : memref<5x8x8x132xf32, #tpu.memory_space<vmem>> -> memref<1x1x8x128xf32, #tpu.memory_space<vmem>>
      %dma_start3A_1039 = tpu.memref_squeeze %dma_start3A_1038 : memref<1x1x8x128xf32, #tpu.memory_space<vmem>> -> memref<8x128xf32, #tpu.memory_space<vmem>>
      tpu.enqueue_dma source(%dma_start3A_1039 : memref<8x128xf32, #tpu.memory_space<vmem>>) target(%dma_start3A_1035 : memref<8x128xf32, #tpu.memory_space<hbm>>) target_semaphore(%arg9 : memref<!tpu.dma_semaphore, #tpu.memory_space<semaphore_mem>>)
      %dma_start3A_1040 = arith.constant 3 : i32
      %dma_start3A_1041 = arith.constant 1 : i32
      %dma_start3A_1042 = arith.constant 1 : i32
      %dma_start3A_1043 = arith.constant 0 : i32
      %dma_start3A_1044 = arith.constant 0 : i32
      %dma_start3A_1045 = tpu.memref_slice %arg7[%dma_start3A_1040, %dma_start3A_1041, %dma_start3A_1043, %dma_start3A_1044] : memref<5x8x8x132xf32, #tpu.memory_space<vmem>> -> memref<1x1x8x128xf32, #tpu.memory_space<vmem>>
      %dma_start3A_1046 = tpu.memref_squeeze %dma_start3A_1045 : memref<1x1x8x128xf32, #tpu.memory_space<vmem>> -> memref<8x128xf32, #tpu.memory_space<vmem>>
      %dma_start3A_1047 = arith.constant 0 : i32
      %dma_start3A_1048 = arith.constant 0 : i32
      %dma_start3A_1049 = tpu.memref_slice %arg4[%select_n3A_1017, %dma_start3A_1042, %add3A_1020, %dma_start3A_1047, %dma_start3A_1048] : memref<50x8x128x8x128xf32, #tpu.memory_space<hbm>> -> memref<1x1x1x8x128xf32, #tpu.memory_space<hbm>>
      %dma_start3A_1050 = tpu.memref_squeeze %dma_start3A_1049 : memref<1x1x1x8x128xf32, #tpu.memory_space<hbm>> -> memref<8x128xf32, #tpu.memory_space<hbm>>
      %dma_start3A_1051 = arith.constant 0 : i32
      %dma_start3A_1052 = arith.constant 0 : i32
      %dma_start3A_1053 = tpu.memref_slice %arg4[%select_n3A_1017, %dma_start3A_1042, %add3A_1020, %dma_start3A_1051, %dma_start3A_1052] : memref<50x8x128x8x128xf32, #tpu.memory_space<hbm>> -> memref<1x1x1x8x128xf32, #tpu.memory_space<hbm>>
      %dma_start3A_1054 = tpu.memref_squeeze %dma_start3A_1053 : memref<1x1x1x8x128xf32, #tpu.memory_space<hbm>> -> memref<8x128xf32, #tpu.memory_space<hbm>>
      %dma_start3A_1055 = arith.constant 0 : i32
      %dma_start3A_1056 = arith.constant 0 : i32
      %dma_start3A_1057 = tpu.memref_slice %arg7[%dma_start3A_1040, %dma_start3A_1041, %dma_start3A_1055, %dma_start3A_1056] : memref<5x8x8x132xf32, #tpu.memory_space<vmem>> -> memref<1x1x8x128xf32, #tpu.memory_space<vmem>>
      %dma_start3A_1058 = tpu.memref_squeeze %dma_start3A_1057 : memref<1x1x8x128xf32, #tpu.memory_space<vmem>> -> memref<8x128xf32, #tpu.memory_space<vmem>>
      tpu.enqueue_dma source(%dma_start3A_1058 : memref<8x128xf32, #tpu.memory_space<vmem>>) target(%dma_start3A_1054 : memref<8x128xf32, #tpu.memory_space<hbm>>) target_semaphore(%arg9 : memref<!tpu.dma_semaphore, #tpu.memory_space<semaphore_mem>>)
      %dma_start3A_1059 = arith.constant 3 : i32
      %dma_start3A_1060 = arith.constant 2 : i32
      %dma_start3A_1061 = arith.constant 2 : i32
      %dma_start3A_1062 = arith.constant 0 : i32
      %dma_start3A_1063 = arith.constant 0 : i32
      %dma_start3A_1064 = tpu.memref_slice %arg7[%dma_start3A_1059, %dma_start3A_1060, %dma_start3A_1062, %dma_start3A_1063] : memref<5x8x8x132xf32, #tpu.memory_space<vmem>> -> memref<1x1x8x128xf32, #tpu.memory_space<vmem>>
      %dma_start3A_1065 = tpu.memref_squeeze %dma_start3A_1064 : memref<1x1x8x128xf32, #tpu.memory_space<vmem>> -> memref<8x128xf32, #tpu.memory_space<vmem>>
      %dma_start3A_1066 = arith.constant 0 : i32
      %dma_start3A_1067 = arith.constant 0 : i32
      %dma_start3A_1068 = tpu.memref_slice %arg4[%select_n3A_1017, %dma_start3A_1061, %add3A_1020, %dma_start3A_1066, %dma_start3A_1067] : memref<50x8x128x8x128xf32, #tpu.memory_space<hbm>> -> memref<1x1x1x8x128xf32, #tpu.memory_space<hbm>>
      %dma_start3A_1069 = tpu.memref_squeeze %dma_start3A_1068 : memref<1x1x1x8x128xf32, #tpu.memory_space<hbm>> -> memref<8x128xf32, #tpu.memory_space<hbm>>
      %dma_start3A_1070 = arith.constant 0 : i32
      %dma_start3A_1071 = arith.constant 0 : i32
      %dma_start3A_1072 = tpu.memref_slice %arg4[%select_n3A_1017, %dma_start3A_1061, %add3A_1020, %dma_start3A_1070, %dma_start3A_1071] : memref<50x8x128x8x128xf32, #tpu.memory_space<hbm>> -> memref<1x1x1x8x128xf32, #tpu.memory_space<hbm>>
      %dma_start3A_1073 = tpu.memref_squeeze %dma_start3A_1072 : memref<1x1x1x8x128xf32, #tpu.memory_space<hbm>> -> memref<8x128xf32, #tpu.memory_space<hbm>>
      %dma_start3A_1074 = arith.constant 0 : i32
      %dma_start3A_1075 = arith.constant 0 : i32
      %dma_start3A_1076 = tpu.memref_slice %arg7[%dma_start3A_1059, %dma_start3A_1060, %dma_start3A_1074, %dma_start3A_1075] : memref<5x8x8x132xf32, #tpu.memory_space<vmem>> -> memref<1x1x8x128xf32, #tpu.memory_space<vmem>>
      %dma_start3A_1077 = tpu.memref_squeeze %dma_start3A_1076 : memref<1x1x8x128xf32, #tpu.memory_space<vmem>> -> memref<8x128xf32, #tpu.memory_space<vmem>>
      tpu.enqueue_dma source(%dma_start3A_1077 : memref<8x128xf32, #tpu.memory_space<vmem>>) target(%dma_start3A_1073 : memref<8x128xf32, #tpu.memory_space<hbm>>) target_semaphore(%arg9 : memref<!tpu.dma_semaphore, #tpu.memory_space<semaphore_mem>>)
      %dma_start3A_1078 = arith.constant 3 : i32
      %dma_start3A_1079 = arith.constant 3 : i32
      %dma_start3A_1080 = arith.constant 3 : i32
      %dma_start3A_1081 = arith.constant 0 : i32
      %dma_start3A_1082 = arith.constant 0 : i32
      %dma_start3A_1083 = tpu.memref_slice %arg7[%dma_start3A_1078, %dma_start3A_1079, %dma_start3A_1081, %dma_start3A_1082] : memref<5x8x8x132xf32, #tpu.memory_space<vmem>> -> memref<1x1x8x128xf32, #tpu.memory_space<vmem>>
      %dma_start3A_1084 = tpu.memref_squeeze %dma_start3A_1083 : memref<1x1x8x128xf32, #tpu.memory_space<vmem>> -> memref<8x128xf32, #tpu.memory_space<vmem>>
      %dma_start3A_1085 = arith.constant 0 : i32
      %dma_start3A_1086 = arith.constant 0 : i32
      %dma_start3A_1087 = tpu.memref_slice %arg4[%select_n3A_1017, %dma_start3A_1080, %add3A_1020, %dma_start3A_1085, %dma_start3A_1086] : memref<50x8x128x8x128xf32, #tpu.memory_space<hbm>> -> memref<1x1x1x8x128xf32, #tpu.memory_space<hbm>>
      %dma_start3A_1088 = tpu.memref_squeeze %dma_start3A_1087 : memref<1x1x1x8x128xf32, #tpu.memory_space<hbm>> -> memref<8x128xf32, #tpu.memory_space<hbm>>
      %dma_start3A_1089 = arith.constant 0 : i32
      %dma_start3A_1090 = arith.constant 0 : i32
      %dma_start3A_1091 = tpu.memref_slice %arg4[%select_n3A_1017, %dma_start3A_1080, %add3A_1020, %dma_start3A_1089, %dma_start3A_1090] : memref<50x8x128x8x128xf32, #tpu.memory_space<hbm>> -> memref<1x1x1x8x128xf32, #tpu.memory_space<hbm>>
      %dma_start3A_1092 = tpu.memref_squeeze %dma_start3A_1091 : memref<1x1x1x8x128xf32, #tpu.memory_space<hbm>> -> memref<8x128xf32, #tpu.memory_space<hbm>>
      %dma_start3A_1093 = arith.constant 0 : i32
      %dma_start3A_1094 = arith.constant 0 : i32
      %dma_start3A_1095 = tpu.memref_slice %arg7[%dma_start3A_1078, %dma_start3A_1079, %dma_start3A_1093, %dma_start3A_1094] : memref<5x8x8x132xf32, #tpu.memory_space<vmem>> -> memref<1x1x8x128xf32, #tpu.memory_space<vmem>>
      %dma_start3A_1096 = tpu.memref_squeeze %dma_start3A_1095 : memref<1x1x8x128xf32, #tpu.memory_space<vmem>> -> memref<8x128xf32, #tpu.memory_space<vmem>>
      tpu.enqueue_dma source(%dma_start3A_1096 : memref<8x128xf32, #tpu.memory_space<vmem>>) target(%dma_start3A_1092 : memref<8x128xf32, #tpu.memory_space<hbm>>) target_semaphore(%arg9 : memref<!tpu.dma_semaphore, #tpu.memory_space<semaphore_mem>>)
      %dma_start3A_1097 = arith.constant 3 : i32
      %dma_start3A_1098 = arith.constant 4 : i32
      %dma_start3A_1099 = arith.constant 4 : i32
      %dma_start3A_1100 = arith.constant 0 : i32
      %dma_start3A_1101 = arith.constant 0 : i32
      %dma_start3A_1102 = tpu.memref_slice %arg7[%dma_start3A_1097, %dma_start3A_1098, %dma_start3A_1100, %dma_start3A_1101] : memref<5x8x8x132xf32, #tpu.memory_space<vmem>> -> memref<1x1x8x128xf32, #tpu.memory_space<vmem>>
      %dma_start3A_1103 = tpu.memref_squeeze %dma_start3A_1102 : memref<1x1x8x128xf32, #tpu.memory_space<vmem>> -> memref<8x128xf32, #tpu.memory_space<vmem>>
      %dma_start3A_1104 = arith.constant 0 : i32
      %dma_start3A_1105 = arith.constant 0 : i32
      %dma_start3A_1106 = tpu.memref_slice %arg4[%select_n3A_1017, %dma_start3A_1099, %add3A_1020, %dma_start3A_1104, %dma_start3A_1105] : memref<50x8x128x8x128xf32, #tpu.memory_space<hbm>> -> memref<1x1x1x8x128xf32, #tpu.memory_space<hbm>>
      %dma_start3A_1107 = tpu.memref_squeeze %dma_start3A_1106 : memref<1x1x1x8x128xf32, #tpu.memory_space<hbm>> -> memref<8x128xf32, #tpu.memory_space<hbm>>
      %dma_start3A_1108 = arith.constant 0 : i32
      %dma_start3A_1109 = arith.constant 0 : i32
      %dma_start3A_1110 = tpu.memref_slice %arg4[%select_n3A_1017, %dma_start3A_1099, %add3A_1020, %dma_start3A_1108, %dma_start3A_1109] : memref<50x8x128x8x128xf32, #tpu.memory_space<hbm>> -> memref<1x1x1x8x128xf32, #tpu.memory_space<hbm>>
      %dma_start3A_1111 = tpu.memref_squeeze %dma_start3A_1110 : memref<1x1x1x8x128xf32, #tpu.memory_space<hbm>> -> memref<8x128xf32, #tpu.memory_space<hbm>>
      %dma_start3A_1112 = arith.constant 0 : i32
      %dma_start3A_1113 = arith.constant 0 : i32
      %dma_start3A_1114 = tpu.memref_slice %arg7[%dma_start3A_1097, %dma_start3A_1098, %dma_start3A_1112, %dma_start3A_1113] : memref<5x8x8x132xf32, #tpu.memory_space<vmem>> -> memref<1x1x8x128xf32, #tpu.memory_space<vmem>>
      %dma_start3A_1115 = tpu.memref_squeeze %dma_start3A_1114 : memref<1x1x8x128xf32, #tpu.memory_space<vmem>> -> memref<8x128xf32, #tpu.memory_space<vmem>>
      tpu.enqueue_dma source(%dma_start3A_1115 : memref<8x128xf32, #tpu.memory_space<vmem>>) target(%dma_start3A_1111 : memref<8x128xf32, #tpu.memory_space<hbm>>) target_semaphore(%arg9 : memref<!tpu.dma_semaphore, #tpu.memory_space<semaphore_mem>>)
      %dma_start3A_1116 = arith.constant 3 : i32
      %dma_start3A_1117 = arith.constant 5 : i32
      %dma_start3A_1118 = arith.constant 5 : i32
      %dma_start3A_1119 = arith.constant 0 : i32
      %dma_start3A_1120 = arith.constant 0 : i32
      %dma_start3A_1121 = tpu.memref_slice %arg7[%dma_start3A_1116, %dma_start3A_1117, %dma_start3A_1119, %dma_start3A_1120] : memref<5x8x8x132xf32, #tpu.memory_space<vmem>> -> memref<1x1x8x128xf32, #tpu.memory_space<vmem>>
      %dma_start3A_1122 = tpu.memref_squeeze %dma_start3A_1121 : memref<1x1x8x128xf32, #tpu.memory_space<vmem>> -> memref<8x128xf32, #tpu.memory_space<vmem>>
      %dma_start3A_1123 = arith.constant 0 : i32
      %dma_start3A_1124 = arith.constant 0 : i32
      %dma_start3A_1125 = tpu.memref_slice %arg4[%select_n3A_1017, %dma_start3A_1118, %add3A_1020, %dma_start3A_1123, %dma_start3A_1124] : memref<50x8x128x8x128xf32, #tpu.memory_space<hbm>> -> memref<1x1x1x8x128xf32, #tpu.memory_space<hbm>>
      %dma_start3A_1126 = tpu.memref_squeeze %dma_start3A_1125 : memref<1x1x1x8x128xf32, #tpu.memory_space<hbm>> -> memref<8x128xf32, #tpu.memory_space<hbm>>
      %dma_start3A_1127 = arith.constant 0 : i32
      %dma_start3A_1128 = arith.constant 0 : i32
      %dma_start3A_1129 = tpu.memref_slice %arg4[%select_n3A_1017, %dma_start3A_1118, %add3A_1020, %dma_start3A_1127, %dma_start3A_1128] : memref<50x8x128x8x128xf32, #tpu.memory_space<hbm>> -> memref<1x1x1x8x128xf32, #tpu.memory_space<hbm>>
      %dma_start3A_1130 = tpu.memref_squeeze %dma_start3A_1129 : memref<1x1x1x8x128xf32, #tpu.memory_space<hbm>> -> memref<8x128xf32, #tpu.memory_space<hbm>>
      %dma_start3A_1131 = arith.constant 0 : i32
      %dma_start3A_1132 = arith.constant 0 : i32
      %dma_start3A_1133 = tpu.memref_slice %arg7[%dma_start3A_1116, %dma_start3A_1117, %dma_start3A_1131, %dma_start3A_1132] : memref<5x8x8x132xf32, #tpu.memory_space<vmem>> -> memref<1x1x8x128xf32, #tpu.memory_space<vmem>>
      %dma_start3A_1134 = tpu.memref_squeeze %dma_start3A_1133 : memref<1x1x8x128xf32, #tpu.memory_space<vmem>> -> memref<8x128xf32, #tpu.memory_space<vmem>>
      tpu.enqueue_dma source(%dma_start3A_1134 : memref<8x128xf32, #tpu.memory_space<vmem>>) target(%dma_start3A_1130 : memref<8x128xf32, #tpu.memory_space<hbm>>) target_semaphore(%arg9 : memref<!tpu.dma_semaphore, #tpu.memory_space<semaphore_mem>>)
      %dma_start3A_1135 = arith.constant 3 : i32
      %dma_start3A_1136 = arith.constant 6 : i32
      %dma_start3A_1137 = arith.constant 6 : i32
      %dma_start3A_1138 = arith.constant 0 : i32
      %dma_start3A_1139 = arith.constant 0 : i32
      %dma_start3A_1140 = tpu.memref_slice %arg7[%dma_start3A_1135, %dma_start3A_1136, %dma_start3A_1138, %dma_start3A_1139] : memref<5x8x8x132xf32, #tpu.memory_space<vmem>> -> memref<1x1x8x128xf32, #tpu.memory_space<vmem>>
      %dma_start3A_1141 = tpu.memref_squeeze %dma_start3A_1140 : memref<1x1x8x128xf32, #tpu.memory_space<vmem>> -> memref<8x128xf32, #tpu.memory_space<vmem>>
      %dma_start3A_1142 = arith.constant 0 : i32
      %dma_start3A_1143 = arith.constant 0 : i32
      %dma_start3A_1144 = tpu.memref_slice %arg4[%select_n3A_1017, %dma_start3A_1137, %add3A_1020, %dma_start3A_1142, %dma_start3A_1143] : memref<50x8x128x8x128xf32, #tpu.memory_space<hbm>> -> memref<1x1x1x8x128xf32, #tpu.memory_space<hbm>>
      %dma_start3A_1145 = tpu.memref_squeeze %dma_start3A_1144 : memref<1x1x1x8x128xf32, #tpu.memory_space<hbm>> -> memref<8x128xf32, #tpu.memory_space<hbm>>
      %dma_start3A_1146 = arith.constant 0 : i32
      %dma_start3A_1147 = arith.constant 0 : i32
      %dma_start3A_1148 = tpu.memref_slice %arg4[%select_n3A_1017, %dma_start3A_1137, %add3A_1020, %dma_start3A_1146, %dma_start3A_1147] : memref<50x8x128x8x128xf32, #tpu.memory_space<hbm>> -> memref<1x1x1x8x128xf32, #tpu.memory_space<hbm>>
      %dma_start3A_1149 = tpu.memref_squeeze %dma_start3A_1148 : memref<1x1x1x8x128xf32, #tpu.memory_space<hbm>> -> memref<8x128xf32, #tpu.memory_space<hbm>>
      %dma_start3A_1150 = arith.constant 0 : i32
      %dma_start3A_1151 = arith.constant 0 : i32
      %dma_start3A_1152 = tpu.memref_slice %arg7[%dma_start3A_1135, %dma_start3A_1136, %dma_start3A_1150, %dma_start3A_1151] : memref<5x8x8x132xf32, #tpu.memory_space<vmem>> -> memref<1x1x8x128xf32, #tpu.memory_space<vmem>>
      %dma_start3A_1153 = tpu.memref_squeeze %dma_start3A_1152 : memref<1x1x8x128xf32, #tpu.memory_space<vmem>> -> memref<8x128xf32, #tpu.memory_space<vmem>>
      tpu.enqueue_dma source(%dma_start3A_1153 : memref<8x128xf32, #tpu.memory_space<vmem>>) target(%dma_start3A_1149 : memref<8x128xf32, #tpu.memory_space<hbm>>) target_semaphore(%arg9 : memref<!tpu.dma_semaphore, #tpu.memory_space<semaphore_mem>>)
      %dma_start3A_1154 = arith.constant 3 : i32
      %dma_start3A_1155 = arith.constant 7 : i32
      %dma_start3A_1156 = arith.constant 7 : i32
      %dma_start3A_1157 = arith.constant 0 : i32
      %dma_start3A_1158 = arith.constant 0 : i32
      %dma_start3A_1159 = tpu.memref_slice %arg7[%dma_start3A_1154, %dma_start3A_1155, %dma_start3A_1157, %dma_start3A_1158] : memref<5x8x8x132xf32, #tpu.memory_space<vmem>> -> memref<1x1x8x128xf32, #tpu.memory_space<vmem>>
      %dma_start3A_1160 = tpu.memref_squeeze %dma_start3A_1159 : memref<1x1x8x128xf32, #tpu.memory_space<vmem>> -> memref<8x128xf32, #tpu.memory_space<vmem>>
      %dma_start3A_1161 = arith.constant 0 : i32
      %dma_start3A_1162 = arith.constant 0 : i32
      %dma_start3A_1163 = tpu.memref_slice %arg4[%select_n3A_1017, %dma_start3A_1156, %add3A_1020, %dma_start3A_1161, %dma_start3A_1162] : memref<50x8x128x8x128xf32, #tpu.memory_space<hbm>> -> memref<1x1x1x8x128xf32, #tpu.memory_space<hbm>>
      %dma_start3A_1164 = tpu.memref_squeeze %dma_start3A_1163 : memref<1x1x1x8x128xf32, #tpu.memory_space<hbm>> -> memref<8x128xf32, #tpu.memory_space<hbm>>
      %dma_start3A_1165 = arith.constant 0 : i32
      %dma_start3A_1166 = arith.constant 0 : i32
      %dma_start3A_1167 = tpu.memref_slice %arg4[%select_n3A_1017, %dma_start3A_1156, %add3A_1020, %dma_start3A_1165, %dma_start3A_1166] : memref<50x8x128x8x128xf32, #tpu.memory_space<hbm>> -> memref<1x1x1x8x128xf32, #tpu.memory_space<hbm>>
      %dma_start3A_1168 = tpu.memref_squeeze %dma_start3A_1167 : memref<1x1x1x8x128xf32, #tpu.memory_space<hbm>> -> memref<8x128xf32, #tpu.memory_space<hbm>>
      %dma_start3A_1169 = arith.constant 0 : i32
      %dma_start3A_1170 = arith.constant 0 : i32
      %dma_start3A_1171 = tpu.memref_slice %arg7[%dma_start3A_1154, %dma_start3A_1155, %dma_start3A_1169, %dma_start3A_1170] : memref<5x8x8x132xf32, #tpu.memory_space<vmem>> -> memref<1x1x8x128xf32, #tpu.memory_space<vmem>>
      %dma_start3A_1172 = tpu.memref_squeeze %dma_start3A_1171 : memref<1x1x8x128xf32, #tpu.memory_space<vmem>> -> memref<8x128xf32, #tpu.memory_space<vmem>>
      tpu.enqueue_dma source(%dma_start3A_1172 : memref<8x128xf32, #tpu.memory_space<vmem>>) target(%dma_start3A_1168 : memref<8x128xf32, #tpu.memory_space<hbm>>) target_semaphore(%arg9 : memref<!tpu.dma_semaphore, #tpu.memory_space<semaphore_mem>>)
      %dma_wait3A_1173 = arith.constant 4 : i32
      %dma_wait3A_1174 = arith.constant 0 : i32
      %dma_wait3A_1175 = arith.constant 0 : i32
      %dma_wait3A_1176 = tpu.memref_slice %arg6[%dma_wait3A_1173, %dma_wait3A_1174, %dma_wait3A_1175] : memref<5x128x64xf32, #tpu.memory_space<vmem>> -> memref<1x128x64xf32, #tpu.memory_space<vmem>>
      %dma_wait3A_1177 = tpu.memref_squeeze %dma_wait3A_1176 : memref<1x128x64xf32, #tpu.memory_space<vmem>> -> memref<128x64xf32, #tpu.memory_space<vmem>>
      %dma_wait3A_1178 = tpu.memref_slice %arg5[%select_n3A_314, %mul3A_316] : memref<50x512xi32, #tpu.memory_space<vmem>> -> memref<1x128xi32, #tpu.memory_space<vmem>>
      %dma_wait3A_1179 = tpu.memref_squeeze %dma_wait3A_1178 : memref<1x128xi32, #tpu.memory_space<vmem>> -> memref<128xi32, #tpu.memory_space<vmem>>
      %dma_wait3A_1180 = arith.constant 0 : i32
      %dma_wait3A_1181 = arith.constant 0 : i32
      %dma_wait3A_1182 = tpu.memref_slice %arg3[%dma_wait3A_1180, %dma_wait3A_1181] : memref<1000000x64xf32, #tpu.memory_space<hbm>> -> memref<1000000x64xf32, #tpu.memory_space<hbm>>
      tpu.wait_indirect_dma semaphore(%arg8 : memref<!tpu.dma_semaphore, #tpu.memory_space<semaphore_mem>>) src(%dma_wait3A_1182 : memref<1000000x64xf32, #tpu.memory_space<hbm>>) dst(%dma_wait3A_1177 : memref<128x64xf32, #tpu.memory_space<vmem>>)
      %parallel_loop3A_1183 = arith.constant 0 : i32
      %parallel_loop3A_1184 = arith.constant 128 : i32
      %parallel_loop3A_1185 = arith.constant 1 : i32
      scf.for %parallel_loop3A_2145 = %parallel_loop3A_1183 to %parallel_loop3A_1184 step %parallel_loop3A_1185  : i32 {
        %parallel_loop3A_2146 = vector.broadcast %parallel_loop3A_2145 : i32 to vector<16xi32>
        %parallel_loop3A_2147 = arith.constant 4 : i32
        %parallel_loop3A_2148 = arith.index_cast %parallel_loop3A_2147 : i32 to index
        %parallel_loop3A_2149 = arith.index_cast %parallel_loop3A_2145 : i32 to index
        %parallel_loop3A_2150 = arith.constant 0 : index
        %parallel_loop3A_2151 = tpu.vector_load %arg6[%parallel_loop3A_2148, %parallel_loop3A_2149, %parallel_loop3A_2150] {strides = array<i32>} : memref<5x128x64xf32, #tpu.memory_space<vmem>>, vector<16xf32>,
        %parallel_loop3A_2152 = arith.constant 4 : i32
        %parallel_loop3A_2153 = arith.constant 0 : i32
        %parallel_loop3A_2154 = arith.constant 0 : i32
        %parallel_loop3A_2155 = arith.constant 0 : i32
        %parallel_loop3A_2156 = tpu.memref_slice %arg7[%parallel_loop3A_2152, %parallel_loop3A_2153, %parallel_loop3A_2154, %parallel_loop3A_2155] : memref<5x8x8x132xf32, #tpu.memory_space<vmem>> -> memref<1x8x8x132xf32, #tpu.memory_space<vmem>>
        %parallel_loop3A_2157 = tpu.memref_squeeze %parallel_loop3A_2156 : memref<1x8x8x132xf32, #tpu.memory_space<vmem>> -> memref<8x8x132xf32, #tpu.memory_space<vmem>>
        tpu.vector_store_idx %parallel_loop3A_2157[%shift_right_arithmetic3A_9, %and3A_32, %parallel_loop3A_2146], %parallel_loop3A_2151 : memref<8x8x132xf32, #tpu.memory_space<vmem>>[vector<16xi32>, vector<16xi32>, vector<16xi32>], vector<16xf32>,
        %parallel_loop3A_2158 = arith.constant 4 : i32
        %parallel_loop3A_2159 = arith.index_cast %parallel_loop3A_2158 : i32 to index
        %parallel_loop3A_2160 = arith.index_cast %parallel_loop3A_2145 : i32 to index
        %parallel_loop3A_2161 = arith.constant 16 : index
        %parallel_loop3A_2162 = tpu.vector_load %arg6[%parallel_loop3A_2159, %parallel_loop3A_2160, %parallel_loop3A_2161] {strides = array<i32>} : memref<5x128x64xf32, #tpu.memory_space<vmem>>, vector<16xf32>,
        %parallel_loop3A_2163 = arith.constant 4 : i32
        %parallel_loop3A_2164 = arith.constant 0 : i32
        %parallel_loop3A_2165 = arith.constant 0 : i32
        %parallel_loop3A_2166 = arith.constant 0 : i32
        %parallel_loop3A_2167 = tpu.memref_slice %arg7[%parallel_loop3A_2163, %parallel_loop3A_2164, %parallel_loop3A_2165, %parallel_loop3A_2166] : memref<5x8x8x132xf32, #tpu.memory_space<vmem>> -> memref<1x8x8x132xf32, #tpu.memory_space<vmem>>
        %parallel_loop3A_2168 = tpu.memref_squeeze %parallel_loop3A_2167 : memref<1x8x8x132xf32, #tpu.memory_space<vmem>> -> memref<8x8x132xf32, #tpu.memory_space<vmem>>
        tpu.vector_store_idx %parallel_loop3A_2168[%shift_right_arithmetic3A_15, %and3A_38, %parallel_loop3A_2146], %parallel_loop3A_2162 : memref<8x8x132xf32, #tpu.memory_space<vmem>>[vector<16xi32>, vector<16xi32>, vector<16xi32>], vector<16xf32>,
        %parallel_loop3A_2169 = arith.constant 4 : i32
        %parallel_loop3A_2170 = arith.index_cast %parallel_loop3A_2169 : i32 to index
        %parallel_loop3A_2171 = arith.index_cast %parallel_loop3A_2145 : i32 to index
        %parallel_loop3A_2172 = arith.constant 32 : index
        %parallel_loop3A_2173 = tpu.vector_load %arg6[%parallel_loop3A_2170, %parallel_loop3A_2171, %parallel_loop3A_2172] {strides = array<i32>} : memref<5x128x64xf32, #tpu.memory_space<vmem>>, vector<16xf32>,
        %parallel_loop3A_2174 = arith.constant 4 : i32
        %parallel_loop3A_2175 = arith.constant 0 : i32
        %parallel_loop3A_2176 = arith.constant 0 : i32
        %parallel_loop3A_2177 = arith.constant 0 : i32
        %parallel_loop3A_2178 = tpu.memref_slice %arg7[%parallel_loop3A_2174, %parallel_loop3A_2175, %parallel_loop3A_2176, %parallel_loop3A_2177] : memref<5x8x8x132xf32, #tpu.memory_space<vmem>> -> memref<1x8x8x132xf32, #tpu.memory_space<vmem>>
        %parallel_loop3A_2179 = tpu.memref_squeeze %parallel_loop3A_2178 : memref<1x8x8x132xf32, #tpu.memory_space<vmem>> -> memref<8x8x132xf32, #tpu.memory_space<vmem>>
        tpu.vector_store_idx %parallel_loop3A_2179[%shift_right_arithmetic3A_21, %and3A_44, %parallel_loop3A_2146], %parallel_loop3A_2173 : memref<8x8x132xf32, #tpu.memory_space<vmem>>[vector<16xi32>, vector<16xi32>, vector<16xi32>], vector<16xf32>,
        %parallel_loop3A_2180 = arith.constant 4 : i32
        %parallel_loop3A_2181 = arith.index_cast %parallel_loop3A_2180 : i32 to index
        %parallel_loop3A_2182 = arith.index_cast %parallel_loop3A_2145 : i32 to index
        %parallel_loop3A_2183 = arith.constant 48 : index
        %parallel_loop3A_2184 = tpu.vector_load %arg6[%parallel_loop3A_2181, %parallel_loop3A_2182, %parallel_loop3A_2183] {strides = array<i32>} : memref<5x128x64xf32, #tpu.memory_space<vmem>>, vector<16xf32>,
        %parallel_loop3A_2185 = arith.constant 4 : i32
        %parallel_loop3A_2186 = arith.constant 0 : i32
        %parallel_loop3A_2187 = arith.constant 0 : i32
        %parallel_loop3A_2188 = arith.constant 0 : i32
        %parallel_loop3A_2189 = tpu.memref_slice %arg7[%parallel_loop3A_2185, %parallel_loop3A_2186, %parallel_loop3A_2187, %parallel_loop3A_2188] : memref<5x8x8x132xf32, #tpu.memory_space<vmem>> -> memref<1x8x8x132xf32, #tpu.memory_space<vmem>>
        %parallel_loop3A_2190 = tpu.memref_squeeze %parallel_loop3A_2189 : memref<1x8x8x132xf32, #tpu.memory_space<vmem>> -> memref<8x8x132xf32, #tpu.memory_space<vmem>>
        tpu.vector_store_idx %parallel_loop3A_2190[%shift_right_arithmetic3A_27, %and3A_50, %parallel_loop3A_2146], %parallel_loop3A_2184 : memref<8x8x132xf32, #tpu.memory_space<vmem>>[vector<16xi32>, vector<16xi32>, vector<16xi32>], vector<16xf32>,
      } {sc.loop_unroll_factor = 8 : i64, sc.parallel_access}
      %mul3A_1186 = arith.constant 5 : i32
      %mul3A_1187 = arith.muli %scan3A_56, %mul3A_1186 : i32
      %add3A_1188 = arith.constant 4 : i32
      %add3A_1189 = arith.addi %mul3A_1187, %add3A_1188 : i32
      %jit3A_1190 = arith.constant 50 : i32
      %div3A_1191 = arith.divsi %add3A_1189, %jit3A_1190 : i32
      %sign3A_1192 = arith.constant 0 : i32
      %sign3A_1193 = arith.cmpi sgt, %add3A_1189, %sign3A_1192 : i32
      %sign3A_1194 = arith.extui %sign3A_1193 : i1 to i32
      %sign3A_1195 = arith.constant 0 : i32
      %sign3A_1196 = arith.cmpi slt, %add3A_1189, %sign3A_1195 : i32
      %sign3A_1197 = arith.extui %sign3A_1196 : i1 to i32
      %sign3A_1198 = arith.subi %sign3A_1194, %sign3A_1197 : i32
      %sign3A_1199 = arith.constant 0 : i32
      %sign3A_1200 = arith.cmpi sgt, %jit3A_1190, %sign3A_1199 : i32
      %sign3A_1201 = arith.extui %sign3A_1200 : i1 to i32
      %sign3A_1202 = arith.constant 0 : i32
      %sign3A_1203 = arith.cmpi slt, %jit3A_1190, %sign3A_1202 : i32
      %sign3A_1204 = arith.extui %sign3A_1203 : i1 to i32
      %sign3A_1205 = arith.subi %sign3A_1201, %sign3A_1204 : i32
      %ne3A_1206 = arith.cmpi ne, %sign3A_1198, %sign3A_1205 : i32
      %rem3A_1207 = arith.remsi %add3A_1189, %jit3A_1190 : i32
      %ne3A_1208 = arith.constant 0 : i32
      %ne3A_1209 = arith.cmpi ne, %rem3A_1207, %ne3A_1208 : i32
      %and3A_1210 = arith.andi %ne3A_1206, %ne3A_1209 : i1
      %sub3A_1211 = arith.constant 1 : i32
      %sub3A_1212 = arith.subi %div3A_1191, %sub3A_1211 : i32
      %select_n3A_1213 = arith.select %and3A_1210, %sub3A_1212, %div3A_1191 : i32
      %jit3A_1214 = arith.constant 50 : i32
      %eq3A_1215 = arith.constant 0 : i32
      %eq3A_1216 = arith.cmpi eq, %jit3A_1214, %eq3A_1215 : i32
      %jit3A_1217 = arith.constant 1 : i32
      %select_n3A_1218 = arith.select %eq3A_1216, %jit3A_1217, %jit3A_1214 : i32
      %rem3A_1219 = arith.remsi %add3A_1189, %select_n3A_1218 : i32
      %ne3A_1220 = arith.constant 0 : i32
      %ne3A_1221 = arith.cmpi ne, %rem3A_1219, %ne3A_1220 : i32
      %lt3A_1222 = arith.constant 0 : i32
      %lt3A_1223 = arith.cmpi slt, %rem3A_1219, %lt3A_1222 : i32
      %lt3A_1224 = arith.constant 0 : i32
      %lt3A_1225 = arith.cmpi slt, %select_n3A_1218, %lt3A_1224 : i32
      %ne3A_1226 = arith.xori %lt3A_1223, %lt3A_1225 : i1
      %and3A_1227 = arith.andi %ne3A_1226, %ne3A_1221 : i1
      %add3A_1228 = arith.addi %rem3A_1219, %select_n3A_1218 : i32
      %select_n3A_1229 = arith.select %and3A_1227, %add3A_1228, %rem3A_1219 : i32
      %mul3A_1230 = arith.constant 4 : i32
      %mul3A_1231 = arith.muli %add3A, %mul3A_1230 : i32
      %add3A_1232 = arith.addi %mul3A_1231, %select_n3A_1213 : i32
      %dma_start3A_1233 = arith.constant 4 : i32
      %dma_start3A_1234 = arith.constant 0 : i32
      %dma_start3A_1235 = arith.constant 0 : i32
      %dma_start3A_1236 = arith.constant 0 : i32
      %dma_start3A_1237 = arith.constant 0 : i32
      %dma_start3A_1238 = tpu.memref_slice %arg7[%dma_start3A_1233, %dma_start3A_1234, %dma_start3A_1236, %dma_start3A_1237] : memref<5x8x8x132xf32, #tpu.memory_space<vmem>> -> memref<1x1x8x128xf32, #tpu.memory_space<vmem>>
      %dma_start3A_1239 = tpu.memref_squeeze %dma_start3A_1238 : memref<1x1x8x128xf32, #tpu.memory_space<vmem>> -> memref<8x128xf32, #tpu.memory_space<vmem>>
      %dma_start3A_1240 = arith.constant 0 : i32
      %dma_start3A_1241 = arith.constant 0 : i32
      %dma_start3A_1242 = tpu.memref_slice %arg4[%select_n3A_1229, %dma_start3A_1235, %add3A_1232, %dma_start3A_1240, %dma_start3A_1241] : memref<50x8x128x8x128xf32, #tpu.memory_space<hbm>> -> memref<1x1x1x8x128xf32, #tpu.memory_space<hbm>>
      %dma_start3A_1243 = tpu.memref_squeeze %dma_start3A_1242 : memref<1x1x1x8x128xf32, #tpu.memory_space<hbm>> -> memref<8x128xf32, #tpu.memory_space<hbm>>
      %dma_start3A_1244 = arith.constant 0 : i32
      %dma_start3A_1245 = arith.constant 0 : i32
      %dma_start3A_1246 = tpu.memref_slice %arg4[%select_n3A_1229, %dma_start3A_1235, %add3A_1232, %dma_start3A_1244, %dma_start3A_1245] : memref<50x8x128x8x128xf32, #tpu.memory_space<hbm>> -> memref<1x1x1x8x128xf32, #tpu.memory_space<hbm>>
      %dma_start3A_1247 = tpu.memref_squeeze %dma_start3A_1246 : memref<1x1x1x8x128xf32, #tpu.memory_space<hbm>> -> memref<8x128xf32, #tpu.memory_space<hbm>>
      %dma_start3A_1248 = arith.constant 0 : i32
      %dma_start3A_1249 = arith.constant 0 : i32
      %dma_start3A_1250 = tpu.memref_slice %arg7[%dma_start3A_1233, %dma_start3A_1234, %dma_start3A_1248, %dma_start3A_1249] : memref<5x8x8x132xf32, #tpu.memory_space<vmem>> -> memref<1x1x8x128xf32, #tpu.memory_space<vmem>>
      %dma_start3A_1251 = tpu.memref_squeeze %dma_start3A_1250 : memref<1x1x8x128xf32, #tpu.memory_space<vmem>> -> memref<8x128xf32, #tpu.memory_space<vmem>>
      tpu.enqueue_dma source(%dma_start3A_1251 : memref<8x128xf32, #tpu.memory_space<vmem>>) target(%dma_start3A_1247 : memref<8x128xf32, #tpu.memory_space<hbm>>) target_semaphore(%arg9 : memref<!tpu.dma_semaphore, #tpu.memory_space<semaphore_mem>>)
      %dma_start3A_1252 = arith.constant 4 : i32
      %dma_start3A_1253 = arith.constant 1 : i32
      %dma_start3A_1254 = arith.constant 1 : i32
      %dma_start3A_1255 = arith.constant 0 : i32
      %dma_start3A_1256 = arith.constant 0 : i32
      %dma_start3A_1257 = tpu.memref_slice %arg7[%dma_start3A_1252, %dma_start3A_1253, %dma_start3A_1255, %dma_start3A_1256] : memref<5x8x8x132xf32, #tpu.memory_space<vmem>> -> memref<1x1x8x128xf32, #tpu.memory_space<vmem>>
      %dma_start3A_1258 = tpu.memref_squeeze %dma_start3A_1257 : memref<1x1x8x128xf32, #tpu.memory_space<vmem>> -> memref<8x128xf32, #tpu.memory_space<vmem>>
      %dma_start3A_1259 = arith.constant 0 : i32
      %dma_start3A_1260 = arith.constant 0 : i32
      %dma_start3A_1261 = tpu.memref_slice %arg4[%select_n3A_1229, %dma_start3A_1254, %add3A_1232, %dma_start3A_1259, %dma_start3A_1260] : memref<50x8x128x8x128xf32, #tpu.memory_space<hbm>> -> memref<1x1x1x8x128xf32, #tpu.memory_space<hbm>>
      %dma_start3A_1262 = tpu.memref_squeeze %dma_start3A_1261 : memref<1x1x1x8x128xf32, #tpu.memory_space<hbm>> -> memref<8x128xf32, #tpu.memory_space<hbm>>
      %dma_start3A_1263 = arith.constant 0 : i32
      %dma_start3A_1264 = arith.constant 0 : i32
      %dma_start3A_1265 = tpu.memref_slice %arg4[%select_n3A_1229, %dma_start3A_1254, %add3A_1232, %dma_start3A_1263, %dma_start3A_1264] : memref<50x8x128x8x128xf32, #tpu.memory_space<hbm>> -> memref<1x1x1x8x128xf32, #tpu.memory_space<hbm>>
      %dma_start3A_1266 = tpu.memref_squeeze %dma_start3A_1265 : memref<1x1x1x8x128xf32, #tpu.memory_space<hbm>> -> memref<8x128xf32, #tpu.memory_space<hbm>>
      %dma_start3A_1267 = arith.constant 0 : i32
      %dma_start3A_1268 = arith.constant 0 : i32
      %dma_start3A_1269 = tpu.memref_slice %arg7[%dma_start3A_1252, %dma_start3A_1253, %dma_start3A_1267, %dma_start3A_1268] : memref<5x8x8x132xf32, #tpu.memory_space<vmem>> -> memref<1x1x8x128xf32, #tpu.memory_space<vmem>>
      %dma_start3A_1270 = tpu.memref_squeeze %dma_start3A_1269 : memref<1x1x8x128xf32, #tpu.memory_space<vmem>> -> memref<8x128xf32, #tpu.memory_space<vmem>>
      tpu.enqueue_dma source(%dma_start3A_1270 : memref<8x128xf32, #tpu.memory_space<vmem>>) target(%dma_start3A_1266 : memref<8x128xf32, #tpu.memory_space<hbm>>) target_semaphore(%arg9 : memref<!tpu.dma_semaphore, #tpu.memory_space<semaphore_mem>>)
      %dma_start3A_1271 = arith.constant 4 : i32
      %dma_start3A_1272 = arith.constant 2 : i32
      %dma_start3A_1273 = arith.constant 2 : i32
      %dma_start3A_1274 = arith.constant 0 : i32
      %dma_start3A_1275 = arith.constant 0 : i32
      %dma_start3A_1276 = tpu.memref_slice %arg7[%dma_start3A_1271, %dma_start3A_1272, %dma_start3A_1274, %dma_start3A_1275] : memref<5x8x8x132xf32, #tpu.memory_space<vmem>> -> memref<1x1x8x128xf32, #tpu.memory_space<vmem>>
      %dma_start3A_1277 = tpu.memref_squeeze %dma_start3A_1276 : memref<1x1x8x128xf32, #tpu.memory_space<vmem>> -> memref<8x128xf32, #tpu.memory_space<vmem>>
      %dma_start3A_1278 = arith.constant 0 : i32
      %dma_start3A_1279 = arith.constant 0 : i32
      %dma_start3A_1280 = tpu.memref_slice %arg4[%select_n3A_1229, %dma_start3A_1273, %add3A_1232, %dma_start3A_1278, %dma_start3A_1279] : memref<50x8x128x8x128xf32, #tpu.memory_space<hbm>> -> memref<1x1x1x8x128xf32, #tpu.memory_space<hbm>>
      %dma_start3A_1281 = tpu.memref_squeeze %dma_start3A_1280 : memref<1x1x1x8x128xf32, #tpu.memory_space<hbm>> -> memref<8x128xf32, #tpu.memory_space<hbm>>
      %dma_start3A_1282 = arith.constant 0 : i32
      %dma_start3A_1283 = arith.constant 0 : i32
      %dma_start3A_1284 = tpu.memref_slice %arg4[%select_n3A_1229, %dma_start3A_1273, %add3A_1232, %dma_start3A_1282, %dma_start3A_1283] : memref<50x8x128x8x128xf32, #tpu.memory_space<hbm>> -> memref<1x1x1x8x128xf32, #tpu.memory_space<hbm>>
      %dma_start3A_1285 = tpu.memref_squeeze %dma_start3A_1284 : memref<1x1x1x8x128xf32, #tpu.memory_space<hbm>> -> memref<8x128xf32, #tpu.memory_space<hbm>>
      %dma_start3A_1286 = arith.constant 0 : i32
      %dma_start3A_1287 = arith.constant 0 : i32
      %dma_start3A_1288 = tpu.memref_slice %arg7[%dma_start3A_1271, %dma_start3A_1272, %dma_start3A_1286, %dma_start3A_1287] : memref<5x8x8x132xf32, #tpu.memory_space<vmem>> -> memref<1x1x8x128xf32, #tpu.memory_space<vmem>>
      %dma_start3A_1289 = tpu.memref_squeeze %dma_start3A_1288 : memref<1x1x8x128xf32, #tpu.memory_space<vmem>> -> memref<8x128xf32, #tpu.memory_space<vmem>>
      tpu.enqueue_dma source(%dma_start3A_1289 : memref<8x128xf32, #tpu.memory_space<vmem>>) target(%dma_start3A_1285 : memref<8x128xf32, #tpu.memory_space<hbm>>) target_semaphore(%arg9 : memref<!tpu.dma_semaphore, #tpu.memory_space<semaphore_mem>>)
      %dma_start3A_1290 = arith.constant 4 : i32
      %dma_start3A_1291 = arith.constant 3 : i32
      %dma_start3A_1292 = arith.constant 3 : i32
      %dma_start3A_1293 = arith.constant 0 : i32
      %dma_start3A_1294 = arith.constant 0 : i32
      %dma_start3A_1295 = tpu.memref_slice %arg7[%dma_start3A_1290, %dma_start3A_1291, %dma_start3A_1293, %dma_start3A_1294] : memref<5x8x8x132xf32, #tpu.memory_space<vmem>> -> memref<1x1x8x128xf32, #tpu.memory_space<vmem>>
      %dma_start3A_1296 = tpu.memref_squeeze %dma_start3A_1295 : memref<1x1x8x128xf32, #tpu.memory_space<vmem>> -> memref<8x128xf32, #tpu.memory_space<vmem>>
      %dma_start3A_1297 = arith.constant 0 : i32
      %dma_start3A_1298 = arith.constant 0 : i32
      %dma_start3A_1299 = tpu.memref_slice %arg4[%select_n3A_1229, %dma_start3A_1292, %add3A_1232, %dma_start3A_1297, %dma_start3A_1298] : memref<50x8x128x8x128xf32, #tpu.memory_space<hbm>> -> memref<1x1x1x8x128xf32, #tpu.memory_space<hbm>>
      %dma_start3A_1300 = tpu.memref_squeeze %dma_start3A_1299 : memref<1x1x1x8x128xf32, #tpu.memory_space<hbm>> -> memref<8x128xf32, #tpu.memory_space<hbm>>
      %dma_start3A_1301 = arith.constant 0 : i32
      %dma_start3A_1302 = arith.constant 0 : i32
      %dma_start3A_1303 = tpu.memref_slice %arg4[%select_n3A_1229, %dma_start3A_1292, %add3A_1232, %dma_start3A_1301, %dma_start3A_1302] : memref<50x8x128x8x128xf32, #tpu.memory_space<hbm>> -> memref<1x1x1x8x128xf32, #tpu.memory_space<hbm>>
      %dma_start3A_1304 = tpu.memref_squeeze %dma_start3A_1303 : memref<1x1x1x8x128xf32, #tpu.memory_space<hbm>> -> memref<8x128xf32, #tpu.memory_space<hbm>>
      %dma_start3A_1305 = arith.constant 0 : i32
      %dma_start3A_1306 = arith.constant 0 : i32
      %dma_start3A_1307 = tpu.memref_slice %arg7[%dma_start3A_1290, %dma_start3A_1291, %dma_start3A_1305, %dma_start3A_1306] : memref<5x8x8x132xf32, #tpu.memory_space<vmem>> -> memref<1x1x8x128xf32, #tpu.memory_space<vmem>>
      %dma_start3A_1308 = tpu.memref_squeeze %dma_start3A_1307 : memref<1x1x8x128xf32, #tpu.memory_space<vmem>> -> memref<8x128xf32, #tpu.memory_space<vmem>>
      tpu.enqueue_dma source(%dma_start3A_1308 : memref<8x128xf32, #tpu.memory_space<vmem>>) target(%dma_start3A_1304 : memref<8x128xf32, #tpu.memory_space<hbm>>) target_semaphore(%arg9 : memref<!tpu.dma_semaphore, #tpu.memory_space<semaphore_mem>>)
      %dma_start3A_1309 = arith.constant 4 : i32
      %dma_start3A_1310 = arith.constant 4 : i32
      %dma_start3A_1311 = arith.constant 4 : i32
      %dma_start3A_1312 = arith.constant 0 : i32
      %dma_start3A_1313 = arith.constant 0 : i32
      %dma_start3A_1314 = tpu.memref_slice %arg7[%dma_start3A_1309, %dma_start3A_1310, %dma_start3A_1312, %dma_start3A_1313] : memref<5x8x8x132xf32, #tpu.memory_space<vmem>> -> memref<1x1x8x128xf32, #tpu.memory_space<vmem>>
      %dma_start3A_1315 = tpu.memref_squeeze %dma_start3A_1314 : memref<1x1x8x128xf32, #tpu.memory_space<vmem>> -> memref<8x128xf32, #tpu.memory_space<vmem>>
      %dma_start3A_1316 = arith.constant 0 : i32
      %dma_start3A_1317 = arith.constant 0 : i32
      %dma_start3A_1318 = tpu.memref_slice %arg4[%select_n3A_1229, %dma_start3A_1311, %add3A_1232, %dma_start3A_1316, %dma_start3A_1317] : memref<50x8x128x8x128xf32, #tpu.memory_space<hbm>> -> memref<1x1x1x8x128xf32, #tpu.memory_space<hbm>>
      %dma_start3A_1319 = tpu.memref_squeeze %dma_start3A_1318 : memref<1x1x1x8x128xf32, #tpu.memory_space<hbm>> -> memref<8x128xf32, #tpu.memory_space<hbm>>
      %dma_start3A_1320 = arith.constant 0 : i32
      %dma_start3A_1321 = arith.constant 0 : i32
      %dma_start3A_1322 = tpu.memref_slice %arg4[%select_n3A_1229, %dma_start3A_1311, %add3A_1232, %dma_start3A_1320, %dma_start3A_1321] : memref<50x8x128x8x128xf32, #tpu.memory_space<hbm>> -> memref<1x1x1x8x128xf32, #tpu.memory_space<hbm>>
      %dma_start3A_1323 = tpu.memref_squeeze %dma_start3A_1322 : memref<1x1x1x8x128xf32, #tpu.memory_space<hbm>> -> memref<8x128xf32, #tpu.memory_space<hbm>>
      %dma_start3A_1324 = arith.constant 0 : i32
      %dma_start3A_1325 = arith.constant 0 : i32
      %dma_start3A_1326 = tpu.memref_slice %arg7[%dma_start3A_1309, %dma_start3A_1310, %dma_start3A_1324, %dma_start3A_1325] : memref<5x8x8x132xf32, #tpu.memory_space<vmem>> -> memref<1x1x8x128xf32, #tpu.memory_space<vmem>>
      %dma_start3A_1327 = tpu.memref_squeeze %dma_start3A_1326 : memref<1x1x8x128xf32, #tpu.memory_space<vmem>> -> memref<8x128xf32, #tpu.memory_space<vmem>>
      tpu.enqueue_dma source(%dma_start3A_1327 : memref<8x128xf32, #tpu.memory_space<vmem>>) target(%dma_start3A_1323 : memref<8x128xf32, #tpu.memory_space<hbm>>) target_semaphore(%arg9 : memref<!tpu.dma_semaphore, #tpu.memory_space<semaphore_mem>>)
      %dma_start3A_1328 = arith.constant 4 : i32
      %dma_start3A_1329 = arith.constant 5 : i32
      %dma_start3A_1330 = arith.constant 5 : i32
      %dma_start3A_1331 = arith.constant 0 : i32
      %dma_start3A_1332 = arith.constant 0 : i32
      %dma_start3A_1333 = tpu.memref_slice %arg7[%dma_start3A_1328, %dma_start3A_1329, %dma_start3A_1331, %dma_start3A_1332] : memref<5x8x8x132xf32, #tpu.memory_space<vmem>> -> memref<1x1x8x128xf32, #tpu.memory_space<vmem>>
      %dma_start3A_1334 = tpu.memref_squeeze %dma_start3A_1333 : memref<1x1x8x128xf32, #tpu.memory_space<vmem>> -> memref<8x128xf32, #tpu.memory_space<vmem>>
      %dma_start3A_1335 = arith.constant 0 : i32
      %dma_start3A_1336 = arith.constant 0 : i32
      %dma_start3A_1337 = tpu.memref_slice %arg4[%select_n3A_1229, %dma_start3A_1330, %add3A_1232, %dma_start3A_1335, %dma_start3A_1336] : memref<50x8x128x8x128xf32, #tpu.memory_space<hbm>> -> memref<1x1x1x8x128xf32, #tpu.memory_space<hbm>>
      %dma_start3A_1338 = tpu.memref_squeeze %dma_start3A_1337 : memref<1x1x1x8x128xf32, #tpu.memory_space<hbm>> -> memref<8x128xf32, #tpu.memory_space<hbm>>
      %dma_start3A_1339 = arith.constant 0 : i32
      %dma_start3A_1340 = arith.constant 0 : i32
      %dma_start3A_1341 = tpu.memref_slice %arg4[%select_n3A_1229, %dma_start3A_1330, %add3A_1232, %dma_start3A_1339, %dma_start3A_1340] : memref<50x8x128x8x128xf32, #tpu.memory_space<hbm>> -> memref<1x1x1x8x128xf32, #tpu.memory_space<hbm>>
      %dma_start3A_1342 = tpu.memref_squeeze %dma_start3A_1341 : memref<1x1x1x8x128xf32, #tpu.memory_space<hbm>> -> memref<8x128xf32, #tpu.memory_space<hbm>>
      %dma_start3A_1343 = arith.constant 0 : i32
      %dma_start3A_1344 = arith.constant 0 : i32
      %dma_start3A_1345 = tpu.memref_slice %arg7[%dma_start3A_1328, %dma_start3A_1329, %dma_start3A_1343, %dma_start3A_1344] : memref<5x8x8x132xf32, #tpu.memory_space<vmem>> -> memref<1x1x8x128xf32, #tpu.memory_space<vmem>>
      %dma_start3A_1346 = tpu.memref_squeeze %dma_start3A_1345 : memref<1x1x8x128xf32, #tpu.memory_space<vmem>> -> memref<8x128xf32, #tpu.memory_space<vmem>>
      tpu.enqueue_dma source(%dma_start3A_1346 : memref<8x128xf32, #tpu.memory_space<vmem>>) target(%dma_start3A_1342 : memref<8x128xf32, #tpu.memory_space<hbm>>) target_semaphore(%arg9 : memref<!tpu.dma_semaphore, #tpu.memory_space<semaphore_mem>>)
      %dma_start3A_1347 = arith.constant 4 : i32
      %dma_start3A_1348 = arith.constant 6 : i32
      %dma_start3A_1349 = arith.constant 6 : i32
      %dma_start3A_1350 = arith.constant 0 : i32
      %dma_start3A_1351 = arith.constant 0 : i32
      %dma_start3A_1352 = tpu.memref_slice %arg7[%dma_start3A_1347, %dma_start3A_1348, %dma_start3A_1350, %dma_start3A_1351] : memref<5x8x8x132xf32, #tpu.memory_space<vmem>> -> memref<1x1x8x128xf32, #tpu.memory_space<vmem>>
      %dma_start3A_1353 = tpu.memref_squeeze %dma_start3A_1352 : memref<1x1x8x128xf32, #tpu.memory_space<vmem>> -> memref<8x128xf32, #tpu.memory_space<vmem>>
      %dma_start3A_1354 = arith.constant 0 : i32
      %dma_start3A_1355 = arith.constant 0 : i32
      %dma_start3A_1356 = tpu.memref_slice %arg4[%select_n3A_1229, %dma_start3A_1349, %add3A_1232, %dma_start3A_1354, %dma_start3A_1355] : memref<50x8x128x8x128xf32, #tpu.memory_space<hbm>> -> memref<1x1x1x8x128xf32, #tpu.memory_space<hbm>>
      %dma_start3A_1357 = tpu.memref_squeeze %dma_start3A_1356 : memref<1x1x1x8x128xf32, #tpu.memory_space<hbm>> -> memref<8x128xf32, #tpu.memory_space<hbm>>
      %dma_start3A_1358 = arith.constant 0 : i32
      %dma_start3A_1359 = arith.constant 0 : i32
      %dma_start3A_1360 = tpu.memref_slice %arg4[%select_n3A_1229, %dma_start3A_1349, %add3A_1232, %dma_start3A_1358, %dma_start3A_1359] : memref<50x8x128x8x128xf32, #tpu.memory_space<hbm>> -> memref<1x1x1x8x128xf32, #tpu.memory_space<hbm>>
      %dma_start3A_1361 = tpu.memref_squeeze %dma_start3A_1360 : memref<1x1x1x8x128xf32, #tpu.memory_space<hbm>> -> memref<8x128xf32, #tpu.memory_space<hbm>>
      %dma_start3A_1362 = arith.constant 0 : i32
      %dma_start3A_1363 = arith.constant 0 : i32
      %dma_start3A_1364 = tpu.memref_slice %arg7[%dma_start3A_1347, %dma_start3A_1348, %dma_start3A_1362, %dma_start3A_1363] : memref<5x8x8x132xf32, #tpu.memory_space<vmem>> -> memref<1x1x8x128xf32, #tpu.memory_space<vmem>>
      %dma_start3A_1365 = tpu.memref_squeeze %dma_start3A_1364 : memref<1x1x8x128xf32, #tpu.memory_space<vmem>> -> memref<8x128xf32, #tpu.memory_space<vmem>>
      tpu.enqueue_dma source(%dma_start3A_1365 : memref<8x128xf32, #tpu.memory_space<vmem>>) target(%dma_start3A_1361 : memref<8x128xf32, #tpu.memory_space<hbm>>) target_semaphore(%arg9 : memref<!tpu.dma_semaphore, #tpu.memory_space<semaphore_mem>>)
      %dma_start3A_1366 = arith.constant 4 : i32
      %dma_start3A_1367 = arith.constant 7 : i32
      %dma_start3A_1368 = arith.constant 7 : i32
      %dma_start3A_1369 = arith.constant 0 : i32
      %dma_start3A_1370 = arith.constant 0 : i32
      %dma_start3A_1371 = tpu.memref_slice %arg7[%dma_start3A_1366, %dma_start3A_1367, %dma_start3A_1369, %dma_start3A_1370] : memref<5x8x8x132xf32, #tpu.memory_space<vmem>> -> memref<1x1x8x128xf32, #tpu.memory_space<vmem>>
      %dma_start3A_1372 = tpu.memref_squeeze %dma_start3A_1371 : memref<1x1x8x128xf32, #tpu.memory_space<vmem>> -> memref<8x128xf32, #tpu.memory_space<vmem>>
      %dma_start3A_1373 = arith.constant 0 : i32
      %dma_start3A_1374 = arith.constant 0 : i32
      %dma_start3A_1375 = tpu.memref_slice %arg4[%select_n3A_1229, %dma_start3A_1368, %add3A_1232, %dma_start3A_1373, %dma_start3A_1374] : memref<50x8x128x8x128xf32, #tpu.memory_space<hbm>> -> memref<1x1x1x8x128xf32, #tpu.memory_space<hbm>>
      %dma_start3A_1376 = tpu.memref_squeeze %dma_start3A_1375 : memref<1x1x1x8x128xf32, #tpu.memory_space<hbm>> -> memref<8x128xf32, #tpu.memory_space<hbm>>
      %dma_start3A_1377 = arith.constant 0 : i32
      %dma_start3A_1378 = arith.constant 0 : i32
      %dma_start3A_1379 = tpu.memref_slice %arg4[%select_n3A_1229, %dma_start3A_1368, %add3A_1232, %dma_start3A_1377, %dma_start3A_1378] : memref<50x8x128x8x128xf32, #tpu.memory_space<hbm>> -> memref<1x1x1x8x128xf32, #tpu.memory_space<hbm>>
      %dma_start3A_1380 = tpu.memref_squeeze %dma_start3A_1379 : memref<1x1x1x8x128xf32, #tpu.memory_space<hbm>> -> memref<8x128xf32, #tpu.memory_space<hbm>>
      %dma_start3A_1381 = arith.constant 0 : i32
      %dma_start3A_1382 = arith.constant 0 : i32
      %dma_start3A_1383 = tpu.memref_slice %arg7[%dma_start3A_1366, %dma_start3A_1367, %dma_start3A_1381, %dma_start3A_1382] : memref<5x8x8x132xf32, #tpu.memory_space<vmem>> -> memref<1x1x8x128xf32, #tpu.memory_space<vmem>>
      %dma_start3A_1384 = tpu.memref_squeeze %dma_start3A_1383 : memref<1x1x8x128xf32, #tpu.memory_space<vmem>> -> memref<8x128xf32, #tpu.memory_space<vmem>>
      tpu.enqueue_dma source(%dma_start3A_1384 : memref<8x128xf32, #tpu.memory_space<vmem>>) target(%dma_start3A_1380 : memref<8x128xf32, #tpu.memory_space<hbm>>) target_semaphore(%arg9 : memref<!tpu.dma_semaphore, #tpu.memory_space<semaphore_mem>>)
      %dma_wait3A_1385 = arith.constant 0 : i32
      %dma_wait3A_1386 = arith.constant 0 : i32
      %dma_wait3A_1387 = arith.constant 0 : i32
      %dma_wait3A_1388 = arith.constant 0 : i32
      %dma_wait3A_1389 = arith.constant 0 : i32
      %dma_wait3A_1390 = tpu.memref_slice %arg7[%dma_wait3A_1385, %dma_wait3A_1386, %dma_wait3A_1388, %dma_wait3A_1389] : memref<5x8x8x132xf32, #tpu.memory_space<vmem>> -> memref<1x1x8x128xf32, #tpu.memory_space<vmem>>
      %dma_wait3A_1391 = tpu.memref_squeeze %dma_wait3A_1390 : memref<1x1x8x128xf32, #tpu.memory_space<vmem>> -> memref<8x128xf32, #tpu.memory_space<vmem>>
      %dma_wait3A_1392 = arith.constant 0 : i32
      %dma_wait3A_1393 = arith.constant 0 : i32
      %dma_wait3A_1394 = tpu.memref_slice %arg4[%select_n3A_381, %dma_wait3A_1387, %add3A_384, %dma_wait3A_1392, %dma_wait3A_1393] : memref<50x8x128x8x128xf32, #tpu.memory_space<hbm>> -> memref<1x1x1x8x128xf32, #tpu.memory_space<hbm>>
      %dma_wait3A_1395 = tpu.memref_squeeze %dma_wait3A_1394 : memref<1x1x1x8x128xf32, #tpu.memory_space<hbm>> -> memref<8x128xf32, #tpu.memory_space<hbm>>
      %dma_wait3A_1396 = arith.constant 0 : i32
      %dma_wait3A_1397 = arith.constant 0 : i32
      %dma_wait3A_1398 = tpu.memref_slice %arg4[%select_n3A_381, %dma_wait3A_1387, %add3A_384, %dma_wait3A_1396, %dma_wait3A_1397] : memref<50x8x128x8x128xf32, #tpu.memory_space<hbm>> -> memref<1x1x1x8x128xf32, #tpu.memory_space<hbm>>
      %dma_wait3A_1399 = tpu.memref_squeeze %dma_wait3A_1398 : memref<1x1x1x8x128xf32, #tpu.memory_space<hbm>> -> memref<8x128xf32, #tpu.memory_space<hbm>>
      %dma_wait3A_1400 = arith.constant 0 : i32
      %dma_wait3A_1401 = arith.constant 0 : i32
      %dma_wait3A_1402 = tpu.memref_slice %arg7[%dma_wait3A_1385, %dma_wait3A_1386, %dma_wait3A_1400, %dma_wait3A_1401] : memref<5x8x8x132xf32, #tpu.memory_space<vmem>> -> memref<1x1x8x128xf32, #tpu.memory_space<vmem>>
      %dma_wait3A_1403 = tpu.memref_squeeze %dma_wait3A_1402 : memref<1x1x8x128xf32, #tpu.memory_space<vmem>> -> memref<8x128xf32, #tpu.memory_space<vmem>>
      tpu.wait_dma2 semaphore(%arg9 : memref<!tpu.dma_semaphore, #tpu.memory_space<semaphore_mem>>) src(%dma_wait3A_1403 : memref<8x128xf32, #tpu.memory_space<vmem>>) dst(%dma_wait3A_1399 : memref<8x128xf32, #tpu.memory_space<hbm>>)
      %dma_wait3A_1404 = arith.constant 0 : i32
      %dma_wait3A_1405 = arith.constant 1 : i32
      %dma_wait3A_1406 = arith.constant 1 : i32
      %dma_wait3A_1407 = arith.constant 0 : i32
      %dma_wait3A_1408 = arith.constant 0 : i32
      %dma_wait3A_1409 = tpu.memref_slice %arg7[%dma_wait3A_1404, %dma_wait3A_1405, %dma_wait3A_1407, %dma_wait3A_1408] : memref<5x8x8x132xf32, #tpu.memory_space<vmem>> -> memref<1x1x8x128xf32, #tpu.memory_space<vmem>>
      %dma_wait3A_1410 = tpu.memref_squeeze %dma_wait3A_1409 : memref<1x1x8x128xf32, #tpu.memory_space<vmem>> -> memref<8x128xf32, #tpu.memory_space<vmem>>
      %dma_wait3A_1411 = arith.constant 0 : i32
      %dma_wait3A_1412 = arith.constant 0 : i32
      %dma_wait3A_1413 = tpu.memref_slice %arg4[%select_n3A_381, %dma_wait3A_1406, %add3A_384, %dma_wait3A_1411, %dma_wait3A_1412] : memref<50x8x128x8x128xf32, #tpu.memory_space<hbm>> -> memref<1x1x1x8x128xf32, #tpu.memory_space<hbm>>
      %dma_wait3A_1414 = tpu.memref_squeeze %dma_wait3A_1413 : memref<1x1x1x8x128xf32, #tpu.memory_space<hbm>> -> memref<8x128xf32, #tpu.memory_space<hbm>>
      %dma_wait3A_1415 = arith.constant 0 : i32
      %dma_wait3A_1416 = arith.constant 0 : i32
      %dma_wait3A_1417 = tpu.memref_slice %arg4[%select_n3A_381, %dma_wait3A_1406, %add3A_384, %dma_wait3A_1415, %dma_wait3A_1416] : memref<50x8x128x8x128xf32, #tpu.memory_space<hbm>> -> memref<1x1x1x8x128xf32, #tpu.memory_space<hbm>>
      %dma_wait3A_1418 = tpu.memref_squeeze %dma_wait3A_1417 : memref<1x1x1x8x128xf32, #tpu.memory_space<hbm>> -> memref<8x128xf32, #tpu.memory_space<hbm>>
      %dma_wait3A_1419 = arith.constant 0 : i32
      %dma_wait3A_1420 = arith.constant 0 : i32
      %dma_wait3A_1421 = tpu.memref_slice %arg7[%dma_wait3A_1404, %dma_wait3A_1405, %dma_wait3A_1419, %dma_wait3A_1420] : memref<5x8x8x132xf32, #tpu.memory_space<vmem>> -> memref<1x1x8x128xf32, #tpu.memory_space<vmem>>
      %dma_wait3A_1422 = tpu.memref_squeeze %dma_wait3A_1421 : memref<1x1x8x128xf32, #tpu.memory_space<vmem>> -> memref<8x128xf32, #tpu.memory_space<vmem>>
      tpu.wait_dma2 semaphore(%arg9 : memref<!tpu.dma_semaphore, #tpu.memory_space<semaphore_mem>>) src(%dma_wait3A_1422 : memref<8x128xf32, #tpu.memory_space<vmem>>) dst(%dma_wait3A_1418 : memref<8x128xf32, #tpu.memory_space<hbm>>)
      %dma_wait3A_1423 = arith.constant 0 : i32
      %dma_wait3A_1424 = arith.constant 2 : i32
      %dma_wait3A_1425 = arith.constant 2 : i32
      %dma_wait3A_1426 = arith.constant 0 : i32
      %dma_wait3A_1427 = arith.constant 0 : i32
      %dma_wait3A_1428 = tpu.memref_slice %arg7[%dma_wait3A_1423, %dma_wait3A_1424, %dma_wait3A_1426, %dma_wait3A_1427] : memref<5x8x8x132xf32, #tpu.memory_space<vmem>> -> memref<1x1x8x128xf32, #tpu.memory_space<vmem>>
      %dma_wait3A_1429 = tpu.memref_squeeze %dma_wait3A_1428 : memref<1x1x8x128xf32, #tpu.memory_space<vmem>> -> memref<8x128xf32, #tpu.memory_space<vmem>>
      %dma_wait3A_1430 = arith.constant 0 : i32
      %dma_wait3A_1431 = arith.constant 0 : i32
      %dma_wait3A_1432 = tpu.memref_slice %arg4[%select_n3A_381, %dma_wait3A_1425, %add3A_384, %dma_wait3A_1430, %dma_wait3A_1431] : memref<50x8x128x8x128xf32, #tpu.memory_space<hbm>> -> memref<1x1x1x8x128xf32, #tpu.memory_space<hbm>>
      %dma_wait3A_1433 = tpu.memref_squeeze %dma_wait3A_1432 : memref<1x1x1x8x128xf32, #tpu.memory_space<hbm>> -> memref<8x128xf32, #tpu.memory_space<hbm>>
      %dma_wait3A_1434 = arith.constant 0 : i32
      %dma_wait3A_1435 = arith.constant 0 : i32
      %dma_wait3A_1436 = tpu.memref_slice %arg4[%select_n3A_381, %dma_wait3A_1425, %add3A_384, %dma_wait3A_1434, %dma_wait3A_1435] : memref<50x8x128x8x128xf32, #tpu.memory_space<hbm>> -> memref<1x1x1x8x128xf32, #tpu.memory_space<hbm>>
      %dma_wait3A_1437 = tpu.memref_squeeze %dma_wait3A_1436 : memref<1x1x1x8x128xf32, #tpu.memory_space<hbm>> -> memref<8x128xf32, #tpu.memory_space<hbm>>
      %dma_wait3A_1438 = arith.constant 0 : i32
      %dma_wait3A_1439 = arith.constant 0 : i32
      %dma_wait3A_1440 = tpu.memref_slice %arg7[%dma_wait3A_1423, %dma_wait3A_1424, %dma_wait3A_1438, %dma_wait3A_1439] : memref<5x8x8x132xf32, #tpu.memory_space<vmem>> -> memref<1x1x8x128xf32, #tpu.memory_space<vmem>>
      %dma_wait3A_1441 = tpu.memref_squeeze %dma_wait3A_1440 : memref<1x1x8x128xf32, #tpu.memory_space<vmem>> -> memref<8x128xf32, #tpu.memory_space<vmem>>
      tpu.wait_dma2 semaphore(%arg9 : memref<!tpu.dma_semaphore, #tpu.memory_space<semaphore_mem>>) src(%dma_wait3A_1441 : memref<8x128xf32, #tpu.memory_space<vmem>>) dst(%dma_wait3A_1437 : memref<8x128xf32, #tpu.memory_space<hbm>>)
      %dma_wait3A_1442 = arith.constant 0 : i32
      %dma_wait3A_1443 = arith.constant 3 : i32
      %dma_wait3A_1444 = arith.constant 3 : i32
      %dma_wait3A_1445 = arith.constant 0 : i32
      %dma_wait3A_1446 = arith.constant 0 : i32
      %dma_wait3A_1447 = tpu.memref_slice %arg7[%dma_wait3A_1442, %dma_wait3A_1443, %dma_wait3A_1445, %dma_wait3A_1446] : memref<5x8x8x132xf32, #tpu.memory_space<vmem>> -> memref<1x1x8x128xf32, #tpu.memory_space<vmem>>
      %dma_wait3A_1448 = tpu.memref_squeeze %dma_wait3A_1447 : memref<1x1x8x128xf32, #tpu.memory_space<vmem>> -> memref<8x128xf32, #tpu.memory_space<vmem>>
      %dma_wait3A_1449 = arith.constant 0 : i32
      %dma_wait3A_1450 = arith.constant 0 : i32
      %dma_wait3A_1451 = tpu.memref_slice %arg4[%select_n3A_381, %dma_wait3A_1444, %add3A_384, %dma_wait3A_1449, %dma_wait3A_1450] : memref<50x8x128x8x128xf32, #tpu.memory_space<hbm>> -> memref<1x1x1x8x128xf32, #tpu.memory_space<hbm>>
      %dma_wait3A_1452 = tpu.memref_squeeze %dma_wait3A_1451 : memref<1x1x1x8x128xf32, #tpu.memory_space<hbm>> -> memref<8x128xf32, #tpu.memory_space<hbm>>
      %dma_wait3A_1453 = arith.constant 0 : i32
      %dma_wait3A_1454 = arith.constant 0 : i32
      %dma_wait3A_1455 = tpu.memref_slice %arg4[%select_n3A_381, %dma_wait3A_1444, %add3A_384, %dma_wait3A_1453, %dma_wait3A_1454] : memref<50x8x128x8x128xf32, #tpu.memory_space<hbm>> -> memref<1x1x1x8x128xf32, #tpu.memory_space<hbm>>
      %dma_wait3A_1456 = tpu.memref_squeeze %dma_wait3A_1455 : memref<1x1x1x8x128xf32, #tpu.memory_space<hbm>> -> memref<8x128xf32, #tpu.memory_space<hbm>>
      %dma_wait3A_1457 = arith.constant 0 : i32
      %dma_wait3A_1458 = arith.constant 0 : i32
      %dma_wait3A_1459 = tpu.memref_slice %arg7[%dma_wait3A_1442, %dma_wait3A_1443, %dma_wait3A_1457, %dma_wait3A_1458] : memref<5x8x8x132xf32, #tpu.memory_space<vmem>> -> memref<1x1x8x128xf32, #tpu.memory_space<vmem>>
      %dma_wait3A_1460 = tpu.memref_squeeze %dma_wait3A_1459 : memref<1x1x8x128xf32, #tpu.memory_space<vmem>> -> memref<8x128xf32, #tpu.memory_space<vmem>>
      tpu.wait_dma2 semaphore(%arg9 : memref<!tpu.dma_semaphore, #tpu.memory_space<semaphore_mem>>) src(%dma_wait3A_1460 : memref<8x128xf32, #tpu.memory_space<vmem>>) dst(%dma_wait3A_1456 : memref<8x128xf32, #tpu.memory_space<hbm>>)
      %dma_wait3A_1461 = arith.constant 0 : i32
      %dma_wait3A_1462 = arith.constant 4 : i32
      %dma_wait3A_1463 = arith.constant 4 : i32
      %dma_wait3A_1464 = arith.constant 0 : i32
      %dma_wait3A_1465 = arith.constant 0 : i32
      %dma_wait3A_1466 = tpu.memref_slice %arg7[%dma_wait3A_1461, %dma_wait3A_1462, %dma_wait3A_1464, %dma_wait3A_1465] : memref<5x8x8x132xf32, #tpu.memory_space<vmem>> -> memref<1x1x8x128xf32, #tpu.memory_space<vmem>>
      %dma_wait3A_1467 = tpu.memref_squeeze %dma_wait3A_1466 : memref<1x1x8x128xf32, #tpu.memory_space<vmem>> -> memref<8x128xf32, #tpu.memory_space<vmem>>
      %dma_wait3A_1468 = arith.constant 0 : i32
      %dma_wait3A_1469 = arith.constant 0 : i32
      %dma_wait3A_1470 = tpu.memref_slice %arg4[%select_n3A_381, %dma_wait3A_1463, %add3A_384, %dma_wait3A_1468, %dma_wait3A_1469] : memref<50x8x128x8x128xf32, #tpu.memory_space<hbm>> -> memref<1x1x1x8x128xf32, #tpu.memory_space<hbm>>
      %dma_wait3A_1471 = tpu.memref_squeeze %dma_wait3A_1470 : memref<1x1x1x8x128xf32, #tpu.memory_space<hbm>> -> memref<8x128xf32, #tpu.memory_space<hbm>>
      %dma_wait3A_1472 = arith.constant 0 : i32
      %dma_wait3A_1473 = arith.constant 0 : i32
      %dma_wait3A_1474 = tpu.memref_slice %arg4[%select_n3A_381, %dma_wait3A_1463, %add3A_384, %dma_wait3A_1472, %dma_wait3A_1473] : memref<50x8x128x8x128xf32, #tpu.memory_space<hbm>> -> memref<1x1x1x8x128xf32, #tpu.memory_space<hbm>>
      %dma_wait3A_1475 = tpu.memref_squeeze %dma_wait3A_1474 : memref<1x1x1x8x128xf32, #tpu.memory_space<hbm>> -> memref<8x128xf32, #tpu.memory_space<hbm>>
      %dma_wait3A_1476 = arith.constant 0 : i32
      %dma_wait3A_1477 = arith.constant 0 : i32
      %dma_wait3A_1478 = tpu.memref_slice %arg7[%dma_wait3A_1461, %dma_wait3A_1462, %dma_wait3A_1476, %dma_wait3A_1477] : memref<5x8x8x132xf32, #tpu.memory_space<vmem>> -> memref<1x1x8x128xf32, #tpu.memory_space<vmem>>
      %dma_wait3A_1479 = tpu.memref_squeeze %dma_wait3A_1478 : memref<1x1x8x128xf32, #tpu.memory_space<vmem>> -> memref<8x128xf32, #tpu.memory_space<vmem>>
      tpu.wait_dma2 semaphore(%arg9 : memref<!tpu.dma_semaphore, #tpu.memory_space<semaphore_mem>>) src(%dma_wait3A_1479 : memref<8x128xf32, #tpu.memory_space<vmem>>) dst(%dma_wait3A_1475 : memref<8x128xf32, #tpu.memory_space<hbm>>)
      %dma_wait3A_1480 = arith.constant 0 : i32
      %dma_wait3A_1481 = arith.constant 5 : i32
      %dma_wait3A_1482 = arith.constant 5 : i32
      %dma_wait3A_1483 = arith.constant 0 : i32
      %dma_wait3A_1484 = arith.constant 0 : i32
      %dma_wait3A_1485 = tpu.memref_slice %arg7[%dma_wait3A_1480, %dma_wait3A_1481, %dma_wait3A_1483, %dma_wait3A_1484] : memref<5x8x8x132xf32, #tpu.memory_space<vmem>> -> memref<1x1x8x128xf32, #tpu.memory_space<vmem>>
      %dma_wait3A_1486 = tpu.memref_squeeze %dma_wait3A_1485 : memref<1x1x8x128xf32, #tpu.memory_space<vmem>> -> memref<8x128xf32, #tpu.memory_space<vmem>>
      %dma_wait3A_1487 = arith.constant 0 : i32
      %dma_wait3A_1488 = arith.constant 0 : i32
      %dma_wait3A_1489 = tpu.memref_slice %arg4[%select_n3A_381, %dma_wait3A_1482, %add3A_384, %dma_wait3A_1487, %dma_wait3A_1488] : memref<50x8x128x8x128xf32, #tpu.memory_space<hbm>> -> memref<1x1x1x8x128xf32, #tpu.memory_space<hbm>>
      %dma_wait3A_1490 = tpu.memref_squeeze %dma_wait3A_1489 : memref<1x1x1x8x128xf32, #tpu.memory_space<hbm>> -> memref<8x128xf32, #tpu.memory_space<hbm>>
      %dma_wait3A_1491 = arith.constant 0 : i32
      %dma_wait3A_1492 = arith.constant 0 : i32
      %dma_wait3A_1493 = tpu.memref_slice %arg4[%select_n3A_381, %dma_wait3A_1482, %add3A_384, %dma_wait3A_1491, %dma_wait3A_1492] : memref<50x8x128x8x128xf32, #tpu.memory_space<hbm>> -> memref<1x1x1x8x128xf32, #tpu.memory_space<hbm>>
      %dma_wait3A_1494 = tpu.memref_squeeze %dma_wait3A_1493 : memref<1x1x1x8x128xf32, #tpu.memory_space<hbm>> -> memref<8x128xf32, #tpu.memory_space<hbm>>
      %dma_wait3A_1495 = arith.constant 0 : i32
      %dma_wait3A_1496 = arith.constant 0 : i32
      %dma_wait3A_1497 = tpu.memref_slice %arg7[%dma_wait3A_1480, %dma_wait3A_1481, %dma_wait3A_1495, %dma_wait3A_1496] : memref<5x8x8x132xf32, #tpu.memory_space<vmem>> -> memref<1x1x8x128xf32, #tpu.memory_space<vmem>>
      %dma_wait3A_1498 = tpu.memref_squeeze %dma_wait3A_1497 : memref<1x1x8x128xf32, #tpu.memory_space<vmem>> -> memref<8x128xf32, #tpu.memory_space<vmem>>
      tpu.wait_dma2 semaphore(%arg9 : memref<!tpu.dma_semaphore, #tpu.memory_space<semaphore_mem>>) src(%dma_wait3A_1498 : memref<8x128xf32, #tpu.memory_space<vmem>>) dst(%dma_wait3A_1494 : memref<8x128xf32, #tpu.memory_space<hbm>>)
      %dma_wait3A_1499 = arith.constant 0 : i32
      %dma_wait3A_1500 = arith.constant 6 : i32
      %dma_wait3A_1501 = arith.constant 6 : i32
      %dma_wait3A_1502 = arith.constant 0 : i32
      %dma_wait3A_1503 = arith.constant 0 : i32
      %dma_wait3A_1504 = tpu.memref_slice %arg7[%dma_wait3A_1499, %dma_wait3A_1500, %dma_wait3A_1502, %dma_wait3A_1503] : memref<5x8x8x132xf32, #tpu.memory_space<vmem>> -> memref<1x1x8x128xf32, #tpu.memory_space<vmem>>
      %dma_wait3A_1505 = tpu.memref_squeeze %dma_wait3A_1504 : memref<1x1x8x128xf32, #tpu.memory_space<vmem>> -> memref<8x128xf32, #tpu.memory_space<vmem>>
      %dma_wait3A_1506 = arith.constant 0 : i32
      %dma_wait3A_1507 = arith.constant 0 : i32
      %dma_wait3A_1508 = tpu.memref_slice %arg4[%select_n3A_381, %dma_wait3A_1501, %add3A_384, %dma_wait3A_1506, %dma_wait3A_1507] : memref<50x8x128x8x128xf32, #tpu.memory_space<hbm>> -> memref<1x1x1x8x128xf32, #tpu.memory_space<hbm>>
      %dma_wait3A_1509 = tpu.memref_squeeze %dma_wait3A_1508 : memref<1x1x1x8x128xf32, #tpu.memory_space<hbm>> -> memref<8x128xf32, #tpu.memory_space<hbm>>
      %dma_wait3A_1510 = arith.constant 0 : i32
      %dma_wait3A_1511 = arith.constant 0 : i32
      %dma_wait3A_1512 = tpu.memref_slice %arg4[%select_n3A_381, %dma_wait3A_1501, %add3A_384, %dma_wait3A_1510, %dma_wait3A_1511] : memref<50x8x128x8x128xf32, #tpu.memory_space<hbm>> -> memref<1x1x1x8x128xf32, #tpu.memory_space<hbm>>
      %dma_wait3A_1513 = tpu.memref_squeeze %dma_wait3A_1512 : memref<1x1x1x8x128xf32, #tpu.memory_space<hbm>> -> memref<8x128xf32, #tpu.memory_space<hbm>>
      %dma_wait3A_1514 = arith.constant 0 : i32
      %dma_wait3A_1515 = arith.constant 0 : i32
      %dma_wait3A_1516 = tpu.memref_slice %arg7[%dma_wait3A_1499, %dma_wait3A_1500, %dma_wait3A_1514, %dma_wait3A_1515] : memref<5x8x8x132xf32, #tpu.memory_space<vmem>> -> memref<1x1x8x128xf32, #tpu.memory_space<vmem>>
      %dma_wait3A_1517 = tpu.memref_squeeze %dma_wait3A_1516 : memref<1x1x8x128xf32, #tpu.memory_space<vmem>> -> memref<8x128xf32, #tpu.memory_space<vmem>>
      tpu.wait_dma2 semaphore(%arg9 : memref<!tpu.dma_semaphore, #tpu.memory_space<semaphore_mem>>) src(%dma_wait3A_1517 : memref<8x128xf32, #tpu.memory_space<vmem>>) dst(%dma_wait3A_1513 : memref<8x128xf32, #tpu.memory_space<hbm>>)
      %dma_wait3A_1518 = arith.constant 0 : i32
      %dma_wait3A_1519 = arith.constant 7 : i32
      %dma_wait3A_1520 = arith.constant 7 : i32
      %dma_wait3A_1521 = arith.constant 0 : i32
      %dma_wait3A_1522 = arith.constant 0 : i32
      %dma_wait3A_1523 = tpu.memref_slice %arg7[%dma_wait3A_1518, %dma_wait3A_1519, %dma_wait3A_1521, %dma_wait3A_1522] : memref<5x8x8x132xf32, #tpu.memory_space<vmem>> -> memref<1x1x8x128xf32, #tpu.memory_space<vmem>>
      %dma_wait3A_1524 = tpu.memref_squeeze %dma_wait3A_1523 : memref<1x1x8x128xf32, #tpu.memory_space<vmem>> -> memref<8x128xf32, #tpu.memory_space<vmem>>
      %dma_wait3A_1525 = arith.constant 0 : i32
      %dma_wait3A_1526 = arith.constant 0 : i32
      %dma_wait3A_1527 = tpu.memref_slice %arg4[%select_n3A_381, %dma_wait3A_1520, %add3A_384, %dma_wait3A_1525, %dma_wait3A_1526] : memref<50x8x128x8x128xf32, #tpu.memory_space<hbm>> -> memref<1x1x1x8x128xf32, #tpu.memory_space<hbm>>
      %dma_wait3A_1528 = tpu.memref_squeeze %dma_wait3A_1527 : memref<1x1x1x8x128xf32, #tpu.memory_space<hbm>> -> memref<8x128xf32, #tpu.memory_space<hbm>>
      %dma_wait3A_1529 = arith.constant 0 : i32
      %dma_wait3A_1530 = arith.constant 0 : i32
      %dma_wait3A_1531 = tpu.memref_slice %arg4[%select_n3A_381, %dma_wait3A_1520, %add3A_384, %dma_wait3A_1529, %dma_wait3A_1530] : memref<50x8x128x8x128xf32, #tpu.memory_space<hbm>> -> memref<1x1x1x8x128xf32, #tpu.memory_space<hbm>>
      %dma_wait3A_1532 = tpu.memref_squeeze %dma_wait3A_1531 : memref<1x1x1x8x128xf32, #tpu.memory_space<hbm>> -> memref<8x128xf32, #tpu.memory_space<hbm>>
      %dma_wait3A_1533 = arith.constant 0 : i32
      %dma_wait3A_1534 = arith.constant 0 : i32
      %dma_wait3A_1535 = tpu.memref_slice %arg7[%dma_wait3A_1518, %dma_wait3A_1519, %dma_wait3A_1533, %dma_wait3A_1534] : memref<5x8x8x132xf32, #tpu.memory_space<vmem>> -> memref<1x1x8x128xf32, #tpu.memory_space<vmem>>
      %dma_wait3A_1536 = tpu.memref_squeeze %dma_wait3A_1535 : memref<1x1x8x128xf32, #tpu.memory_space<vmem>> -> memref<8x128xf32, #tpu.memory_space<vmem>>
      tpu.wait_dma2 semaphore(%arg9 : memref<!tpu.dma_semaphore, #tpu.memory_space<semaphore_mem>>) src(%dma_wait3A_1536 : memref<8x128xf32, #tpu.memory_space<vmem>>) dst(%dma_wait3A_1532 : memref<8x128xf32, #tpu.memory_space<hbm>>)
      %dma_wait3A_1537 = arith.constant 1 : i32
      %dma_wait3A_1538 = arith.constant 0 : i32
      %dma_wait3A_1539 = arith.constant 0 : i32
      %dma_wait3A_1540 = arith.constant 0 : i32
      %dma_wait3A_1541 = arith.constant 0 : i32
      %dma_wait3A_1542 = tpu.memref_slice %arg7[%dma_wait3A_1537, %dma_wait3A_1538, %dma_wait3A_1540, %dma_wait3A_1541] : memref<5x8x8x132xf32, #tpu.memory_space<vmem>> -> memref<1x1x8x128xf32, #tpu.memory_space<vmem>>
      %dma_wait3A_1543 = tpu.memref_squeeze %dma_wait3A_1542 : memref<1x1x8x128xf32, #tpu.memory_space<vmem>> -> memref<8x128xf32, #tpu.memory_space<vmem>>
      %dma_wait3A_1544 = arith.constant 0 : i32
      %dma_wait3A_1545 = arith.constant 0 : i32
      %dma_wait3A_1546 = tpu.memref_slice %arg4[%select_n3A_593, %dma_wait3A_1539, %add3A_596, %dma_wait3A_1544, %dma_wait3A_1545] : memref<50x8x128x8x128xf32, #tpu.memory_space<hbm>> -> memref<1x1x1x8x128xf32, #tpu.memory_space<hbm>>
      %dma_wait3A_1547 = tpu.memref_squeeze %dma_wait3A_1546 : memref<1x1x1x8x128xf32, #tpu.memory_space<hbm>> -> memref<8x128xf32, #tpu.memory_space<hbm>>
      %dma_wait3A_1548 = arith.constant 0 : i32
      %dma_wait3A_1549 = arith.constant 0 : i32
      %dma_wait3A_1550 = tpu.memref_slice %arg4[%select_n3A_593, %dma_wait3A_1539, %add3A_596, %dma_wait3A_1548, %dma_wait3A_1549] : memref<50x8x128x8x128xf32, #tpu.memory_space<hbm>> -> memref<1x1x1x8x128xf32, #tpu.memory_space<hbm>>
      %dma_wait3A_1551 = tpu.memref_squeeze %dma_wait3A_1550 : memref<1x1x1x8x128xf32, #tpu.memory_space<hbm>> -> memref<8x128xf32, #tpu.memory_space<hbm>>
      %dma_wait3A_1552 = arith.constant 0 : i32
      %dma_wait3A_1553 = arith.constant 0 : i32
      %dma_wait3A_1554 = tpu.memref_slice %arg7[%dma_wait3A_1537, %dma_wait3A_1538, %dma_wait3A_1552, %dma_wait3A_1553] : memref<5x8x8x132xf32, #tpu.memory_space<vmem>> -> memref<1x1x8x128xf32, #tpu.memory_space<vmem>>
      %dma_wait3A_1555 = tpu.memref_squeeze %dma_wait3A_1554 : memref<1x1x8x128xf32, #tpu.memory_space<vmem>> -> memref<8x128xf32, #tpu.memory_space<vmem>>
      tpu.wait_dma2 semaphore(%arg9 : memref<!tpu.dma_semaphore, #tpu.memory_space<semaphore_mem>>) src(%dma_wait3A_1555 : memref<8x128xf32, #tpu.memory_space<vmem>>) dst(%dma_wait3A_1551 : memref<8x128xf32, #tpu.memory_space<hbm>>)
      %dma_wait3A_1556 = arith.constant 1 : i32
      %dma_wait3A_1557 = arith.constant 1 : i32
      %dma_wait3A_1558 = arith.constant 1 : i32
      %dma_wait3A_1559 = arith.constant 0 : i32
      %dma_wait3A_1560 = arith.constant 0 : i32
      %dma_wait3A_1561 = tpu.memref_slice %arg7[%dma_wait3A_1556, %dma_wait3A_1557, %dma_wait3A_1559, %dma_wait3A_1560] : memref<5x8x8x132xf32, #tpu.memory_space<vmem>> -> memref<1x1x8x128xf32, #tpu.memory_space<vmem>>
      %dma_wait3A_1562 = tpu.memref_squeeze %dma_wait3A_1561 : memref<1x1x8x128xf32, #tpu.memory_space<vmem>> -> memref<8x128xf32, #tpu.memory_space<vmem>>
      %dma_wait3A_1563 = arith.constant 0 : i32
      %dma_wait3A_1564 = arith.constant 0 : i32
      %dma_wait3A_1565 = tpu.memref_slice %arg4[%select_n3A_593, %dma_wait3A_1558, %add3A_596, %dma_wait3A_1563, %dma_wait3A_1564] : memref<50x8x128x8x128xf32, #tpu.memory_space<hbm>> -> memref<1x1x1x8x128xf32, #tpu.memory_space<hbm>>
      %dma_wait3A_1566 = tpu.memref_squeeze %dma_wait3A_1565 : memref<1x1x1x8x128xf32, #tpu.memory_space<hbm>> -> memref<8x128xf32, #tpu.memory_space<hbm>>
      %dma_wait3A_1567 = arith.constant 0 : i32
      %dma_wait3A_1568 = arith.constant 0 : i32
      %dma_wait3A_1569 = tpu.memref_slice %arg4[%select_n3A_593, %dma_wait3A_1558, %add3A_596, %dma_wait3A_1567, %dma_wait3A_1568] : memref<50x8x128x8x128xf32, #tpu.memory_space<hbm>> -> memref<1x1x1x8x128xf32, #tpu.memory_space<hbm>>
      %dma_wait3A_1570 = tpu.memref_squeeze %dma_wait3A_1569 : memref<1x1x1x8x128xf32, #tpu.memory_space<hbm>> -> memref<8x128xf32, #tpu.memory_space<hbm>>
      %dma_wait3A_1571 = arith.constant 0 : i32
      %dma_wait3A_1572 = arith.constant 0 : i32
      %dma_wait3A_1573 = tpu.memref_slice %arg7[%dma_wait3A_1556, %dma_wait3A_1557, %dma_wait3A_1571, %dma_wait3A_1572] : memref<5x8x8x132xf32, #tpu.memory_space<vmem>> -> memref<1x1x8x128xf32, #tpu.memory_space<vmem>>
      %dma_wait3A_1574 = tpu.memref_squeeze %dma_wait3A_1573 : memref<1x1x8x128xf32, #tpu.memory_space<vmem>> -> memref<8x128xf32, #tpu.memory_space<vmem>>
      tpu.wait_dma2 semaphore(%arg9 : memref<!tpu.dma_semaphore, #tpu.memory_space<semaphore_mem>>) src(%dma_wait3A_1574 : memref<8x128xf32, #tpu.memory_space<vmem>>) dst(%dma_wait3A_1570 : memref<8x128xf32, #tpu.memory_space<hbm>>)
      %dma_wait3A_1575 = arith.constant 1 : i32
      %dma_wait3A_1576 = arith.constant 2 : i32
      %dma_wait3A_1577 = arith.constant 2 : i32
      %dma_wait3A_1578 = arith.constant 0 : i32
      %dma_wait3A_1579 = arith.constant 0 : i32
      %dma_wait3A_1580 = tpu.memref_slice %arg7[%dma_wait3A_1575, %dma_wait3A_1576, %dma_wait3A_1578, %dma_wait3A_1579] : memref<5x8x8x132xf32, #tpu.memory_space<vmem>> -> memref<1x1x8x128xf32, #tpu.memory_space<vmem>>
      %dma_wait3A_1581 = tpu.memref_squeeze %dma_wait3A_1580 : memref<1x1x8x128xf32, #tpu.memory_space<vmem>> -> memref<8x128xf32, #tpu.memory_space<vmem>>
      %dma_wait3A_1582 = arith.constant 0 : i32
      %dma_wait3A_1583 = arith.constant 0 : i32
      %dma_wait3A_1584 = tpu.memref_slice %arg4[%select_n3A_593, %dma_wait3A_1577, %add3A_596, %dma_wait3A_1582, %dma_wait3A_1583] : memref<50x8x128x8x128xf32, #tpu.memory_space<hbm>> -> memref<1x1x1x8x128xf32, #tpu.memory_space<hbm>>
      %dma_wait3A_1585 = tpu.memref_squeeze %dma_wait3A_1584 : memref<1x1x1x8x128xf32, #tpu.memory_space<hbm>> -> memref<8x128xf32, #tpu.memory_space<hbm>>
      %dma_wait3A_1586 = arith.constant 0 : i32
      %dma_wait3A_1587 = arith.constant 0 : i32
      %dma_wait3A_1588 = tpu.memref_slice %arg4[%select_n3A_593, %dma_wait3A_1577, %add3A_596, %dma_wait3A_1586, %dma_wait3A_1587] : memref<50x8x128x8x128xf32, #tpu.memory_space<hbm>> -> memref<1x1x1x8x128xf32, #tpu.memory_space<hbm>>
      %dma_wait3A_1589 = tpu.memref_squeeze %dma_wait3A_1588 : memref<1x1x1x8x128xf32, #tpu.memory_space<hbm>> -> memref<8x128xf32, #tpu.memory_space<hbm>>
      %dma_wait3A_1590 = arith.constant 0 : i32
      %dma_wait3A_1591 = arith.constant 0 : i32
      %dma_wait3A_1592 = tpu.memref_slice %arg7[%dma_wait3A_1575, %dma_wait3A_1576, %dma_wait3A_1590, %dma_wait3A_1591] : memref<5x8x8x132xf32, #tpu.memory_space<vmem>> -> memref<1x1x8x128xf32, #tpu.memory_space<vmem>>
      %dma_wait3A_1593 = tpu.memref_squeeze %dma_wait3A_1592 : memref<1x1x8x128xf32, #tpu.memory_space<vmem>> -> memref<8x128xf32, #tpu.memory_space<vmem>>
      tpu.wait_dma2 semaphore(%arg9 : memref<!tpu.dma_semaphore, #tpu.memory_space<semaphore_mem>>) src(%dma_wait3A_1593 : memref<8x128xf32, #tpu.memory_space<vmem>>) dst(%dma_wait3A_1589 : memref<8x128xf32, #tpu.memory_space<hbm>>)
      %dma_wait3A_1594 = arith.constant 1 : i32
      %dma_wait3A_1595 = arith.constant 3 : i32
      %dma_wait3A_1596 = arith.constant 3 : i32
      %dma_wait3A_1597 = arith.constant 0 : i32
      %dma_wait3A_1598 = arith.constant 0 : i32
      %dma_wait3A_1599 = tpu.memref_slice %arg7[%dma_wait3A_1594, %dma_wait3A_1595, %dma_wait3A_1597, %dma_wait3A_1598] : memref<5x8x8x132xf32, #tpu.memory_space<vmem>> -> memref<1x1x8x128xf32, #tpu.memory_space<vmem>>
      %dma_wait3A_1600 = tpu.memref_squeeze %dma_wait3A_1599 : memref<1x1x8x128xf32, #tpu.memory_space<vmem>> -> memref<8x128xf32, #tpu.memory_space<vmem>>
      %dma_wait3A_1601 = arith.constant 0 : i32
      %dma_wait3A_1602 = arith.constant 0 : i32
      %dma_wait3A_1603 = tpu.memref_slice %arg4[%select_n3A_593, %dma_wait3A_1596, %add3A_596, %dma_wait3A_1601, %dma_wait3A_1602] : memref<50x8x128x8x128xf32, #tpu.memory_space<hbm>> -> memref<1x1x1x8x128xf32, #tpu.memory_space<hbm>>
      %dma_wait3A_1604 = tpu.memref_squeeze %dma_wait3A_1603 : memref<1x1x1x8x128xf32, #tpu.memory_space<hbm>> -> memref<8x128xf32, #tpu.memory_space<hbm>>
      %dma_wait3A_1605 = arith.constant 0 : i32
      %dma_wait3A_1606 = arith.constant 0 : i32
      %dma_wait3A_1607 = tpu.memref_slice %arg4[%select_n3A_593, %dma_wait3A_1596, %add3A_596, %dma_wait3A_1605, %dma_wait3A_1606] : memref<50x8x128x8x128xf32, #tpu.memory_space<hbm>> -> memref<1x1x1x8x128xf32, #tpu.memory_space<hbm>>
      %dma_wait3A_1608 = tpu.memref_squeeze %dma_wait3A_1607 : memref<1x1x1x8x128xf32, #tpu.memory_space<hbm>> -> memref<8x128xf32, #tpu.memory_space<hbm>>
      %dma_wait3A_1609 = arith.constant 0 : i32
      %dma_wait3A_1610 = arith.constant 0 : i32
      %dma_wait3A_1611 = tpu.memref_slice %arg7[%dma_wait3A_1594, %dma_wait3A_1595, %dma_wait3A_1609, %dma_wait3A_1610] : memref<5x8x8x132xf32, #tpu.memory_space<vmem>> -> memref<1x1x8x128xf32, #tpu.memory_space<vmem>>
      %dma_wait3A_1612 = tpu.memref_squeeze %dma_wait3A_1611 : memref<1x1x8x128xf32, #tpu.memory_space<vmem>> -> memref<8x128xf32, #tpu.memory_space<vmem>>
      tpu.wait_dma2 semaphore(%arg9 : memref<!tpu.dma_semaphore, #tpu.memory_space<semaphore_mem>>) src(%dma_wait3A_1612 : memref<8x128xf32, #tpu.memory_space<vmem>>) dst(%dma_wait3A_1608 : memref<8x128xf32, #tpu.memory_space<hbm>>)
      %dma_wait3A_1613 = arith.constant 1 : i32
      %dma_wait3A_1614 = arith.constant 4 : i32
      %dma_wait3A_1615 = arith.constant 4 : i32
      %dma_wait3A_1616 = arith.constant 0 : i32
      %dma_wait3A_1617 = arith.constant 0 : i32
      %dma_wait3A_1618 = tpu.memref_slice %arg7[%dma_wait3A_1613, %dma_wait3A_1614, %dma_wait3A_1616, %dma_wait3A_1617] : memref<5x8x8x132xf32, #tpu.memory_space<vmem>> -> memref<1x1x8x128xf32, #tpu.memory_space<vmem>>
      %dma_wait3A_1619 = tpu.memref_squeeze %dma_wait3A_1618 : memref<1x1x8x128xf32, #tpu.memory_space<vmem>> -> memref<8x128xf32, #tpu.memory_space<vmem>>
      %dma_wait3A_1620 = arith.constant 0 : i32
      %dma_wait3A_1621 = arith.constant 0 : i32
      %dma_wait3A_1622 = tpu.memref_slice %arg4[%select_n3A_593, %dma_wait3A_1615, %add3A_596, %dma_wait3A_1620, %dma_wait3A_1621] : memref<50x8x128x8x128xf32, #tpu.memory_space<hbm>> -> memref<1x1x1x8x128xf32, #tpu.memory_space<hbm>>
      %dma_wait3A_1623 = tpu.memref_squeeze %dma_wait3A_1622 : memref<1x1x1x8x128xf32, #tpu.memory_space<hbm>> -> memref<8x128xf32, #tpu.memory_space<hbm>>
      %dma_wait3A_1624 = arith.constant 0 : i32
      %dma_wait3A_1625 = arith.constant 0 : i32
      %dma_wait3A_1626 = tpu.memref_slice %arg4[%select_n3A_593, %dma_wait3A_1615, %add3A_596, %dma_wait3A_1624, %dma_wait3A_1625] : memref<50x8x128x8x128xf32, #tpu.memory_space<hbm>> -> memref<1x1x1x8x128xf32, #tpu.memory_space<hbm>>
      %dma_wait3A_1627 = tpu.memref_squeeze %dma_wait3A_1626 : memref<1x1x1x8x128xf32, #tpu.memory_space<hbm>> -> memref<8x128xf32, #tpu.memory_space<hbm>>
      %dma_wait3A_1628 = arith.constant 0 : i32
      %dma_wait3A_1629 = arith.constant 0 : i32
      %dma_wait3A_1630 = tpu.memref_slice %arg7[%dma_wait3A_1613, %dma_wait3A_1614, %dma_wait3A_1628, %dma_wait3A_1629] : memref<5x8x8x132xf32, #tpu.memory_space<vmem>> -> memref<1x1x8x128xf32, #tpu.memory_space<vmem>>
      %dma_wait3A_1631 = tpu.memref_squeeze %dma_wait3A_1630 : memref<1x1x8x128xf32, #tpu.memory_space<vmem>> -> memref<8x128xf32, #tpu.memory_space<vmem>>
      tpu.wait_dma2 semaphore(%arg9 : memref<!tpu.dma_semaphore, #tpu.memory_space<semaphore_mem>>) src(%dma_wait3A_1631 : memref<8x128xf32, #tpu.memory_space<vmem>>) dst(%dma_wait3A_1627 : memref<8x128xf32, #tpu.memory_space<hbm>>)
      %dma_wait3A_1632 = arith.constant 1 : i32
      %dma_wait3A_1633 = arith.constant 5 : i32
      %dma_wait3A_1634 = arith.constant 5 : i32
      %dma_wait3A_1635 = arith.constant 0 : i32
      %dma_wait3A_1636 = arith.constant 0 : i32
      %dma_wait3A_1637 = tpu.memref_slice %arg7[%dma_wait3A_1632, %dma_wait3A_1633, %dma_wait3A_1635, %dma_wait3A_1636] : memref<5x8x8x132xf32, #tpu.memory_space<vmem>> -> memref<1x1x8x128xf32, #tpu.memory_space<vmem>>
      %dma_wait3A_1638 = tpu.memref_squeeze %dma_wait3A_1637 : memref<1x1x8x128xf32, #tpu.memory_space<vmem>> -> memref<8x128xf32, #tpu.memory_space<vmem>>
      %dma_wait3A_1639 = arith.constant 0 : i32
      %dma_wait3A_1640 = arith.constant 0 : i32
      %dma_wait3A_1641 = tpu.memref_slice %arg4[%select_n3A_593, %dma_wait3A_1634, %add3A_596, %dma_wait3A_1639, %dma_wait3A_1640] : memref<50x8x128x8x128xf32, #tpu.memory_space<hbm>> -> memref<1x1x1x8x128xf32, #tpu.memory_space<hbm>>
      %dma_wait3A_1642 = tpu.memref_squeeze %dma_wait3A_1641 : memref<1x1x1x8x128xf32, #tpu.memory_space<hbm>> -> memref<8x128xf32, #tpu.memory_space<hbm>>
      %dma_wait3A_1643 = arith.constant 0 : i32
      %dma_wait3A_1644 = arith.constant 0 : i32
      %dma_wait3A_1645 = tpu.memref_slice %arg4[%select_n3A_593, %dma_wait3A_1634, %add3A_596, %dma_wait3A_1643, %dma_wait3A_1644] : memref<50x8x128x8x128xf32, #tpu.memory_space<hbm>> -> memref<1x1x1x8x128xf32, #tpu.memory_space<hbm>>
      %dma_wait3A_1646 = tpu.memref_squeeze %dma_wait3A_1645 : memref<1x1x1x8x128xf32, #tpu.memory_space<hbm>> -> memref<8x128xf32, #tpu.memory_space<hbm>>
      %dma_wait3A_1647 = arith.constant 0 : i32
      %dma_wait3A_1648 = arith.constant 0 : i32
      %dma_wait3A_1649 = tpu.memref_slice %arg7[%dma_wait3A_1632, %dma_wait3A_1633, %dma_wait3A_1647, %dma_wait3A_1648] : memref<5x8x8x132xf32, #tpu.memory_space<vmem>> -> memref<1x1x8x128xf32, #tpu.memory_space<vmem>>
      %dma_wait3A_1650 = tpu.memref_squeeze %dma_wait3A_1649 : memref<1x1x8x128xf32, #tpu.memory_space<vmem>> -> memref<8x128xf32, #tpu.memory_space<vmem>>
      tpu.wait_dma2 semaphore(%arg9 : memref<!tpu.dma_semaphore, #tpu.memory_space<semaphore_mem>>) src(%dma_wait3A_1650 : memref<8x128xf32, #tpu.memory_space<vmem>>) dst(%dma_wait3A_1646 : memref<8x128xf32, #tpu.memory_space<hbm>>)
      %dma_wait3A_1651 = arith.constant 1 : i32
      %dma_wait3A_1652 = arith.constant 6 : i32
      %dma_wait3A_1653 = arith.constant 6 : i32
      %dma_wait3A_1654 = arith.constant 0 : i32
      %dma_wait3A_1655 = arith.constant 0 : i32
      %dma_wait3A_1656 = tpu.memref_slice %arg7[%dma_wait3A_1651, %dma_wait3A_1652, %dma_wait3A_1654, %dma_wait3A_1655] : memref<5x8x8x132xf32, #tpu.memory_space<vmem>> -> memref<1x1x8x128xf32, #tpu.memory_space<vmem>>
      %dma_wait3A_1657 = tpu.memref_squeeze %dma_wait3A_1656 : memref<1x1x8x128xf32, #tpu.memory_space<vmem>> -> memref<8x128xf32, #tpu.memory_space<vmem>>
      %dma_wait3A_1658 = arith.constant 0 : i32
      %dma_wait3A_1659 = arith.constant 0 : i32
      %dma_wait3A_1660 = tpu.memref_slice %arg4[%select_n3A_593, %dma_wait3A_1653, %add3A_596, %dma_wait3A_1658, %dma_wait3A_1659] : memref<50x8x128x8x128xf32, #tpu.memory_space<hbm>> -> memref<1x1x1x8x128xf32, #tpu.memory_space<hbm>>
      %dma_wait3A_1661 = tpu.memref_squeeze %dma_wait3A_1660 : memref<1x1x1x8x128xf32, #tpu.memory_space<hbm>> -> memref<8x128xf32, #tpu.memory_space<hbm>>
      %dma_wait3A_1662 = arith.constant 0 : i32
      %dma_wait3A_1663 = arith.constant 0 : i32
      %dma_wait3A_1664 = tpu.memref_slice %arg4[%select_n3A_593, %dma_wait3A_1653, %add3A_596, %dma_wait3A_1662, %dma_wait3A_1663] : memref<50x8x128x8x128xf32, #tpu.memory_space<hbm>> -> memref<1x1x1x8x128xf32, #tpu.memory_space<hbm>>
      %dma_wait3A_1665 = tpu.memref_squeeze %dma_wait3A_1664 : memref<1x1x1x8x128xf32, #tpu.memory_space<hbm>> -> memref<8x128xf32, #tpu.memory_space<hbm>>
      %dma_wait3A_1666 = arith.constant 0 : i32
      %dma_wait3A_1667 = arith.constant 0 : i32
      %dma_wait3A_1668 = tpu.memref_slice %arg7[%dma_wait3A_1651, %dma_wait3A_1652, %dma_wait3A_1666, %dma_wait3A_1667] : memref<5x8x8x132xf32, #tpu.memory_space<vmem>> -> memref<1x1x8x128xf32, #tpu.memory_space<vmem>>
      %dma_wait3A_1669 = tpu.memref_squeeze %dma_wait3A_1668 : memref<1x1x8x128xf32, #tpu.memory_space<vmem>> -> memref<8x128xf32, #tpu.memory_space<vmem>>
      tpu.wait_dma2 semaphore(%arg9 : memref<!tpu.dma_semaphore, #tpu.memory_space<semaphore_mem>>) src(%dma_wait3A_1669 : memref<8x128xf32, #tpu.memory_space<vmem>>) dst(%dma_wait3A_1665 : memref<8x128xf32, #tpu.memory_space<hbm>>)
      %dma_wait3A_1670 = arith.constant 1 : i32
      %dma_wait3A_1671 = arith.constant 7 : i32
      %dma_wait3A_1672 = arith.constant 7 : i32
      %dma_wait3A_1673 = arith.constant 0 : i32
      %dma_wait3A_1674 = arith.constant 0 : i32
      %dma_wait3A_1675 = tpu.memref_slice %arg7[%dma_wait3A_1670, %dma_wait3A_1671, %dma_wait3A_1673, %dma_wait3A_1674] : memref<5x8x8x132xf32, #tpu.memory_space<vmem>> -> memref<1x1x8x128xf32, #tpu.memory_space<vmem>>
      %dma_wait3A_1676 = tpu.memref_squeeze %dma_wait3A_1675 : memref<1x1x8x128xf32, #tpu.memory_space<vmem>> -> memref<8x128xf32, #tpu.memory_space<vmem>>
      %dma_wait3A_1677 = arith.constant 0 : i32
      %dma_wait3A_1678 = arith.constant 0 : i32
      %dma_wait3A_1679 = tpu.memref_slice %arg4[%select_n3A_593, %dma_wait3A_1672, %add3A_596, %dma_wait3A_1677, %dma_wait3A_1678] : memref<50x8x128x8x128xf32, #tpu.memory_space<hbm>> -> memref<1x1x1x8x128xf32, #tpu.memory_space<hbm>>
      %dma_wait3A_1680 = tpu.memref_squeeze %dma_wait3A_1679 : memref<1x1x1x8x128xf32, #tpu.memory_space<hbm>> -> memref<8x128xf32, #tpu.memory_space<hbm>>
      %dma_wait3A_1681 = arith.constant 0 : i32
      %dma_wait3A_1682 = arith.constant 0 : i32
      %dma_wait3A_1683 = tpu.memref_slice %arg4[%select_n3A_593, %dma_wait3A_1672, %add3A_596, %dma_wait3A_1681, %dma_wait3A_1682] : memref<50x8x128x8x128xf32, #tpu.memory_space<hbm>> -> memref<1x1x1x8x128xf32, #tpu.memory_space<hbm>>
      %dma_wait3A_1684 = tpu.memref_squeeze %dma_wait3A_1683 : memref<1x1x1x8x128xf32, #tpu.memory_space<hbm>> -> memref<8x128xf32, #tpu.memory_space<hbm>>
      %dma_wait3A_1685 = arith.constant 0 : i32
      %dma_wait3A_1686 = arith.constant 0 : i32
      %dma_wait3A_1687 = tpu.memref_slice %arg7[%dma_wait3A_1670, %dma_wait3A_1671, %dma_wait3A_1685, %dma_wait3A_1686] : memref<5x8x8x132xf32, #tpu.memory_space<vmem>> -> memref<1x1x8x128xf32, #tpu.memory_space<vmem>>
      %dma_wait3A_1688 = tpu.memref_squeeze %dma_wait3A_1687 : memref<1x1x8x128xf32, #tpu.memory_space<vmem>> -> memref<8x128xf32, #tpu.memory_space<vmem>>
      tpu.wait_dma2 semaphore(%arg9 : memref<!tpu.dma_semaphore, #tpu.memory_space<semaphore_mem>>) src(%dma_wait3A_1688 : memref<8x128xf32, #tpu.memory_space<vmem>>) dst(%dma_wait3A_1684 : memref<8x128xf32, #tpu.memory_space<hbm>>)
      %dma_wait3A_1689 = arith.constant 2 : i32
      %dma_wait3A_1690 = arith.constant 0 : i32
      %dma_wait3A_1691 = arith.constant 0 : i32
      %dma_wait3A_1692 = arith.constant 0 : i32
      %dma_wait3A_1693 = arith.constant 0 : i32
      %dma_wait3A_1694 = tpu.memref_slice %arg7[%dma_wait3A_1689, %dma_wait3A_1690, %dma_wait3A_1692, %dma_wait3A_1693] : memref<5x8x8x132xf32, #tpu.memory_space<vmem>> -> memref<1x1x8x128xf32, #tpu.memory_space<vmem>>
      %dma_wait3A_1695 = tpu.memref_squeeze %dma_wait3A_1694 : memref<1x1x8x128xf32, #tpu.memory_space<vmem>> -> memref<8x128xf32, #tpu.memory_space<vmem>>
      %dma_wait3A_1696 = arith.constant 0 : i32
      %dma_wait3A_1697 = arith.constant 0 : i32
      %dma_wait3A_1698 = tpu.memref_slice %arg4[%select_n3A_805, %dma_wait3A_1691, %add3A_808, %dma_wait3A_1696, %dma_wait3A_1697] : memref<50x8x128x8x128xf32, #tpu.memory_space<hbm>> -> memref<1x1x1x8x128xf32, #tpu.memory_space<hbm>>
      %dma_wait3A_1699 = tpu.memref_squeeze %dma_wait3A_1698 : memref<1x1x1x8x128xf32, #tpu.memory_space<hbm>> -> memref<8x128xf32, #tpu.memory_space<hbm>>
      %dma_wait3A_1700 = arith.constant 0 : i32
      %dma_wait3A_1701 = arith.constant 0 : i32
      %dma_wait3A_1702 = tpu.memref_slice %arg4[%select_n3A_805, %dma_wait3A_1691, %add3A_808, %dma_wait3A_1700, %dma_wait3A_1701] : memref<50x8x128x8x128xf32, #tpu.memory_space<hbm>> -> memref<1x1x1x8x128xf32, #tpu.memory_space<hbm>>
      %dma_wait3A_1703 = tpu.memref_squeeze %dma_wait3A_1702 : memref<1x1x1x8x128xf32, #tpu.memory_space<hbm>> -> memref<8x128xf32, #tpu.memory_space<hbm>>
      %dma_wait3A_1704 = arith.constant 0 : i32
      %dma_wait3A_1705 = arith.constant 0 : i32
      %dma_wait3A_1706 = tpu.memref_slice %arg7[%dma_wait3A_1689, %dma_wait3A_1690, %dma_wait3A_1704, %dma_wait3A_1705] : memref<5x8x8x132xf32, #tpu.memory_space<vmem>> -> memref<1x1x8x128xf32, #tpu.memory_space<vmem>>
      %dma_wait3A_1707 = tpu.memref_squeeze %dma_wait3A_1706 : memref<1x1x8x128xf32, #tpu.memory_space<vmem>> -> memref<8x128xf32, #tpu.memory_space<vmem>>
      tpu.wait_dma2 semaphore(%arg9 : memref<!tpu.dma_semaphore, #tpu.memory_space<semaphore_mem>>) src(%dma_wait3A_1707 : memref<8x128xf32, #tpu.memory_space<vmem>>) dst(%dma_wait3A_1703 : memref<8x128xf32, #tpu.memory_space<hbm>>)
      %dma_wait3A_1708 = arith.constant 2 : i32
      %dma_wait3A_1709 = arith.constant 1 : i32
      %dma_wait3A_1710 = arith.constant 1 : i32
      %dma_wait3A_1711 = arith.constant 0 : i32
      %dma_wait3A_1712 = arith.constant 0 : i32
      %dma_wait3A_1713 = tpu.memref_slice %arg7[%dma_wait3A_1708, %dma_wait3A_1709, %dma_wait3A_1711, %dma_wait3A_1712] : memref<5x8x8x132xf32, #tpu.memory_space<vmem>> -> memref<1x1x8x128xf32, #tpu.memory_space<vmem>>
      %dma_wait3A_1714 = tpu.memref_squeeze %dma_wait3A_1713 : memref<1x1x8x128xf32, #tpu.memory_space<vmem>> -> memref<8x128xf32, #tpu.memory_space<vmem>>
      %dma_wait3A_1715 = arith.constant 0 : i32
      %dma_wait3A_1716 = arith.constant 0 : i32
      %dma_wait3A_1717 = tpu.memref_slice %arg4[%select_n3A_805, %dma_wait3A_1710, %add3A_808, %dma_wait3A_1715, %dma_wait3A_1716] : memref<50x8x128x8x128xf32, #tpu.memory_space<hbm>> -> memref<1x1x1x8x128xf32, #tpu.memory_space<hbm>>
      %dma_wait3A_1718 = tpu.memref_squeeze %dma_wait3A_1717 : memref<1x1x1x8x128xf32, #tpu.memory_space<hbm>> -> memref<8x128xf32, #tpu.memory_space<hbm>>
      %dma_wait3A_1719 = arith.constant 0 : i32
      %dma_wait3A_1720 = arith.constant 0 : i32
      %dma_wait3A_1721 = tpu.memref_slice %arg4[%select_n3A_805, %dma_wait3A_1710, %add3A_808, %dma_wait3A_1719, %dma_wait3A_1720] : memref<50x8x128x8x128xf32, #tpu.memory_space<hbm>> -> memref<1x1x1x8x128xf32, #tpu.memory_space<hbm>>
      %dma_wait3A_1722 = tpu.memref_squeeze %dma_wait3A_1721 : memref<1x1x1x8x128xf32, #tpu.memory_space<hbm>> -> memref<8x128xf32, #tpu.memory_space<hbm>>
      %dma_wait3A_1723 = arith.constant 0 : i32
      %dma_wait3A_1724 = arith.constant 0 : i32
      %dma_wait3A_1725 = tpu.memref_slice %arg7[%dma_wait3A_1708, %dma_wait3A_1709, %dma_wait3A_1723, %dma_wait3A_1724] : memref<5x8x8x132xf32, #tpu.memory_space<vmem>> -> memref<1x1x8x128xf32, #tpu.memory_space<vmem>>
      %dma_wait3A_1726 = tpu.memref_squeeze %dma_wait3A_1725 : memref<1x1x8x128xf32, #tpu.memory_space<vmem>> -> memref<8x128xf32, #tpu.memory_space<vmem>>
      tpu.wait_dma2 semaphore(%arg9 : memref<!tpu.dma_semaphore, #tpu.memory_space<semaphore_mem>>) src(%dma_wait3A_1726 : memref<8x128xf32, #tpu.memory_space<vmem>>) dst(%dma_wait3A_1722 : memref<8x128xf32, #tpu.memory_space<hbm>>)
      %dma_wait3A_1727 = arith.constant 2 : i32
      %dma_wait3A_1728 = arith.constant 2 : i32
      %dma_wait3A_1729 = arith.constant 2 : i32
      %dma_wait3A_1730 = arith.constant 0 : i32
      %dma_wait3A_1731 = arith.constant 0 : i32
      %dma_wait3A_1732 = tpu.memref_slice %arg7[%dma_wait3A_1727, %dma_wait3A_1728, %dma_wait3A_1730, %dma_wait3A_1731] : memref<5x8x8x132xf32, #tpu.memory_space<vmem>> -> memref<1x1x8x128xf32, #tpu.memory_space<vmem>>
      %dma_wait3A_1733 = tpu.memref_squeeze %dma_wait3A_1732 : memref<1x1x8x128xf32, #tpu.memory_space<vmem>> -> memref<8x128xf32, #tpu.memory_space<vmem>>
      %dma_wait3A_1734 = arith.constant 0 : i32
      %dma_wait3A_1735 = arith.constant 0 : i32
      %dma_wait3A_1736 = tpu.memref_slice %arg4[%select_n3A_805, %dma_wait3A_1729, %add3A_808, %dma_wait3A_1734, %dma_wait3A_1735] : memref<50x8x128x8x128xf32, #tpu.memory_space<hbm>> -> memref<1x1x1x8x128xf32, #tpu.memory_space<hbm>>
      %dma_wait3A_1737 = tpu.memref_squeeze %dma_wait3A_1736 : memref<1x1x1x8x128xf32, #tpu.memory_space<hbm>> -> memref<8x128xf32, #tpu.memory_space<hbm>>
      %dma_wait3A_1738 = arith.constant 0 : i32
      %dma_wait3A_1739 = arith.constant 0 : i32
      %dma_wait3A_1740 = tpu.memref_slice %arg4[%select_n3A_805, %dma_wait3A_1729, %add3A_808, %dma_wait3A_1738, %dma_wait3A_1739] : memref<50x8x128x8x128xf32, #tpu.memory_space<hbm>> -> memref<1x1x1x8x128xf32, #tpu.memory_space<hbm>>
      %dma_wait3A_1741 = tpu.memref_squeeze %dma_wait3A_1740 : memref<1x1x1x8x128xf32, #tpu.memory_space<hbm>> -> memref<8x128xf32, #tpu.memory_space<hbm>>
      %dma_wait3A_1742 = arith.constant 0 : i32
      %dma_wait3A_1743 = arith.constant 0 : i32
      %dma_wait3A_1744 = tpu.memref_slice %arg7[%dma_wait3A_1727, %dma_wait3A_1728, %dma_wait3A_1742, %dma_wait3A_1743] : memref<5x8x8x132xf32, #tpu.memory_space<vmem>> -> memref<1x1x8x128xf32, #tpu.memory_space<vmem>>
      %dma_wait3A_1745 = tpu.memref_squeeze %dma_wait3A_1744 : memref<1x1x8x128xf32, #tpu.memory_space<vmem>> -> memref<8x128xf32, #tpu.memory_space<vmem>>
      tpu.wait_dma2 semaphore(%arg9 : memref<!tpu.dma_semaphore, #tpu.memory_space<semaphore_mem>>) src(%dma_wait3A_1745 : memref<8x128xf32, #tpu.memory_space<vmem>>) dst(%dma_wait3A_1741 : memref<8x128xf32, #tpu.memory_space<hbm>>)
      %dma_wait3A_1746 = arith.constant 2 : i32
      %dma_wait3A_1747 = arith.constant 3 : i32
      %dma_wait3A_1748 = arith.constant 3 : i32
      %dma_wait3A_1749 = arith.constant 0 : i32
      %dma_wait3A_1750 = arith.constant 0 : i32
      %dma_wait3A_1751 = tpu.memref_slice %arg7[%dma_wait3A_1746, %dma_wait3A_1747, %dma_wait3A_1749, %dma_wait3A_1750] : memref<5x8x8x132xf32, #tpu.memory_space<vmem>> -> memref<1x1x8x128xf32, #tpu.memory_space<vmem>>
      %dma_wait3A_1752 = tpu.memref_squeeze %dma_wait3A_1751 : memref<1x1x8x128xf32, #tpu.memory_space<vmem>> -> memref<8x128xf32, #tpu.memory_space<vmem>>
      %dma_wait3A_1753 = arith.constant 0 : i32
      %dma_wait3A_1754 = arith.constant 0 : i32
      %dma_wait3A_1755 = tpu.memref_slice %arg4[%select_n3A_805, %dma_wait3A_1748, %add3A_808, %dma_wait3A_1753, %dma_wait3A_1754] : memref<50x8x128x8x128xf32, #tpu.memory_space<hbm>> -> memref<1x1x1x8x128xf32, #tpu.memory_space<hbm>>
      %dma_wait3A_1756 = tpu.memref_squeeze %dma_wait3A_1755 : memref<1x1x1x8x128xf32, #tpu.memory_space<hbm>> -> memref<8x128xf32, #tpu.memory_space<hbm>>
      %dma_wait3A_1757 = arith.constant 0 : i32
      %dma_wait3A_1758 = arith.constant 0 : i32
      %dma_wait3A_1759 = tpu.memref_slice %arg4[%select_n3A_805, %dma_wait3A_1748, %add3A_808, %dma_wait3A_1757, %dma_wait3A_1758] : memref<50x8x128x8x128xf32, #tpu.memory_space<hbm>> -> memref<1x1x1x8x128xf32, #tpu.memory_space<hbm>>
      %dma_wait3A_1760 = tpu.memref_squeeze %dma_wait3A_1759 : memref<1x1x1x8x128xf32, #tpu.memory_space<hbm>> -> memref<8x128xf32, #tpu.memory_space<hbm>>
      %dma_wait3A_1761 = arith.constant 0 : i32
      %dma_wait3A_1762 = arith.constant 0 : i32
      %dma_wait3A_1763 = tpu.memref_slice %arg7[%dma_wait3A_1746, %dma_wait3A_1747, %dma_wait3A_1761, %dma_wait3A_1762] : memref<5x8x8x132xf32, #tpu.memory_space<vmem>> -> memref<1x1x8x128xf32, #tpu.memory_space<vmem>>
      %dma_wait3A_1764 = tpu.memref_squeeze %dma_wait3A_1763 : memref<1x1x8x128xf32, #tpu.memory_space<vmem>> -> memref<8x128xf32, #tpu.memory_space<vmem>>
      tpu.wait_dma2 semaphore(%arg9 : memref<!tpu.dma_semaphore, #tpu.memory_space<semaphore_mem>>) src(%dma_wait3A_1764 : memref<8x128xf32, #tpu.memory_space<vmem>>) dst(%dma_wait3A_1760 : memref<8x128xf32, #tpu.memory_space<hbm>>)
      %dma_wait3A_1765 = arith.constant 2 : i32
      %dma_wait3A_1766 = arith.constant 4 : i32
      %dma_wait3A_1767 = arith.constant 4 : i32
      %dma_wait3A_1768 = arith.constant 0 : i32
      %dma_wait3A_1769 = arith.constant 0 : i32
      %dma_wait3A_1770 = tpu.memref_slice %arg7[%dma_wait3A_1765, %dma_wait3A_1766, %dma_wait3A_1768, %dma_wait3A_1769] : memref<5x8x8x132xf32, #tpu.memory_space<vmem>> -> memref<1x1x8x128xf32, #tpu.memory_space<vmem>>
      %dma_wait3A_1771 = tpu.memref_squeeze %dma_wait3A_1770 : memref<1x1x8x128xf32, #tpu.memory_space<vmem>> -> memref<8x128xf32, #tpu.memory_space<vmem>>
      %dma_wait3A_1772 = arith.constant 0 : i32
      %dma_wait3A_1773 = arith.constant 0 : i32
      %dma_wait3A_1774 = tpu.memref_slice %arg4[%select_n3A_805, %dma_wait3A_1767, %add3A_808, %dma_wait3A_1772, %dma_wait3A_1773] : memref<50x8x128x8x128xf32, #tpu.memory_space<hbm>> -> memref<1x1x1x8x128xf32, #tpu.memory_space<hbm>>
      %dma_wait3A_1775 = tpu.memref_squeeze %dma_wait3A_1774 : memref<1x1x1x8x128xf32, #tpu.memory_space<hbm>> -> memref<8x128xf32, #tpu.memory_space<hbm>>
      %dma_wait3A_1776 = arith.constant 0 : i32
      %dma_wait3A_1777 = arith.constant 0 : i32
      %dma_wait3A_1778 = tpu.memref_slice %arg4[%select_n3A_805, %dma_wait3A_1767, %add3A_808, %dma_wait3A_1776, %dma_wait3A_1777] : memref<50x8x128x8x128xf32, #tpu.memory_space<hbm>> -> memref<1x1x1x8x128xf32, #tpu.memory_space<hbm>>
      %dma_wait3A_1779 = tpu.memref_squeeze %dma_wait3A_1778 : memref<1x1x1x8x128xf32, #tpu.memory_space<hbm>> -> memref<8x128xf32, #tpu.memory_space<hbm>>
      %dma_wait3A_1780 = arith.constant 0 : i32
      %dma_wait3A_1781 = arith.constant 0 : i32
      %dma_wait3A_1782 = tpu.memref_slice %arg7[%dma_wait3A_1765, %dma_wait3A_1766, %dma_wait3A_1780, %dma_wait3A_1781] : memref<5x8x8x132xf32, #tpu.memory_space<vmem>> -> memref<1x1x8x128xf32, #tpu.memory_space<vmem>>
      %dma_wait3A_1783 = tpu.memref_squeeze %dma_wait3A_1782 : memref<1x1x8x128xf32, #tpu.memory_space<vmem>> -> memref<8x128xf32, #tpu.memory_space<vmem>>
      tpu.wait_dma2 semaphore(%arg9 : memref<!tpu.dma_semaphore, #tpu.memory_space<semaphore_mem>>) src(%dma_wait3A_1783 : memref<8x128xf32, #tpu.memory_space<vmem>>) dst(%dma_wait3A_1779 : memref<8x128xf32, #tpu.memory_space<hbm>>)
      %dma_wait3A_1784 = arith.constant 2 : i32
      %dma_wait3A_1785 = arith.constant 5 : i32
      %dma_wait3A_1786 = arith.constant 5 : i32
      %dma_wait3A_1787 = arith.constant 0 : i32
      %dma_wait3A_1788 = arith.constant 0 : i32
      %dma_wait3A_1789 = tpu.memref_slice %arg7[%dma_wait3A_1784, %dma_wait3A_1785, %dma_wait3A_1787, %dma_wait3A_1788] : memref<5x8x8x132xf32, #tpu.memory_space<vmem>> -> memref<1x1x8x128xf32, #tpu.memory_space<vmem>>
      %dma_wait3A_1790 = tpu.memref_squeeze %dma_wait3A_1789 : memref<1x1x8x128xf32, #tpu.memory_space<vmem>> -> memref<8x128xf32, #tpu.memory_space<vmem>>
      %dma_wait3A_1791 = arith.constant 0 : i32
      %dma_wait3A_1792 = arith.constant 0 : i32
      %dma_wait3A_1793 = tpu.memref_slice %arg4[%select_n3A_805, %dma_wait3A_1786, %add3A_808, %dma_wait3A_1791, %dma_wait3A_1792] : memref<50x8x128x8x128xf32, #tpu.memory_space<hbm>> -> memref<1x1x1x8x128xf32, #tpu.memory_space<hbm>>
      %dma_wait3A_1794 = tpu.memref_squeeze %dma_wait3A_1793 : memref<1x1x1x8x128xf32, #tpu.memory_space<hbm>> -> memref<8x128xf32, #tpu.memory_space<hbm>>
      %dma_wait3A_1795 = arith.constant 0 : i32
      %dma_wait3A_1796 = arith.constant 0 : i32
      %dma_wait3A_1797 = tpu.memref_slice %arg4[%select_n3A_805, %dma_wait3A_1786, %add3A_808, %dma_wait3A_1795, %dma_wait3A_1796] : memref<50x8x128x8x128xf32, #tpu.memory_space<hbm>> -> memref<1x1x1x8x128xf32, #tpu.memory_space<hbm>>
      %dma_wait3A_1798 = tpu.memref_squeeze %dma_wait3A_1797 : memref<1x1x1x8x128xf32, #tpu.memory_space<hbm>> -> memref<8x128xf32, #tpu.memory_space<hbm>>
      %dma_wait3A_1799 = arith.constant 0 : i32
      %dma_wait3A_1800 = arith.constant 0 : i32
      %dma_wait3A_1801 = tpu.memref_slice %arg7[%dma_wait3A_1784, %dma_wait3A_1785, %dma_wait3A_1799, %dma_wait3A_1800] : memref<5x8x8x132xf32, #tpu.memory_space<vmem>> -> memref<1x1x8x128xf32, #tpu.memory_space<vmem>>
      %dma_wait3A_1802 = tpu.memref_squeeze %dma_wait3A_1801 : memref<1x1x8x128xf32, #tpu.memory_space<vmem>> -> memref<8x128xf32, #tpu.memory_space<vmem>>
      tpu.wait_dma2 semaphore(%arg9 : memref<!tpu.dma_semaphore, #tpu.memory_space<semaphore_mem>>) src(%dma_wait3A_1802 : memref<8x128xf32, #tpu.memory_space<vmem>>) dst(%dma_wait3A_1798 : memref<8x128xf32, #tpu.memory_space<hbm>>)
      %dma_wait3A_1803 = arith.constant 2 : i32
      %dma_wait3A_1804 = arith.constant 6 : i32
      %dma_wait3A_1805 = arith.constant 6 : i32
      %dma_wait3A_1806 = arith.constant 0 : i32
      %dma_wait3A_1807 = arith.constant 0 : i32
      %dma_wait3A_1808 = tpu.memref_slice %arg7[%dma_wait3A_1803, %dma_wait3A_1804, %dma_wait3A_1806, %dma_wait3A_1807] : memref<5x8x8x132xf32, #tpu.memory_space<vmem>> -> memref<1x1x8x128xf32, #tpu.memory_space<vmem>>
      %dma_wait3A_1809 = tpu.memref_squeeze %dma_wait3A_1808 : memref<1x1x8x128xf32, #tpu.memory_space<vmem>> -> memref<8x128xf32, #tpu.memory_space<vmem>>
      %dma_wait3A_1810 = arith.constant 0 : i32
      %dma_wait3A_1811 = arith.constant 0 : i32
      %dma_wait3A_1812 = tpu.memref_slice %arg4[%select_n3A_805, %dma_wait3A_1805, %add3A_808, %dma_wait3A_1810, %dma_wait3A_1811] : memref<50x8x128x8x128xf32, #tpu.memory_space<hbm>> -> memref<1x1x1x8x128xf32, #tpu.memory_space<hbm>>
      %dma_wait3A_1813 = tpu.memref_squeeze %dma_wait3A_1812 : memref<1x1x1x8x128xf32, #tpu.memory_space<hbm>> -> memref<8x128xf32, #tpu.memory_space<hbm>>
      %dma_wait3A_1814 = arith.constant 0 : i32
      %dma_wait3A_1815 = arith.constant 0 : i32
      %dma_wait3A_1816 = tpu.memref_slice %arg4[%select_n3A_805, %dma_wait3A_1805, %add3A_808, %dma_wait3A_1814, %dma_wait3A_1815] : memref<50x8x128x8x128xf32, #tpu.memory_space<hbm>> -> memref<1x1x1x8x128xf32, #tpu.memory_space<hbm>>
      %dma_wait3A_1817 = tpu.memref_squeeze %dma_wait3A_1816 : memref<1x1x1x8x128xf32, #tpu.memory_space<hbm>> -> memref<8x128xf32, #tpu.memory_space<hbm>>
      %dma_wait3A_1818 = arith.constant 0 : i32
      %dma_wait3A_1819 = arith.constant 0 : i32
      %dma_wait3A_1820 = tpu.memref_slice %arg7[%dma_wait3A_1803, %dma_wait3A_1804, %dma_wait3A_1818, %dma_wait3A_1819] : memref<5x8x8x132xf32, #tpu.memory_space<vmem>> -> memref<1x1x8x128xf32, #tpu.memory_space<vmem>>
      %dma_wait3A_1821 = tpu.memref_squeeze %dma_wait3A_1820 : memref<1x1x8x128xf32, #tpu.memory_space<vmem>> -> memref<8x128xf32, #tpu.memory_space<vmem>>
      tpu.wait_dma2 semaphore(%arg9 : memref<!tpu.dma_semaphore, #tpu.memory_space<semaphore_mem>>) src(%dma_wait3A_1821 : memref<8x128xf32, #tpu.memory_space<vmem>>) dst(%dma_wait3A_1817 : memref<8x128xf32, #tpu.memory_space<hbm>>)
      %dma_wait3A_1822 = arith.constant 2 : i32
      %dma_wait3A_1823 = arith.constant 7 : i32
      %dma_wait3A_1824 = arith.constant 7 : i32
      %dma_wait3A_1825 = arith.constant 0 : i32
      %dma_wait3A_1826 = arith.constant 0 : i32
      %dma_wait3A_1827 = tpu.memref_slice %arg7[%dma_wait3A_1822, %dma_wait3A_1823, %dma_wait3A_1825, %dma_wait3A_1826] : memref<5x8x8x132xf32, #tpu.memory_space<vmem>> -> memref<1x1x8x128xf32, #tpu.memory_space<vmem>>
      %dma_wait3A_1828 = tpu.memref_squeeze %dma_wait3A_1827 : memref<1x1x8x128xf32, #tpu.memory_space<vmem>> -> memref<8x128xf32, #tpu.memory_space<vmem>>
      %dma_wait3A_1829 = arith.constant 0 : i32
      %dma_wait3A_1830 = arith.constant 0 : i32
      %dma_wait3A_1831 = tpu.memref_slice %arg4[%select_n3A_805, %dma_wait3A_1824, %add3A_808, %dma_wait3A_1829, %dma_wait3A_1830] : memref<50x8x128x8x128xf32, #tpu.memory_space<hbm>> -> memref<1x1x1x8x128xf32, #tpu.memory_space<hbm>>
      %dma_wait3A_1832 = tpu.memref_squeeze %dma_wait3A_1831 : memref<1x1x1x8x128xf32, #tpu.memory_space<hbm>> -> memref<8x128xf32, #tpu.memory_space<hbm>>
      %dma_wait3A_1833 = arith.constant 0 : i32
      %dma_wait3A_1834 = arith.constant 0 : i32
      %dma_wait3A_1835 = tpu.memref_slice %arg4[%select_n3A_805, %dma_wait3A_1824, %add3A_808, %dma_wait3A_1833, %dma_wait3A_1834] : memref<50x8x128x8x128xf32, #tpu.memory_space<hbm>> -> memref<1x1x1x8x128xf32, #tpu.memory_space<hbm>>
      %dma_wait3A_1836 = tpu.memref_squeeze %dma_wait3A_1835 : memref<1x1x1x8x128xf32, #tpu.memory_space<hbm>> -> memref<8x128xf32, #tpu.memory_space<hbm>>
      %dma_wait3A_1837 = arith.constant 0 : i32
      %dma_wait3A_1838 = arith.constant 0 : i32
      %dma_wait3A_1839 = tpu.memref_slice %arg7[%dma_wait3A_1822, %dma_wait3A_1823, %dma_wait3A_1837, %dma_wait3A_1838] : memref<5x8x8x132xf32, #tpu.memory_space<vmem>> -> memref<1x1x8x128xf32, #tpu.memory_space<vmem>>
      %dma_wait3A_1840 = tpu.memref_squeeze %dma_wait3A_1839 : memref<1x1x8x128xf32, #tpu.memory_space<vmem>> -> memref<8x128xf32, #tpu.memory_space<vmem>>
      tpu.wait_dma2 semaphore(%arg9 : memref<!tpu.dma_semaphore, #tpu.memory_space<semaphore_mem>>) src(%dma_wait3A_1840 : memref<8x128xf32, #tpu.memory_space<vmem>>) dst(%dma_wait3A_1836 : memref<8x128xf32, #tpu.memory_space<hbm>>)
      %dma_wait3A_1841 = arith.constant 3 : i32
      %dma_wait3A_1842 = arith.constant 0 : i32
      %dma_wait3A_1843 = arith.constant 0 : i32
      %dma_wait3A_1844 = arith.constant 0 : i32
      %dma_wait3A_1845 = arith.constant 0 : i32
      %dma_wait3A_1846 = tpu.memref_slice %arg7[%dma_wait3A_1841, %dma_wait3A_1842, %dma_wait3A_1844, %dma_wait3A_1845] : memref<5x8x8x132xf32, #tpu.memory_space<vmem>> -> memref<1x1x8x128xf32, #tpu.memory_space<vmem>>
      %dma_wait3A_1847 = tpu.memref_squeeze %dma_wait3A_1846 : memref<1x1x8x128xf32, #tpu.memory_space<vmem>> -> memref<8x128xf32, #tpu.memory_space<vmem>>
      %dma_wait3A_1848 = arith.constant 0 : i32
      %dma_wait3A_1849 = arith.constant 0 : i32
      %dma_wait3A_1850 = tpu.memref_slice %arg4[%select_n3A_1017, %dma_wait3A_1843, %add3A_1020, %dma_wait3A_1848, %dma_wait3A_1849] : memref<50x8x128x8x128xf32, #tpu.memory_space<hbm>> -> memref<1x1x1x8x128xf32, #tpu.memory_space<hbm>>
      %dma_wait3A_1851 = tpu.memref_squeeze %dma_wait3A_1850 : memref<1x1x1x8x128xf32, #tpu.memory_space<hbm>> -> memref<8x128xf32, #tpu.memory_space<hbm>>
      %dma_wait3A_1852 = arith.constant 0 : i32
      %dma_wait3A_1853 = arith.constant 0 : i32
      %dma_wait3A_1854 = tpu.memref_slice %arg4[%select_n3A_1017, %dma_wait3A_1843, %add3A_1020, %dma_wait3A_1852, %dma_wait3A_1853] : memref<50x8x128x8x128xf32, #tpu.memory_space<hbm>> -> memref<1x1x1x8x128xf32, #tpu.memory_space<hbm>>
      %dma_wait3A_1855 = tpu.memref_squeeze %dma_wait3A_1854 : memref<1x1x1x8x128xf32, #tpu.memory_space<hbm>> -> memref<8x128xf32, #tpu.memory_space<hbm>>
      %dma_wait3A_1856 = arith.constant 0 : i32
      %dma_wait3A_1857 = arith.constant 0 : i32
      %dma_wait3A_1858 = tpu.memref_slice %arg7[%dma_wait3A_1841, %dma_wait3A_1842, %dma_wait3A_1856, %dma_wait3A_1857] : memref<5x8x8x132xf32, #tpu.memory_space<vmem>> -> memref<1x1x8x128xf32, #tpu.memory_space<vmem>>
      %dma_wait3A_1859 = tpu.memref_squeeze %dma_wait3A_1858 : memref<1x1x8x128xf32, #tpu.memory_space<vmem>> -> memref<8x128xf32, #tpu.memory_space<vmem>>
      tpu.wait_dma2 semaphore(%arg9 : memref<!tpu.dma_semaphore, #tpu.memory_space<semaphore_mem>>) src(%dma_wait3A_1859 : memref<8x128xf32, #tpu.memory_space<vmem>>) dst(%dma_wait3A_1855 : memref<8x128xf32, #tpu.memory_space<hbm>>)
      %dma_wait3A_1860 = arith.constant 3 : i32
      %dma_wait3A_1861 = arith.constant 1 : i32
      %dma_wait3A_1862 = arith.constant 1 : i32
      %dma_wait3A_1863 = arith.constant 0 : i32
      %dma_wait3A_1864 = arith.constant 0 : i32
      %dma_wait3A_1865 = tpu.memref_slice %arg7[%dma_wait3A_1860, %dma_wait3A_1861, %dma_wait3A_1863, %dma_wait3A_1864] : memref<5x8x8x132xf32, #tpu.memory_space<vmem>> -> memref<1x1x8x128xf32, #tpu.memory_space<vmem>>
      %dma_wait3A_1866 = tpu.memref_squeeze %dma_wait3A_1865 : memref<1x1x8x128xf32, #tpu.memory_space<vmem>> -> memref<8x128xf32, #tpu.memory_space<vmem>>
      %dma_wait3A_1867 = arith.constant 0 : i32
      %dma_wait3A_1868 = arith.constant 0 : i32
      %dma_wait3A_1869 = tpu.memref_slice %arg4[%select_n3A_1017, %dma_wait3A_1862, %add3A_1020, %dma_wait3A_1867, %dma_wait3A_1868] : memref<50x8x128x8x128xf32, #tpu.memory_space<hbm>> -> memref<1x1x1x8x128xf32, #tpu.memory_space<hbm>>
      %dma_wait3A_1870 = tpu.memref_squeeze %dma_wait3A_1869 : memref<1x1x1x8x128xf32, #tpu.memory_space<hbm>> -> memref<8x128xf32, #tpu.memory_space<hbm>>
      %dma_wait3A_1871 = arith.constant 0 : i32
      %dma_wait3A_1872 = arith.constant 0 : i32
      %dma_wait3A_1873 = tpu.memref_slice %arg4[%select_n3A_1017, %dma_wait3A_1862, %add3A_1020, %dma_wait3A_1871, %dma_wait3A_1872] : memref<50x8x128x8x128xf32, #tpu.memory_space<hbm>> -> memref<1x1x1x8x128xf32, #tpu.memory_space<hbm>>
      %dma_wait3A_1874 = tpu.memref_squeeze %dma_wait3A_1873 : memref<1x1x1x8x128xf32, #tpu.memory_space<hbm>> -> memref<8x128xf32, #tpu.memory_space<hbm>>
      %dma_wait3A_1875 = arith.constant 0 : i32
      %dma_wait3A_1876 = arith.constant 0 : i32
      %dma_wait3A_1877 = tpu.memref_slice %arg7[%dma_wait3A_1860, %dma_wait3A_1861, %dma_wait3A_1875, %dma_wait3A_1876] : memref<5x8x8x132xf32, #tpu.memory_space<vmem>> -> memref<1x1x8x128xf32, #tpu.memory_space<vmem>>
      %dma_wait3A_1878 = tpu.memref_squeeze %dma_wait3A_1877 : memref<1x1x8x128xf32, #tpu.memory_space<vmem>> -> memref<8x128xf32, #tpu.memory_space<vmem>>
      tpu.wait_dma2 semaphore(%arg9 : memref<!tpu.dma_semaphore, #tpu.memory_space<semaphore_mem>>) src(%dma_wait3A_1878 : memref<8x128xf32, #tpu.memory_space<vmem>>) dst(%dma_wait3A_1874 : memref<8x128xf32, #tpu.memory_space<hbm>>)
      %dma_wait3A_1879 = arith.constant 3 : i32
      %dma_wait3A_1880 = arith.constant 2 : i32
      %dma_wait3A_1881 = arith.constant 2 : i32
      %dma_wait3A_1882 = arith.constant 0 : i32
      %dma_wait3A_1883 = arith.constant 0 : i32
      %dma_wait3A_1884 = tpu.memref_slice %arg7[%dma_wait3A_1879, %dma_wait3A_1880, %dma_wait3A_1882, %dma_wait3A_1883] : memref<5x8x8x132xf32, #tpu.memory_space<vmem>> -> memref<1x1x8x128xf32, #tpu.memory_space<vmem>>
      %dma_wait3A_1885 = tpu.memref_squeeze %dma_wait3A_1884 : memref<1x1x8x128xf32, #tpu.memory_space<vmem>> -> memref<8x128xf32, #tpu.memory_space<vmem>>
      %dma_wait3A_1886 = arith.constant 0 : i32
      %dma_wait3A_1887 = arith.constant 0 : i32
      %dma_wait3A_1888 = tpu.memref_slice %arg4[%select_n3A_1017, %dma_wait3A_1881, %add3A_1020, %dma_wait3A_1886, %dma_wait3A_1887] : memref<50x8x128x8x128xf32, #tpu.memory_space<hbm>> -> memref<1x1x1x8x128xf32, #tpu.memory_space<hbm>>
      %dma_wait3A_1889 = tpu.memref_squeeze %dma_wait3A_1888 : memref<1x1x1x8x128xf32, #tpu.memory_space<hbm>> -> memref<8x128xf32, #tpu.memory_space<hbm>>
      %dma_wait3A_1890 = arith.constant 0 : i32
      %dma_wait3A_1891 = arith.constant 0 : i32
      %dma_wait3A_1892 = tpu.memref_slice %arg4[%select_n3A_1017, %dma_wait3A_1881, %add3A_1020, %dma_wait3A_1890, %dma_wait3A_1891] : memref<50x8x128x8x128xf32, #tpu.memory_space<hbm>> -> memref<1x1x1x8x128xf32, #tpu.memory_space<hbm>>
      %dma_wait3A_1893 = tpu.memref_squeeze %dma_wait3A_1892 : memref<1x1x1x8x128xf32, #tpu.memory_space<hbm>> -> memref<8x128xf32, #tpu.memory_space<hbm>>
      %dma_wait3A_1894 = arith.constant 0 : i32
      %dma_wait3A_1895 = arith.constant 0 : i32
      %dma_wait3A_1896 = tpu.memref_slice %arg7[%dma_wait3A_1879, %dma_wait3A_1880, %dma_wait3A_1894, %dma_wait3A_1895] : memref<5x8x8x132xf32, #tpu.memory_space<vmem>> -> memref<1x1x8x128xf32, #tpu.memory_space<vmem>>
      %dma_wait3A_1897 = tpu.memref_squeeze %dma_wait3A_1896 : memref<1x1x8x128xf32, #tpu.memory_space<vmem>> -> memref<8x128xf32, #tpu.memory_space<vmem>>
      tpu.wait_dma2 semaphore(%arg9 : memref<!tpu.dma_semaphore, #tpu.memory_space<semaphore_mem>>) src(%dma_wait3A_1897 : memref<8x128xf32, #tpu.memory_space<vmem>>) dst(%dma_wait3A_1893 : memref<8x128xf32, #tpu.memory_space<hbm>>)
      %dma_wait3A_1898 = arith.constant 3 : i32
      %dma_wait3A_1899 = arith.constant 3 : i32
      %dma_wait3A_1900 = arith.constant 3 : i32
      %dma_wait3A_1901 = arith.constant 0 : i32
      %dma_wait3A_1902 = arith.constant 0 : i32
      %dma_wait3A_1903 = tpu.memref_slice %arg7[%dma_wait3A_1898, %dma_wait3A_1899, %dma_wait3A_1901, %dma_wait3A_1902] : memref<5x8x8x132xf32, #tpu.memory_space<vmem>> -> memref<1x1x8x128xf32, #tpu.memory_space<vmem>>
      %dma_wait3A_1904 = tpu.memref_squeeze %dma_wait3A_1903 : memref<1x1x8x128xf32, #tpu.memory_space<vmem>> -> memref<8x128xf32, #tpu.memory_space<vmem>>
      %dma_wait3A_1905 = arith.constant 0 : i32
      %dma_wait3A_1906 = arith.constant 0 : i32
      %dma_wait3A_1907 = tpu.memref_slice %arg4[%select_n3A_1017, %dma_wait3A_1900, %add3A_1020, %dma_wait3A_1905, %dma_wait3A_1906] : memref<50x8x128x8x128xf32, #tpu.memory_space<hbm>> -> memref<1x1x1x8x128xf32, #tpu.memory_space<hbm>>
      %dma_wait3A_1908 = tpu.memref_squeeze %dma_wait3A_1907 : memref<1x1x1x8x128xf32, #tpu.memory_space<hbm>> -> memref<8x128xf32, #tpu.memory_space<hbm>>
      %dma_wait3A_1909 = arith.constant 0 : i32
      %dma_wait3A_1910 = arith.constant 0 : i32
      %dma_wait3A_1911 = tpu.memref_slice %arg4[%select_n3A_1017, %dma_wait3A_1900, %add3A_1020, %dma_wait3A_1909, %dma_wait3A_1910] : memref<50x8x128x8x128xf32, #tpu.memory_space<hbm>> -> memref<1x1x1x8x128xf32, #tpu.memory_space<hbm>>
      %dma_wait3A_1912 = tpu.memref_squeeze %dma_wait3A_1911 : memref<1x1x1x8x128xf32, #tpu.memory_space<hbm>> -> memref<8x128xf32, #tpu.memory_space<hbm>>
      %dma_wait3A_1913 = arith.constant 0 : i32
      %dma_wait3A_1914 = arith.constant 0 : i32
      %dma_wait3A_1915 = tpu.memref_slice %arg7[%dma_wait3A_1898, %dma_wait3A_1899, %dma_wait3A_1913, %dma_wait3A_1914] : memref<5x8x8x132xf32, #tpu.memory_space<vmem>> -> memref<1x1x8x128xf32, #tpu.memory_space<vmem>>
      %dma_wait3A_1916 = tpu.memref_squeeze %dma_wait3A_1915 : memref<1x1x8x128xf32, #tpu.memory_space<vmem>> -> memref<8x128xf32, #tpu.memory_space<vmem>>
      tpu.wait_dma2 semaphore(%arg9 : memref<!tpu.dma_semaphore, #tpu.memory_space<semaphore_mem>>) src(%dma_wait3A_1916 : memref<8x128xf32, #tpu.memory_space<vmem>>) dst(%dma_wait3A_1912 : memref<8x128xf32, #tpu.memory_space<hbm>>)
      %dma_wait3A_1917 = arith.constant 3 : i32
      %dma_wait3A_1918 = arith.constant 4 : i32
      %dma_wait3A_1919 = arith.constant 4 : i32
      %dma_wait3A_1920 = arith.constant 0 : i32
      %dma_wait3A_1921 = arith.constant 0 : i32
      %dma_wait3A_1922 = tpu.memref_slice %arg7[%dma_wait3A_1917, %dma_wait3A_1918, %dma_wait3A_1920, %dma_wait3A_1921] : memref<5x8x8x132xf32, #tpu.memory_space<vmem>> -> memref<1x1x8x128xf32, #tpu.memory_space<vmem>>
      %dma_wait3A_1923 = tpu.memref_squeeze %dma_wait3A_1922 : memref<1x1x8x128xf32, #tpu.memory_space<vmem>> -> memref<8x128xf32, #tpu.memory_space<vmem>>
      %dma_wait3A_1924 = arith.constant 0 : i32
      %dma_wait3A_1925 = arith.constant 0 : i32
      %dma_wait3A_1926 = tpu.memref_slice %arg4[%select_n3A_1017, %dma_wait3A_1919, %add3A_1020, %dma_wait3A_1924, %dma_wait3A_1925] : memref<50x8x128x8x128xf32, #tpu.memory_space<hbm>> -> memref<1x1x1x8x128xf32, #tpu.memory_space<hbm>>
      %dma_wait3A_1927 = tpu.memref_squeeze %dma_wait3A_1926 : memref<1x1x1x8x128xf32, #tpu.memory_space<hbm>> -> memref<8x128xf32, #tpu.memory_space<hbm>>
      %dma_wait3A_1928 = arith.constant 0 : i32
      %dma_wait3A_1929 = arith.constant 0 : i32
      %dma_wait3A_1930 = tpu.memref_slice %arg4[%select_n3A_1017, %dma_wait3A_1919, %add3A_1020, %dma_wait3A_1928, %dma_wait3A_1929] : memref<50x8x128x8x128xf32, #tpu.memory_space<hbm>> -> memref<1x1x1x8x128xf32, #tpu.memory_space<hbm>>
      %dma_wait3A_1931 = tpu.memref_squeeze %dma_wait3A_1930 : memref<1x1x1x8x128xf32, #tpu.memory_space<hbm>> -> memref<8x128xf32, #tpu.memory_space<hbm>>
      %dma_wait3A_1932 = arith.constant 0 : i32
      %dma_wait3A_1933 = arith.constant 0 : i32
      %dma_wait3A_1934 = tpu.memref_slice %arg7[%dma_wait3A_1917, %dma_wait3A_1918, %dma_wait3A_1932, %dma_wait3A_1933] : memref<5x8x8x132xf32, #tpu.memory_space<vmem>> -> memref<1x1x8x128xf32, #tpu.memory_space<vmem>>
      %dma_wait3A_1935 = tpu.memref_squeeze %dma_wait3A_1934 : memref<1x1x8x128xf32, #tpu.memory_space<vmem>> -> memref<8x128xf32, #tpu.memory_space<vmem>>
      tpu.wait_dma2 semaphore(%arg9 : memref<!tpu.dma_semaphore, #tpu.memory_space<semaphore_mem>>) src(%dma_wait3A_1935 : memref<8x128xf32, #tpu.memory_space<vmem>>) dst(%dma_wait3A_1931 : memref<8x128xf32, #tpu.memory_space<hbm>>)
      %dma_wait3A_1936 = arith.constant 3 : i32
      %dma_wait3A_1937 = arith.constant 5 : i32
      %dma_wait3A_1938 = arith.constant 5 : i32
      %dma_wait3A_1939 = arith.constant 0 : i32
      %dma_wait3A_1940 = arith.constant 0 : i32
      %dma_wait3A_1941 = tpu.memref_slice %arg7[%dma_wait3A_1936, %dma_wait3A_1937, %dma_wait3A_1939, %dma_wait3A_1940] : memref<5x8x8x132xf32, #tpu.memory_space<vmem>> -> memref<1x1x8x128xf32, #tpu.memory_space<vmem>>
      %dma_wait3A_1942 = tpu.memref_squeeze %dma_wait3A_1941 : memref<1x1x8x128xf32, #tpu.memory_space<vmem>> -> memref<8x128xf32, #tpu.memory_space<vmem>>
      %dma_wait3A_1943 = arith.constant 0 : i32
      %dma_wait3A_1944 = arith.constant 0 : i32
      %dma_wait3A_1945 = tpu.memref_slice %arg4[%select_n3A_1017, %dma_wait3A_1938, %add3A_1020, %dma_wait3A_1943, %dma_wait3A_1944] : memref<50x8x128x8x128xf32, #tpu.memory_space<hbm>> -> memref<1x1x1x8x128xf32, #tpu.memory_space<hbm>>
      %dma_wait3A_1946 = tpu.memref_squeeze %dma_wait3A_1945 : memref<1x1x1x8x128xf32, #tpu.memory_space<hbm>> -> memref<8x128xf32, #tpu.memory_space<hbm>>
      %dma_wait3A_1947 = arith.constant 0 : i32
      %dma_wait3A_1948 = arith.constant 0 : i32
      %dma_wait3A_1949 = tpu.memref_slice %arg4[%select_n3A_1017, %dma_wait3A_1938, %add3A_1020, %dma_wait3A_1947, %dma_wait3A_1948] : memref<50x8x128x8x128xf32, #tpu.memory_space<hbm>> -> memref<1x1x1x8x128xf32, #tpu.memory_space<hbm>>
      %dma_wait3A_1950 = tpu.memref_squeeze %dma_wait3A_1949 : memref<1x1x1x8x128xf32, #tpu.memory_space<hbm>> -> memref<8x128xf32, #tpu.memory_space<hbm>>
      %dma_wait3A_1951 = arith.constant 0 : i32
      %dma_wait3A_1952 = arith.constant 0 : i32
      %dma_wait3A_1953 = tpu.memref_slice %arg7[%dma_wait3A_1936, %dma_wait3A_1937, %dma_wait3A_1951, %dma_wait3A_1952] : memref<5x8x8x132xf32, #tpu.memory_space<vmem>> -> memref<1x1x8x128xf32, #tpu.memory_space<vmem>>
      %dma_wait3A_1954 = tpu.memref_squeeze %dma_wait3A_1953 : memref<1x1x8x128xf32, #tpu.memory_space<vmem>> -> memref<8x128xf32, #tpu.memory_space<vmem>>
      tpu.wait_dma2 semaphore(%arg9 : memref<!tpu.dma_semaphore, #tpu.memory_space<semaphore_mem>>) src(%dma_wait3A_1954 : memref<8x128xf32, #tpu.memory_space<vmem>>) dst(%dma_wait3A_1950 : memref<8x128xf32, #tpu.memory_space<hbm>>)
      %dma_wait3A_1955 = arith.constant 3 : i32
      %dma_wait3A_1956 = arith.constant 6 : i32
      %dma_wait3A_1957 = arith.constant 6 : i32
      %dma_wait3A_1958 = arith.constant 0 : i32
      %dma_wait3A_1959 = arith.constant 0 : i32
      %dma_wait3A_1960 = tpu.memref_slice %arg7[%dma_wait3A_1955, %dma_wait3A_1956, %dma_wait3A_1958, %dma_wait3A_1959] : memref<5x8x8x132xf32, #tpu.memory_space<vmem>> -> memref<1x1x8x128xf32, #tpu.memory_space<vmem>>
      %dma_wait3A_1961 = tpu.memref_squeeze %dma_wait3A_1960 : memref<1x1x8x128xf32, #tpu.memory_space<vmem>> -> memref<8x128xf32, #tpu.memory_space<vmem>>
      %dma_wait3A_1962 = arith.constant 0 : i32
      %dma_wait3A_1963 = arith.constant 0 : i32
      %dma_wait3A_1964 = tpu.memref_slice %arg4[%select_n3A_1017, %dma_wait3A_1957, %add3A_1020, %dma_wait3A_1962, %dma_wait3A_1963] : memref<50x8x128x8x128xf32, #tpu.memory_space<hbm>> -> memref<1x1x1x8x128xf32, #tpu.memory_space<hbm>>
      %dma_wait3A_1965 = tpu.memref_squeeze %dma_wait3A_1964 : memref<1x1x1x8x128xf32, #tpu.memory_space<hbm>> -> memref<8x128xf32, #tpu.memory_space<hbm>>
      %dma_wait3A_1966 = arith.constant 0 : i32
      %dma_wait3A_1967 = arith.constant 0 : i32
      %dma_wait3A_1968 = tpu.memref_slice %arg4[%select_n3A_1017, %dma_wait3A_1957, %add3A_1020, %dma_wait3A_1966, %dma_wait3A_1967] : memref<50x8x128x8x128xf32, #tpu.memory_space<hbm>> -> memref<1x1x1x8x128xf32, #tpu.memory_space<hbm>>
      %dma_wait3A_1969 = tpu.memref_squeeze %dma_wait3A_1968 : memref<1x1x1x8x128xf32, #tpu.memory_space<hbm>> -> memref<8x128xf32, #tpu.memory_space<hbm>>
      %dma_wait3A_1970 = arith.constant 0 : i32
      %dma_wait3A_1971 = arith.constant 0 : i32
      %dma_wait3A_1972 = tpu.memref_slice %arg7[%dma_wait3A_1955, %dma_wait3A_1956, %dma_wait3A_1970, %dma_wait3A_1971] : memref<5x8x8x132xf32, #tpu.memory_space<vmem>> -> memref<1x1x8x128xf32, #tpu.memory_space<vmem>>
      %dma_wait3A_1973 = tpu.memref_squeeze %dma_wait3A_1972 : memref<1x1x8x128xf32, #tpu.memory_space<vmem>> -> memref<8x128xf32, #tpu.memory_space<vmem>>
      tpu.wait_dma2 semaphore(%arg9 : memref<!tpu.dma_semaphore, #tpu.memory_space<semaphore_mem>>) src(%dma_wait3A_1973 : memref<8x128xf32, #tpu.memory_space<vmem>>) dst(%dma_wait3A_1969 : memref<8x128xf32, #tpu.memory_space<hbm>>)
      %dma_wait3A_1974 = arith.constant 3 : i32
      %dma_wait3A_1975 = arith.constant 7 : i32
      %dma_wait3A_1976 = arith.constant 7 : i32
      %dma_wait3A_1977 = arith.constant 0 : i32
      %dma_wait3A_1978 = arith.constant 0 : i32
      %dma_wait3A_1979 = tpu.memref_slice %arg7[%dma_wait3A_1974, %dma_wait3A_1975, %dma_wait3A_1977, %dma_wait3A_1978] : memref<5x8x8x132xf32, #tpu.memory_space<vmem>> -> memref<1x1x8x128xf32, #tpu.memory_space<vmem>>
      %dma_wait3A_1980 = tpu.memref_squeeze %dma_wait3A_1979 : memref<1x1x8x128xf32, #tpu.memory_space<vmem>> -> memref<8x128xf32, #tpu.memory_space<vmem>>
      %dma_wait3A_1981 = arith.constant 0 : i32
      %dma_wait3A_1982 = arith.constant 0 : i32
      %dma_wait3A_1983 = tpu.memref_slice %arg4[%select_n3A_1017, %dma_wait3A_1976, %add3A_1020, %dma_wait3A_1981, %dma_wait3A_1982] : memref<50x8x128x8x128xf32, #tpu.memory_space<hbm>> -> memref<1x1x1x8x128xf32, #tpu.memory_space<hbm>>
      %dma_wait3A_1984 = tpu.memref_squeeze %dma_wait3A_1983 : memref<1x1x1x8x128xf32, #tpu.memory_space<hbm>> -> memref<8x128xf32, #tpu.memory_space<hbm>>
      %dma_wait3A_1985 = arith.constant 0 : i32
      %dma_wait3A_1986 = arith.constant 0 : i32
      %dma_wait3A_1987 = tpu.memref_slice %arg4[%select_n3A_1017, %dma_wait3A_1976, %add3A_1020, %dma_wait3A_1985, %dma_wait3A_1986] : memref<50x8x128x8x128xf32, #tpu.memory_space<hbm>> -> memref<1x1x1x8x128xf32, #tpu.memory_space<hbm>>
      %dma_wait3A_1988 = tpu.memref_squeeze %dma_wait3A_1987 : memref<1x1x1x8x128xf32, #tpu.memory_space<hbm>> -> memref<8x128xf32, #tpu.memory_space<hbm>>
      %dma_wait3A_1989 = arith.constant 0 : i32
      %dma_wait3A_1990 = arith.constant 0 : i32
      %dma_wait3A_1991 = tpu.memref_slice %arg7[%dma_wait3A_1974, %dma_wait3A_1975, %dma_wait3A_1989, %dma_wait3A_1990] : memref<5x8x8x132xf32, #tpu.memory_space<vmem>> -> memref<1x1x8x128xf32, #tpu.memory_space<vmem>>
      %dma_wait3A_1992 = tpu.memref_squeeze %dma_wait3A_1991 : memref<1x1x8x128xf32, #tpu.memory_space<vmem>> -> memref<8x128xf32, #tpu.memory_space<vmem>>
      tpu.wait_dma2 semaphore(%arg9 : memref<!tpu.dma_semaphore, #tpu.memory_space<semaphore_mem>>) src(%dma_wait3A_1992 : memref<8x128xf32, #tpu.memory_space<vmem>>) dst(%dma_wait3A_1988 : memref<8x128xf32, #tpu.memory_space<hbm>>)
      %dma_wait3A_1993 = arith.constant 4 : i32
      %dma_wait3A_1994 = arith.constant 0 : i32
      %dma_wait3A_1995 = arith.constant 0 : i32
      %dma_wait3A_1996 = arith.constant 0 : i32
      %dma_wait3A_1997 = arith.constant 0 : i32
      %dma_wait3A_1998 = tpu.memref_slice %arg7[%dma_wait3A_1993, %dma_wait3A_1994, %dma_wait3A_1996, %dma_wait3A_1997] : memref<5x8x8x132xf32, #tpu.memory_space<vmem>> -> memref<1x1x8x128xf32, #tpu.memory_space<vmem>>
      %dma_wait3A_1999 = tpu.memref_squeeze %dma_wait3A_1998 : memref<1x1x8x128xf32, #tpu.memory_space<vmem>> -> memref<8x128xf32, #tpu.memory_space<vmem>>
      %dma_wait3A_2000 = arith.constant 0 : i32
      %dma_wait3A_2001 = arith.constant 0 : i32
      %dma_wait3A_2002 = tpu.memref_slice %arg4[%select_n3A_1229, %dma_wait3A_1995, %add3A_1232, %dma_wait3A_2000, %dma_wait3A_2001] : memref<50x8x128x8x128xf32, #tpu.memory_space<hbm>> -> memref<1x1x1x8x128xf32, #tpu.memory_space<hbm>>
      %dma_wait3A_2003 = tpu.memref_squeeze %dma_wait3A_2002 : memref<1x1x1x8x128xf32, #tpu.memory_space<hbm>> -> memref<8x128xf32, #tpu.memory_space<hbm>>
      %dma_wait3A_2004 = arith.constant 0 : i32
      %dma_wait3A_2005 = arith.constant 0 : i32
      %dma_wait3A_2006 = tpu.memref_slice %arg4[%select_n3A_1229, %dma_wait3A_1995, %add3A_1232, %dma_wait3A_2004, %dma_wait3A_2005] : memref<50x8x128x8x128xf32, #tpu.memory_space<hbm>> -> memref<1x1x1x8x128xf32, #tpu.memory_space<hbm>>
      %dma_wait3A_2007 = tpu.memref_squeeze %dma_wait3A_2006 : memref<1x1x1x8x128xf32, #tpu.memory_space<hbm>> -> memref<8x128xf32, #tpu.memory_space<hbm>>
      %dma_wait3A_2008 = arith.constant 0 : i32
      %dma_wait3A_2009 = arith.constant 0 : i32
      %dma_wait3A_2010 = tpu.memref_slice %arg7[%dma_wait3A_1993, %dma_wait3A_1994, %dma_wait3A_2008, %dma_wait3A_2009] : memref<5x8x8x132xf32, #tpu.memory_space<vmem>> -> memref<1x1x8x128xf32, #tpu.memory_space<vmem>>
      %dma_wait3A_2011 = tpu.memref_squeeze %dma_wait3A_2010 : memref<1x1x8x128xf32, #tpu.memory_space<vmem>> -> memref<8x128xf32, #tpu.memory_space<vmem>>
      tpu.wait_dma2 semaphore(%arg9 : memref<!tpu.dma_semaphore, #tpu.memory_space<semaphore_mem>>) src(%dma_wait3A_2011 : memref<8x128xf32, #tpu.memory_space<vmem>>) dst(%dma_wait3A_2007 : memref<8x128xf32, #tpu.memory_space<hbm>>)
      %dma_wait3A_2012 = arith.constant 4 : i32
      %dma_wait3A_2013 = arith.constant 1 : i32
      %dma_wait3A_2014 = arith.constant 1 : i32
      %dma_wait3A_2015 = arith.constant 0 : i32
      %dma_wait3A_2016 = arith.constant 0 : i32
      %dma_wait3A_2017 = tpu.memref_slice %arg7[%dma_wait3A_2012, %dma_wait3A_2013, %dma_wait3A_2015, %dma_wait3A_2016] : memref<5x8x8x132xf32, #tpu.memory_space<vmem>> -> memref<1x1x8x128xf32, #tpu.memory_space<vmem>>
      %dma_wait3A_2018 = tpu.memref_squeeze %dma_wait3A_2017 : memref<1x1x8x128xf32, #tpu.memory_space<vmem>> -> memref<8x128xf32, #tpu.memory_space<vmem>>
      %dma_wait3A_2019 = arith.constant 0 : i32
      %dma_wait3A_2020 = arith.constant 0 : i32
      %dma_wait3A_2021 = tpu.memref_slice %arg4[%select_n3A_1229, %dma_wait3A_2014, %add3A_1232, %dma_wait3A_2019, %dma_wait3A_2020] : memref<50x8x128x8x128xf32, #tpu.memory_space<hbm>> -> memref<1x1x1x8x128xf32, #tpu.memory_space<hbm>>
      %dma_wait3A_2022 = tpu.memref_squeeze %dma_wait3A_2021 : memref<1x1x1x8x128xf32, #tpu.memory_space<hbm>> -> memref<8x128xf32, #tpu.memory_space<hbm>>
      %dma_wait3A_2023 = arith.constant 0 : i32
      %dma_wait3A_2024 = arith.constant 0 : i32
      %dma_wait3A_2025 = tpu.memref_slice %arg4[%select_n3A_1229, %dma_wait3A_2014, %add3A_1232, %dma_wait3A_2023, %dma_wait3A_2024] : memref<50x8x128x8x128xf32, #tpu.memory_space<hbm>> -> memref<1x1x1x8x128xf32, #tpu.memory_space<hbm>>
      %dma_wait3A_2026 = tpu.memref_squeeze %dma_wait3A_2025 : memref<1x1x1x8x128xf32, #tpu.memory_space<hbm>> -> memref<8x128xf32, #tpu.memory_space<hbm>>
      %dma_wait3A_2027 = arith.constant 0 : i32
      %dma_wait3A_2028 = arith.constant 0 : i32
      %dma_wait3A_2029 = tpu.memref_slice %arg7[%dma_wait3A_2012, %dma_wait3A_2013, %dma_wait3A_2027, %dma_wait3A_2028] : memref<5x8x8x132xf32, #tpu.memory_space<vmem>> -> memref<1x1x8x128xf32, #tpu.memory_space<vmem>>
      %dma_wait3A_2030 = tpu.memref_squeeze %dma_wait3A_2029 : memref<1x1x8x128xf32, #tpu.memory_space<vmem>> -> memref<8x128xf32, #tpu.memory_space<vmem>>
      tpu.wait_dma2 semaphore(%arg9 : memref<!tpu.dma_semaphore, #tpu.memory_space<semaphore_mem>>) src(%dma_wait3A_2030 : memref<8x128xf32, #tpu.memory_space<vmem>>) dst(%dma_wait3A_2026 : memref<8x128xf32, #tpu.memory_space<hbm>>)
      %dma_wait3A_2031 = arith.constant 4 : i32
      %dma_wait3A_2032 = arith.constant 2 : i32
      %dma_wait3A_2033 = arith.constant 2 : i32
      %dma_wait3A_2034 = arith.constant 0 : i32
      %dma_wait3A_2035 = arith.constant 0 : i32
      %dma_wait3A_2036 = tpu.memref_slice %arg7[%dma_wait3A_2031, %dma_wait3A_2032, %dma_wait3A_2034, %dma_wait3A_2035] : memref<5x8x8x132xf32, #tpu.memory_space<vmem>> -> memref<1x1x8x128xf32, #tpu.memory_space<vmem>>
      %dma_wait3A_2037 = tpu.memref_squeeze %dma_wait3A_2036 : memref<1x1x8x128xf32, #tpu.memory_space<vmem>> -> memref<8x128xf32, #tpu.memory_space<vmem>>
      %dma_wait3A_2038 = arith.constant 0 : i32
      %dma_wait3A_2039 = arith.constant 0 : i32
      %dma_wait3A_2040 = tpu.memref_slice %arg4[%select_n3A_1229, %dma_wait3A_2033, %add3A_1232, %dma_wait3A_2038, %dma_wait3A_2039] : memref<50x8x128x8x128xf32, #tpu.memory_space<hbm>> -> memref<1x1x1x8x128xf32, #tpu.memory_space<hbm>>
      %dma_wait3A_2041 = tpu.memref_squeeze %dma_wait3A_2040 : memref<1x1x1x8x128xf32, #tpu.memory_space<hbm>> -> memref<8x128xf32, #tpu.memory_space<hbm>>
      %dma_wait3A_2042 = arith.constant 0 : i32
      %dma_wait3A_2043 = arith.constant 0 : i32
      %dma_wait3A_2044 = tpu.memref_slice %arg4[%select_n3A_1229, %dma_wait3A_2033, %add3A_1232, %dma_wait3A_2042, %dma_wait3A_2043] : memref<50x8x128x8x128xf32, #tpu.memory_space<hbm>> -> memref<1x1x1x8x128xf32, #tpu.memory_space<hbm>>
      %dma_wait3A_2045 = tpu.memref_squeeze %dma_wait3A_2044 : memref<1x1x1x8x128xf32, #tpu.memory_space<hbm>> -> memref<8x128xf32, #tpu.memory_space<hbm>>
      %dma_wait3A_2046 = arith.constant 0 : i32
      %dma_wait3A_2047 = arith.constant 0 : i32
      %dma_wait3A_2048 = tpu.memref_slice %arg7[%dma_wait3A_2031, %dma_wait3A_2032, %dma_wait3A_2046, %dma_wait3A_2047] : memref<5x8x8x132xf32, #tpu.memory_space<vmem>> -> memref<1x1x8x128xf32, #tpu.memory_space<vmem>>
      %dma_wait3A_2049 = tpu.memref_squeeze %dma_wait3A_2048 : memref<1x1x8x128xf32, #tpu.memory_space<vmem>> -> memref<8x128xf32, #tpu.memory_space<vmem>>
      tpu.wait_dma2 semaphore(%arg9 : memref<!tpu.dma_semaphore, #tpu.memory_space<semaphore_mem>>) src(%dma_wait3A_2049 : memref<8x128xf32, #tpu.memory_space<vmem>>) dst(%dma_wait3A_2045 : memref<8x128xf32, #tpu.memory_space<hbm>>)
      %dma_wait3A_2050 = arith.constant 4 : i32
      %dma_wait3A_2051 = arith.constant 3 : i32
      %dma_wait3A_2052 = arith.constant 3 : i32
      %dma_wait3A_2053 = arith.constant 0 : i32
      %dma_wait3A_2054 = arith.constant 0 : i32
      %dma_wait3A_2055 = tpu.memref_slice %arg7[%dma_wait3A_2050, %dma_wait3A_2051, %dma_wait3A_2053, %dma_wait3A_2054] : memref<5x8x8x132xf32, #tpu.memory_space<vmem>> -> memref<1x1x8x128xf32, #tpu.memory_space<vmem>>
      %dma_wait3A_2056 = tpu.memref_squeeze %dma_wait3A_2055 : memref<1x1x8x128xf32, #tpu.memory_space<vmem>> -> memref<8x128xf32, #tpu.memory_space<vmem>>
      %dma_wait3A_2057 = arith.constant 0 : i32
      %dma_wait3A_2058 = arith.constant 0 : i32
      %dma_wait3A_2059 = tpu.memref_slice %arg4[%select_n3A_1229, %dma_wait3A_2052, %add3A_1232, %dma_wait3A_2057, %dma_wait3A_2058] : memref<50x8x128x8x128xf32, #tpu.memory_space<hbm>> -> memref<1x1x1x8x128xf32, #tpu.memory_space<hbm>>
      %dma_wait3A_2060 = tpu.memref_squeeze %dma_wait3A_2059 : memref<1x1x1x8x128xf32, #tpu.memory_space<hbm>> -> memref<8x128xf32, #tpu.memory_space<hbm>>
      %dma_wait3A_2061 = arith.constant 0 : i32
      %dma_wait3A_2062 = arith.constant 0 : i32
      %dma_wait3A_2063 = tpu.memref_slice %arg4[%select_n3A_1229, %dma_wait3A_2052, %add3A_1232, %dma_wait3A_2061, %dma_wait3A_2062] : memref<50x8x128x8x128xf32, #tpu.memory_space<hbm>> -> memref<1x1x1x8x128xf32, #tpu.memory_space<hbm>>
      %dma_wait3A_2064 = tpu.memref_squeeze %dma_wait3A_2063 : memref<1x1x1x8x128xf32, #tpu.memory_space<hbm>> -> memref<8x128xf32, #tpu.memory_space<hbm>>
      %dma_wait3A_2065 = arith.constant 0 : i32
      %dma_wait3A_2066 = arith.constant 0 : i32
      %dma_wait3A_2067 = tpu.memref_slice %arg7[%dma_wait3A_2050, %dma_wait3A_2051, %dma_wait3A_2065, %dma_wait3A_2066] : memref<5x8x8x132xf32, #tpu.memory_space<vmem>> -> memref<1x1x8x128xf32, #tpu.memory_space<vmem>>
      %dma_wait3A_2068 = tpu.memref_squeeze %dma_wait3A_2067 : memref<1x1x8x128xf32, #tpu.memory_space<vmem>> -> memref<8x128xf32, #tpu.memory_space<vmem>>
      tpu.wait_dma2 semaphore(%arg9 : memref<!tpu.dma_semaphore, #tpu.memory_space<semaphore_mem>>) src(%dma_wait3A_2068 : memref<8x128xf32, #tpu.memory_space<vmem>>) dst(%dma_wait3A_2064 : memref<8x128xf32, #tpu.memory_space<hbm>>)
      %dma_wait3A_2069 = arith.constant 4 : i32
      %dma_wait3A_2070 = arith.constant 4 : i32
      %dma_wait3A_2071 = arith.constant 4 : i32
      %dma_wait3A_2072 = arith.constant 0 : i32
      %dma_wait3A_2073 = arith.constant 0 : i32
      %dma_wait3A_2074 = tpu.memref_slice %arg7[%dma_wait3A_2069, %dma_wait3A_2070, %dma_wait3A_2072, %dma_wait3A_2073] : memref<5x8x8x132xf32, #tpu.memory_space<vmem>> -> memref<1x1x8x128xf32, #tpu.memory_space<vmem>>
      %dma_wait3A_2075 = tpu.memref_squeeze %dma_wait3A_2074 : memref<1x1x8x128xf32, #tpu.memory_space<vmem>> -> memref<8x128xf32, #tpu.memory_space<vmem>>
      %dma_wait3A_2076 = arith.constant 0 : i32
      %dma_wait3A_2077 = arith.constant 0 : i32
      %dma_wait3A_2078 = tpu.memref_slice %arg4[%select_n3A_1229, %dma_wait3A_2071, %add3A_1232, %dma_wait3A_2076, %dma_wait3A_2077] : memref<50x8x128x8x128xf32, #tpu.memory_space<hbm>> -> memref<1x1x1x8x128xf32, #tpu.memory_space<hbm>>
      %dma_wait3A_2079 = tpu.memref_squeeze %dma_wait3A_2078 : memref<1x1x1x8x128xf32, #tpu.memory_space<hbm>> -> memref<8x128xf32, #tpu.memory_space<hbm>>
      %dma_wait3A_2080 = arith.constant 0 : i32
      %dma_wait3A_2081 = arith.constant 0 : i32
      %dma_wait3A_2082 = tpu.memref_slice %arg4[%select_n3A_1229, %dma_wait3A_2071, %add3A_1232, %dma_wait3A_2080, %dma_wait3A_2081] : memref<50x8x128x8x128xf32, #tpu.memory_space<hbm>> -> memref<1x1x1x8x128xf32, #tpu.memory_space<hbm>>
      %dma_wait3A_2083 = tpu.memref_squeeze %dma_wait3A_2082 : memref<1x1x1x8x128xf32, #tpu.memory_space<hbm>> -> memref<8x128xf32, #tpu.memory_space<hbm>>
      %dma_wait3A_2084 = arith.constant 0 : i32
      %dma_wait3A_2085 = arith.constant 0 : i32
      %dma_wait3A_2086 = tpu.memref_slice %arg7[%dma_wait3A_2069, %dma_wait3A_2070, %dma_wait3A_2084, %dma_wait3A_2085] : memref<5x8x8x132xf32, #tpu.memory_space<vmem>> -> memref<1x1x8x128xf32, #tpu.memory_space<vmem>>
      %dma_wait3A_2087 = tpu.memref_squeeze %dma_wait3A_2086 : memref<1x1x8x128xf32, #tpu.memory_space<vmem>> -> memref<8x128xf32, #tpu.memory_space<vmem>>
      tpu.wait_dma2 semaphore(%arg9 : memref<!tpu.dma_semaphore, #tpu.memory_space<semaphore_mem>>) src(%dma_wait3A_2087 : memref<8x128xf32, #tpu.memory_space<vmem>>) dst(%dma_wait3A_2083 : memref<8x128xf32, #tpu.memory_space<hbm>>)
      %dma_wait3A_2088 = arith.constant 4 : i32
      %dma_wait3A_2089 = arith.constant 5 : i32
      %dma_wait3A_2090 = arith.constant 5 : i32
      %dma_wait3A_2091 = arith.constant 0 : i32
      %dma_wait3A_2092 = arith.constant 0 : i32
      %dma_wait3A_2093 = tpu.memref_slice %arg7[%dma_wait3A_2088, %dma_wait3A_2089, %dma_wait3A_2091, %dma_wait3A_2092] : memref<5x8x8x132xf32, #tpu.memory_space<vmem>> -> memref<1x1x8x128xf32, #tpu.memory_space<vmem>>
      %dma_wait3A_2094 = tpu.memref_squeeze %dma_wait3A_2093 : memref<1x1x8x128xf32, #tpu.memory_space<vmem>> -> memref<8x128xf32, #tpu.memory_space<vmem>>
      %dma_wait3A_2095 = arith.constant 0 : i32
      %dma_wait3A_2096 = arith.constant 0 : i32
      %dma_wait3A_2097 = tpu.memref_slice %arg4[%select_n3A_1229, %dma_wait3A_2090, %add3A_1232, %dma_wait3A_2095, %dma_wait3A_2096] : memref<50x8x128x8x128xf32, #tpu.memory_space<hbm>> -> memref<1x1x1x8x128xf32, #tpu.memory_space<hbm>>
      %dma_wait3A_2098 = tpu.memref_squeeze %dma_wait3A_2097 : memref<1x1x1x8x128xf32, #tpu.memory_space<hbm>> -> memref<8x128xf32, #tpu.memory_space<hbm>>
      %dma_wait3A_2099 = arith.constant 0 : i32
      %dma_wait3A_2100 = arith.constant 0 : i32
      %dma_wait3A_2101 = tpu.memref_slice %arg4[%select_n3A_1229, %dma_wait3A_2090, %add3A_1232, %dma_wait3A_2099, %dma_wait3A_2100] : memref<50x8x128x8x128xf32, #tpu.memory_space<hbm>> -> memref<1x1x1x8x128xf32, #tpu.memory_space<hbm>>
      %dma_wait3A_2102 = tpu.memref_squeeze %dma_wait3A_2101 : memref<1x1x1x8x128xf32, #tpu.memory_space<hbm>> -> memref<8x128xf32, #tpu.memory_space<hbm>>
      %dma_wait3A_2103 = arith.constant 0 : i32
      %dma_wait3A_2104 = arith.constant 0 : i32
      %dma_wait3A_2105 = tpu.memref_slice %arg7[%dma_wait3A_2088, %dma_wait3A_2089, %dma_wait3A_2103, %dma_wait3A_2104] : memref<5x8x8x132xf32, #tpu.memory_space<vmem>> -> memref<1x1x8x128xf32, #tpu.memory_space<vmem>>
      %dma_wait3A_2106 = tpu.memref_squeeze %dma_wait3A_2105 : memref<1x1x8x128xf32, #tpu.memory_space<vmem>> -> memref<8x128xf32, #tpu.memory_space<vmem>>
      tpu.wait_dma2 semaphore(%arg9 : memref<!tpu.dma_semaphore, #tpu.memory_space<semaphore_mem>>) src(%dma_wait3A_2106 : memref<8x128xf32, #tpu.memory_space<vmem>>) dst(%dma_wait3A_2102 : memref<8x128xf32, #tpu.memory_space<hbm>>)
      %dma_wait3A_2107 = arith.constant 4 : i32
      %dma_wait3A_2108 = arith.constant 6 : i32
      %dma_wait3A_2109 = arith.constant 6 : i32
      %dma_wait3A_2110 = arith.constant 0 : i32
      %dma_wait3A_2111 = arith.constant 0 : i32
      %dma_wait3A_2112 = tpu.memref_slice %arg7[%dma_wait3A_2107, %dma_wait3A_2108, %dma_wait3A_2110, %dma_wait3A_2111] : memref<5x8x8x132xf32, #tpu.memory_space<vmem>> -> memref<1x1x8x128xf32, #tpu.memory_space<vmem>>
      %dma_wait3A_2113 = tpu.memref_squeeze %dma_wait3A_2112 : memref<1x1x8x128xf32, #tpu.memory_space<vmem>> -> memref<8x128xf32, #tpu.memory_space<vmem>>
      %dma_wait3A_2114 = arith.constant 0 : i32
      %dma_wait3A_2115 = arith.constant 0 : i32
      %dma_wait3A_2116 = tpu.memref_slice %arg4[%select_n3A_1229, %dma_wait3A_2109, %add3A_1232, %dma_wait3A_2114, %dma_wait3A_2115] : memref<50x8x128x8x128xf32, #tpu.memory_space<hbm>> -> memref<1x1x1x8x128xf32, #tpu.memory_space<hbm>>
      %dma_wait3A_2117 = tpu.memref_squeeze %dma_wait3A_2116 : memref<1x1x1x8x128xf32, #tpu.memory_space<hbm>> -> memref<8x128xf32, #tpu.memory_space<hbm>>
      %dma_wait3A_2118 = arith.constant 0 : i32
      %dma_wait3A_2119 = arith.constant 0 : i32
      %dma_wait3A_2120 = tpu.memref_slice %arg4[%select_n3A_1229, %dma_wait3A_2109, %add3A_1232, %dma_wait3A_2118, %dma_wait3A_2119] : memref<50x8x128x8x128xf32, #tpu.memory_space<hbm>> -> memref<1x1x1x8x128xf32, #tpu.memory_space<hbm>>
      %dma_wait3A_2121 = tpu.memref_squeeze %dma_wait3A_2120 : memref<1x1x1x8x128xf32, #tpu.memory_space<hbm>> -> memref<8x128xf32, #tpu.memory_space<hbm>>
      %dma_wait3A_2122 = arith.constant 0 : i32
      %dma_wait3A_2123 = arith.constant 0 : i32
      %dma_wait3A_2124 = tpu.memref_slice %arg7[%dma_wait3A_2107, %dma_wait3A_2108, %dma_wait3A_2122, %dma_wait3A_2123] : memref<5x8x8x132xf32, #tpu.memory_space<vmem>> -> memref<1x1x8x128xf32, #tpu.memory_space<vmem>>
      %dma_wait3A_2125 = tpu.memref_squeeze %dma_wait3A_2124 : memref<1x1x8x128xf32, #tpu.memory_space<vmem>> -> memref<8x128xf32, #tpu.memory_space<vmem>>
      tpu.wait_dma2 semaphore(%arg9 : memref<!tpu.dma_semaphore, #tpu.memory_space<semaphore_mem>>) src(%dma_wait3A_2125 : memref<8x128xf32, #tpu.memory_space<vmem>>) dst(%dma_wait3A_2121 : memref<8x128xf32, #tpu.memory_space<hbm>>)
      %dma_wait3A_2126 = arith.constant 4 : i32
      %dma_wait3A_2127 = arith.constant 7 : i32
      %dma_wait3A_2128 = arith.constant 7 : i32
      %dma_wait3A_2129 = arith.constant 0 : i32
      %dma_wait3A_2130 = arith.constant 0 : i32
      %dma_wait3A_2131 = tpu.memref_slice %arg7[%dma_wait3A_2126, %dma_wait3A_2127, %dma_wait3A_2129, %dma_wait3A_2130] : memref<5x8x8x132xf32, #tpu.memory_space<vmem>> -> memref<1x1x8x128xf32, #tpu.memory_space<vmem>>
      %dma_wait3A_2132 = tpu.memref_squeeze %dma_wait3A_2131 : memref<1x1x8x128xf32, #tpu.memory_space<vmem>> -> memref<8x128xf32, #tpu.memory_space<vmem>>
      %dma_wait3A_2133 = arith.constant 0 : i32
      %dma_wait3A_2134 = arith.constant 0 : i32
      %dma_wait3A_2135 = tpu.memref_slice %arg4[%select_n3A_1229, %dma_wait3A_2128, %add3A_1232, %dma_wait3A_2133, %dma_wait3A_2134] : memref<50x8x128x8x128xf32, #tpu.memory_space<hbm>> -> memref<1x1x1x8x128xf32, #tpu.memory_space<hbm>>
      %dma_wait3A_2136 = tpu.memref_squeeze %dma_wait3A_2135 : memref<1x1x1x8x128xf32, #tpu.memory_space<hbm>> -> memref<8x128xf32, #tpu.memory_space<hbm>>
      %dma_wait3A_2137 = arith.constant 0 : i32
      %dma_wait3A_2138 = arith.constant 0 : i32
      %dma_wait3A_2139 = tpu.memref_slice %arg4[%select_n3A_1229, %dma_wait3A_2128, %add3A_1232, %dma_wait3A_2137, %dma_wait3A_2138] : memref<50x8x128x8x128xf32, #tpu.memory_space<hbm>> -> memref<1x1x1x8x128xf32, #tpu.memory_space<hbm>>
      %dma_wait3A_2140 = tpu.memref_squeeze %dma_wait3A_2139 : memref<1x1x1x8x128xf32, #tpu.memory_space<hbm>> -> memref<8x128xf32, #tpu.memory_space<hbm>>
      %dma_wait3A_2141 = arith.constant 0 : i32
      %dma_wait3A_2142 = arith.constant 0 : i32
      %dma_wait3A_2143 = tpu.memref_slice %arg7[%dma_wait3A_2126, %dma_wait3A_2127, %dma_wait3A_2141, %dma_wait3A_2142] : memref<5x8x8x132xf32, #tpu.memory_space<vmem>> -> memref<1x1x8x128xf32, #tpu.memory_space<vmem>>
      %dma_wait3A_2144 = tpu.memref_squeeze %dma_wait3A_2143 : memref<1x1x8x128xf32, #tpu.memory_space<vmem>> -> memref<8x128xf32, #tpu.memory_space<vmem>>
      tpu.wait_dma2 semaphore(%arg9 : memref<!tpu.dma_semaphore, #tpu.memory_space<semaphore_mem>>) src(%dma_wait3A_2144 : memref<8x128xf32, #tpu.memory_space<vmem>>) dst(%dma_wait3A_2140 : memref<8x128xf32, #tpu.memory_space<hbm>>)
    }
    %scan3A_55 = arith.constant 40 : i32
    return
  }
}

</mosaic_0001>

<sc_bundles>
// kernel: _sc_embedding_gather.3.cloned.1.call-start
scs
__scs_entry_jumppad:
0x0: {  	(pc) =	sbr.rel $0x88, $3  }
0x1: {  	(tag) =	ssettag $0x0;
	lr =	simm.s32 $0x1  }
0x2: {  	[smem:$0x3F9F] =	sst lr;
	_ =	strace $0xD0000000  }
0x3: {  	_ = 	snop  }
0x4: {  	_ = 	snop  }
0x5: {  	_ = 	snop  }
0x6: {  	_ = 	snop  }
0x7: {  	_ = 	snop  }
__scs_overlays_trampoline_lowered:
0x8: {  	[smem:$0x3FAE] =	sst s0  }
0x9: {  	[smem:$0x3FAF] =	sst s1  }
0xa: {  	[smem:$0x3FB0] =	sst s2  }
0xb: {  	[smem:$0x3FB1] =	sst s3  }
0xc: {  	[smem:$0x3FB2] =	sst s4  }
0xd: {  	[smem:$0x3FB3] =	sst s5  }
0xe: {  	[smem:$0x3FB4] =	sst s6  }
0xf: {  	[smem:$0x3FB5] =	sst s7  }
0x10: {  	[smem:$0x3FB6] =	sst s8  }
0x11: {  	[smem:$0x3FB7] =	sst s9;
	s0 =	simm.s32 @!p0 $0x0  }
0x12: {  	s1 =	sld [smem:$0x3F9D];
	s0 =	simm.s32 @p0 $0x1  }
0x13: {  	[smem:$0x3FB8] =	sst s0;
	s0 =	simm.s32 @!p1 $0x0  }
0x14: {  	s2 =	sld [smem:$0x3F9C];
	s0 =	simm.s32 @p1 $0x1  }
0x15: {  	[smem:$0x3FB9] =	sst s0;
	s0 =	simm.s32 @!p2 $0x0  }
0x16: {  	s3 =	sld [smem:$0x3FDB];
	s0 =	simm.s32 @p2 $0x1  }
0x17: {  	s4 =	simm.s32 $0x1BF5;
	[smem:$0x3FBB] =	sst s0  }
0x18: {  	s0 =	sld [smem:$0x3F9E];
	_ =	swait.ge [sflag:s4], $0x0  }
0x19: {  	s7 =	sld [smem:$0x3F9F]  }
0x1a: {  	s8 =	sadd.s32 $0xFFFFE003, lr  }
0x1b: {  	s9 =	sadd.s32 $0xFFFFFEF7, lr;
	s5 =	simm.s32 $0xFFFFFFFF;
	p2 =	slt.u32 s8, $0xFFFFF086  }
0x1c: {  	p1 =	slt.u32 s9, $0xF7A;
	s5 =	simm.s32 @!p2 $0x0  }
0x1d: {  	s5 =	simm.s32 @p1 $0x1;
	p0 =	seq.s32 s7, s2  }
0x1e: {  	s7 =	smul.u32 @!p0 $0xF7A, s2;
	p2 =	seq.s32 @!p0 s5, $0x0  }
0x1f: {  	s9 =	smul.u32 $0xF7A, s1;
	s8 =	simm.s32 @!p0 $0x1BF5;
	p2 =	por !p2, p0  }
0x20: {  	[sflag:s8] =	ssyncset.s32 @!p0 $0xFFFFF086;
	s6 =	sadd.s32 @!p0 s3, s7;
	s7 =	simm.s32 @!p0 $0x108  }
0x21: {  	s3 =	sadd.s32 s3, s9;
	s6 =	sadd.s32 @!p0 $0x88, s6;
	s7 =	simm.s32 @p2 $0x1082  }
0x22: {  	[simem:s7], [sflag:s8] =	dma.local @!p0 [hbm:s6], $0xF7A  }
0x23: {  	s9 =	sor.u32 $0xD0000000, s2;
	s6 =	simm.s32 $0x108;
	_ =	swait.ge @!p0 [sflag:s8], $0x0  }
0x24: {  	s3 =	sadd.s32 $0x88, s3;
	s6 =	simm.s32 @!p1 $0x1082;
	[sflag:s4] =	ssyncset.s32 $0xFFFFF086  }
0x25: {  	[simem:s6], [sflag:s4] =	dma.local [hbm:s3], $0xF7A  }
0x26: {  	[smem:$0x3F9F] =	sst s1;
	(tag) =	ssettag s2;
	_ =	strace s9  }
0x27: {  	s1 =	sld [smem:$0x3FAF]  }
0x28: {  	s2 =	sld [smem:$0x3FB0]  }
0x29: {  	s4 =	sld [smem:$0x3FB2]  }
0x2a: {  	p0 =	seq.s32 s5, $0x0;
	s5 =	sld [smem:$0x3FB3]  }
0x2b: {  	s6 =	sld [smem:$0x3FB4]  }
0x2c: {  	s7 =	sld [smem:$0x3FB5]  }
0x2d: {  	s3 =	simm.s32 $0x108;
	s8 =	sld [smem:$0x3FB6]  }
0x2e: {  	s3 =	simm.s32 @!p0 $0x1082;
	s9 =	sld [smem:$0x3FB7]  }
0x2f: {  	lr =	sadd.s32 s0, s3;
	s0 =	sld [smem:$0x3FAE]  }
0x30: {  	s3 =	sld [smem:$0x3FB1]  }
0x31: {  	[smem:$0x3FBA] =	sst s10  }
0x32: {  	s10 =	sld [smem:$0x3FB8];
	_ =	sdelay $0x3  }
0x33: {  	p0 =	seq.s32 s10, $0x1;
	s10 =	sld [smem:$0x3FBA];
	_ =	sdelay $0x3  }
0x34: {  	[smem:$0x3FBA] =	sst s10  }
0x35: {  	s10 =	sld [smem:$0x3FB9];
	_ =	sdelay $0x3  }
0x36: {  	p1 =	seq.s32 s10, $0x1;
	s10 =	sld [smem:$0x3FBA];
	_ =	sdelay $0x3  }
0x37: {  	[smem:$0x3FBA] =	sst s10  }
0x38: {  	s10 =	sld [smem:$0x3FBB]  }
0x39: {  	_ = 	snop;
	(pc) =	sbr.ind lr, $3  }
0x3a: {  	_ = 	snop  }
0x3b: {  	_ = 	snop  }
0x3c: {  	p2 =	seq.s32 s10, $0x1;
	s10 =	sld [smem:$0x3FBA]  }
0x3d: {  	_ =	shalt  }
0x3e: {  	_ =	shalt  }
0x3f: {  	_ =	shalt  }
0x40: {  	_ =	shalt  }
0x41: {  	_ =	shalt  }
0x42: {  	_ =	shalt  }
0x43: {  	_ =	shalt  }
0x44: {  	_ =	shalt  }
0x45: {  	_ =	shalt  }
0x46: {  	_ =	shalt  }
0x47: {  	_ =	shalt  }
0x48: {  	_ =	shalt  }
0x49: {  	_ =	shalt  }
0x4a: {  	_ =	shalt  }
0x4b: {  	_ =	shalt  }
0x4c: {  	_ =	shalt  }
0x4d: {  	_ =	shalt  }
0x4e: {  	_ =	shalt  }
0x4f: {  	_ =	shalt  }
0x50: {  	_ =	shalt  }
0x51: {  	_ =	shalt  }
0x52: {  	_ =	shalt  }
0x53: {  	_ =	shalt  }
0x54: {  	_ =	shalt  }
0x55: {  	_ =	shalt  }
0x56: {  	_ =	shalt  }
0x57: {  	_ =	shalt  }
0x58: {  	_ =	shalt  }
0x59: {  	_ =	shalt  }
0x5a: {  	_ =	shalt  }
0x5b: {  	_ =	shalt  }
0x5c: {  	_ =	shalt  }
0x5d: {  	_ =	shalt  }
0x5e: {  	_ =	shalt  }
0x5f: {  	_ =	shalt  }
0x60: {  	_ =	shalt  }
0x61: {  	_ =	shalt  }
0x62: {  	_ =	shalt  }
0x63: {  	_ =	shalt  }
0x64: {  	_ =	shalt  }
0x65: {  	_ =	shalt  }
0x66: {  	_ =	shalt  }
0x67: {  	_ =	shalt  }
0x68: {  	_ =	shalt  }
0x69: {  	_ =	shalt  }
0x6a: {  	_ =	shalt  }
0x6b: {  	_ =	shalt  }
0x6c: {  	_ =	shalt  }
0x6d: {  	_ =	shalt  }
0x6e: {  	_ =	shalt  }
0x6f: {  	_ =	shalt  }
0x70: {  	_ =	shalt  }
0x71: {  	_ =	shalt  }
0x72: {  	_ =	shalt  }
0x73: {  	_ =	shalt  }
0x74: {  	_ =	shalt  }
0x75: {  	_ =	shalt  }
0x76: {  	_ =	shalt  }
0x77: {  	_ =	shalt  }
0x78: {  	_ =	shalt  }
0x79: {  	_ =	shalt  }
0x7a: {  	_ =	shalt  }
0x7b: {  	_ =	shalt  }
0x7c: {  	_ =	shalt  }
0x7d: {  	_ =	shalt  }
0x7e: {  	_ =	shalt  }
0x7f: {  	_ =	shalt  }
0x80: {  	_ =	shalt  }
0x81: {  	_ =	shalt  }
0x82: {  	_ =	shalt  }
0x83: {  	_ =	shalt  }
0x84: {  	_ =	shalt  }
0x85: {  	_ =	shalt  }
0x86: {  	_ =	shalt  }
0x87: {  	_ =	shalt  }
.Lfunc_end0:
.L_simem_size_0:
called_computation_lowered:
.L_overlay_start_0:
0x88: {  	s2 =	sld [smem:$0x3FD9]  }
0x89: {  	s3 =	sld [smem:$0x3FFE];
	_ =	sdelay $0x1  }
0x8a: {  	s1 =	srdreg.scid  }
0x8b: {  	s0 =	sand.u32 $0x1, s1  }
0x8c: {  	s17 =	sshll.u32 s0, $0xA;
	s2 =	sadd.s32 s3, s2  }
0x8d: {  	s2 =	sadd.s32 s2, s17  }
0x8e: {  	[smem:$0x3FC6] =	sst s2  }
0x8f: {  	_ = 	snop  }
0x90: {  	s2 =	sld [smem:$0x3FD0];
	(tm) =	ssettm $0x1  }
0x91: {  	s18 =	sld [smem:$0x3FFB];
	_ =	sdelay $0x3  }
0x92: {  	_ =	strace s18  }
0x93: {  	s3 =	sld [smem:$0x3FFC];
	_ =	sdelay $0x3  }
0x94: {  	_ =	strace s3  }
0x95: {  	s3 =	sld [smem:$0x3FFD];
	_ =	sdelay $0x3  }
0x96: {  	_ =	strace s3  }
0x97: {  	_ =	strace $0x8FFFFFFF  }
0x98: {  	s19 =	sld [smem:$0x3FDB];
	_ =	sdelay $0x1  }
0x99: {  	s4 =	simm.s32 $_scs_section_size  }
0x9a: {  	s5 =	simm.s32 $_size__tile_overlayer_lowered;
	s6 =	simm.s32 $_tile_overlayer_lowered  }
0x9b: {  	s22 =	simm.s32 $0x1BFF;
	s21 =	sshll.u32 s6, $0x1;
	s3 =	sadd.s32 s4, s19  }
0x9c: {  	s7 =	simm.s32 $0x0;
	s20 =	sshll.u32 s5, $0x1;
	s5 =	sadd.s32 s21, s3  }
0x9d: {  	[timem:s7], [sflag:s22] =	dma.local [hbm:s5], s20  }
0x9e: {  	_ =	swait.ge [sflag:s22], s20  }
0x9f: {  	s4 =	ssub.s32 $0x0, s20;
	[sflag:s22] =	ssyncset.done $0x0  }
0xa0: {  	[sflag:s22] =	ssyncadd.s32 s4;
	_ =	sdelay $0x1  }
0xa1: {  	s23 =	simm.s32 $0x1B8B  }
0xa2: {  	_ =	swait.ge [sflag:s23], $0x1  }
0xa3: {  	[sflag:s23] =	ssyncset.done $0x0  }
0xa4: {  	s25 =	simm.s32 $0x1B8E;
	s24 =	sld [smem:$0x3FFE];
	[sflag:s23] =	ssyncadd.s32 $0xFFFFFFFF  }
0xa5: {  	s26 =	simm.s32 $execute0_lowered;
	[smem:$0x3FD2] =	sst s25  }
0xa6: {  	s5 =	sshll.u32 s26, $0x1;
	_ =	strace $0x80000046;
	[dreg:$0x1] =	wrdreg $0xFFFFFFFF  }
0xa7: {  	s28 =	simm.s32 $_size_execute0_lowered;
	s3 =	sadd.s32 s3, s5;
	[dreg:$0x0] =	wrdreg $0x0  }
0xa8: {  	s5 =	sshll.u32 s28, $0x1;
	[dreg:$0x2] =	wrdreg s3  }
0xa9: {  	[dreg:$0x3] =	wrdreg s5  }
0xaa: {  	[dreg:$0x4] =	wrdreg $0xC0  }
0xab: {  	_ =	task [dreg:s7], $0x5FFFF  }
0xac: {  	[dreg:$0x1] =	wrdreg $0xFFFFFFFF  }
0xad: {  	[dreg:$0x0] =	wrdreg $0x60  }
0xae: {  	[dreg:$0x2] =	wrdreg s24  }
0xaf: {  	[dreg:$0x3] =	wrdreg s2  }
0xb0: {  	[dreg:$0x4] =	wrdreg $0x9  }
0xb1: {  	_ =	task.clear_ibuf [dreg:s7], $0x5FFFF;
	_ =	strace $0x90000046  }
0xb2: {  	s29 =	simm.s32 $0x9;
	_ =	strace $0x80000048  }
0xb3: {  	_ =	swait.ge [sflag:s29], $0x1  }
0xb4: {  	[sflag:s29] =	ssyncadd.s32 $0xFFFFFFFF  }
0xb5: {  	_ =	strace $0x90000048  }
0xb6: {  	_ =	sfence  }
0xb7: {  	s30 =	sld [smem:$0x0];
	_ =	sdelay $0x2  }
0xb8: {  	s31 =	sshll.u32 s1, $0xD;
	s1 =	sshrl.u32 s1, $0x2  }
0xb9: {  	s3 =	sand.u32 $0x4000, s31;
	s1 =	sadd.s32 s1, s30  }
0xba: {  	s0 =	sor.u32 s3, s0;
	s1 =	sshll.u32 s1, $0x11  }
0xbb: {  	s0 =	sor.u32 s1, s0  }
0xbc: {  	s0 =	sadd.s32 $0x8F2B, s0  }
0xbd: {  	[sflag:s0] =	ssyncadd.remote.s32 $0x1  }
0xbe: {  	_ =	sfence.sel $0xFFFF  }
0xbf: {  	[dreg:$0x0] =	wrdreg $0xFFFFFFFF;
	(pc) =	sbr.abs _section_cstart, $3  }
0xc0: {  	[dreg:$0x1] =	wrdreg $0xFFFFFFFF  }
0xc1: {  	_ =	task.clear_ibuf [dreg:s7], $0x2FFFF;
	_ =	strace $0x9FFFFFFF  }
0xc2: {  	(tm) =	ssettm $0x7FFFFFFF  }
0xc3: {  	_ =	shalt  }
tec
execute0_lowered:
.L_overlay_start_1:
0x0: {  	(tag) =	ssettag $0x1  }
0x1: {  	v0 =	vlaneseq.u32  }
0x2: {  	s0 =	rddreg [dreg:$0x0];
	v0 =	vmul.u32 $0x88, v0  }
0x3: {  	s2 =	rddreg [dreg:$0x1];
	v1 =	vimm.s32 $0x0;
	vm0 =	vcmask $0x300  }
0x4: {  	s1 =	srdreg.scid;
	s4 =	stileid.u32;
	v1 =	vsel vm0, $0x3, v1;
	v2 =	vadd.s32 $0x880, v0  }
0x5: {  	s3 =	simm.s32 $0x0;
	s11 =	simm.s32 $0x80;
	s17 =	simm.s32 $0x1;
	v3 =	vadd.s32 $0x1100, v0;
	v4 =	vadd.s32 $0x1980, v0;
	v5 =	vor.u32 $0x1, v0  }
0x6: {  	s18 =	simm.s32 $0x10400;
	s9 =	simm.s32 $0x12600;
	s29 =	simm.s32 $0x14800;
	v6 =	vadd.s32 $0x881, v0;
	v7 =	vadd.s32 $0x1101, v0;
	v8 =	vadd.s32 $0x1981, v0  }
0x7: {  	s24 =	simm.s32 $0x19BF0;
	s28 =	simm.s32 $0x19C78;
	s30 =	simm.s32 $0x19D00;
	v9 =	vor.u32 $0x2, v0;
	v10 =	vadd.s32 $0x882, v0;
	v11 =	vadd.s32 $0x1102, v0  }
0x8: {  	s31 =	simm.s32 $0x1AD78;
	s1 =	sand.u32 $0x1, s1;
	s4 =	sshll.u32 s4, $0x1;
	v12 =	vadd.s32 $0x1982, v0;
	v13 =	vor.u32 $0x3, v0;
	v14 =	vadd.s32 $0x883, v0  }
0x9: {  	[smem:$0x7FF] =	sst s3;
	s5 =	sor.u32 s1, s4;
	s1 =	ssub.s32 $0x2, s1;
	v15 =	vadd.s32 $0x1103, v0;
	v16 =	vadd.s32 $0x1983, v0;
	v17 =	vor.u32 $0x4, v0  }
0xa: {  	_ =	strace $0x80000047;
	s4 =	sshll.u32 s5, $0x6;
	s25 =	sshrl.u32 s1, $0x1;
	v18 =	vadd.s32 $0x884, v0;
	v19 =	vadd.s32 $0x1104, v0;
	v20 =	vadd.s32 $0x1984, v0  }
0xb: {  	v21 =	vor.u32 $0x5, v0;
	v22 =	vadd.s32 $0x885, v0;
	v23 =	vadd.s32 $0x1105, v0;
	s6 =	sadd.s32 s4, s0;
	s4 =	sadd.s32 $0xF42A00, s0;
	s0 =	ssub.s32 s1, s25  }
0xc: {  	v24 =	vadd.s32 $0x1985, v0;
	v25 =	vor.u32 $0x6, v0;
	v26 =	vadd.s32 $0x886, v0;
	s25 =	simm.s32 $0x16A00;
	s26 =	sadd.s32 $0x600, s6;
	s6 =	sshll.u32 s5, $0x2  }
0xd: {  	v27 =	vadd.s32 $0x1106, v0;
	v28 =	vadd.s32 $0x1986, v0;
	v29 =	vor.u32 $0x7, v0;
	s0 =	smax.u32 s0, $0x1;
	s5 =	simm.s32 $0x0;
	[dreg:$0x3] =	wrdreg s26  }
0xe: {  	v30 =	vadd.s32 $0x887, v0;
	v31 =	vadd.s32 $0x1107, v0;
	v32 =	vadd.s32 $0x1987, v0;
	[dreg:$0x4] =	wrdreg s0;
	s26 =	simm.s32 $0x18C00;
	s0 =	simm.s32 $0x2  }
.LBB2_1:
0xf: {  	[dreg:$0x5] =	wrdreg s5  }
0x10: {  	s1 =	rddreg [dreg:$0x3]  }
0x11: {  	s22 =	simm.s32 $0x200;
	s7 =	simm.s32 $0x4000;
	s23 =	simm.s32 $0x3  }
0x12: {  	[tilespmem:s3], [sflag:$0x3] =	stream.strided.gather [hbm4b:s1+s22], $0x6400, s7, s22, $0x38;
	[tilespmem:$0x1AE00] =	vst v63  }
0x13: {  	_ =	swait.ge [sflag:s23], $0x6400  }
0x14: {  	[sflag:s23] =	ssyncset.done $0x0  }
0x15: {  	s1 =	simm.s32 $0x0;
	[sflag:s23] =	ssyncadd.s32 $0xFFFF9C00  }
.LBB2_2:
0x16: {  	s5 =	smul.u32 $0x5, s1;
	_ =	sdelay $0x1  }
0x17: {  	s7 =	sand.u32 $0xFF, s5  }
0x18: {  	s7 =	smul.u32 $0x29, s7;
	_ =	sdelay $0x1  }
0x19: {  	s7 =	sshrl.u32 s7, $0xB  }
0x1a: {  	s8 =	sand.u32 $0xFF, s1;
	s7 =	smul.u32 $0x32, s7  }
0x1b: {  	s8 =	smul.u32 $0xCD, s8  }
0x1c: {  	s7 =	ssub.s32 s5, s7  }
0x1d: {  	s22 =	sadd.s32 $0x1, s5;
	s19 =	sshrl.u32 s8, $0xB;
	s16 =	sand.u32 $0xFF, s7  }
0x1e: {  	s12 =	sand.u32 $0xFF, s22;
	s10 =	sshll.u32 s19, $0x7;
	s23 =	sshll.u32 s16, $0x9  }
0x1f: {  	s14 =	simm.s32 $0x6400;
	s13 =	smul.u32 $0x29, s12;
	s8 =	sadd.s32 s10, s23  }
0x20: {  	[tilespmem:s14], [sflag:$0x1] =	stream.indirect.gather [hbm4b:s4+s11], $0x40, s8, s11, $0xb8;
	[tilespmem:$0x1AE00] =	vst v63  }
0x21: {  	s14 =	sshrl.u32 s13, $0xB  }
0x22: {  	s20 =	sadd.s32 $0x2, s5;
	s15 =	smul.u32 $0x32, s14  }
0x23: {  	s21 =	sand.u32 $0xFF, s20  }
0x24: {  	s7 =	ssub.s32 s22, s15;
	s22 =	smul.u32 $0x29, s21  }
0x25: {  	s15 =	sand.u32 $0xFF, s7  }
0x26: {  	s13 =	sshll.u32 s14, $0x7;
	s7 =	sshll.u32 s15, $0x9;
	s12 =	sshrl.u32 s22, $0xB  }
0x27: {  	s23 =	simm.s32 $0x8400;
	s7 =	sadd.s32 s13, s7;
	s8 =	smul.u32 $0x32, s12  }
0x28: {  	[tilespmem:s23], [sflag:$0x1] =	stream.indirect.gather [hbm4b:s4+s11], $0x40, s7, s11, $0xb8;
	[tilespmem:$0x1AE00] =	vst v63  }
0x29: {  	s20 =	ssub.s32 s20, s8  }
0x2a: {  	s8 =	sadd.s32 $0x3, s5;
	s13 =	sand.u32 $0xFF, s20  }
0x2b: {  	s21 =	sshll.u32 s12, $0x7;
	s20 =	sand.u32 $0xFF, s8;
	s7 =	sshll.u32 s13, $0x9  }
0x2c: {  	s23 =	simm.s32 $0xA400;
	s22 =	smul.u32 $0x29, s20;
	s7 =	sadd.s32 s21, s7  }
0x2d: {  	[tilespmem:s23], [sflag:$0x1] =	stream.indirect.gather [hbm4b:s4+s11], $0x40, s7, s11, $0xb8;
	[tilespmem:$0x1AE00] =	vst v63  }
0x2e: {  	s7 =	sshrl.u32 s22, $0xB  }
0x2f: {  	s5 =	sadd.s32 $0x4, s5;
	s10 =	smul.u32 $0x32, s7  }
0x30: {  	s21 =	sand.u32 $0xFF, s5  }
0x31: {  	s20 =	smul.u32 $0x29, s21;
	s8 =	ssub.s32 s8, s10  }
0x32: {  	s10 =	sand.u32 $0xFF, s8  }
0x33: {  	s22 =	sshll.u32 s7, $0x7;
	s8 =	sshrl.u32 s20, $0xB;
	s21 =	sshll.u32 s10, $0x9  }
0x34: {  	s23 =	simm.s32 $0xC400;
	s22 =	sadd.s32 s22, s21;
	s21 =	smul.u32 $0x32, s8  }
0x35: {  	[tilespmem:s23], [sflag:$0x1] =	stream.indirect.gather [hbm4b:s4+s11], $0x40, s22, s11, $0xb8;
	[tilespmem:$0x1AE00] =	vst v63  }
0x36: {  	s5 =	ssub.s32 s5, s21;
	s21 =	simm.s32 $0x1  }
0x37: {  	s5 =	sand.u32 $0xFF, s5;
	v34 =	vmov s21;
	s21 =	simm.s32 $0x4  }
0x38: {  	s23 =	sshll.u32 s8, $0x7;
	s22 =	sshll.u32 s5, $0x9;
	v37 =	vmov s21;
	s21 =	simm.s32 $0x6  }
0x39: {  	v34 =	vshrl.u32 v34, $0x3;
	s20 =	sadd.s32 s23, s22;
	s22 =	simm.s32 $0xE400;
	s23 =	simm.s32 $0x0  }
0x3a: {  	v40 =	vmov s21;
	v37 =	vshrl.u32 v37, $0x3;
	v34 =	vshll.u32 v34, v1;
	[tilespmem:s22], [sflag:$0x1] =	stream.indirect.gather [hbm4b:s4+s11], $0x40, s20, s11, $0xb8;
	[tilespmem:$0x1AE00] =	vst v63  }
0x3b: {  	v33 =	vmov s23;
	s22 =	simm.s32 $0x2;
	s23 =	simm.s32 $0x3;
	v45 =	vbroadcast v34, $0x0;
	v54 =	vshll.u32 v37, v1  }
0x3c: {  	v33 =	vshrl.u32 v33, $0x3;
	v35 =	vmov s22;
	s22 =	simm.s32 $0x7;
	v36 =	vmov s23;
	s23 =	simm.s32 $0x5  }
0x3d: {  	_ =	swait.ge [sflag:s17], $0x2000;
	v34 =	vbroadcast v54, $0x0;
	v38 =	vmov s22;
	v39 =	vmov s23  }
0x3e: {  	v33 =	vshll.u32 v33, v1;
	[sflag:s17] =	ssyncset.done $0x0;
	v35 =	vshrl.u32 v35, $0x3;
	v38 =	vshrl.u32 v38, $0x3  }
0x3f: {  	s20 =	simm.s32 $0x6500;
	v36 =	vshrl.u32 v36, $0x3;
	v47 =	vadd.s32 v5, v45;
	[sflag:s17] =	ssyncadd.s32 $0xFFFFE000;
	v38 =	vshll.u32 v38, v1  }
0x40: {  	v33 =	vbroadcast v33, $0x0;
	v53 =	vshll.u32 v36, v1;
	v46 =	vld [tilespmem:s20+$0xFFFFFF40];
	v38 =	vbroadcast v38, $0x0  }
0x41: {  	v52 =	vshll.u32 v35, v1;
	v35 =	vbroadcast v53, $0x0;
	v51 =	vld [tilespmem:s20+$0x0];
	v53 =	vadd.s32 v17, v34  }
0x42: {  	v55 =	vshrl.u32 v39, $0x3;
	v41 =	vld [tilespmem:s20+$0xC0];
	v52 =	vbroadcast v52, $0x0;
	v42 =	vadd.s32 v29, v38  }
0x43: {  	v40 =	vshrl.u32 v40, $0x3;
	v43 =	vld [tilespmem:s20+$0xFFFFFF00];
	v36 =	vshll.u32 v55, v1;
	v44 =	vadd.s32 v0, v33  }
0x44: {  	v56 =	vshll.u32 v40, v1;
	v48 =	vld [tilespmem:s20+$0xFFFFFF80];
	v37 =	vbroadcast v36, $0x0;
	v49 =	vadd.s32 v9, v52  }
0x45: {  	v39 =	vld [tilespmem:s20+$0xFFFFFFC0];
	v36 =	vbroadcast v56, $0x0;
	v50 =	vadd.s32 v13, v35;
	[tilespmem:v47+s18+$0x0] =	vst.idx.msk $0xffff, v46  }
0x46: {  	v59 =	vld [tilespmem:s20+$0x40];
	v60 =	vadd.s32 v21, v37;
	[tilespmem:v53+s18+$0x0] =	vst.idx.msk $0xffff, v51  }
0x47: {  	v61 =	vld [tilespmem:s20+$0x80];
	v62 =	vadd.s32 v25, v36;
	[tilespmem:v42+s18+$0x0] =	vst.idx.msk $0xffff, v41  }
0x48: {  	v58 =	vadd.s32 v30, v38;
	[tilespmem:v44+s18+$0x0] =	vst.idx.msk $0xffff, v43;
	v57 =	vld [tilespmem:s20+$0xD0]  }
0x49: {  	v63 =	vadd.s32 v6, v45;
	v47 =	vld [tilespmem:s20+$0xFFFFFF50];
	[tilespmem:v49+s18+$0x0] =	vst.idx.msk $0xffff, v48  }
0x4a: {  	v55 =	vadd.s32 v10, v52;
	[tilespmem:v50+s18+$0x0] =	vst.idx.msk $0xffff, v39;
	v54 =	vld [tilespmem:s20+$0xFFFFFF90]  }
0x4b: {  	v56 =	vadd.s32 v14, v35;
	v50 =	vld [tilespmem:s20+$0xFFFFFFD0];
	[tilespmem:v60+s18+$0x0] =	vst.idx.msk $0xffff, v59  }
0x4c: {  	[tilespmem:v62+s18+$0x0] =	vst.idx.msk $0xffff, v61;
	v61 =	vld [tilespmem:s20+$0xFFFFFF10];
	v62 =	vadd.s32 v2, v33  }
0x4d: {  	v59 =	vadd.s32 v18, v34;
	[tilespmem:v58+s18+$0x0] =	vst.idx.msk $0xffff, v57;
	v58 =	vld [tilespmem:s20+$0x10]  }
0x4e: {  	[tilespmem:v63+s18+$0x0] =	vst.idx.msk $0xffff, v47;
	v57 =	vadd.s32 v31, v38;
	v40 =	vld [tilespmem:s20+$0xE0]  }
0x4f: {  	v46 =	vadd.s32 v22, v37;
	v44 =	vld [tilespmem:s20+$0x50];
	[tilespmem:v55+s18+$0x0] =	vst.idx.msk $0xffff, v54  }
0x50: {  	v60 =	vadd.s32 v26, v36;
	v63 =	vld [tilespmem:s20+$0x90];
	[tilespmem:v56+s18+$0x0] =	vst.idx.msk $0xffff, v50  }
0x51: {  	v51 =	vadd.s32 v7, v45;
	v50 =	vld [tilespmem:s20+$0xFFFFFF60];
	[tilespmem:v62+s18+$0x0] =	vst.idx.msk $0xffff, v61  }
0x52: {  	v56 =	vadd.s32 v11, v52;
	v55 =	vld [tilespmem:s20+$0xFFFFFFA0];
	[tilespmem:v59+s18+$0x0] =	vst.idx.msk $0xffff, v58  }
0x53: {  	v58 =	vadd.s32 v15, v35;
	[tilespmem:v57+s18+$0x0] =	vst.idx.msk $0xffff, v40;
	v57 =	vld [tilespmem:s20+$0xFFFFFFE0]  }
0x54: {  	v38 =	vadd.s32 v32, v38;
	[tilespmem:v46+s18+$0x0] =	vst.idx.msk $0xffff, v44;
	v54 =	vld [tilespmem:s20+$0xF0]  }
0x55: {  	s23 =	simm.s32 $0x9;
	[tilespmem:v60+s18+$0x0] =	vst.idx.msk $0xffff, v63;
	v60 =	vadd.s32 v19, v34;
	v59 =	vld [tilespmem:s20+$0x20]  }
0x56: {  	s22 =	simm.s32 $0x8;
	v53 =	vmov s23;
	v41 =	vadd.s32 v23, v37;
	[tilespmem:v51+s18+$0x0] =	vst.idx.msk $0xffff, v50;
	v40 =	vld [tilespmem:s20+$0x60]  }
0x57: {  	s23 =	simm.s32 $0xB;
	v43 =	vadd.s32 v27, v36;
	v48 =	vadd.s32 v3, v33;
	v63 =	vmov s22;
	v42 =	vld [tilespmem:s20+$0xA0];
	[tilespmem:v56+s18+$0x0] =	vst.idx.msk $0xffff, v55  }
0x58: {  	v52 =	vadd.s32 v12, v52;
	v44 =	vmov s23;
	s23 =	simm.s32 $0xD;
	v46 =	vld [tilespmem:s20+$0xFFFFFF20];
	s22 =	simm.s32 $0xA;
	v39 =	vshrl.u32 v63, $0x3;
	[tilespmem:v58+s18+$0x0] =	vst.idx.msk $0xffff, v57  }
0x59: {  	v51 =	vadd.s32 v8, v45;
	v49 =	vld [tilespmem:s20+$0xFFFFFF70];
	[tilespmem:v38+s18+$0x0] =	vst.idx.msk $0xffff, v54;
	v54 =	vmov s22;
	s22 =	simm.s32 $0xC;
	v38 =	vmov s23;
	s23 =	simm.s32 $0xE  }
0x5a: {  	s21 =	simm.s32 $0x10;
	v45 =	vshll.u32 v39, v1;
	v50 =	vld [tilespmem:s20+$0xFFFFFFB0];
	[tilespmem:v60+s18+$0x0] =	vst.idx.msk $0xffff, v59;
	v47 =	vmov s22;
	v39 =	vmov s23;
	s22 =	simm.s32 $0xF  }
.LBB2_3:
0x5b: {  	p0 =	slt.u32 s21, $0x78;
	v53 =	vshrl.u32 v53, $0x3;
	v55 =	vmov s22;
	v56 =	vld [tilespmem:s20+$0xFFFFFFF0];
	v35 =	vadd.s32 v16, v35;
	[tilespmem:v41+s18+$0x0] =	vst.idx.msk $0xffff, v40  }
0x5c: {  	v40 =	vshrl.u32 v54, $0x3;
	v34 =	vadd.s32 v20, v34;
	v41 =	vshrl.u32 v55, $0x3;
	v54 =	vld [tilespmem:s20+$0x30];
	[tilespmem:v43+s18+$0x0] =	vst.idx.msk $0xffff, v42  }
0x5d: {  	v37 =	vadd.s32 v24, v37;
	v42 =	vshrl.u32 v44, $0x3;
	v41 =	vshll.u32 v41, v1;
	[tilespmem:v48+s18+$0x0] =	vst.idx.msk $0xffff, v46;
	v43 =	vld [tilespmem:s20+$0x70]  }
0x5e: {  	v36 =	vadd.s32 v28, v36;
	v44 =	vshrl.u32 v47, $0x3;
	v41 =	vbroadcast v41, $0x0;
	[tilespmem:v51+s18+$0x0] =	vst.idx.msk $0xffff, v49;
	v46 =	vld [tilespmem:s20+$0xB0]  }
0x5f: {  	v47 =	vshll.u32 v53, v1;
	v49 =	vadd.s32 v4, v33;
	v33 =	vbroadcast v45, $0x0;
	v48 =	vld [tilespmem:s20+$0xFFFFFF30];
	[tilespmem:v52+s18+$0x0] =	vst.idx.msk $0xffff, v50;
	s20 =	sadd.s32 $0x200, s20  }
0x60: {  	v40 =	vshll.u32 v40, v1;
	v45 =	vbroadcast v47, $0x0;
	v47 =	vld [tilespmem:s20+$0xC0];
	v50 =	vadd.s32 v29, v41;
	[tilespmem:v35+s18+$0x0] =	vst.idx.msk $0xffff, v56  }
0x61: {  	v55 =	vbroadcast v40, $0x0;
	v52 =	vadd.s32 v0, v33;
	v35 =	vshll.u32 v42, v1;
	v51 =	vld [tilespmem:s20+$0xFFFFFF00];
	[tilespmem:v34+s18+$0x0] =	vst.idx.msk $0xffff, v54  }
0x62: {  	v42 =	vadd.s32 v5, v45;
	v35 =	vbroadcast v35, $0x0;
	v34 =	vshll.u32 v44, v1;
	v40 =	vld [tilespmem:s20+$0xFFFFFF40];
	[tilespmem:v37+s18+$0x0] =	vst.idx.msk $0xffff, v43  }
0x63: {  	v44 =	vadd.s32 v9, v55;
	v34 =	vbroadcast v34, $0x0;
	v37 =	vshrl.u32 v38, $0x3;
	v43 =	vld [tilespmem:s20+$0xFFFFFF80];
	[tilespmem:v36+s18+$0x0] =	vst.idx.msk $0xffff, v46  }
0x64: {  	v39 =	vshrl.u32 v39, $0x3;
	v46 =	vadd.s32 v13, v35;
	v36 =	vshll.u32 v37, v1;
	v38 =	vld [tilespmem:s20+$0xFFFFFFC0];
	[tilespmem:v49+s18+$0x0] =	vst.idx.msk $0xffff, v48  }
0x65: {  	v49 =	vadd.s32 v17, v34;
	v37 =	vbroadcast v36, $0x0;
	v36 =	vshll.u32 v39, v1;
	v48 =	vld [tilespmem:s20+$0x0];
	[tilespmem:v50+s18+$0x0] =	vst.idx.msk $0xffff, v47  }
0x66: {  	v36 =	vbroadcast v36, $0x0;
	v47 =	vadd.s32 v30, v41;
	[tilespmem:v52+s18+$0x0] =	vst.idx.msk $0xffff, v51;
	v39 =	vld [tilespmem:s20+$0xD0]  }
0x67: {  	[tilespmem:v42+s18+$0x0] =	vst.idx.msk $0xffff, v40;
	v40 =	vld [tilespmem:s20+$0x40];
	v42 =	vadd.s32 v21, v37  }
0x68: {  	[tilespmem:v44+s18+$0x0] =	vst.idx.msk $0xffff, v43;
	v43 =	vld [tilespmem:s20+$0x80];
	v44 =	vadd.s32 v25, v36  }
0x69: {  	v51 =	vadd.s32 v6, v45;
	v50 =	vld [tilespmem:s20+$0xFFFFFF50];
	[tilespmem:v46+s18+$0x0] =	vst.idx.msk $0xffff, v38  }
0x6a: {  	v46 =	vadd.s32 v10, v55;
	v38 =	vld [tilespmem:s20+$0xFFFFFF90];
	[tilespmem:v49+s18+$0x0] =	vst.idx.msk $0xffff, v48  }
0x6b: {  	v49 =	vadd.s32 v14, v35;
	v48 =	vld [tilespmem:s20+$0xFFFFFFD0];
	[tilespmem:v47+s18+$0x0] =	vst.idx.msk $0xffff, v39  }
0x6c: {  	[tilespmem:v42+s18+$0x0] =	vst.idx.msk $0xffff, v40;
	v39 =	vld [tilespmem:s20+$0xE0];
	v40 =	vadd.s32 v31, v41  }
0x6d: {  	v47 =	vadd.s32 v18, v34;
	v42 =	vld [tilespmem:s20+$0x10];
	[tilespmem:v44+s18+$0x0] =	vst.idx.msk $0xffff, v43  }
0x6e: {  	v44 =	vadd.s32 v22, v37;
	[tilespmem:v51+s18+$0x0] =	vst.idx.msk $0xffff, v50;
	v43 =	vld [tilespmem:s20+$0x50]  }
0x6f: {  	[tilespmem:v46+s18+$0x0] =	vst.idx.msk $0xffff, v38;
	v38 =	vld [tilespmem:s20+$0x90];
	v46 =	vadd.s32 v26, v36  }
0x70: {  	v51 =	vadd.s32 v2, v33;
	v50 =	vld [tilespmem:s20+$0xFFFFFF10];
	[tilespmem:v49+s18+$0x0] =	vst.idx.msk $0xffff, v48  }
0x71: {  	v49 =	vadd.s32 v7, v45;
	v48 =	vld [tilespmem:s20+$0xFFFFFF60];
	[tilespmem:v40+s18+$0x0] =	vst.idx.msk $0xffff, v39  }
0x72: {  	[tilespmem:v47+s18+$0x0] =	vst.idx.msk $0xffff, v42;
	v39 =	vld [tilespmem:s20+$0xF0];
	v47 =	vadd.s32 v32, v41  }
0x73: {  	v56 =	vadd.s32 v11, v55;
	v52 =	vld [tilespmem:s20+$0xFFFFFFA0];
	[tilespmem:v44+s18+$0x0] =	vst.idx.msk $0xffff, v43  }
0x74: {  	v58 =	vadd.s32 v15, v35;
	v57 =	vld [tilespmem:s20+$0xFFFFFFE0];
	[tilespmem:v46+s18+$0x0] =	vst.idx.msk $0xffff, v38  }
0x75: {  	v60 =	vadd.s32 v19, v34;
	[tilespmem:v51+s18+$0x0] =	vst.idx.msk $0xffff, v50;
	v59 =	vld [tilespmem:s20+$0x20]  }
.Ltmp0:
0x76: {  	s22 =	sadd.s32 $0x1, s21;
	v41 =	vadd.s32 v23, v37;
	v38 =	vmov s21;
	[tilespmem:v49+s18+$0x0] =	vst.idx.msk $0xffff, v48;
	v40 =	vld [tilespmem:s20+$0x60];
	(pc) =	sbr.rel @p0 .LBB2_3-.Ltmp0, $4  }
0x77: {  	s23 =	sadd.s32 $0x3, s21;
	v53 =	vmov s22;
	s22 =	sadd.s32 $0x2, s21;
	v43 =	vadd.s32 v27, v36;
	v50 =	vshrl.u32 v38, $0x3;
	v42 =	vld [tilespmem:s20+$0xA0];
	[tilespmem:v47+s18+$0x0] =	vst.idx.msk $0xffff, v39  }
0x78: {  	v54 =	vmov s22;
	s22 =	sadd.s32 $0x4, s21;
	v44 =	vmov s23;
	s23 =	sadd.s32 $0x5, s21;
	v48 =	vadd.s32 v3, v33;
	v46 =	vld [tilespmem:s20+$0xFFFFFF20];
	[tilespmem:v56+s18+$0x0] =	vst.idx.msk $0xffff, v52  }
0x79: {  	v38 =	vmov s23;
	v51 =	vadd.s32 v8, v45;
	v47 =	vmov s22;
	s22 =	sadd.s32 $0x6, s21;
	v49 =	vld [tilespmem:s20+$0xFFFFFF70];
	[tilespmem:v58+s18+$0x0] =	vst.idx.msk $0xffff, v57  }
0x7a: {  	v45 =	vshll.u32 v50, v1;
	v39 =	vmov s22;
	s22 =	sadd.s32 $0x7, s21;
	s21 =	sadd.s32 $0x8, s21;
	v52 =	vadd.s32 v12, v55;
	v50 =	vld [tilespmem:s20+$0xFFFFFFB0];
	[tilespmem:v60+s18+$0x0] =	vst.idx.msk $0xffff, v59  }
0x7b: {  	_ =	sdelay $0x2  }
0x7c: {  	v53 =	vshrl.u32 v53, $0x3  }
0x7d: {  	v55 =	vmov s22;
	v56 =	vld [tilespmem:s20+$0xFFFFFFF0];
	v35 =	vadd.s32 v16, v35;
	[tilespmem:v41+s18+$0x0] =	vst.idx.msk $0xffff, v40;
	v34 =	vadd.s32 v20, v34  }
0x7e: {  	v61 =	vshrl.u32 v54, $0x3;
	v63 =	vld [tilespmem:s20+$0x30];
	v37 =	vadd.s32 v24, v37;
	v36 =	vadd.s32 v28, v36;
	[tilespmem:v43+s18+$0x0] =	vst.idx.msk $0xffff, v42  }
0x7f: {  	v45 =	vbroadcast v45, $0x0;
	v33 =	vadd.s32 v4, v33;
	v62 =	vshrl.u32 v55, $0x3;
	v43 =	vld [tilespmem:s20+$0x70];
	[tilespmem:v48+s18+$0x0] =	vst.idx.msk $0xffff, v46  }
0x80: {  	s22 =	sadd.s32 $0x200, s20;
	v38 =	vshrl.u32 v38, $0x3;
	v55 =	vshrl.u32 v44, $0x3;
	v41 =	vshll.u32 v62, v1;
	v46 =	vld [tilespmem:s20+$0xB0];
	[tilespmem:v51+s18+$0x0] =	vst.idx.msk $0xffff, v49  }
0x81: {  	v40 =	vshll.u32 v61, v1;
	v60 =	vld [tilespmem:s22+$0xFFFFFF00];
	v61 =	vadd.s32 v0, v45;
	v41 =	vbroadcast v41, $0x0;
	[tilespmem:v52+s18+$0x0] =	vst.idx.msk $0xffff, v50  }
0x82: {  	v44 =	vshrl.u32 v47, $0x3;
	v57 =	vshll.u32 v53, v1;
	v40 =	vbroadcast v40, $0x0;
	v48 =	vld [tilespmem:s20+$0xFFFFFF30];
	[tilespmem:v35+s18+$0x0] =	vst.idx.msk $0xffff, v56  }
0x83: {  	v58 =	vld [tilespmem:s22+$0xC0];
	v47 =	vbroadcast v57, $0x0;
	v42 =	vshll.u32 v55, v1;
	v59 =	vadd.s32 v29, v41;
	[tilespmem:v34+s18+$0x0] =	vst.idx.msk $0xffff, v63  }
0x84: {  	v54 =	vld [tilespmem:s22+$0xFFFFFF80];
	v44 =	vshll.u32 v44, v1;
	v42 =	vbroadcast v42, $0x0;
	v55 =	vadd.s32 v9, v40;
	[tilespmem:v37+s18+$0x0] =	vst.idx.msk $0xffff, v43  }
0x85: {  	v38 =	vshll.u32 v38, v1;
	v62 =	vld [tilespmem:s22+$0xFFFFFF40];
	v44 =	vbroadcast v44, $0x0;
	v63 =	vadd.s32 v5, v47;
	[tilespmem:v36+s18+$0x0] =	vst.idx.msk $0xffff, v46  }
0x86: {  	v39 =	vshrl.u32 v39, $0x3;
	v38 =	vbroadcast v38, $0x0;
	v36 =	vld [tilespmem:s22+$0xFFFFFFC0];
	v46 =	vadd.s32 v13, v42;
	[tilespmem:v61+s18+$0x0] =	vst.idx.msk $0xffff, v60  }
0x87: {  	v39 =	vshll.u32 v39, v1;
	[tilespmem:v33+s18+$0x0] =	vst.idx.msk $0xffff, v48;
	v33 =	vld [tilespmem:s22+$0x0];
	v48 =	vadd.s32 v17, v44  }
0x88: {  	v35 =	vbroadcast v39, $0x0;
	[tilespmem:v59+s18+$0x0] =	vst.idx.msk $0xffff, v58;
	v58 =	vld [tilespmem:s22+$0x40];
	v59 =	vadd.s32 v21, v38  }
0x89: {  	v57 =	vadd.s32 v30, v41;
	[tilespmem:v55+s18+$0x0] =	vst.idx.msk $0xffff, v54;
	v56 =	vld [tilespmem:s22+$0xD0]  }
0x8a: {  	v60 =	vld [tilespmem:s22+$0x80];
	v61 =	vadd.s32 v25, v35;
	[tilespmem:v63+s18+$0x0] =	vst.idx.msk $0xffff, v62  }
0x8b: {  	v55 =	vadd.s32 v10, v40;
	v54 =	vld [tilespmem:s22+$0xFFFFFF90];
	[tilespmem:v46+s18+$0x0] =	vst.idx.msk $0xffff, v36  }
0x8c: {  	v63 =	vadd.s32 v6, v47;
	v62 =	vld [tilespmem:s22+$0xFFFFFF50];
	[tilespmem:v48+s18+$0x0] =	vst.idx.msk $0xffff, v33  }
0x8d: {  	v33 =	vld [tilespmem:s22+$0xFFFFFFD0];
	v48 =	vadd.s32 v14, v42;
	[tilespmem:v59+s18+$0x0] =	vst.idx.msk $0xffff, v58  }
0x8e: {  	[tilespmem:v57+s18+$0x0] =	vst.idx.msk $0xffff, v56;
	v56 =	vld [tilespmem:s22+$0x10];
	v57 =	vadd.s32 v18, v44  }
0x8f: {  	[tilespmem:v61+s18+$0x0] =	vst.idx.msk $0xffff, v60;
	v59 =	vadd.s32 v22, v38;
	v58 =	vld [tilespmem:s22+$0x50]  }
0x90: {  	v39 =	vadd.s32 v31, v41;
	[tilespmem:v55+s18+$0x0] =	vst.idx.msk $0xffff, v54;
	v34 =	vld [tilespmem:s22+$0xE0]  }
0x91: {  	v61 =	vadd.s32 v26, v35;
	v60 =	vld [tilespmem:s22+$0x90];
	[tilespmem:v63+s18+$0x0] =	vst.idx.msk $0xffff, v62  }
0x92: {  	v62 =	vld [tilespmem:s22+$0xFFFFFF10];
	v63 =	vadd.s32 v2, v45;
	[tilespmem:v48+s18+$0x0] =	vst.idx.msk $0xffff, v33  }
0x93: {  	v55 =	vadd.s32 v7, v47;
	v54 =	vld [tilespmem:s22+$0xFFFFFF60];
	[tilespmem:v57+s18+$0x0] =	vst.idx.msk $0xffff, v56  }
0x94: {  	v56 =	vadd.s32 v32, v41;
	v41 =	vld [tilespmem:s22+$0xFFFFFFA0];
	v57 =	vadd.s32 v11, v40;
	[tilespmem:v59+s18+$0x0] =	vst.idx.msk $0xffff, v58  }
0x95: {  	v37 =	vld [tilespmem:s22+$0xFFFFFFE0];
	v58 =	vadd.s32 v15, v42;
	[tilespmem:v39+s18+$0x0] =	vst.idx.msk $0xffff, v34  }
0x96: {  	[tilespmem:v61+s18+$0x0] =	vst.idx.msk $0xffff, v60;
	v34 =	vld [tilespmem:s22+$0xF0]  }
0x97: {  	v60 =	vadd.s32 v19, v44;
	[tilespmem:v63+s18+$0x0] =	vst.idx.msk $0xffff, v62;
	v59 =	vld [tilespmem:s22+$0x20]  }
0x98: {  	v62 =	vadd.s32 v23, v38;
	[tilespmem:v55+s18+$0x0] =	vst.idx.msk $0xffff, v54;
	v61 =	vld [tilespmem:s22+$0x60]  }
0x99: {  	v63 =	vld [tilespmem:s22+$0xA0];
	v54 =	vadd.s32 v27, v35;
	[tilespmem:v57+s18+$0x0] =	vst.idx.msk $0xffff, v41  }
0x9a: {  	v47 =	vadd.s32 v8, v47;
	v57 =	vld [tilespmem:s22+$0xFFFFFF70];
	[tilespmem:v58+s18+$0x0] =	vst.idx.msk $0xffff, v37  }
0x9b: {  	v55 =	vld [tilespmem:s22+$0xFFFFFF20];
	[tilespmem:v56+s18+$0x0] =	vst.idx.msk $0xffff, v34;
	v56 =	vadd.s32 v3, v45  }
0x9c: {  	v40 =	vadd.s32 v12, v40;
	v58 =	vld [tilespmem:s22+$0xFFFFFFB0];
	[tilespmem:v60+s18+$0x0] =	vst.idx.msk $0xffff, v59  }
0x9d: {  	v42 =	vadd.s32 v16, v42;
	v59 =	vld [tilespmem:s22+$0xFFFFFFF0];
	[tilespmem:v62+s18+$0x0] =	vst.idx.msk $0xffff, v61  }
0x9e: {  	v61 =	vadd.s32 v20, v44;
	[tilespmem:v54+s18+$0x0] =	vst.idx.msk $0xffff, v63;
	v60 =	vld [tilespmem:s22+$0x30]  }
0x9f: {  	v38 =	vadd.s32 v24, v38;
	v62 =	vld [tilespmem:s22+$0x70];
	[tilespmem:v47+s18+$0x0] =	vst.idx.msk $0xffff, v57  }
0xa0: {  	v35 =	vadd.s32 v28, v35;
	v63 =	vld [tilespmem:s22+$0xB0];
	[tilespmem:v56+s18+$0x0] =	vst.idx.msk $0xffff, v55  }
0xa1: {  	v49 =	vadd.s32 v4, v45;
	[tilespmem:v40+s18+$0x0] =	vst.idx.msk $0xffff, v58;
	v48 =	vld [tilespmem:s22+$0xFFFFFF30]  }
0xa2: {  	s19 =	sadd.s32 s19, s6;
	[tilespmem:v42+s18+$0x0] =	vst.idx.msk $0xffff, v59  }
0xa3: {  	s16 =	sshll.u32 s16, $0x14;
	s19 =	sshll.u32 s19, $0xA;
	[tilespmem:v61+s18+$0x0] =	vst.idx.msk $0xffff, v60  }
0xa4: {  	s16 =	sor.u32 s19, s16;
	[tilespmem:v38+s18+$0x0] =	vst.idx.msk $0xffff, v62  }
0xa5: {  	s16 =	sshrl.u32 s16, $0x3;
	[tilespmem:v35+s18+$0x0] =	vst.idx.msk $0xffff, v63  }
0xa6: {  	s19 =	sadd.s32 s2, s16;
	s16 =	simm.s32 $0x0;
	[tilespmem:v49+s18+$0x0] =	vst.idx.msk $0xffff, v48  }
0xa7: {  	[hbm4b:s19+s16] =	stream.linear.scatter [tilespmem:s18], [sflag:$0x2], $0x80, $0x38;
	[tilespmem:$0x1AE00] =	vst v63  }
0xa8: {  	s21 =	simm.s32 $0x10488;
	s23 =	sadd.s32 $0x10, s19  }
0xa9: {  	[hbm4b:s23+s16] =	stream.linear.scatter [tilespmem:s21], [sflag:$0x2], $0x80, $0x38;
	[tilespmem:$0x1AE00] =	vst v63  }
0xaa: {  	s22 =	sadd.s32 $0x20, s19;
	s23 =	simm.s32 $0x10510  }
0xab: {  	[hbm4b:s22+s16] =	stream.linear.scatter [tilespmem:s23], [sflag:$0x2], $0x80, $0x38;
	[tilespmem:$0x1AE00] =	vst v63  }
0xac: {  	s22 =	sadd.s32 $0x30, s19;
	s23 =	simm.s32 $0x10598  }
0xad: {  	[hbm4b:s22+s16] =	stream.linear.scatter [tilespmem:s23], [sflag:$0x2], $0x80, $0x38;
	[tilespmem:$0x1AE00] =	vst v63  }
0xae: {  	s22 =	sadd.s32 $0x40, s19;
	s23 =	simm.s32 $0x10620  }
0xaf: {  	[hbm4b:s22+s16] =	stream.linear.scatter [tilespmem:s23], [sflag:$0x2], $0x80, $0x38;
	[tilespmem:$0x1AE00] =	vst v63  }
0xb0: {  	s22 =	sadd.s32 $0x50, s19;
	s23 =	simm.s32 $0x106A8  }
0xb1: {  	[hbm4b:s22+s16] =	stream.linear.scatter [tilespmem:s23], [sflag:$0x2], $0x80, $0x38;
	[tilespmem:$0x1AE00] =	vst v63  }
0xb2: {  	s22 =	sadd.s32 $0x60, s19;
	s23 =	simm.s32 $0x10730  }
0xb3: {  	[hbm4b:s22+s16] =	stream.linear.scatter [tilespmem:s23], [sflag:$0x2], $0x80, $0x38;
	[tilespmem:$0x1AE00] =	vst v63  }
0xb4: {  	s22 =	sadd.s32 $0x70, s19;
	s23 =	simm.s32 $0x107B8  }
0xb5: {  	[hbm4b:s22+s16] =	stream.linear.scatter [tilespmem:s23], [sflag:$0x2], $0x80, $0x38;
	[tilespmem:$0x1AE00] =	vst v63  }
0xb6: {  	s22 =	sadd.s32 $0x4000, s19;
	s23 =	simm.s32 $0x10840  }
0xb7: {  	[hbm4b:s22+s16] =	stream.linear.scatter [tilespmem:s23], [sflag:$0x2], $0x80, $0x38;
	[tilespmem:$0x1AE00] =	vst v63  }
0xb8: {  	s22 =	sadd.s32 $0x4010, s19;
	s23 =	simm.s32 $0x108C8  }
0xb9: {  	[hbm4b:s22+s16] =	stream.linear.scatter [tilespmem:s23], [sflag:$0x2], $0x80, $0x38;
	[tilespmem:$0x1AE00] =	vst v63  }
0xba: {  	s22 =	sadd.s32 $0x4020, s19;
	s23 =	simm.s32 $0x10950  }
0xbb: {  	[hbm4b:s22+s16] =	stream.linear.scatter [tilespmem:s23], [sflag:$0x2], $0x80, $0x38;
	[tilespmem:$0x1AE00] =	vst v63  }
0xbc: {  	s22 =	sadd.s32 $0x4030, s19;
	s23 =	simm.s32 $0x109D8  }
0xbd: {  	[hbm4b:s22+s16] =	stream.linear.scatter [tilespmem:s23], [sflag:$0x2], $0x80, $0x38;
	[tilespmem:$0x1AE00] =	vst v63  }
0xbe: {  	s22 =	sadd.s32 $0x4040, s19;
	s23 =	simm.s32 $0x10A60  }
0xbf: {  	[hbm4b:s22+s16] =	stream.linear.scatter [tilespmem:s23], [sflag:$0x2], $0x80, $0x38;
	[tilespmem:$0x1AE00] =	vst v63  }
0xc0: {  	s22 =	sadd.s32 $0x4050, s19;
	s23 =	simm.s32 $0x10AE8  }
0xc1: {  	[hbm4b:s22+s16] =	stream.linear.scatter [tilespmem:s23], [sflag:$0x2], $0x80, $0x38;
	[tilespmem:$0x1AE00] =	vst v63  }
0xc2: {  	s22 =	sadd.s32 $0x4060, s19;
	s23 =	simm.s32 $0x10B70  }
0xc3: {  	[hbm4b:s22+s16] =	stream.linear.scatter [tilespmem:s23], [sflag:$0x2], $0x80, $0x38;
	[tilespmem:$0x1AE00] =	vst v63  }
0xc4: {  	s22 =	sadd.s32 $0x4070, s19;
	s23 =	simm.s32 $0x10BF8  }
0xc5: {  	[hbm4b:s22+s16] =	stream.linear.scatter [tilespmem:s23], [sflag:$0x2], $0x80, $0x38;
	[tilespmem:$0x1AE00] =	vst v63  }
0xc6: {  	s22 =	sadd.s32 $0x8000, s19;
	s23 =	simm.s32 $0x10C80  }
0xc7: {  	[hbm4b:s22+s16] =	stream.linear.scatter [tilespmem:s23], [sflag:$0x2], $0x80, $0x38;
	[tilespmem:$0x1AE00] =	vst v63  }
0xc8: {  	s22 =	sadd.s32 $0x8010, s19;
	s23 =	simm.s32 $0x10D08  }
0xc9: {  	[hbm4b:s22+s16] =	stream.linear.scatter [tilespmem:s23], [sflag:$0x2], $0x80, $0x38;
	[tilespmem:$0x1AE00] =	vst v63  }
0xca: {  	s22 =	sadd.s32 $0x8020, s19;
	s23 =	simm.s32 $0x10D90  }
0xcb: {  	[hbm4b:s22+s16] =	stream.linear.scatter [tilespmem:s23], [sflag:$0x2], $0x80, $0x38;
	[tilespmem:$0x1AE00] =	vst v63  }
0xcc: {  	s22 =	sadd.s32 $0x8030, s19;
	s23 =	simm.s32 $0x10E18  }
0xcd: {  	[hbm4b:s22+s16] =	stream.linear.scatter [tilespmem:s23], [sflag:$0x2], $0x80, $0x38;
	[tilespmem:$0x1AE00] =	vst v63  }
0xce: {  	s22 =	sadd.s32 $0x8040, s19;
	s23 =	simm.s32 $0x10EA0  }
0xcf: {  	[hbm4b:s22+s16] =	stream.linear.scatter [tilespmem:s23], [sflag:$0x2], $0x80, $0x38;
	[tilespmem:$0x1AE00] =	vst v63  }
0xd0: {  	s22 =	sadd.s32 $0x8050, s19;
	s23 =	simm.s32 $0x10F28  }
0xd1: {  	[hbm4b:s22+s16] =	stream.linear.scatter [tilespmem:s23], [sflag:$0x2], $0x80, $0x38;
	[tilespmem:$0x1AE00] =	vst v63  }
0xd2: {  	s22 =	sadd.s32 $0x8060, s19;
	s23 =	simm.s32 $0x10FB0  }
0xd3: {  	[hbm4b:s22+s16] =	stream.linear.scatter [tilespmem:s23], [sflag:$0x2], $0x80, $0x38;
	[tilespmem:$0x1AE00] =	vst v63  }
0xd4: {  	s22 =	sadd.s32 $0x8070, s19;
	s23 =	simm.s32 $0x11038  }
0xd5: {  	[hbm4b:s22+s16] =	stream.linear.scatter [tilespmem:s23], [sflag:$0x2], $0x80, $0x38;
	[tilespmem:$0x1AE00] =	vst v63  }
0xd6: {  	s22 =	sadd.s32 $0xC000, s19;
	s23 =	simm.s32 $0x110C0  }
0xd7: {  	[hbm4b:s22+s16] =	stream.linear.scatter [tilespmem:s23], [sflag:$0x2], $0x80, $0x38;
	[tilespmem:$0x1AE00] =	vst v63  }
0xd8: {  	s22 =	sadd.s32 $0xC010, s19;
	s23 =	simm.s32 $0x11148  }
0xd9: {  	[hbm4b:s22+s16] =	stream.linear.scatter [tilespmem:s23], [sflag:$0x2], $0x80, $0x38;
	[tilespmem:$0x1AE00] =	vst v63  }
0xda: {  	s22 =	sadd.s32 $0xC020, s19;
	s23 =	simm.s32 $0x111D0  }
0xdb: {  	[hbm4b:s22+s16] =	stream.linear.scatter [tilespmem:s23], [sflag:$0x2], $0x80, $0x38;
	[tilespmem:$0x1AE00] =	vst v63  }
0xdc: {  	s22 =	sadd.s32 $0xC030, s19;
	s23 =	simm.s32 $0x11258  }
0xdd: {  	[hbm4b:s22+s16] =	stream.linear.scatter [tilespmem:s23], [sflag:$0x2], $0x80, $0x38;
	[tilespmem:$0x1AE00] =	vst v63  }
0xde: {  	s22 =	sadd.s32 $0xC040, s19;
	s23 =	simm.s32 $0x112E0  }
0xdf: {  	[hbm4b:s22+s16] =	stream.linear.scatter [tilespmem:s23], [sflag:$0x2], $0x80, $0x38;
	[tilespmem:$0x1AE00] =	vst v63  }
0xe0: {  	s22 =	sadd.s32 $0xC050, s19;
	s23 =	simm.s32 $0x11368  }
0xe1: {  	[hbm4b:s22+s16] =	stream.linear.scatter [tilespmem:s23], [sflag:$0x2], $0x80, $0x38;
	[tilespmem:$0x1AE00] =	vst v63  }
0xe2: {  	s22 =	sadd.s32 $0xC060, s19;
	s23 =	simm.s32 $0x113F0  }
0xe3: {  	[hbm4b:s22+s16] =	stream.linear.scatter [tilespmem:s23], [sflag:$0x2], $0x80, $0x38;
	[tilespmem:$0x1AE00] =	vst v63  }
0xe4: {  	s21 =	sadd.s32 $0xC070, s19;
	s22 =	simm.s32 $0x11478  }
0xe5: {  	[hbm4b:s21+s16] =	stream.linear.scatter [tilespmem:s22], [sflag:$0x2], $0x80, $0x38;
	[tilespmem:$0x1AE00] =	vst v63  }
0xe6: {  	s20 =	sadd.s32 $0x10000, s19;
	s23 =	simm.s32 $0x11500  }
0xe7: {  	[hbm4b:s20+s16] =	stream.linear.scatter [tilespmem:s23], [sflag:$0x2], $0x80, $0x38;
	[tilespmem:$0x1AE00] =	vst v63  }
0xe8: {  	s22 =	sadd.s32 $0x10, s20;
	s23 =	simm.s32 $0x11588  }
0xe9: {  	[hbm4b:s22+s16] =	stream.linear.scatter [tilespmem:s23], [sflag:$0x2], $0x80, $0x38;
	[tilespmem:$0x1AE00] =	vst v63  }
0xea: {  	s22 =	sadd.s32 $0x20, s20;
	s23 =	simm.s32 $0x11610  }
0xeb: {  	[hbm4b:s22+s16] =	stream.linear.scatter [tilespmem:s23], [sflag:$0x2], $0x80, $0x38;
	[tilespmem:$0x1AE00] =	vst v63  }
0xec: {  	s22 =	sadd.s32 $0x30, s20;
	s23 =	simm.s32 $0x11698  }
0xed: {  	[hbm4b:s22+s16] =	stream.linear.scatter [tilespmem:s23], [sflag:$0x2], $0x80, $0x38;
	[tilespmem:$0x1AE00] =	vst v63  }
0xee: {  	s22 =	sadd.s32 $0x40, s20;
	s23 =	simm.s32 $0x11720  }
0xef: {  	[hbm4b:s22+s16] =	stream.linear.scatter [tilespmem:s23], [sflag:$0x2], $0x80, $0x38;
	[tilespmem:$0x1AE00] =	vst v63  }
0xf0: {  	s22 =	sadd.s32 $0x50, s20;
	s23 =	simm.s32 $0x117A8  }
0xf1: {  	[hbm4b:s22+s16] =	stream.linear.scatter [tilespmem:s23], [sflag:$0x2], $0x80, $0x38;
	[tilespmem:$0x1AE00] =	vst v63  }
0xf2: {  	s22 =	sadd.s32 $0x60, s20;
	s23 =	simm.s32 $0x11830  }
0xf3: {  	[hbm4b:s22+s16] =	stream.linear.scatter [tilespmem:s23], [sflag:$0x2], $0x80, $0x38;
	[tilespmem:$0x1AE00] =	vst v63  }
0xf4: {  	s20 =	sadd.s32 $0x70, s20;
	s22 =	simm.s32 $0x118B8  }
0xf5: {  	[hbm4b:s20+s16] =	stream.linear.scatter [tilespmem:s22], [sflag:$0x2], $0x80, $0x38;
	[tilespmem:$0x1AE00] =	vst v63  }
0xf6: {  	s23 =	simm.s32 $0x11940;
	s20 =	sadd.s32 $0x14000, s19  }
0xf7: {  	[hbm4b:s20+s16] =	stream.linear.scatter [tilespmem:s23], [sflag:$0x2], $0x80, $0x38;
	[tilespmem:$0x1AE00] =	vst v63  }
0xf8: {  	s22 =	sadd.s32 $0x10, s20;
	s23 =	simm.s32 $0x119C8  }
0xf9: {  	[hbm4b:s22+s16] =	stream.linear.scatter [tilespmem:s23], [sflag:$0x2], $0x80, $0x38;
	[tilespmem:$0x1AE00] =	vst v63  }
0xfa: {  	s22 =	sadd.s32 $0x20, s20;
	s23 =	simm.s32 $0x11A50  }
0xfb: {  	[hbm4b:s22+s16] =	stream.linear.scatter [tilespmem:s23], [sflag:$0x2], $0x80, $0x38;
	[tilespmem:$0x1AE00] =	vst v63  }
0xfc: {  	s22 =	sadd.s32 $0x30, s20;
	s23 =	simm.s32 $0x11AD8  }
0xfd: {  	[hbm4b:s22+s16] =	stream.linear.scatter [tilespmem:s23], [sflag:$0x2], $0x80, $0x38;
	[tilespmem:$0x1AE00] =	vst v63  }
0xfe: {  	s22 =	sadd.s32 $0x40, s20;
	s23 =	simm.s32 $0x11B60  }
0xff: {  	[hbm4b:s22+s16] =	stream.linear.scatter [tilespmem:s23], [sflag:$0x2], $0x80, $0x38;
	[tilespmem:$0x1AE00] =	vst v63  }
0x100: {  	s22 =	sadd.s32 $0x50, s20;
	s23 =	simm.s32 $0x11BE8  }
0x101: {  	[hbm4b:s22+s16] =	stream.linear.scatter [tilespmem:s23], [sflag:$0x2], $0x80, $0x38;
	[tilespmem:$0x1AE00] =	vst v63  }
0x102: {  	s22 =	sadd.s32 $0x60, s20;
	s23 =	simm.s32 $0x11C70  }
0x103: {  	[hbm4b:s22+s16] =	stream.linear.scatter [tilespmem:s23], [sflag:$0x2], $0x80, $0x38;
	[tilespmem:$0x1AE00] =	vst v63  }
0x104: {  	s20 =	sadd.s32 $0x70, s20;
	s22 =	simm.s32 $0x11CF8  }
0x105: {  	[hbm4b:s20+s16] =	stream.linear.scatter [tilespmem:s22], [sflag:$0x2], $0x80, $0x38;
	[tilespmem:$0x1AE00] =	vst v63  }
0x106: {  	s23 =	simm.s32 $0x11D80;
	s20 =	sadd.s32 $0x18000, s19  }
0x107: {  	[hbm4b:s20+s16] =	stream.linear.scatter [tilespmem:s23], [sflag:$0x2], $0x80, $0x38;
	[tilespmem:$0x1AE00] =	vst v63  }
0x108: {  	s22 =	sadd.s32 $0x10, s20;
	s23 =	simm.s32 $0x11E08  }
0x109: {  	[hbm4b:s22+s16] =	stream.linear.scatter [tilespmem:s23], [sflag:$0x2], $0x80, $0x38;
	[tilespmem:$0x1AE00] =	vst v63  }
0x10a: {  	s22 =	sadd.s32 $0x20, s20;
	s23 =	simm.s32 $0x11E90  }
0x10b: {  	[hbm4b:s22+s16] =	stream.linear.scatter [tilespmem:s23], [sflag:$0x2], $0x80, $0x38;
	[tilespmem:$0x1AE00] =	vst v63  }
0x10c: {  	s22 =	sadd.s32 $0x30, s20;
	s23 =	simm.s32 $0x11F18  }
0x10d: {  	[hbm4b:s22+s16] =	stream.linear.scatter [tilespmem:s23], [sflag:$0x2], $0x80, $0x38;
	[tilespmem:$0x1AE00] =	vst v63  }
0x10e: {  	s22 =	sadd.s32 $0x40, s20;
	s23 =	simm.s32 $0x11FA0  }
0x10f: {  	[hbm4b:s22+s16] =	stream.linear.scatter [tilespmem:s23], [sflag:$0x2], $0x80, $0x38;
	[tilespmem:$0x1AE00] =	vst v63  }
0x110: {  	s22 =	sadd.s32 $0x50, s20;
	s23 =	simm.s32 $0x12028  }
0x111: {  	[hbm4b:s22+s16] =	stream.linear.scatter [tilespmem:s23], [sflag:$0x2], $0x80, $0x38;
	[tilespmem:$0x1AE00] =	vst v63  }
0x112: {  	s22 =	sadd.s32 $0x60, s20;
	s23 =	simm.s32 $0x120B0  }
0x113: {  	[hbm4b:s22+s16] =	stream.linear.scatter [tilespmem:s23], [sflag:$0x2], $0x80, $0x38;
	[tilespmem:$0x1AE00] =	vst v63  }
0x114: {  	s20 =	sadd.s32 $0x70, s20;
	s23 =	simm.s32 $0x12138  }
0x115: {  	[hbm4b:s20+s16] =	stream.linear.scatter [tilespmem:s23], [sflag:$0x2], $0x80, $0x38;
	[tilespmem:$0x1AE00] =	vst v63  }
0x116: {  	s21 =	simm.s32 $0x121C0;
	s19 =	sadd.s32 $0x1C000, s19  }
0x117: {  	[hbm4b:s19+s16] =	stream.linear.scatter [tilespmem:s21], [sflag:$0x2], $0x80, $0x38;
	[tilespmem:$0x1AE00] =	vst v63  }
0x118: {  	s22 =	sadd.s32 $0x10, s19;
	s23 =	simm.s32 $0x12248  }
0x119: {  	[hbm4b:s22+s16] =	stream.linear.scatter [tilespmem:s23], [sflag:$0x2], $0x80, $0x38;
	[tilespmem:$0x1AE00] =	vst v63  }
0x11a: {  	s22 =	sadd.s32 $0x20, s19;
	s23 =	simm.s32 $0x122D0  }
0x11b: {  	[hbm4b:s22+s16] =	stream.linear.scatter [tilespmem:s23], [sflag:$0x2], $0x80, $0x38;
	[tilespmem:$0x1AE00] =	vst v63  }
0x11c: {  	s22 =	sadd.s32 $0x30, s19;
	s23 =	simm.s32 $0x12358  }
0x11d: {  	[hbm4b:s22+s16] =	stream.linear.scatter [tilespmem:s23], [sflag:$0x2], $0x80, $0x38;
	[tilespmem:$0x1AE00] =	vst v63  }
0x11e: {  	s22 =	sadd.s32 $0x40, s19;
	s23 =	simm.s32 $0x123E0  }
0x11f: {  	v50 =	vmov s16;
	[hbm4b:s22+s16] =	stream.linear.scatter [tilespmem:s23], [sflag:$0x2], $0x80, $0x38;
	[tilespmem:$0x1AE00] =	vst v63  }
0x120: {  	v33 =	vshrl.u32 v50, $0x3;
	s22 =	sadd.s32 $0x50, s19;
	s23 =	simm.s32 $0x12468  }
0x121: {  	v33 =	vshll.u32 v33, v1;
	[hbm4b:s22+s16] =	stream.linear.scatter [tilespmem:s23], [sflag:$0x2], $0x80, $0x38;
	[tilespmem:$0x1AE00] =	vst v63  }
0x122: {  	v33 =	vbroadcast v33, $0x0;
	s20 =	simm.s32 $0x3;
	s22 =	sadd.s32 $0x60, s19;
	s23 =	simm.s32 $0x124F0  }
0x123: {  	[hbm4b:s22+s16] =	stream.linear.scatter [tilespmem:s23], [sflag:$0x2], $0x80, $0x38;
	[tilespmem:$0x1AE00] =	vst v63  }
0x124: {  	v57 =	vadd.s32 v0, v33;
	v53 =	vmov s20;
	s21 =	simm.s32 $0x12578;
	s22 =	simm.s32 $0x1;
	s23 =	simm.s32 $0x2  }
0x125: {  	v36 =	vshrl.u32 v53, $0x3;
	s19 =	sadd.s32 $0x70, s19;
	v51 =	vmov s22;
	v52 =	vmov s23;
	s22 =	simm.s32 $0x7;
	s23 =	simm.s32 $0x5  }
0x126: {  	v58 =	vshll.u32 v36, v1;
	[hbm4b:s19+s16] =	stream.linear.scatter [tilespmem:s21], [sflag:$0x2], $0x80, $0x38;
	v55 =	vmov s22;
	v34 =	vshrl.u32 v51, $0x3;
	[tilespmem:$0x1AE00] =	vst v63  }
0x127: {  	v39 =	vmov s23;
	v35 =	vshrl.u32 v52, $0x3;
	_ =	swait.ge [sflag:s17], $0x2000;
	v34 =	vshll.u32 v34, v1  }
0x128: {  	s21 =	simm.s32 $0x4;
	v38 =	vshrl.u32 v55, $0x3;
	v56 =	vshll.u32 v35, v1;
	[sflag:s17] =	ssyncset.done $0x0;
	v45 =	vbroadcast v34, $0x0  }
0x129: {  	s19 =	simm.s32 $0x6;
	s16 =	simm.s32 $0x85F0;
	v54 =	vmov s21;
	v38 =	vshll.u32 v38, v1;
	v52 =	vbroadcast v56, $0x0;
	[sflag:s17] =	ssyncadd.s32 $0xFFFFE000  }
0x12a: {  	v40 =	vmov s19;
	v38 =	vbroadcast v38, $0x0;
	v59 =	vld [tilespmem:s16+$0xFFFFFE50];
	v60 =	vadd.s32 v5, v45  }
0x12b: {  	v35 =	vbroadcast v58, $0x0;
	v37 =	vshrl.u32 v54, $0x3;
	v62 =	vld [tilespmem:s16+$0xFFFFFE90];
	v63 =	vadd.s32 v9, v52  }
0x12c: {  	v55 =	vshrl.u32 v39, $0x3;
	v61 =	vshll.u32 v37, v1;
	v41 =	vld [tilespmem:s16+$0xFFFFFFD0];
	v42 =	vadd.s32 v29, v38  }
0x12d: {  	v36 =	vshll.u32 v55, v1;
	v40 =	vshrl.u32 v40, $0x3;
	v43 =	vld [tilespmem:s16+$0xFFFFFE10];
	v34 =	vbroadcast v61, $0x0  }
0x12e: {  	v50 =	vadd.s32 v13, v35;
	v37 =	vbroadcast v36, $0x0;
	v56 =	vshll.u32 v40, v1;
	v39 =	vld [tilespmem:s16+$0xFFFFFED0]  }
0x12f: {  	v51 =	vld [tilespmem:s16+$0xFFFFFF10];
	v36 =	vbroadcast v56, $0x0;
	v53 =	vadd.s32 v17, v34;
	[tilespmem:v60+s9+$0x0] =	vst.idx.msk $0xffff, v59  }
0x130: {  	v59 =	vld [tilespmem:s16+$0xFFFFFF50];
	v60 =	vadd.s32 v21, v37;
	[tilespmem:v63+s9+$0x0] =	vst.idx.msk $0xffff, v62  }
0x131: {  	v61 =	vld [tilespmem:s16+$0xFFFFFF90];
	v62 =	vadd.s32 v25, v36;
	[tilespmem:v42+s9+$0x0] =	vst.idx.msk $0xffff, v41  }
0x132: {  	v58 =	vadd.s32 v30, v38;
	[tilespmem:v57+s9+$0x0] =	vst.idx.msk $0xffff, v43;
	v57 =	vld [tilespmem:s16+$0xFFFFFFE0]  }
0x133: {  	v63 =	vadd.s32 v6, v45;
	[tilespmem:v50+s9+$0x0] =	vst.idx.msk $0xffff, v39;
	v47 =	vld [tilespmem:s16+$0xFFFFFE60]  }
0x134: {  	v55 =	vadd.s32 v10, v52;
	v54 =	vld [tilespmem:s16+$0xFFFFFEA0];
	[tilespmem:v53+s9+$0x0] =	vst.idx.msk $0xffff, v51  }
0x135: {  	v56 =	vadd.s32 v14, v35;
	v50 =	vld [tilespmem:s16+$0xFFFFFEE0];
	[tilespmem:v60+s9+$0x0] =	vst.idx.msk $0xffff, v59  }
0x136: {  	[tilespmem:v62+s9+$0x0] =	vst.idx.msk $0xffff, v61;
	v61 =	vld [tilespmem:s16+$0xFFFFFE20];
	v62 =	vadd.s32 v2, v33  }
0x137: {  	v59 =	vadd.s32 v18, v34;
	[tilespmem:v58+s9+$0x0] =	vst.idx.msk $0xffff, v57;
	v58 =	vld [tilespmem:s16+$0xFFFFFF20]  }
0x138: {  	[tilespmem:v63+s9+$0x0] =	vst.idx.msk $0xffff, v47;
	v57 =	vadd.s32 v31, v38;
	v40 =	vld [tilespmem:s16+$0xFFFFFFF0]  }
0x139: {  	v46 =	vadd.s32 v22, v37;
	v44 =	vld [tilespmem:s16+$0xFFFFFF60];
	[tilespmem:v55+s9+$0x0] =	vst.idx.msk $0xffff, v54  }
0x13a: {  	v60 =	vadd.s32 v26, v36;
	v63 =	vld [tilespmem:s16+$0xFFFFFFA0];
	[tilespmem:v56+s9+$0x0] =	vst.idx.msk $0xffff, v50  }
0x13b: {  	v51 =	vadd.s32 v7, v45;
	v50 =	vld [tilespmem:s16+$0xFFFFFE70];
	[tilespmem:v62+s9+$0x0] =	vst.idx.msk $0xffff, v61  }
0x13c: {  	v56 =	vadd.s32 v11, v52;
	v55 =	vld [tilespmem:s16+$0xFFFFFEB0];
	[tilespmem:v59+s9+$0x0] =	vst.idx.msk $0xffff, v58  }
0x13d: {  	v58 =	vadd.s32 v15, v35;
	[tilespmem:v57+s9+$0x0] =	vst.idx.msk $0xffff, v40;
	v57 =	vld [tilespmem:s16+$0xFFFFFEF0]  }
0x13e: {  	v38 =	vadd.s32 v32, v38;
	[tilespmem:v46+s9+$0x0] =	vst.idx.msk $0xffff, v44;
	v54 =	vld [tilespmem:s16+$0x0]  }
0x13f: {  	s21 =	simm.s32 $0x9;
	[tilespmem:v60+s9+$0x0] =	vst.idx.msk $0xffff, v63;
	v60 =	vadd.s32 v19, v34;
	v59 =	vld [tilespmem:s16+$0xFFFFFF30]  }
0x140: {  	v41 =	vadd.s32 v23, v37;
	v53 =	vmov s21;
	s21 =	simm.s32 $0xC;
	[tilespmem:v51+s9+$0x0] =	vst.idx.msk $0xffff, v50;
	v40 =	vld [tilespmem:s16+$0xFFFFFF70]  }
0x141: {  	v48 =	vadd.s32 v3, v33;
	s20 =	simm.s32 $0x8;
	s23 =	simm.s32 $0xB;
	v43 =	vadd.s32 v27, v36;
	v47 =	vmov s21;
	v42 =	vld [tilespmem:s16+$0xFFFFFFB0];
	[tilespmem:v56+s9+$0x0] =	vst.idx.msk $0xffff, v55  }
0x142: {  	s22 =	simm.s32 $0xA;
	v52 =	vadd.s32 v12, v52;
	v63 =	vmov s20;
	v44 =	vmov s23;
	v46 =	vld [tilespmem:s16+$0xFFFFFE30];
	[tilespmem:v58+s9+$0x0] =	vst.idx.msk $0xffff, v57  }
0x143: {  	s23 =	simm.s32 $0xE;
	v39 =	vshrl.u32 v63, $0x3;
	v51 =	vadd.s32 v8, v45;
	v49 =	vld [tilespmem:s16+$0xFFFFFE80];
	[tilespmem:v38+s9+$0x0] =	vst.idx.msk $0xffff, v54;
	v54 =	vmov s22;
	s22 =	simm.s32 $0xD  }
0x144: {  	s19 =	simm.s32 $0x10;
	s20 =	simm.s32 $0xF;
	v45 =	vshll.u32 v39, v1;
	v39 =	vmov s23;
	v50 =	vld [tilespmem:s16+$0xFFFFFEC0];
	[tilespmem:v60+s9+$0x0] =	vst.idx.msk $0xffff, v59;
	v38 =	vmov s22  }
.LBB2_5:
0x145: {  	p0 =	slt.u32 s19, $0x78;
	v53 =	vshrl.u32 v53, $0x3;
	v55 =	vmov s20;
	v56 =	vld [tilespmem:s16+$0xFFFFFF00];
	v35 =	vadd.s32 v16, v35;
	[tilespmem:v41+s9+$0x0] =	vst.idx.msk $0xffff, v40  }
0x146: {  	v40 =	vshrl.u32 v54, $0x3;
	v34 =	vadd.s32 v20, v34;
	v41 =	vshrl.u32 v55, $0x3;
	v54 =	vld [tilespmem:s16+$0xFFFFFF40];
	[tilespmem:v43+s9+$0x0] =	vst.idx.msk $0xffff, v42  }
0x147: {  	v37 =	vadd.s32 v24, v37;
	v42 =	vshrl.u32 v44, $0x3;
	v41 =	vshll.u32 v41, v1;
	[tilespmem:v48+s9+$0x0] =	vst.idx.msk $0xffff, v46;
	v43 =	vld [tilespmem:s16+$0xFFFFFF80]  }
0x148: {  	v36 =	vadd.s32 v28, v36;
	v44 =	vshrl.u32 v47, $0x3;
	v41 =	vbroadcast v41, $0x0;
	[tilespmem:v51+s9+$0x0] =	vst.idx.msk $0xffff, v49;
	v46 =	vld [tilespmem:s16+$0xFFFFFFC0]  }
0x149: {  	v47 =	vshll.u32 v53, v1;
	v49 =	vadd.s32 v4, v33;
	v33 =	vbroadcast v45, $0x0;
	v48 =	vld [tilespmem:s16+$0xFFFFFE40];
	[tilespmem:v52+s9+$0x0] =	vst.idx.msk $0xffff, v50;
	s16 =	sadd.s32 $0x200, s16  }
0x14a: {  	v40 =	vshll.u32 v40, v1;
	v45 =	vbroadcast v47, $0x0;
	v47 =	vld [tilespmem:s16+$0xFFFFFFD0];
	v50 =	vadd.s32 v29, v41;
	[tilespmem:v35+s9+$0x0] =	vst.idx.msk $0xffff, v56  }
0x14b: {  	v55 =	vbroadcast v40, $0x0;
	v52 =	vadd.s32 v0, v33;
	v35 =	vshll.u32 v42, v1;
	v51 =	vld [tilespmem:s16+$0xFFFFFE10];
	[tilespmem:v34+s9+$0x0] =	vst.idx.msk $0xffff, v54  }
0x14c: {  	v42 =	vadd.s32 v5, v45;
	v35 =	vbroadcast v35, $0x0;
	v34 =	vshll.u32 v44, v1;
	v40 =	vld [tilespmem:s16+$0xFFFFFE50];
	[tilespmem:v37+s9+$0x0] =	vst.idx.msk $0xffff, v43  }
0x14d: {  	v44 =	vadd.s32 v9, v55;
	v34 =	vbroadcast v34, $0x0;
	v37 =	vshrl.u32 v38, $0x3;
	v43 =	vld [tilespmem:s16+$0xFFFFFE90];
	[tilespmem:v36+s9+$0x0] =	vst.idx.msk $0xffff, v46  }
0x14e: {  	v39 =	vshrl.u32 v39, $0x3;
	v46 =	vadd.s32 v13, v35;
	v36 =	vshll.u32 v37, v1;
	v38 =	vld [tilespmem:s16+$0xFFFFFED0];
	[tilespmem:v49+s9+$0x0] =	vst.idx.msk $0xffff, v48  }
0x14f: {  	v49 =	vadd.s32 v17, v34;
	v37 =	vbroadcast v36, $0x0;
	v36 =	vshll.u32 v39, v1;
	v48 =	vld [tilespmem:s16+$0xFFFFFF10];
	[tilespmem:v50+s9+$0x0] =	vst.idx.msk $0xffff, v47  }
0x150: {  	v36 =	vbroadcast v36, $0x0;
	v47 =	vadd.s32 v30, v41;
	[tilespmem:v52+s9+$0x0] =	vst.idx.msk $0xffff, v51;
	v39 =	vld [tilespmem:s16+$0xFFFFFFE0]  }
0x151: {  	[tilespmem:v42+s9+$0x0] =	vst.idx.msk $0xffff, v40;
	v40 =	vld [tilespmem:s16+$0xFFFFFF50];
	v42 =	vadd.s32 v21, v37  }
0x152: {  	[tilespmem:v44+s9+$0x0] =	vst.idx.msk $0xffff, v43;
	v43 =	vld [tilespmem:s16+$0xFFFFFF90];
	v44 =	vadd.s32 v25, v36  }
0x153: {  	v51 =	vadd.s32 v6, v45;
	v50 =	vld [tilespmem:s16+$0xFFFFFE60];
	[tilespmem:v46+s9+$0x0] =	vst.idx.msk $0xffff, v38  }
0x154: {  	v46 =	vadd.s32 v10, v55;
	v38 =	vld [tilespmem:s16+$0xFFFFFEA0];
	[tilespmem:v49+s9+$0x0] =	vst.idx.msk $0xffff, v48  }
0x155: {  	v49 =	vadd.s32 v14, v35;
	v48 =	vld [tilespmem:s16+$0xFFFFFEE0];
	[tilespmem:v47+s9+$0x0] =	vst.idx.msk $0xffff, v39  }
0x156: {  	[tilespmem:v42+s9+$0x0] =	vst.idx.msk $0xffff, v40;
	v39 =	vld [tilespmem:s16+$0xFFFFFFF0];
	v40 =	vadd.s32 v31, v41  }
0x157: {  	v47 =	vadd.s32 v18, v34;
	v42 =	vld [tilespmem:s16+$0xFFFFFF20];
	[tilespmem:v44+s9+$0x0] =	vst.idx.msk $0xffff, v43  }
0x158: {  	v44 =	vadd.s32 v22, v37;
	[tilespmem:v51+s9+$0x0] =	vst.idx.msk $0xffff, v50;
	v43 =	vld [tilespmem:s16+$0xFFFFFF60]  }
0x159: {  	[tilespmem:v46+s9+$0x0] =	vst.idx.msk $0xffff, v38;
	v38 =	vld [tilespmem:s16+$0xFFFFFFA0];
	v46 =	vadd.s32 v26, v36  }
0x15a: {  	v51 =	vadd.s32 v2, v33;
	v50 =	vld [tilespmem:s16+$0xFFFFFE20];
	[tilespmem:v49+s9+$0x0] =	vst.idx.msk $0xffff, v48  }
0x15b: {  	v49 =	vadd.s32 v7, v45;
	v48 =	vld [tilespmem:s16+$0xFFFFFE70];
	[tilespmem:v40+s9+$0x0] =	vst.idx.msk $0xffff, v39  }
0x15c: {  	[tilespmem:v47+s9+$0x0] =	vst.idx.msk $0xffff, v42;
	v39 =	vld [tilespmem:s16+$0x0];
	v47 =	vadd.s32 v32, v41  }
0x15d: {  	v56 =	vadd.s32 v11, v55;
	v52 =	vld [tilespmem:s16+$0xFFFFFEB0];
	[tilespmem:v44+s9+$0x0] =	vst.idx.msk $0xffff, v43  }
0x15e: {  	v58 =	vadd.s32 v15, v35;
	v57 =	vld [tilespmem:s16+$0xFFFFFEF0];
	[tilespmem:v46+s9+$0x0] =	vst.idx.msk $0xffff, v38  }
0x15f: {  	v60 =	vadd.s32 v19, v34;
	[tilespmem:v51+s9+$0x0] =	vst.idx.msk $0xffff, v50;
	v59 =	vld [tilespmem:s16+$0xFFFFFF30]  }
.Ltmp1:
0x160: {  	s20 =	sadd.s32 $0x1, s19;
	v41 =	vadd.s32 v23, v37;
	v38 =	vmov s19;
	[tilespmem:v49+s9+$0x0] =	vst.idx.msk $0xffff, v48;
	v40 =	vld [tilespmem:s16+$0xFFFFFF70];
	(pc) =	sbr.rel @p0 .LBB2_5-.Ltmp1, $4  }
0x161: {  	s21 =	sadd.s32 $0x3, s19;
	v53 =	vmov s20;
	s20 =	sadd.s32 $0x2, s19;
	v43 =	vadd.s32 v27, v36;
	v50 =	vshrl.u32 v38, $0x3;
	v42 =	vld [tilespmem:s16+$0xFFFFFFB0];
	[tilespmem:v47+s9+$0x0] =	vst.idx.msk $0xffff, v39  }
0x162: {  	v54 =	vmov s20;
	s20 =	sadd.s32 $0x4, s19;
	v44 =	vmov s21;
	s21 =	sadd.s32 $0x5, s19;
	v48 =	vadd.s32 v3, v33;
	v46 =	vld [tilespmem:s16+$0xFFFFFE30];
	[tilespmem:v56+s9+$0x0] =	vst.idx.msk $0xffff, v52  }
0x163: {  	v38 =	vmov s21;
	v51 =	vadd.s32 v8, v45;
	v47 =	vmov s20;
	s20 =	sadd.s32 $0x6, s19;
	v49 =	vld [tilespmem:s16+$0xFFFFFE80];
	[tilespmem:v58+s9+$0x0] =	vst.idx.msk $0xffff, v57  }
0x164: {  	v45 =	vshll.u32 v50, v1;
	v39 =	vmov s20;
	s20 =	sadd.s32 $0x7, s19;
	s19 =	sadd.s32 $0x8, s19;
	v52 =	vadd.s32 v12, v55;
	v50 =	vld [tilespmem:s16+$0xFFFFFEC0];
	[tilespmem:v60+s9+$0x0] =	vst.idx.msk $0xffff, v59  }
0x165: {  	_ =	sdelay $0x2  }
0x166: {  	v53 =	vshrl.u32 v53, $0x3  }
0x167: {  	v55 =	vmov s20;
	v56 =	vld [tilespmem:s16+$0xFFFFFF00];
	v35 =	vadd.s32 v16, v35;
	[tilespmem:v41+s9+$0x0] =	vst.idx.msk $0xffff, v40;
	v34 =	vadd.s32 v20, v34  }
0x168: {  	v61 =	vshrl.u32 v54, $0x3;
	v63 =	vld [tilespmem:s16+$0xFFFFFF40];
	v37 =	vadd.s32 v24, v37;
	v36 =	vadd.s32 v28, v36;
	[tilespmem:v43+s9+$0x0] =	vst.idx.msk $0xffff, v42  }
0x169: {  	v45 =	vbroadcast v45, $0x0;
	v33 =	vadd.s32 v4, v33;
	v62 =	vshrl.u32 v55, $0x3;
	v43 =	vld [tilespmem:s16+$0xFFFFFF80];
	[tilespmem:v48+s9+$0x0] =	vst.idx.msk $0xffff, v46  }
0x16a: {  	s22 =	sadd.s32 $0x200, s16;
	v38 =	vshrl.u32 v38, $0x3;
	v55 =	vshrl.u32 v44, $0x3;
	v41 =	vshll.u32 v62, v1;
	v46 =	vld [tilespmem:s16+$0xFFFFFFC0];
	[tilespmem:v51+s9+$0x0] =	vst.idx.msk $0xffff, v49  }
0x16b: {  	v40 =	vshll.u32 v61, v1;
	v60 =	vld [tilespmem:s22+$0xFFFFFE10];
	v61 =	vadd.s32 v0, v45;
	v41 =	vbroadcast v41, $0x0;
	[tilespmem:v52+s9+$0x0] =	vst.idx.msk $0xffff, v50  }
0x16c: {  	v44 =	vshrl.u32 v47, $0x3;
	v57 =	vshll.u32 v53, v1;
	v40 =	vbroadcast v40, $0x0;
	v48 =	vld [tilespmem:s16+$0xFFFFFE40];
	[tilespmem:v35+s9+$0x0] =	vst.idx.msk $0xffff, v56  }
0x16d: {  	v58 =	vld [tilespmem:s22+$0xFFFFFFD0];
	v47 =	vbroadcast v57, $0x0;
	v42 =	vshll.u32 v55, v1;
	v59 =	vadd.s32 v29, v41;
	[tilespmem:v34+s9+$0x0] =	vst.idx.msk $0xffff, v63  }
0x16e: {  	v54 =	vld [tilespmem:s22+$0xFFFFFE90];
	v44 =	vshll.u32 v44, v1;
	v42 =	vbroadcast v42, $0x0;
	v55 =	vadd.s32 v9, v40;
	[tilespmem:v37+s9+$0x0] =	vst.idx.msk $0xffff, v43  }
0x16f: {  	v38 =	vshll.u32 v38, v1;
	v62 =	vld [tilespmem:s22+$0xFFFFFE50];
	v44 =	vbroadcast v44, $0x0;
	v63 =	vadd.s32 v5, v47;
	[tilespmem:v36+s9+$0x0] =	vst.idx.msk $0xffff, v46  }
0x170: {  	v39 =	vshrl.u32 v39, $0x3;
	v38 =	vbroadcast v38, $0x0;
	v36 =	vld [tilespmem:s22+$0xFFFFFED0];
	v46 =	vadd.s32 v13, v42;
	[tilespmem:v61+s9+$0x0] =	vst.idx.msk $0xffff, v60  }
0x171: {  	v39 =	vshll.u32 v39, v1;
	[tilespmem:v33+s9+$0x0] =	vst.idx.msk $0xffff, v48;
	v33 =	vld [tilespmem:s22+$0xFFFFFF10];
	v48 =	vadd.s32 v17, v44  }
0x172: {  	v35 =	vbroadcast v39, $0x0;
	[tilespmem:v59+s9+$0x0] =	vst.idx.msk $0xffff, v58;
	v58 =	vld [tilespmem:s22+$0xFFFFFF50];
	v59 =	vadd.s32 v21, v38  }
0x173: {  	v57 =	vadd.s32 v30, v41;
	[tilespmem:v55+s9+$0x0] =	vst.idx.msk $0xffff, v54;
	v56 =	vld [tilespmem:s22+$0xFFFFFFE0]  }
0x174: {  	v60 =	vld [tilespmem:s22+$0xFFFFFF90];
	v61 =	vadd.s32 v25, v35;
	[tilespmem:v63+s9+$0x0] =	vst.idx.msk $0xffff, v62  }
0x175: {  	v55 =	vadd.s32 v10, v40;
	v54 =	vld [tilespmem:s22+$0xFFFFFEA0];
	[tilespmem:v46+s9+$0x0] =	vst.idx.msk $0xffff, v36  }
0x176: {  	v63 =	vadd.s32 v6, v47;
	v62 =	vld [tilespmem:s22+$0xFFFFFE60];
	[tilespmem:v48+s9+$0x0] =	vst.idx.msk $0xffff, v33  }
0x177: {  	v33 =	vld [tilespmem:s22+$0xFFFFFEE0];
	v48 =	vadd.s32 v14, v42;
	[tilespmem:v59+s9+$0x0] =	vst.idx.msk $0xffff, v58  }
0x178: {  	[tilespmem:v57+s9+$0x0] =	vst.idx.msk $0xffff, v56;
	v56 =	vld [tilespmem:s22+$0xFFFFFF20];
	v57 =	vadd.s32 v18, v44  }
0x179: {  	[tilespmem:v61+s9+$0x0] =	vst.idx.msk $0xffff, v60;
	v59 =	vadd.s32 v22, v38;
	v58 =	vld [tilespmem:s22+$0xFFFFFF60]  }
0x17a: {  	v39 =	vadd.s32 v31, v41;
	[tilespmem:v55+s9+$0x0] =	vst.idx.msk $0xffff, v54;
	v34 =	vld [tilespmem:s22+$0xFFFFFFF0]  }
0x17b: {  	v61 =	vadd.s32 v26, v35;
	v60 =	vld [tilespmem:s22+$0xFFFFFFA0];
	[tilespmem:v63+s9+$0x0] =	vst.idx.msk $0xffff, v62  }
0x17c: {  	v62 =	vld [tilespmem:s22+$0xFFFFFE20];
	v63 =	vadd.s32 v2, v45;
	[tilespmem:v48+s9+$0x0] =	vst.idx.msk $0xffff, v33  }
0x17d: {  	v55 =	vadd.s32 v7, v47;
	v54 =	vld [tilespmem:s22+$0xFFFFFE70];
	[tilespmem:v57+s9+$0x0] =	vst.idx.msk $0xffff, v56  }
0x17e: {  	v56 =	vadd.s32 v32, v41;
	v41 =	vld [tilespmem:s22+$0xFFFFFEB0];
	v57 =	vadd.s32 v11, v40;
	[tilespmem:v59+s9+$0x0] =	vst.idx.msk $0xffff, v58  }
0x17f: {  	v37 =	vld [tilespmem:s22+$0xFFFFFEF0];
	v58 =	vadd.s32 v15, v42;
	[tilespmem:v39+s9+$0x0] =	vst.idx.msk $0xffff, v34  }
0x180: {  	[tilespmem:v61+s9+$0x0] =	vst.idx.msk $0xffff, v60;
	v34 =	vld [tilespmem:s22+$0x0]  }
0x181: {  	v60 =	vadd.s32 v19, v44;
	[tilespmem:v63+s9+$0x0] =	vst.idx.msk $0xffff, v62;
	v59 =	vld [tilespmem:s22+$0xFFFFFF30]  }
0x182: {  	v62 =	vadd.s32 v23, v38;
	[tilespmem:v55+s9+$0x0] =	vst.idx.msk $0xffff, v54;
	v61 =	vld [tilespmem:s22+$0xFFFFFF70]  }
0x183: {  	v63 =	vld [tilespmem:s22+$0xFFFFFFB0];
	v54 =	vadd.s32 v27, v35;
	[tilespmem:v57+s9+$0x0] =	vst.idx.msk $0xffff, v41  }
0x184: {  	v47 =	vadd.s32 v8, v47;
	v57 =	vld [tilespmem:s22+$0xFFFFFE80];
	[tilespmem:v58+s9+$0x0] =	vst.idx.msk $0xffff, v37  }
0x185: {  	v55 =	vld [tilespmem:s22+$0xFFFFFE30];
	[tilespmem:v56+s9+$0x0] =	vst.idx.msk $0xffff, v34;
	v56 =	vadd.s32 v3, v45  }
0x186: {  	v40 =	vadd.s32 v12, v40;
	v58 =	vld [tilespmem:s22+$0xFFFFFEC0];
	[tilespmem:v60+s9+$0x0] =	vst.idx.msk $0xffff, v59  }
0x187: {  	v42 =	vadd.s32 v16, v42;
	v59 =	vld [tilespmem:s22+$0xFFFFFF00];
	[tilespmem:v62+s9+$0x0] =	vst.idx.msk $0xffff, v61  }
0x188: {  	v61 =	vadd.s32 v20, v44;
	[tilespmem:v54+s9+$0x0] =	vst.idx.msk $0xffff, v63;
	v60 =	vld [tilespmem:s22+$0xFFFFFF40]  }
0x189: {  	v38 =	vadd.s32 v24, v38;
	v62 =	vld [tilespmem:s22+$0xFFFFFF80];
	[tilespmem:v47+s9+$0x0] =	vst.idx.msk $0xffff, v57  }
0x18a: {  	v35 =	vadd.s32 v28, v35;
	v63 =	vld [tilespmem:s22+$0xFFFFFFC0];
	[tilespmem:v56+s9+$0x0] =	vst.idx.msk $0xffff, v55  }
0x18b: {  	v49 =	vadd.s32 v4, v45;
	[tilespmem:v40+s9+$0x0] =	vst.idx.msk $0xffff, v58;
	v48 =	vld [tilespmem:s22+$0xFFFFFE40]  }
0x18c: {  	s14 =	sadd.s32 s14, s6;
	[tilespmem:v42+s9+$0x0] =	vst.idx.msk $0xffff, v59  }
0x18d: {  	s15 =	sshll.u32 s15, $0x14;
	s14 =	sshll.u32 s14, $0xA;
	[tilespmem:v61+s9+$0x0] =	vst.idx.msk $0xffff, v60  }
0x18e: {  	s14 =	sor.u32 s15, s14;
	[tilespmem:v38+s9+$0x0] =	vst.idx.msk $0xffff, v62  }
0x18f: {  	s14 =	sshrl.u32 s14, $0x3;
	[tilespmem:v35+s9+$0x0] =	vst.idx.msk $0xffff, v63  }
0x190: {  	s15 =	sadd.s32 s2, s14;
	s14 =	simm.s32 $0x0;
	[tilespmem:v49+s9+$0x0] =	vst.idx.msk $0xffff, v48  }
0x191: {  	[hbm4b:s15+s14] =	stream.linear.scatter [tilespmem:s9], [sflag:$0x2], $0x80, $0x38;
	[tilespmem:$0x1AE00] =	vst v63  }
0x192: {  	s19 =	simm.s32 $0x12688;
	s23 =	sadd.s32 $0x10, s15  }
0x193: {  	[hbm4b:s23+s14] =	stream.linear.scatter [tilespmem:s19], [sflag:$0x2], $0x80, $0x38;
	[tilespmem:$0x1AE00] =	vst v63  }
0x194: {  	s21 =	simm.s32 $0x12710;
	s20 =	sadd.s32 $0x20, s15  }
0x195: {  	[hbm4b:s20+s14] =	stream.linear.scatter [tilespmem:s21], [sflag:$0x2], $0x80, $0x38;
	[tilespmem:$0x1AE00] =	vst v63  }
0x196: {  	s22 =	sadd.s32 $0x30, s15;
	s23 =	simm.s32 $0x12798  }
0x197: {  	[hbm4b:s22+s14] =	stream.linear.scatter [tilespmem:s23], [sflag:$0x2], $0x80, $0x38;
	[tilespmem:$0x1AE00] =	vst v63  }
0x198: {  	s20 =	sadd.s32 $0x40, s15;
	s21 =	simm.s32 $0x12820  }
0x199: {  	[hbm4b:s20+s14] =	stream.linear.scatter [tilespmem:s21], [sflag:$0x2], $0x80, $0x38;
	[tilespmem:$0x1AE00] =	vst v63  }
0x19a: {  	s22 =	sadd.s32 $0x50, s15;
	s23 =	simm.s32 $0x128A8  }
0x19b: {  	[hbm4b:s22+s14] =	stream.linear.scatter [tilespmem:s23], [sflag:$0x2], $0x80, $0x38;
	[tilespmem:$0x1AE00] =	vst v63  }
0x19c: {  	s20 =	sadd.s32 $0x60, s15;
	s21 =	simm.s32 $0x12930  }
0x19d: {  	[hbm4b:s20+s14] =	stream.linear.scatter [tilespmem:s21], [sflag:$0x2], $0x80, $0x38;
	[tilespmem:$0x1AE00] =	vst v63  }
0x19e: {  	s22 =	sadd.s32 $0x70, s15;
	s23 =	simm.s32 $0x129B8  }
0x19f: {  	[hbm4b:s22+s14] =	stream.linear.scatter [tilespmem:s23], [sflag:$0x2], $0x80, $0x38;
	[tilespmem:$0x1AE00] =	vst v63  }
0x1a0: {  	s20 =	sadd.s32 $0x4000, s15;
	s21 =	simm.s32 $0x12A40  }
0x1a1: {  	[hbm4b:s20+s14] =	stream.linear.scatter [tilespmem:s21], [sflag:$0x2], $0x80, $0x38;
	[tilespmem:$0x1AE00] =	vst v63  }
0x1a2: {  	s22 =	sadd.s32 $0x4010, s15;
	s23 =	simm.s32 $0x12AC8  }
0x1a3: {  	[hbm4b:s22+s14] =	stream.linear.scatter [tilespmem:s23], [sflag:$0x2], $0x80, $0x38;
	[tilespmem:$0x1AE00] =	vst v63  }
0x1a4: {  	s20 =	sadd.s32 $0x4020, s15;
	s21 =	simm.s32 $0x12B50  }
0x1a5: {  	[hbm4b:s20+s14] =	stream.linear.scatter [tilespmem:s21], [sflag:$0x2], $0x80, $0x38;
	[tilespmem:$0x1AE00] =	vst v63  }
0x1a6: {  	s22 =	sadd.s32 $0x4030, s15;
	s23 =	simm.s32 $0x12BD8  }
0x1a7: {  	[hbm4b:s22+s14] =	stream.linear.scatter [tilespmem:s23], [sflag:$0x2], $0x80, $0x38;
	[tilespmem:$0x1AE00] =	vst v63  }
0x1a8: {  	s20 =	sadd.s32 $0x4040, s15;
	s21 =	simm.s32 $0x12C60  }
0x1a9: {  	[hbm4b:s20+s14] =	stream.linear.scatter [tilespmem:s21], [sflag:$0x2], $0x80, $0x38;
	[tilespmem:$0x1AE00] =	vst v63  }
0x1aa: {  	s22 =	sadd.s32 $0x4050, s15;
	s23 =	simm.s32 $0x12CE8  }
0x1ab: {  	[hbm4b:s22+s14] =	stream.linear.scatter [tilespmem:s23], [sflag:$0x2], $0x80, $0x38;
	[tilespmem:$0x1AE00] =	vst v63  }
0x1ac: {  	s20 =	sadd.s32 $0x4060, s15;
	s21 =	simm.s32 $0x12D70  }
0x1ad: {  	[hbm4b:s20+s14] =	stream.linear.scatter [tilespmem:s21], [sflag:$0x2], $0x80, $0x38;
	[tilespmem:$0x1AE00] =	vst v63  }
0x1ae: {  	s22 =	sadd.s32 $0x4070, s15;
	s23 =	simm.s32 $0x12DF8  }
0x1af: {  	[hbm4b:s22+s14] =	stream.linear.scatter [tilespmem:s23], [sflag:$0x2], $0x80, $0x38;
	[tilespmem:$0x1AE00] =	vst v63  }
0x1b0: {  	s20 =	sadd.s32 $0x8000, s15;
	s21 =	simm.s32 $0x12E80  }
0x1b1: {  	[hbm4b:s20+s14] =	stream.linear.scatter [tilespmem:s21], [sflag:$0x2], $0x80, $0x38;
	[tilespmem:$0x1AE00] =	vst v63  }
0x1b2: {  	s22 =	sadd.s32 $0x8010, s15;
	s23 =	simm.s32 $0x12F08  }
0x1b3: {  	[hbm4b:s22+s14] =	stream.linear.scatter [tilespmem:s23], [sflag:$0x2], $0x80, $0x38;
	[tilespmem:$0x1AE00] =	vst v63  }
0x1b4: {  	s20 =	sadd.s32 $0x8020, s15;
	s21 =	simm.s32 $0x12F90  }
0x1b5: {  	[hbm4b:s20+s14] =	stream.linear.scatter [tilespmem:s21], [sflag:$0x2], $0x80, $0x38;
	[tilespmem:$0x1AE00] =	vst v63  }
0x1b6: {  	s22 =	sadd.s32 $0x8030, s15;
	s23 =	simm.s32 $0x13018  }
0x1b7: {  	[hbm4b:s22+s14] =	stream.linear.scatter [tilespmem:s23], [sflag:$0x2], $0x80, $0x38;
	[tilespmem:$0x1AE00] =	vst v63  }
0x1b8: {  	s20 =	sadd.s32 $0x8040, s15;
	s21 =	simm.s32 $0x130A0  }
0x1b9: {  	[hbm4b:s20+s14] =	stream.linear.scatter [tilespmem:s21], [sflag:$0x2], $0x80, $0x38;
	[tilespmem:$0x1AE00] =	vst v63  }
0x1ba: {  	s22 =	sadd.s32 $0x8050, s15;
	s23 =	simm.s32 $0x13128  }
0x1bb: {  	[hbm4b:s22+s14] =	stream.linear.scatter [tilespmem:s23], [sflag:$0x2], $0x80, $0x38;
	[tilespmem:$0x1AE00] =	vst v63  }
0x1bc: {  	s20 =	sadd.s32 $0x8060, s15;
	s21 =	simm.s32 $0x131B0  }
0x1bd: {  	[hbm4b:s20+s14] =	stream.linear.scatter [tilespmem:s21], [sflag:$0x2], $0x80, $0x38;
	[tilespmem:$0x1AE00] =	vst v63  }
0x1be: {  	s22 =	sadd.s32 $0x8070, s15;
	s23 =	simm.s32 $0x13238  }
0x1bf: {  	[hbm4b:s22+s14] =	stream.linear.scatter [tilespmem:s23], [sflag:$0x2], $0x80, $0x38;
	[tilespmem:$0x1AE00] =	vst v63  }
0x1c0: {  	s20 =	sadd.s32 $0xC000, s15;
	s21 =	simm.s32 $0x132C0  }
0x1c1: {  	[hbm4b:s20+s14] =	stream.linear.scatter [tilespmem:s21], [sflag:$0x2], $0x80, $0x38;
	[tilespmem:$0x1AE00] =	vst v63  }
0x1c2: {  	s22 =	sadd.s32 $0xC010, s15;
	s23 =	simm.s32 $0x13348  }
0x1c3: {  	[hbm4b:s22+s14] =	stream.linear.scatter [tilespmem:s23], [sflag:$0x2], $0x80, $0x38;
	[tilespmem:$0x1AE00] =	vst v63  }
0x1c4: {  	s20 =	sadd.s32 $0xC020, s15;
	s21 =	simm.s32 $0x133D0  }
0x1c5: {  	[hbm4b:s20+s14] =	stream.linear.scatter [tilespmem:s21], [sflag:$0x2], $0x80, $0x38;
	[tilespmem:$0x1AE00] =	vst v63  }
0x1c6: {  	s22 =	sadd.s32 $0xC030, s15;
	s23 =	simm.s32 $0x13458  }
0x1c7: {  	[hbm4b:s22+s14] =	stream.linear.scatter [tilespmem:s23], [sflag:$0x2], $0x80, $0x38;
	[tilespmem:$0x1AE00] =	vst v63  }
0x1c8: {  	s20 =	sadd.s32 $0xC040, s15;
	s21 =	simm.s32 $0x134E0  }
0x1c9: {  	[hbm4b:s20+s14] =	stream.linear.scatter [tilespmem:s21], [sflag:$0x2], $0x80, $0x38;
	[tilespmem:$0x1AE00] =	vst v63  }
0x1ca: {  	s22 =	sadd.s32 $0xC050, s15;
	s23 =	simm.s32 $0x13568  }
0x1cb: {  	[hbm4b:s22+s14] =	stream.linear.scatter [tilespmem:s23], [sflag:$0x2], $0x80, $0x38;
	[tilespmem:$0x1AE00] =	vst v63  }
0x1cc: {  	s19 =	sadd.s32 $0xC060, s15;
	s20 =	simm.s32 $0x135F0  }
0x1cd: {  	[hbm4b:s19+s14] =	stream.linear.scatter [tilespmem:s20], [sflag:$0x2], $0x80, $0x38;
	[tilespmem:$0x1AE00] =	vst v63  }
0x1ce: {  	s21 =	sadd.s32 $0xC070, s15;
	s22 =	simm.s32 $0x13678  }
0x1cf: {  	[hbm4b:s21+s14] =	stream.linear.scatter [tilespmem:s22], [sflag:$0x2], $0x80, $0x38;
	[tilespmem:$0x1AE00] =	vst v63  }
0x1d0: {  	s16 =	sadd.s32 $0x10000, s15;
	s23 =	simm.s32 $0x13700  }
0x1d1: {  	[hbm4b:s16+s14] =	stream.linear.scatter [tilespmem:s23], [sflag:$0x2], $0x80, $0x38;
	[tilespmem:$0x1AE00] =	vst v63  }
0x1d2: {  	s20 =	sadd.s32 $0x10, s16;
	s21 =	simm.s32 $0x13788  }
0x1d3: {  	[hbm4b:s20+s14] =	stream.linear.scatter [tilespmem:s21], [sflag:$0x2], $0x80, $0x38;
	[tilespmem:$0x1AE00] =	vst v63  }
0x1d4: {  	s22 =	sadd.s32 $0x20, s16;
	s23 =	simm.s32 $0x13810  }
0x1d5: {  	[hbm4b:s22+s14] =	stream.linear.scatter [tilespmem:s23], [sflag:$0x2], $0x80, $0x38;
	[tilespmem:$0x1AE00] =	vst v63  }
0x1d6: {  	s20 =	sadd.s32 $0x30, s16;
	s21 =	simm.s32 $0x13898  }
0x1d7: {  	[hbm4b:s20+s14] =	stream.linear.scatter [tilespmem:s21], [sflag:$0x2], $0x80, $0x38;
	[tilespmem:$0x1AE00] =	vst v63  }
0x1d8: {  	s22 =	sadd.s32 $0x40, s16;
	s23 =	simm.s32 $0x13920  }
0x1d9: {  	[hbm4b:s22+s14] =	stream.linear.scatter [tilespmem:s23], [sflag:$0x2], $0x80, $0x38;
	[tilespmem:$0x1AE00] =	vst v63  }
0x1da: {  	s20 =	sadd.s32 $0x50, s16;
	s21 =	simm.s32 $0x139A8  }
0x1db: {  	[hbm4b:s20+s14] =	stream.linear.scatter [tilespmem:s21], [sflag:$0x2], $0x80, $0x38;
	[tilespmem:$0x1AE00] =	vst v63  }
0x1dc: {  	s22 =	sadd.s32 $0x60, s16;
	s23 =	simm.s32 $0x13A30  }
0x1dd: {  	[hbm4b:s22+s14] =	stream.linear.scatter [tilespmem:s23], [sflag:$0x2], $0x80, $0x38;
	[tilespmem:$0x1AE00] =	vst v63  }
0x1de: {  	s16 =	sadd.s32 $0x70, s16;
	s20 =	simm.s32 $0x13AB8  }
0x1df: {  	[hbm4b:s16+s14] =	stream.linear.scatter [tilespmem:s20], [sflag:$0x2], $0x80, $0x38;
	[tilespmem:$0x1AE00] =	vst v63  }
0x1e0: {  	s21 =	simm.s32 $0x13B40;
	s16 =	sadd.s32 $0x14000, s15  }
0x1e1: {  	[hbm4b:s16+s14] =	stream.linear.scatter [tilespmem:s21], [sflag:$0x2], $0x80, $0x38;
	[tilespmem:$0x1AE00] =	vst v63  }
0x1e2: {  	s23 =	simm.s32 $0x13BC8;
	s22 =	sadd.s32 $0x10, s16  }
0x1e3: {  	[hbm4b:s22+s14] =	stream.linear.scatter [tilespmem:s23], [sflag:$0x2], $0x80, $0x38;
	[tilespmem:$0x1AE00] =	vst v63  }
0x1e4: {  	s20 =	sadd.s32 $0x20, s16;
	s21 =	simm.s32 $0x13C50  }
0x1e5: {  	[hbm4b:s20+s14] =	stream.linear.scatter [tilespmem:s21], [sflag:$0x2], $0x80, $0x38;
	[tilespmem:$0x1AE00] =	vst v63  }
0x1e6: {  	s22 =	sadd.s32 $0x30, s16;
	s23 =	simm.s32 $0x13CD8  }
0x1e7: {  	[hbm4b:s22+s14] =	stream.linear.scatter [tilespmem:s23], [sflag:$0x2], $0x80, $0x38;
	[tilespmem:$0x1AE00] =	vst v63  }
0x1e8: {  	s20 =	sadd.s32 $0x40, s16;
	s21 =	simm.s32 $0x13D60  }
0x1e9: {  	[hbm4b:s20+s14] =	stream.linear.scatter [tilespmem:s21], [sflag:$0x2], $0x80, $0x38;
	[tilespmem:$0x1AE00] =	vst v63  }
0x1ea: {  	s22 =	sadd.s32 $0x50, s16;
	s23 =	simm.s32 $0x13DE8  }
0x1eb: {  	[hbm4b:s22+s14] =	stream.linear.scatter [tilespmem:s23], [sflag:$0x2], $0x80, $0x38;
	[tilespmem:$0x1AE00] =	vst v63  }
0x1ec: {  	s20 =	sadd.s32 $0x60, s16;
	s21 =	simm.s32 $0x13E70  }
0x1ed: {  	[hbm4b:s20+s14] =	stream.linear.scatter [tilespmem:s21], [sflag:$0x2], $0x80, $0x38;
	[tilespmem:$0x1AE00] =	vst v63  }
0x1ee: {  	s16 =	sadd.s32 $0x70, s16;
	s22 =	simm.s32 $0x13EF8  }
0x1ef: {  	[hbm4b:s16+s14] =	stream.linear.scatter [tilespmem:s22], [sflag:$0x2], $0x80, $0x38;
	[tilespmem:$0x1AE00] =	vst v63  }
0x1f0: {  	s23 =	simm.s32 $0x13F80;
	s16 =	sadd.s32 $0x18000, s15  }
0x1f1: {  	[hbm4b:s16+s14] =	stream.linear.scatter [tilespmem:s23], [sflag:$0x2], $0x80, $0x38;
	[tilespmem:$0x1AE00] =	vst v63  }
0x1f2: {  	s21 =	simm.s32 $0x14008;
	s20 =	sadd.s32 $0x10, s16  }
0x1f3: {  	[hbm4b:s20+s14] =	stream.linear.scatter [tilespmem:s21], [sflag:$0x2], $0x80, $0x38;
	[tilespmem:$0x1AE00] =	vst v63  }
0x1f4: {  	s22 =	sadd.s32 $0x20, s16;
	s23 =	simm.s32 $0x14090  }
0x1f5: {  	[hbm4b:s22+s14] =	stream.linear.scatter [tilespmem:s23], [sflag:$0x2], $0x80, $0x38;
	[tilespmem:$0x1AE00] =	vst v63  }
0x1f6: {  	s20 =	sadd.s32 $0x30, s16;
	s21 =	simm.s32 $0x14118  }
0x1f7: {  	[hbm4b:s20+s14] =	stream.linear.scatter [tilespmem:s21], [sflag:$0x2], $0x80, $0x38;
	[tilespmem:$0x1AE00] =	vst v63  }
0x1f8: {  	s22 =	sadd.s32 $0x40, s16;
	s23 =	simm.s32 $0x141A0  }
0x1f9: {  	[hbm4b:s22+s14] =	stream.linear.scatter [tilespmem:s23], [sflag:$0x2], $0x80, $0x38;
	[tilespmem:$0x1AE00] =	vst v63  }
0x1fa: {  	s20 =	sadd.s32 $0x50, s16;
	s21 =	simm.s32 $0x14228  }
0x1fb: {  	[hbm4b:s20+s14] =	stream.linear.scatter [tilespmem:s21], [sflag:$0x2], $0x80, $0x38;
	[tilespmem:$0x1AE00] =	vst v63  }
0x1fc: {  	s22 =	sadd.s32 $0x60, s16;
	s23 =	simm.s32 $0x142B0  }
0x1fd: {  	[hbm4b:s22+s14] =	stream.linear.scatter [tilespmem:s23], [sflag:$0x2], $0x80, $0x38;
	[tilespmem:$0x1AE00] =	vst v63  }
0x1fe: {  	s16 =	sadd.s32 $0x70, s16;
	s20 =	simm.s32 $0x14338  }
0x1ff: {  	[hbm4b:s16+s14] =	stream.linear.scatter [tilespmem:s20], [sflag:$0x2], $0x80, $0x38;
	[tilespmem:$0x1AE00] =	vst v63  }
0x200: {  	s15 =	sadd.s32 $0x1C000, s15;
	s21 =	simm.s32 $0x143C0  }
0x201: {  	[hbm4b:s15+s14] =	stream.linear.scatter [tilespmem:s21], [sflag:$0x2], $0x80, $0x38;
	[tilespmem:$0x1AE00] =	vst v63  }
0x202: {  	s22 =	sadd.s32 $0x10, s15;
	s23 =	simm.s32 $0x14448  }
0x203: {  	[hbm4b:s22+s14] =	stream.linear.scatter [tilespmem:s23], [sflag:$0x2], $0x80, $0x38;
	[tilespmem:$0x1AE00] =	vst v63  }
0x204: {  	s20 =	sadd.s32 $0x20, s15;
	s21 =	simm.s32 $0x144D0  }
0x205: {  	[hbm4b:s20+s14] =	stream.linear.scatter [tilespmem:s21], [sflag:$0x2], $0x80, $0x38;
	[tilespmem:$0x1AE00] =	vst v63  }
0x206: {  	s22 =	sadd.s32 $0x30, s15;
	s23 =	simm.s32 $0x14558  }
0x207: {  	[hbm4b:s22+s14] =	stream.linear.scatter [tilespmem:s23], [sflag:$0x2], $0x80, $0x38;
	[tilespmem:$0x1AE00] =	vst v63  }
0x208: {  	s20 =	sadd.s32 $0x40, s15;
	s21 =	simm.s32 $0x145E0  }
0x209: {  	v50 =	vmov s14;
	[hbm4b:s20+s14] =	stream.linear.scatter [tilespmem:s21], [sflag:$0x2], $0x80, $0x38;
	[tilespmem:$0x1AE00] =	vst v63  }
0x20a: {  	v33 =	vshrl.u32 v50, $0x3;
	s22 =	sadd.s32 $0x50, s15;
	s23 =	simm.s32 $0x14668  }
0x20b: {  	v33 =	vshll.u32 v33, v1;
	[hbm4b:s22+s14] =	stream.linear.scatter [tilespmem:s23], [sflag:$0x2], $0x80, $0x38;
	[tilespmem:$0x1AE00] =	vst v63  }
0x20c: {  	v33 =	vbroadcast v33, $0x0;
	s19 =	sadd.s32 $0x60, s15;
	s16 =	simm.s32 $0x3;
	s20 =	simm.s32 $0x146F0  }
0x20d: {  	[hbm4b:s19+s14] =	stream.linear.scatter [tilespmem:s20], [sflag:$0x2], $0x80, $0x38;
	[tilespmem:$0x1AE00] =	vst v63  }
0x20e: {  	v57 =	vadd.s32 v0, v33;
	v53 =	vmov s16;
	s15 =	sadd.s32 $0x70, s15;
	s22 =	simm.s32 $0x1;
	s20 =	simm.s32 $0x7  }
0x20f: {  	v36 =	vshrl.u32 v53, $0x3;
	s21 =	simm.s32 $0x14778;
	s23 =	simm.s32 $0x2;
	v51 =	vmov s22;
	s22 =	simm.s32 $0x6;
	v55 =	vmov s20  }
0x210: {  	v58 =	vshll.u32 v36, v1;
	v52 =	vmov s23;
	[hbm4b:s15+s14] =	stream.linear.scatter [tilespmem:s21], [sflag:$0x2], $0x80, $0x38;
	v38 =	vshrl.u32 v55, $0x3;
	[tilespmem:$0x1AE00] =	vst v63  }
0x211: {  	v40 =	vmov s22;
	v34 =	vshrl.u32 v51, $0x3;
	_ =	swait.ge [sflag:s17], $0x2000;
	v38 =	vshll.u32 v38, v1  }
0x212: {  	s19 =	simm.s32 $0x4;
	v35 =	vshrl.u32 v52, $0x3;
	v34 =	vshll.u32 v34, v1;
	[sflag:s17] =	ssyncset.done $0x0;
	v38 =	vbroadcast v38, $0x0  }
0x213: {  	v54 =	vmov s19;
	v56 =	vshll.u32 v35, v1;
	s14 =	simm.s32 $0xA5F0;
	v45 =	vbroadcast v34, $0x0;
	[sflag:s17] =	ssyncadd.s32 $0xFFFFE000  }
0x214: {  	v35 =	vbroadcast v58, $0x0;
	s21 =	simm.s32 $0x5;
	v52 =	vbroadcast v56, $0x0;
	v41 =	vld [tilespmem:s14+$0xFFFFFFD0];
	v42 =	vadd.s32 v29, v38  }
0x215: {  	v37 =	vshrl.u32 v54, $0x3;
	v39 =	vmov s21;
	v60 =	vadd.s32 v5, v45;
	v59 =	vld [tilespmem:s14+$0xFFFFFE50]  }
0x216: {  	v61 =	vshll.u32 v37, v1;
	v63 =	vadd.s32 v9, v52;
	v55 =	vshrl.u32 v39, $0x3;
	v62 =	vld [tilespmem:s14+$0xFFFFFE90]  }
0x217: {  	v40 =	vshrl.u32 v40, $0x3;
	v34 =	vbroadcast v61, $0x0;
	v36 =	vshll.u32 v55, v1;
	v43 =	vld [tilespmem:s14+$0xFFFFFE10]  }
0x218: {  	v56 =	vshll.u32 v40, v1;
	v50 =	vadd.s32 v13, v35;
	v39 =	vld [tilespmem:s14+$0xFFFFFED0];
	v37 =	vbroadcast v36, $0x0  }
0x219: {  	v51 =	vld [tilespmem:s14+$0xFFFFFF10];
	v53 =	vadd.s32 v17, v34;
	v36 =	vbroadcast v56, $0x0;
	[tilespmem:v42+s29+$0x0] =	vst.idx.msk $0xffff, v41  }
0x21a: {  	[tilespmem:v60+s29+$0x0] =	vst.idx.msk $0xffff, v59;
	v59 =	vld [tilespmem:s14+$0xFFFFFF50];
	v60 =	vadd.s32 v21, v37  }
0x21b: {  	v61 =	vld [tilespmem:s14+$0xFFFFFF90];
	[tilespmem:v63+s29+$0x0] =	vst.idx.msk $0xffff, v62;
	v62 =	vadd.s32 v25, v36  }
0x21c: {  	v58 =	vadd.s32 v30, v38;
	[tilespmem:v57+s29+$0x0] =	vst.idx.msk $0xffff, v43;
	v57 =	vld [tilespmem:s14+$0xFFFFFFE0]  }
0x21d: {  	v63 =	vadd.s32 v6, v45;
	[tilespmem:v50+s29+$0x0] =	vst.idx.msk $0xffff, v39;
	v47 =	vld [tilespmem:s14+$0xFFFFFE60]  }
0x21e: {  	v55 =	vadd.s32 v10, v52;
	[tilespmem:v53+s29+$0x0] =	vst.idx.msk $0xffff, v51;
	v54 =	vld [tilespmem:s14+$0xFFFFFEA0]  }
0x21f: {  	v56 =	vadd.s32 v14, v35;
	v50 =	vld [tilespmem:s14+$0xFFFFFEE0];
	[tilespmem:v60+s29+$0x0] =	vst.idx.msk $0xffff, v59  }
0x220: {  	[tilespmem:v62+s29+$0x0] =	vst.idx.msk $0xffff, v61;
	v61 =	vld [tilespmem:s14+$0xFFFFFE20];
	v62 =	vadd.s32 v2, v33  }
0x221: {  	v59 =	vadd.s32 v18, v34;
	[tilespmem:v58+s29+$0x0] =	vst.idx.msk $0xffff, v57;
	v58 =	vld [tilespmem:s14+$0xFFFFFF20]  }
0x222: {  	v57 =	vadd.s32 v31, v38;
	[tilespmem:v63+s29+$0x0] =	vst.idx.msk $0xffff, v47;
	v40 =	vld [tilespmem:s14+$0xFFFFFFF0]  }
0x223: {  	v60 =	vadd.s32 v26, v36;
	[tilespmem:v55+s29+$0x0] =	vst.idx.msk $0xffff, v54;
	v63 =	vld [tilespmem:s14+$0xFFFFFFA0]  }
0x224: {  	v46 =	vadd.s32 v22, v37;
	v44 =	vld [tilespmem:s14+$0xFFFFFF60];
	[tilespmem:v56+s29+$0x0] =	vst.idx.msk $0xffff, v50  }
0x225: {  	v51 =	vadd.s32 v7, v45;
	v50 =	vld [tilespmem:s14+$0xFFFFFE70];
	[tilespmem:v62+s29+$0x0] =	vst.idx.msk $0xffff, v61  }
0x226: {  	v56 =	vadd.s32 v11, v52;
	v55 =	vld [tilespmem:s14+$0xFFFFFEB0];
	[tilespmem:v59+s29+$0x0] =	vst.idx.msk $0xffff, v58  }
0x227: {  	v58 =	vadd.s32 v15, v35;
	[tilespmem:v57+s29+$0x0] =	vst.idx.msk $0xffff, v40;
	v57 =	vld [tilespmem:s14+$0xFFFFFEF0]  }
0x228: {  	[tilespmem:v60+s29+$0x0] =	vst.idx.msk $0xffff, v63;
	v60 =	vadd.s32 v19, v34;
	v59 =	vld [tilespmem:s14+$0xFFFFFF30]  }
0x229: {  	v38 =	vadd.s32 v32, v38;
	[tilespmem:v46+s29+$0x0] =	vst.idx.msk $0xffff, v44;
	v54 =	vld [tilespmem:s14+$0x0]  }
0x22a: {  	v48 =	vadd.s32 v3, v33;
	s16 =	simm.s32 $0x9;
	s23 =	simm.s32 $0x8;
	v41 =	vadd.s32 v23, v37;
	[tilespmem:v51+s29+$0x0] =	vst.idx.msk $0xffff, v50;
	v40 =	vld [tilespmem:s14+$0xFFFFFF70]  }
0x22b: {  	s20 =	simm.s32 $0xB;
	s21 =	simm.s32 $0xC;
	v53 =	vmov s16;
	v43 =	vadd.s32 v27, v36;
	v63 =	vmov s23;
	v42 =	vld [tilespmem:s14+$0xFFFFFFB0];
	[tilespmem:v56+s29+$0x0] =	vst.idx.msk $0xffff, v55  }
0x22c: {  	v47 =	vmov s21;
	v44 =	vmov s20;
	v46 =	vld [tilespmem:s14+$0xFFFFFE30];
	s23 =	simm.s32 $0xE;
	v39 =	vshrl.u32 v63, $0x3;
	[tilespmem:v58+s29+$0x0] =	vst.idx.msk $0xffff, v57  }
0x22d: {  	s22 =	simm.s32 $0xD;
	s19 =	simm.s32 $0xA;
	v51 =	vadd.s32 v8, v45;
	v49 =	vld [tilespmem:s14+$0xFFFFFE80];
	v45 =	vshll.u32 v39, v1;
	v39 =	vmov s23;
	[tilespmem:v60+s29+$0x0] =	vst.idx.msk $0xffff, v59  }
0x22e: {  	s15 =	simm.s32 $0x10;
	s16 =	simm.s32 $0xF;
	v52 =	vadd.s32 v12, v52;
	v50 =	vld [tilespmem:s14+$0xFFFFFEC0];
	[tilespmem:v38+s29+$0x0] =	vst.idx.msk $0xffff, v54;
	v54 =	vmov s19;
	v38 =	vmov s22  }
.LBB2_7:
0x22f: {  	p0 =	slt.u32 s15, $0x78;
	v53 =	vshrl.u32 v53, $0x3;
	v55 =	vmov s16;
	v56 =	vld [tilespmem:s14+$0xFFFFFF00];
	v35 =	vadd.s32 v16, v35;
	[tilespmem:v41+s29+$0x0] =	vst.idx.msk $0xffff, v40  }
0x230: {  	v40 =	vshrl.u32 v54, $0x3;
	v34 =	vadd.s32 v20, v34;
	v41 =	vshrl.u32 v55, $0x3;
	v54 =	vld [tilespmem:s14+$0xFFFFFF40];
	[tilespmem:v43+s29+$0x0] =	vst.idx.msk $0xffff, v42  }
0x231: {  	v37 =	vadd.s32 v24, v37;
	v42 =	vshrl.u32 v44, $0x3;
	v41 =	vshll.u32 v41, v1;
	[tilespmem:v48+s29+$0x0] =	vst.idx.msk $0xffff, v46;
	v43 =	vld [tilespmem:s14+$0xFFFFFF80]  }
0x232: {  	v36 =	vadd.s32 v28, v36;
	v44 =	vshrl.u32 v47, $0x3;
	v41 =	vbroadcast v41, $0x0;
	[tilespmem:v51+s29+$0x0] =	vst.idx.msk $0xffff, v49;
	v46 =	vld [tilespmem:s14+$0xFFFFFFC0]  }
0x233: {  	v47 =	vshll.u32 v53, v1;
	v49 =	vadd.s32 v4, v33;
	v33 =	vbroadcast v45, $0x0;
	v48 =	vld [tilespmem:s14+$0xFFFFFE40];
	[tilespmem:v52+s29+$0x0] =	vst.idx.msk $0xffff, v50;
	s14 =	sadd.s32 $0x200, s14  }
0x234: {  	v40 =	vshll.u32 v40, v1;
	v45 =	vbroadcast v47, $0x0;
	v47 =	vld [tilespmem:s14+$0xFFFFFFD0];
	v50 =	vadd.s32 v29, v41;
	[tilespmem:v35+s29+$0x0] =	vst.idx.msk $0xffff, v56  }
0x235: {  	v55 =	vbroadcast v40, $0x0;
	v52 =	vadd.s32 v0, v33;
	v35 =	vshll.u32 v42, v1;
	v51 =	vld [tilespmem:s14+$0xFFFFFE10];
	[tilespmem:v34+s29+$0x0] =	vst.idx.msk $0xffff, v54  }
0x236: {  	v42 =	vadd.s32 v5, v45;
	v35 =	vbroadcast v35, $0x0;
	v34 =	vshll.u32 v44, v1;
	v40 =	vld [tilespmem:s14+$0xFFFFFE50];
	[tilespmem:v37+s29+$0x0] =	vst.idx.msk $0xffff, v43  }
0x237: {  	v44 =	vadd.s32 v9, v55;
	v34 =	vbroadcast v34, $0x0;
	v37 =	vshrl.u32 v38, $0x3;
	v43 =	vld [tilespmem:s14+$0xFFFFFE90];
	[tilespmem:v36+s29+$0x0] =	vst.idx.msk $0xffff, v46  }
0x238: {  	v39 =	vshrl.u32 v39, $0x3;
	v46 =	vadd.s32 v13, v35;
	v36 =	vshll.u32 v37, v1;
	v38 =	vld [tilespmem:s14+$0xFFFFFED0];
	[tilespmem:v49+s29+$0x0] =	vst.idx.msk $0xffff, v48  }
0x239: {  	v49 =	vadd.s32 v17, v34;
	v37 =	vbroadcast v36, $0x0;
	v36 =	vshll.u32 v39, v1;
	v48 =	vld [tilespmem:s14+$0xFFFFFF10];
	[tilespmem:v50+s29+$0x0] =	vst.idx.msk $0xffff, v47  }
0x23a: {  	v36 =	vbroadcast v36, $0x0;
	v47 =	vadd.s32 v30, v41;
	[tilespmem:v52+s29+$0x0] =	vst.idx.msk $0xffff, v51;
	v39 =	vld [tilespmem:s14+$0xFFFFFFE0]  }
0x23b: {  	[tilespmem:v42+s29+$0x0] =	vst.idx.msk $0xffff, v40;
	v40 =	vld [tilespmem:s14+$0xFFFFFF50];
	v42 =	vadd.s32 v21, v37  }
0x23c: {  	[tilespmem:v44+s29+$0x0] =	vst.idx.msk $0xffff, v43;
	v43 =	vld [tilespmem:s14+$0xFFFFFF90];
	v44 =	vadd.s32 v25, v36  }
0x23d: {  	v51 =	vadd.s32 v6, v45;
	v50 =	vld [tilespmem:s14+$0xFFFFFE60];
	[tilespmem:v46+s29+$0x0] =	vst.idx.msk $0xffff, v38  }
0x23e: {  	v46 =	vadd.s32 v10, v55;
	v38 =	vld [tilespmem:s14+$0xFFFFFEA0];
	[tilespmem:v49+s29+$0x0] =	vst.idx.msk $0xffff, v48  }
0x23f: {  	v49 =	vadd.s32 v14, v35;
	v48 =	vld [tilespmem:s14+$0xFFFFFEE0];
	[tilespmem:v47+s29+$0x0] =	vst.idx.msk $0xffff, v39  }
0x240: {  	[tilespmem:v42+s29+$0x0] =	vst.idx.msk $0xffff, v40;
	v39 =	vld [tilespmem:s14+$0xFFFFFFF0];
	v40 =	vadd.s32 v31, v41  }
0x241: {  	v47 =	vadd.s32 v18, v34;
	v42 =	vld [tilespmem:s14+$0xFFFFFF20];
	[tilespmem:v44+s29+$0x0] =	vst.idx.msk $0xffff, v43  }
0x242: {  	v44 =	vadd.s32 v22, v37;
	[tilespmem:v51+s29+$0x0] =	vst.idx.msk $0xffff, v50;
	v43 =	vld [tilespmem:s14+$0xFFFFFF60]  }
0x243: {  	[tilespmem:v46+s29+$0x0] =	vst.idx.msk $0xffff, v38;
	v38 =	vld [tilespmem:s14+$0xFFFFFFA0];
	v46 =	vadd.s32 v26, v36  }
0x244: {  	v51 =	vadd.s32 v2, v33;
	v50 =	vld [tilespmem:s14+$0xFFFFFE20];
	[tilespmem:v49+s29+$0x0] =	vst.idx.msk $0xffff, v48  }
0x245: {  	v49 =	vadd.s32 v7, v45;
	v48 =	vld [tilespmem:s14+$0xFFFFFE70];
	[tilespmem:v40+s29+$0x0] =	vst.idx.msk $0xffff, v39  }
0x246: {  	[tilespmem:v47+s29+$0x0] =	vst.idx.msk $0xffff, v42;
	v39 =	vld [tilespmem:s14+$0x0];
	v47 =	vadd.s32 v32, v41  }
0x247: {  	v56 =	vadd.s32 v11, v55;
	v52 =	vld [tilespmem:s14+$0xFFFFFEB0];
	[tilespmem:v44+s29+$0x0] =	vst.idx.msk $0xffff, v43  }
0x248: {  	v58 =	vadd.s32 v15, v35;
	v57 =	vld [tilespmem:s14+$0xFFFFFEF0];
	[tilespmem:v46+s29+$0x0] =	vst.idx.msk $0xffff, v38  }
0x249: {  	v60 =	vadd.s32 v19, v34;
	[tilespmem:v51+s29+$0x0] =	vst.idx.msk $0xffff, v50;
	v59 =	vld [tilespmem:s14+$0xFFFFFF30]  }
.Ltmp2:
0x24a: {  	s16 =	sadd.s32 $0x1, s15;
	v41 =	vadd.s32 v23, v37;
	v38 =	vmov s15;
	[tilespmem:v49+s29+$0x0] =	vst.idx.msk $0xffff, v48;
	v40 =	vld [tilespmem:s14+$0xFFFFFF70];
	(pc) =	sbr.rel @p0 .LBB2_7-.Ltmp2, $4  }
0x24b: {  	s19 =	sadd.s32 $0x3, s15;
	v53 =	vmov s16;
	s16 =	sadd.s32 $0x2, s15;
	v43 =	vadd.s32 v27, v36;
	v50 =	vshrl.u32 v38, $0x3;
	v42 =	vld [tilespmem:s14+$0xFFFFFFB0];
	[tilespmem:v47+s29+$0x0] =	vst.idx.msk $0xffff, v39  }
0x24c: {  	v54 =	vmov s16;
	s16 =	sadd.s32 $0x4, s15;
	v44 =	vmov s19;
	s19 =	sadd.s32 $0x5, s15;
	v48 =	vadd.s32 v3, v33;
	v46 =	vld [tilespmem:s14+$0xFFFFFE30];
	[tilespmem:v56+s29+$0x0] =	vst.idx.msk $0xffff, v52  }
0x24d: {  	v38 =	vmov s19;
	v51 =	vadd.s32 v8, v45;
	v47 =	vmov s16;
	s16 =	sadd.s32 $0x6, s15;
	v49 =	vld [tilespmem:s14+$0xFFFFFE80];
	[tilespmem:v58+s29+$0x0] =	vst.idx.msk $0xffff, v57  }
0x24e: {  	v45 =	vshll.u32 v50, v1;
	v39 =	vmov s16;
	s16 =	sadd.s32 $0x7, s15;
	s15 =	sadd.s32 $0x8, s15;
	v52 =	vadd.s32 v12, v55;
	v50 =	vld [tilespmem:s14+$0xFFFFFEC0];
	[tilespmem:v60+s29+$0x0] =	vst.idx.msk $0xffff, v59  }
0x24f: {  	_ =	sdelay $0x2  }
0x250: {  	v53 =	vshrl.u32 v53, $0x3  }
0x251: {  	v55 =	vmov s16;
	v56 =	vld [tilespmem:s14+$0xFFFFFF00];
	v35 =	vadd.s32 v16, v35;
	[tilespmem:v41+s29+$0x0] =	vst.idx.msk $0xffff, v40;
	v34 =	vadd.s32 v20, v34  }
0x252: {  	v61 =	vshrl.u32 v54, $0x3;
	v63 =	vld [tilespmem:s14+$0xFFFFFF40];
	v37 =	vadd.s32 v24, v37;
	v36 =	vadd.s32 v28, v36;
	[tilespmem:v43+s29+$0x0] =	vst.idx.msk $0xffff, v42  }
0x253: {  	v45 =	vbroadcast v45, $0x0;
	v33 =	vadd.s32 v4, v33;
	v62 =	vshrl.u32 v55, $0x3;
	v43 =	vld [tilespmem:s14+$0xFFFFFF80];
	[tilespmem:v48+s29+$0x0] =	vst.idx.msk $0xffff, v46  }
0x254: {  	s22 =	sadd.s32 $0x200, s14;
	v38 =	vshrl.u32 v38, $0x3;
	v55 =	vshrl.u32 v44, $0x3;
	v41 =	vshll.u32 v62, v1;
	v46 =	vld [tilespmem:s14+$0xFFFFFFC0];
	[tilespmem:v51+s29+$0x0] =	vst.idx.msk $0xffff, v49  }
0x255: {  	v40 =	vshll.u32 v61, v1;
	v60 =	vld [tilespmem:s22+$0xFFFFFE10];
	v61 =	vadd.s32 v0, v45;
	v41 =	vbroadcast v41, $0x0;
	[tilespmem:v52+s29+$0x0] =	vst.idx.msk $0xffff, v50  }
0x256: {  	v44 =	vshrl.u32 v47, $0x3;
	v57 =	vshll.u32 v53, v1;
	v40 =	vbroadcast v40, $0x0;
	v48 =	vld [tilespmem:s14+$0xFFFFFE40];
	[tilespmem:v35+s29+$0x0] =	vst.idx.msk $0xffff, v56  }
0x257: {  	v58 =	vld [tilespmem:s22+$0xFFFFFFD0];
	v47 =	vbroadcast v57, $0x0;
	v42 =	vshll.u32 v55, v1;
	v59 =	vadd.s32 v29, v41;
	[tilespmem:v34+s29+$0x0] =	vst.idx.msk $0xffff, v63  }
0x258: {  	v54 =	vld [tilespmem:s22+$0xFFFFFE90];
	v44 =	vshll.u32 v44, v1;
	v42 =	vbroadcast v42, $0x0;
	v55 =	vadd.s32 v9, v40;
	[tilespmem:v37+s29+$0x0] =	vst.idx.msk $0xffff, v43  }
0x259: {  	v38 =	vshll.u32 v38, v1;
	v62 =	vld [tilespmem:s22+$0xFFFFFE50];
	v44 =	vbroadcast v44, $0x0;
	v63 =	vadd.s32 v5, v47;
	[tilespmem:v36+s29+$0x0] =	vst.idx.msk $0xffff, v46  }
0x25a: {  	v39 =	vshrl.u32 v39, $0x3;
	v38 =	vbroadcast v38, $0x0;
	v36 =	vld [tilespmem:s22+$0xFFFFFED0];
	v46 =	vadd.s32 v13, v42;
	[tilespmem:v61+s29+$0x0] =	vst.idx.msk $0xffff, v60  }
0x25b: {  	v39 =	vshll.u32 v39, v1;
	[tilespmem:v33+s29+$0x0] =	vst.idx.msk $0xffff, v48;
	v33 =	vld [tilespmem:s22+$0xFFFFFF10];
	v48 =	vadd.s32 v17, v44  }
0x25c: {  	v35 =	vbroadcast v39, $0x0;
	[tilespmem:v59+s29+$0x0] =	vst.idx.msk $0xffff, v58;
	v58 =	vld [tilespmem:s22+$0xFFFFFF50];
	v59 =	vadd.s32 v21, v38  }
0x25d: {  	v57 =	vadd.s32 v30, v41;
	[tilespmem:v55+s29+$0x0] =	vst.idx.msk $0xffff, v54;
	v56 =	vld [tilespmem:s22+$0xFFFFFFE0]  }
0x25e: {  	v60 =	vld [tilespmem:s22+$0xFFFFFF90];
	v61 =	vadd.s32 v25, v35;
	[tilespmem:v63+s29+$0x0] =	vst.idx.msk $0xffff, v62  }
0x25f: {  	v55 =	vadd.s32 v10, v40;
	v54 =	vld [tilespmem:s22+$0xFFFFFEA0];
	[tilespmem:v46+s29+$0x0] =	vst.idx.msk $0xffff, v36  }
0x260: {  	v63 =	vadd.s32 v6, v47;
	v62 =	vld [tilespmem:s22+$0xFFFFFE60];
	[tilespmem:v48+s29+$0x0] =	vst.idx.msk $0xffff, v33  }
0x261: {  	v33 =	vld [tilespmem:s22+$0xFFFFFEE0];
	v48 =	vadd.s32 v14, v42;
	[tilespmem:v59+s29+$0x0] =	vst.idx.msk $0xffff, v58  }
0x262: {  	[tilespmem:v57+s29+$0x0] =	vst.idx.msk $0xffff, v56;
	v56 =	vld [tilespmem:s22+$0xFFFFFF20];
	v57 =	vadd.s32 v18, v44  }
0x263: {  	[tilespmem:v61+s29+$0x0] =	vst.idx.msk $0xffff, v60;
	v59 =	vadd.s32 v22, v38;
	v58 =	vld [tilespmem:s22+$0xFFFFFF60]  }
0x264: {  	v39 =	vadd.s32 v31, v41;
	[tilespmem:v55+s29+$0x0] =	vst.idx.msk $0xffff, v54;
	v34 =	vld [tilespmem:s22+$0xFFFFFFF0]  }
0x265: {  	v61 =	vadd.s32 v26, v35;
	v60 =	vld [tilespmem:s22+$0xFFFFFFA0];
	[tilespmem:v63+s29+$0x0] =	vst.idx.msk $0xffff, v62  }
0x266: {  	v62 =	vld [tilespmem:s22+$0xFFFFFE20];
	v63 =	vadd.s32 v2, v45;
	[tilespmem:v48+s29+$0x0] =	vst.idx.msk $0xffff, v33  }
0x267: {  	v55 =	vadd.s32 v7, v47;
	v54 =	vld [tilespmem:s22+$0xFFFFFE70];
	[tilespmem:v57+s29+$0x0] =	vst.idx.msk $0xffff, v56  }
0x268: {  	v56 =	vadd.s32 v32, v41;
	v41 =	vld [tilespmem:s22+$0xFFFFFEB0];
	v57 =	vadd.s32 v11, v40;
	[tilespmem:v59+s29+$0x0] =	vst.idx.msk $0xffff, v58  }
0x269: {  	v37 =	vld [tilespmem:s22+$0xFFFFFEF0];
	v58 =	vadd.s32 v15, v42;
	[tilespmem:v39+s29+$0x0] =	vst.idx.msk $0xffff, v34  }
0x26a: {  	[tilespmem:v61+s29+$0x0] =	vst.idx.msk $0xffff, v60;
	v34 =	vld [tilespmem:s22+$0x0]  }
0x26b: {  	v60 =	vadd.s32 v19, v44;
	[tilespmem:v63+s29+$0x0] =	vst.idx.msk $0xffff, v62;
	v59 =	vld [tilespmem:s22+$0xFFFFFF30]  }
0x26c: {  	v62 =	vadd.s32 v23, v38;
	[tilespmem:v55+s29+$0x0] =	vst.idx.msk $0xffff, v54;
	v61 =	vld [tilespmem:s22+$0xFFFFFF70]  }
0x26d: {  	v63 =	vld [tilespmem:s22+$0xFFFFFFB0];
	v54 =	vadd.s32 v27, v35;
	[tilespmem:v57+s29+$0x0] =	vst.idx.msk $0xffff, v41  }
0x26e: {  	v47 =	vadd.s32 v8, v47;
	v57 =	vld [tilespmem:s22+$0xFFFFFE80];
	[tilespmem:v58+s29+$0x0] =	vst.idx.msk $0xffff, v37  }
0x26f: {  	v55 =	vld [tilespmem:s22+$0xFFFFFE30];
	[tilespmem:v56+s29+$0x0] =	vst.idx.msk $0xffff, v34;
	v56 =	vadd.s32 v3, v45  }
0x270: {  	v40 =	vadd.s32 v12, v40;
	v58 =	vld [tilespmem:s22+$0xFFFFFEC0];
	[tilespmem:v60+s29+$0x0] =	vst.idx.msk $0xffff, v59  }
0x271: {  	v42 =	vadd.s32 v16, v42;
	v59 =	vld [tilespmem:s22+$0xFFFFFF00];
	[tilespmem:v62+s29+$0x0] =	vst.idx.msk $0xffff, v61  }
0x272: {  	v61 =	vadd.s32 v20, v44;
	[tilespmem:v54+s29+$0x0] =	vst.idx.msk $0xffff, v63;
	v60 =	vld [tilespmem:s22+$0xFFFFFF40]  }
0x273: {  	v38 =	vadd.s32 v24, v38;
	v62 =	vld [tilespmem:s22+$0xFFFFFF80];
	[tilespmem:v47+s29+$0x0] =	vst.idx.msk $0xffff, v57  }
0x274: {  	v35 =	vadd.s32 v28, v35;
	v63 =	vld [tilespmem:s22+$0xFFFFFFC0];
	[tilespmem:v56+s29+$0x0] =	vst.idx.msk $0xffff, v55  }
0x275: {  	v49 =	vadd.s32 v4, v45;
	[tilespmem:v40+s29+$0x0] =	vst.idx.msk $0xffff, v58;
	v48 =	vld [tilespmem:s22+$0xFFFFFE40]  }
0x276: {  	s12 =	sadd.s32 s12, s6;
	[tilespmem:v42+s29+$0x0] =	vst.idx.msk $0xffff, v59  }
0x277: {  	s13 =	sshll.u32 s13, $0x14;
	s12 =	sshll.u32 s12, $0xA;
	[tilespmem:v61+s29+$0x0] =	vst.idx.msk $0xffff, v60  }
0x278: {  	s12 =	sor.u32 s13, s12;
	[tilespmem:v38+s29+$0x0] =	vst.idx.msk $0xffff, v62  }
0x279: {  	s12 =	sshrl.u32 s12, $0x3;
	[tilespmem:v35+s29+$0x0] =	vst.idx.msk $0xffff, v63  }
0x27a: {  	s13 =	sadd.s32 s2, s12;
	s12 =	simm.s32 $0x0;
	[tilespmem:v49+s29+$0x0] =	vst.idx.msk $0xffff, v48  }
0x27b: {  	[hbm4b:s13+s12] =	stream.linear.scatter [tilespmem:s29], [sflag:$0x2], $0x80, $0x38;
	[tilespmem:$0x1AE00] =	vst v63  }
0x27c: {  	s15 =	simm.s32 $0x14888;
	s23 =	sadd.s32 $0x10, s13  }
0x27d: {  	[hbm4b:s23+s12] =	stream.linear.scatter [tilespmem:s15], [sflag:$0x2], $0x80, $0x38;
	[tilespmem:$0x1AE00] =	vst v63  }
0x27e: {  	s19 =	simm.s32 $0x14910;
	s16 =	sadd.s32 $0x20, s13  }
0x27f: {  	[hbm4b:s16+s12] =	stream.linear.scatter [tilespmem:s19], [sflag:$0x2], $0x80, $0x38;
	[tilespmem:$0x1AE00] =	vst v63  }
0x280: {  	s21 =	simm.s32 $0x14998;
	s20 =	sadd.s32 $0x30, s13  }
0x281: {  	[hbm4b:s20+s12] =	stream.linear.scatter [tilespmem:s21], [sflag:$0x2], $0x80, $0x38;
	[tilespmem:$0x1AE00] =	vst v63  }
0x282: {  	s22 =	sadd.s32 $0x40, s13;
	s23 =	simm.s32 $0x14A20  }
0x283: {  	[hbm4b:s22+s12] =	stream.linear.scatter [tilespmem:s23], [sflag:$0x2], $0x80, $0x38;
	[tilespmem:$0x1AE00] =	vst v63  }
0x284: {  	s16 =	sadd.s32 $0x50, s13;
	s19 =	simm.s32 $0x14AA8  }
0x285: {  	[hbm4b:s16+s12] =	stream.linear.scatter [tilespmem:s19], [sflag:$0x2], $0x80, $0x38;
	[tilespmem:$0x1AE00] =	vst v63  }
0x286: {  	s20 =	sadd.s32 $0x60, s13;
	s21 =	simm.s32 $0x14B30  }
0x287: {  	[hbm4b:s20+s12] =	stream.linear.scatter [tilespmem:s21], [sflag:$0x2], $0x80, $0x38;
	[tilespmem:$0x1AE00] =	vst v63  }
0x288: {  	s22 =	sadd.s32 $0x70, s13;
	s23 =	simm.s32 $0x14BB8  }
0x289: {  	[hbm4b:s22+s12] =	stream.linear.scatter [tilespmem:s23], [sflag:$0x2], $0x80, $0x38;
	[tilespmem:$0x1AE00] =	vst v63  }
0x28a: {  	s16 =	sadd.s32 $0x4000, s13;
	s19 =	simm.s32 $0x14C40  }
0x28b: {  	[hbm4b:s16+s12] =	stream.linear.scatter [tilespmem:s19], [sflag:$0x2], $0x80, $0x38;
	[tilespmem:$0x1AE00] =	vst v63  }
0x28c: {  	s20 =	sadd.s32 $0x4010, s13;
	s21 =	simm.s32 $0x14CC8  }
0x28d: {  	[hbm4b:s20+s12] =	stream.linear.scatter [tilespmem:s21], [sflag:$0x2], $0x80, $0x38;
	[tilespmem:$0x1AE00] =	vst v63  }
0x28e: {  	s22 =	sadd.s32 $0x4020, s13;
	s23 =	simm.s32 $0x14D50  }
0x28f: {  	[hbm4b:s22+s12] =	stream.linear.scatter [tilespmem:s23], [sflag:$0x2], $0x80, $0x38;
	[tilespmem:$0x1AE00] =	vst v63  }
0x290: {  	s16 =	sadd.s32 $0x4030, s13;
	s19 =	simm.s32 $0x14DD8  }
0x291: {  	[hbm4b:s16+s12] =	stream.linear.scatter [tilespmem:s19], [sflag:$0x2], $0x80, $0x38;
	[tilespmem:$0x1AE00] =	vst v63  }
0x292: {  	s20 =	sadd.s32 $0x4040, s13;
	s21 =	simm.s32 $0x14E60  }
0x293: {  	[hbm4b:s20+s12] =	stream.linear.scatter [tilespmem:s21], [sflag:$0x2], $0x80, $0x38;
	[tilespmem:$0x1AE00] =	vst v63  }
0x294: {  	s22 =	sadd.s32 $0x4050, s13;
	s23 =	simm.s32 $0x14EE8  }
0x295: {  	[hbm4b:s22+s12] =	stream.linear.scatter [tilespmem:s23], [sflag:$0x2], $0x80, $0x38;
	[tilespmem:$0x1AE00] =	vst v63  }
0x296: {  	s16 =	sadd.s32 $0x4060, s13;
	s19 =	simm.s32 $0x14F70  }
0x297: {  	[hbm4b:s16+s12] =	stream.linear.scatter [tilespmem:s19], [sflag:$0x2], $0x80, $0x38;
	[tilespmem:$0x1AE00] =	vst v63  }
0x298: {  	s20 =	sadd.s32 $0x4070, s13;
	s21 =	simm.s32 $0x14FF8  }
0x299: {  	[hbm4b:s20+s12] =	stream.linear.scatter [tilespmem:s21], [sflag:$0x2], $0x80, $0x38;
	[tilespmem:$0x1AE00] =	vst v63  }
0x29a: {  	s22 =	sadd.s32 $0x8000, s13;
	s23 =	simm.s32 $0x15080  }
0x29b: {  	[hbm4b:s22+s12] =	stream.linear.scatter [tilespmem:s23], [sflag:$0x2], $0x80, $0x38;
	[tilespmem:$0x1AE00] =	vst v63  }
0x29c: {  	s16 =	sadd.s32 $0x8010, s13;
	s19 =	simm.s32 $0x15108  }
0x29d: {  	[hbm4b:s16+s12] =	stream.linear.scatter [tilespmem:s19], [sflag:$0x2], $0x80, $0x38;
	[tilespmem:$0x1AE00] =	vst v63  }
0x29e: {  	s20 =	sadd.s32 $0x8020, s13;
	s21 =	simm.s32 $0x15190  }
0x29f: {  	[hbm4b:s20+s12] =	stream.linear.scatter [tilespmem:s21], [sflag:$0x2], $0x80, $0x38;
	[tilespmem:$0x1AE00] =	vst v63  }
0x2a0: {  	s22 =	sadd.s32 $0x8030, s13;
	s23 =	simm.s32 $0x15218  }
0x2a1: {  	[hbm4b:s22+s12] =	stream.linear.scatter [tilespmem:s23], [sflag:$0x2], $0x80, $0x38;
	[tilespmem:$0x1AE00] =	vst v63  }
0x2a2: {  	s16 =	sadd.s32 $0x8040, s13;
	s19 =	simm.s32 $0x152A0  }
0x2a3: {  	[hbm4b:s16+s12] =	stream.linear.scatter [tilespmem:s19], [sflag:$0x2], $0x80, $0x38;
	[tilespmem:$0x1AE00] =	vst v63  }
0x2a4: {  	s20 =	sadd.s32 $0x8050, s13;
	s21 =	simm.s32 $0x15328  }
0x2a5: {  	[hbm4b:s20+s12] =	stream.linear.scatter [tilespmem:s21], [sflag:$0x2], $0x80, $0x38;
	[tilespmem:$0x1AE00] =	vst v63  }
0x2a6: {  	s22 =	sadd.s32 $0x8060, s13;
	s23 =	simm.s32 $0x153B0  }
0x2a7: {  	[hbm4b:s22+s12] =	stream.linear.scatter [tilespmem:s23], [sflag:$0x2], $0x80, $0x38;
	[tilespmem:$0x1AE00] =	vst v63  }
0x2a8: {  	s16 =	sadd.s32 $0x8070, s13;
	s19 =	simm.s32 $0x15438  }
0x2a9: {  	[hbm4b:s16+s12] =	stream.linear.scatter [tilespmem:s19], [sflag:$0x2], $0x80, $0x38;
	[tilespmem:$0x1AE00] =	vst v63  }
0x2aa: {  	s20 =	sadd.s32 $0xC000, s13;
	s21 =	simm.s32 $0x154C0  }
0x2ab: {  	[hbm4b:s20+s12] =	stream.linear.scatter [tilespmem:s21], [sflag:$0x2], $0x80, $0x38;
	[tilespmem:$0x1AE00] =	vst v63  }
0x2ac: {  	s22 =	sadd.s32 $0xC010, s13;
	s23 =	simm.s32 $0x15548  }
0x2ad: {  	[hbm4b:s22+s12] =	stream.linear.scatter [tilespmem:s23], [sflag:$0x2], $0x80, $0x38;
	[tilespmem:$0x1AE00] =	vst v63  }
0x2ae: {  	s16 =	sadd.s32 $0xC020, s13;
	s19 =	simm.s32 $0x155D0  }
0x2af: {  	[hbm4b:s16+s12] =	stream.linear.scatter [tilespmem:s19], [sflag:$0x2], $0x80, $0x38;
	[tilespmem:$0x1AE00] =	vst v63  }
0x2b0: {  	s20 =	sadd.s32 $0xC030, s13;
	s21 =	simm.s32 $0x15658  }
0x2b1: {  	[hbm4b:s20+s12] =	stream.linear.scatter [tilespmem:s21], [sflag:$0x2], $0x80, $0x38;
	[tilespmem:$0x1AE00] =	vst v63  }
0x2b2: {  	s22 =	sadd.s32 $0xC040, s13;
	s23 =	simm.s32 $0x156E0  }
0x2b3: {  	[hbm4b:s22+s12] =	stream.linear.scatter [tilespmem:s23], [sflag:$0x2], $0x80, $0x38;
	[tilespmem:$0x1AE00] =	vst v63  }
0x2b4: {  	s15 =	sadd.s32 $0xC050, s13;
	s16 =	simm.s32 $0x15768  }
0x2b5: {  	[hbm4b:s15+s12] =	stream.linear.scatter [tilespmem:s16], [sflag:$0x2], $0x80, $0x38;
	[tilespmem:$0x1AE00] =	vst v63  }
0x2b6: {  	s19 =	sadd.s32 $0xC060, s13;
	s20 =	simm.s32 $0x157F0  }
0x2b7: {  	[hbm4b:s19+s12] =	stream.linear.scatter [tilespmem:s20], [sflag:$0x2], $0x80, $0x38;
	[tilespmem:$0x1AE00] =	vst v63  }
0x2b8: {  	s21 =	sadd.s32 $0xC070, s13;
	s22 =	simm.s32 $0x15878  }
0x2b9: {  	[hbm4b:s21+s12] =	stream.linear.scatter [tilespmem:s22], [sflag:$0x2], $0x80, $0x38;
	[tilespmem:$0x1AE00] =	vst v63  }
0x2ba: {  	s14 =	sadd.s32 $0x10000, s13;
	s23 =	simm.s32 $0x15900  }
0x2bb: {  	[hbm4b:s14+s12] =	stream.linear.scatter [tilespmem:s23], [sflag:$0x2], $0x80, $0x38;
	[tilespmem:$0x1AE00] =	vst v63  }
0x2bc: {  	s16 =	sadd.s32 $0x10, s14;
	s19 =	simm.s32 $0x15988  }
0x2bd: {  	[hbm4b:s16+s12] =	stream.linear.scatter [tilespmem:s19], [sflag:$0x2], $0x80, $0x38;
	[tilespmem:$0x1AE00] =	vst v63  }
0x2be: {  	s20 =	sadd.s32 $0x20, s14;
	s21 =	simm.s32 $0x15A10  }
0x2bf: {  	[hbm4b:s20+s12] =	stream.linear.scatter [tilespmem:s21], [sflag:$0x2], $0x80, $0x38;
	[tilespmem:$0x1AE00] =	vst v63  }
0x2c0: {  	s22 =	sadd.s32 $0x30, s14;
	s23 =	simm.s32 $0x15A98  }
0x2c1: {  	[hbm4b:s22+s12] =	stream.linear.scatter [tilespmem:s23], [sflag:$0x2], $0x80, $0x38;
	[tilespmem:$0x1AE00] =	vst v63  }
0x2c2: {  	s16 =	sadd.s32 $0x40, s14;
	s19 =	simm.s32 $0x15B20  }
0x2c3: {  	[hbm4b:s16+s12] =	stream.linear.scatter [tilespmem:s19], [sflag:$0x2], $0x80, $0x38;
	[tilespmem:$0x1AE00] =	vst v63  }
0x2c4: {  	s20 =	sadd.s32 $0x50, s14;
	s21 =	simm.s32 $0x15BA8  }
0x2c5: {  	[hbm4b:s20+s12] =	stream.linear.scatter [tilespmem:s21], [sflag:$0x2], $0x80, $0x38;
	[tilespmem:$0x1AE00] =	vst v63  }
0x2c6: {  	s22 =	sadd.s32 $0x60, s14;
	s23 =	simm.s32 $0x15C30  }
0x2c7: {  	[hbm4b:s22+s12] =	stream.linear.scatter [tilespmem:s23], [sflag:$0x2], $0x80, $0x38;
	[tilespmem:$0x1AE00] =	vst v63  }
0x2c8: {  	s14 =	sadd.s32 $0x70, s14;
	s16 =	simm.s32 $0x15CB8  }
0x2c9: {  	[hbm4b:s14+s12] =	stream.linear.scatter [tilespmem:s16], [sflag:$0x2], $0x80, $0x38;
	[tilespmem:$0x1AE00] =	vst v63  }
0x2ca: {  	s19 =	simm.s32 $0x15D40;
	s14 =	sadd.s32 $0x14000, s13  }
0x2cb: {  	[hbm4b:s14+s12] =	stream.linear.scatter [tilespmem:s19], [sflag:$0x2], $0x80, $0x38;
	[tilespmem:$0x1AE00] =	vst v63  }
0x2cc: {  	s21 =	simm.s32 $0x15DC8;
	s20 =	sadd.s32 $0x10, s14  }
0x2cd: {  	[hbm4b:s20+s12] =	stream.linear.scatter [tilespmem:s21], [sflag:$0x2], $0x80, $0x38;
	[tilespmem:$0x1AE00] =	vst v63  }
0x2ce: {  	s23 =	simm.s32 $0x15E50;
	s22 =	sadd.s32 $0x20, s14  }
0x2cf: {  	[hbm4b:s22+s12] =	stream.linear.scatter [tilespmem:s23], [sflag:$0x2], $0x80, $0x38;
	[tilespmem:$0x1AE00] =	vst v63  }
0x2d0: {  	s16 =	sadd.s32 $0x30, s14;
	s19 =	simm.s32 $0x15ED8  }
0x2d1: {  	[hbm4b:s16+s12] =	stream.linear.scatter [tilespmem:s19], [sflag:$0x2], $0x80, $0x38;
	[tilespmem:$0x1AE00] =	vst v63  }
0x2d2: {  	s20 =	sadd.s32 $0x40, s14;
	s21 =	simm.s32 $0x15F60  }
0x2d3: {  	[hbm4b:s20+s12] =	stream.linear.scatter [tilespmem:s21], [sflag:$0x2], $0x80, $0x38;
	[tilespmem:$0x1AE00] =	vst v63  }
0x2d4: {  	s22 =	sadd.s32 $0x50, s14;
	s23 =	simm.s32 $0x15FE8  }
0x2d5: {  	[hbm4b:s22+s12] =	stream.linear.scatter [tilespmem:s23], [sflag:$0x2], $0x80, $0x38;
	[tilespmem:$0x1AE00] =	vst v63  }
0x2d6: {  	s16 =	sadd.s32 $0x60, s14;
	s19 =	simm.s32 $0x16070  }
0x2d7: {  	[hbm4b:s16+s12] =	stream.linear.scatter [tilespmem:s19], [sflag:$0x2], $0x80, $0x38;
	[tilespmem:$0x1AE00] =	vst v63  }
0x2d8: {  	s14 =	sadd.s32 $0x70, s14;
	s20 =	simm.s32 $0x160F8  }
0x2d9: {  	[hbm4b:s14+s12] =	stream.linear.scatter [tilespmem:s20], [sflag:$0x2], $0x80, $0x38;
	[tilespmem:$0x1AE00] =	vst v63  }
0x2da: {  	s21 =	simm.s32 $0x16180;
	s14 =	sadd.s32 $0x18000, s13  }
0x2db: {  	[hbm4b:s14+s12] =	stream.linear.scatter [tilespmem:s21], [sflag:$0x2], $0x80, $0x38;
	[tilespmem:$0x1AE00] =	vst v63  }
0x2dc: {  	s23 =	simm.s32 $0x16208;
	s22 =	sadd.s32 $0x10, s14  }
0x2dd: {  	[hbm4b:s22+s12] =	stream.linear.scatter [tilespmem:s23], [sflag:$0x2], $0x80, $0x38;
	[tilespmem:$0x1AE00] =	vst v63  }
0x2de: {  	s19 =	simm.s32 $0x16290;
	s16 =	sadd.s32 $0x20, s14  }
0x2df: {  	[hbm4b:s16+s12] =	stream.linear.scatter [tilespmem:s19], [sflag:$0x2], $0x80, $0x38;
	[tilespmem:$0x1AE00] =	vst v63  }
0x2e0: {  	s20 =	sadd.s32 $0x30, s14;
	s21 =	simm.s32 $0x16318  }
0x2e1: {  	[hbm4b:s20+s12] =	stream.linear.scatter [tilespmem:s21], [sflag:$0x2], $0x80, $0x38;
	[tilespmem:$0x1AE00] =	vst v63  }
0x2e2: {  	s22 =	sadd.s32 $0x40, s14;
	s23 =	simm.s32 $0x163A0  }
0x2e3: {  	[hbm4b:s22+s12] =	stream.linear.scatter [tilespmem:s23], [sflag:$0x2], $0x80, $0x38;
	[tilespmem:$0x1AE00] =	vst v63  }
0x2e4: {  	s19 =	sadd.s32 $0x50, s14;
	s20 =	simm.s32 $0x16428  }
0x2e5: {  	[hbm4b:s19+s12] =	stream.linear.scatter [tilespmem:s20], [sflag:$0x2], $0x80, $0x38;
	[tilespmem:$0x1AE00] =	vst v63  }
0x2e6: {  	s21 =	sadd.s32 $0x60, s14;
	s22 =	simm.s32 $0x164B0  }
0x2e7: {  	[hbm4b:s21+s12] =	stream.linear.scatter [tilespmem:s22], [sflag:$0x2], $0x80, $0x38;
	[tilespmem:$0x1AE00] =	vst v63  }
0x2e8: {  	s14 =	sadd.s32 $0x70, s14;
	s23 =	simm.s32 $0x16538  }
0x2e9: {  	[hbm4b:s14+s12] =	stream.linear.scatter [tilespmem:s23], [sflag:$0x2], $0x80, $0x38;
	[tilespmem:$0x1AE00] =	vst v63  }
0x2ea: {  	s15 =	simm.s32 $0x165C0;
	s13 =	sadd.s32 $0x1C000, s13  }
0x2eb: {  	[hbm4b:s13+s12] =	stream.linear.scatter [tilespmem:s15], [sflag:$0x2], $0x80, $0x38;
	[tilespmem:$0x1AE00] =	vst v63  }
0x2ec: {  	s16 =	sadd.s32 $0x10, s13;
	s19 =	simm.s32 $0x16648  }
0x2ed: {  	[hbm4b:s16+s12] =	stream.linear.scatter [tilespmem:s19], [sflag:$0x2], $0x80, $0x38;
	[tilespmem:$0x1AE00] =	vst v63  }
0x2ee: {  	s20 =	sadd.s32 $0x20, s13;
	s21 =	simm.s32 $0x166D0  }
0x2ef: {  	[hbm4b:s20+s12] =	stream.linear.scatter [tilespmem:s21], [sflag:$0x2], $0x80, $0x38;
	[tilespmem:$0x1AE00] =	vst v63  }
0x2f0: {  	s22 =	sadd.s32 $0x30, s13;
	s23 =	simm.s32 $0x16758  }
0x2f1: {  	[hbm4b:s22+s12] =	stream.linear.scatter [tilespmem:s23], [sflag:$0x2], $0x80, $0x38;
	[tilespmem:$0x1AE00] =	vst v63  }
0x2f2: {  	s16 =	sadd.s32 $0x40, s13;
	s19 =	simm.s32 $0x167E0  }
0x2f3: {  	v50 =	vmov s12;
	[hbm4b:s16+s12] =	stream.linear.scatter [tilespmem:s19], [sflag:$0x2], $0x80, $0x38;
	[tilespmem:$0x1AE00] =	vst v63  }
0x2f4: {  	v33 =	vshrl.u32 v50, $0x3;
	s14 =	simm.s32 $0x6;
	s20 =	sadd.s32 $0x50, s13;
	s21 =	simm.s32 $0x16868  }
0x2f5: {  	v33 =	vshll.u32 v33, v1;
	[hbm4b:s20+s12] =	stream.linear.scatter [tilespmem:s21], [sflag:$0x2], $0x80, $0x38;
	[tilespmem:$0x1AE00] =	vst v63  }
0x2f6: {  	v33 =	vbroadcast v33, $0x0;
	s15 =	simm.s32 $0x16978;
	s22 =	sadd.s32 $0x60, s13;
	s23 =	simm.s32 $0x168F0  }
0x2f7: {  	[hbm4b:s22+s12] =	stream.linear.scatter [tilespmem:s23], [sflag:$0x2], $0x80, $0x38;
	[tilespmem:$0x1AE00] =	vst v63  }
0x2f8: {  	v57 =	vadd.s32 v0, v33;
	v40 =	vmov s14;
	s16 =	simm.s32 $0x1;
	s19 =	simm.s32 $0x2;
	s22 =	simm.s32 $0x7  }
0x2f9: {  	s13 =	sadd.s32 $0x70, s13;
	v51 =	vmov s16;
	v52 =	vmov s19;
	s20 =	simm.s32 $0x3;
	s21 =	simm.s32 $0x4;
	v55 =	vmov s22  }
0x2fa: {  	v34 =	vshrl.u32 v51, $0x3;
	v35 =	vshrl.u32 v52, $0x3;
	[hbm4b:s13+s12] =	stream.linear.scatter [tilespmem:s15], [sflag:$0x2], $0x80, $0x38;
	v38 =	vshrl.u32 v55, $0x3;
	[tilespmem:$0x1AE00] =	vst v63  }
0x2fb: {  	v53 =	vmov s20;
	v54 =	vmov s21;
	_ =	swait.ge [sflag:s17], $0x2000;
	v38 =	vshll.u32 v38, v1  }
0x2fc: {  	v34 =	vshll.u32 v34, v1;
	v56 =	vshll.u32 v35, v1;
	[sflag:s17] =	ssyncset.done $0x0;
	v38 =	vbroadcast v38, $0x0  }
0x2fd: {  	s23 =	simm.s32 $0x5;
	v36 =	vshrl.u32 v53, $0x3;
	v37 =	vshrl.u32 v54, $0x3;
	v45 =	vbroadcast v34, $0x0;
	s12 =	simm.s32 $0xC5F0;
	[sflag:s17] =	ssyncadd.s32 $0xFFFFE000  }
0x2fe: {  	v52 =	vbroadcast v56, $0x0;
	v39 =	vmov s23;
	v41 =	vld [tilespmem:s12+$0xFFFFFFD0];
	v42 =	vadd.s32 v29, v38  }
0x2ff: {  	v58 =	vshll.u32 v36, v1;
	v61 =	vshll.u32 v37, v1;
	v60 =	vadd.s32 v5, v45;
	v59 =	vld [tilespmem:s12+$0xFFFFFE50]  }
0x300: {  	v35 =	vbroadcast v58, $0x0;
	v63 =	vadd.s32 v9, v52;
	v55 =	vshrl.u32 v39, $0x3;
	v62 =	vld [tilespmem:s12+$0xFFFFFE90]  }
0x301: {  	v40 =	vshrl.u32 v40, $0x3;
	v34 =	vbroadcast v61, $0x0;
	v36 =	vshll.u32 v55, v1;
	v43 =	vld [tilespmem:s12+$0xFFFFFE10]  }
0x302: {  	v56 =	vshll.u32 v40, v1;
	v50 =	vadd.s32 v13, v35;
	v37 =	vbroadcast v36, $0x0;
	v39 =	vld [tilespmem:s12+$0xFFFFFED0]  }
0x303: {  	v53 =	vadd.s32 v17, v34;
	v36 =	vbroadcast v56, $0x0;
	v51 =	vld [tilespmem:s12+$0xFFFFFF10];
	[tilespmem:v42+s25+$0x0] =	vst.idx.msk $0xffff, v41  }
0x304: {  	[tilespmem:v60+s25+$0x0] =	vst.idx.msk $0xffff, v59;
	v59 =	vld [tilespmem:s12+$0xFFFFFF50];
	v60 =	vadd.s32 v21, v37  }
0x305: {  	v61 =	vld [tilespmem:s12+$0xFFFFFF90];
	[tilespmem:v63+s25+$0x0] =	vst.idx.msk $0xffff, v62;
	v62 =	vadd.s32 v25, v36  }
0x306: {  	v58 =	vadd.s32 v30, v38;
	[tilespmem:v57+s25+$0x0] =	vst.idx.msk $0xffff, v43;
	v57 =	vld [tilespmem:s12+$0xFFFFFFE0]  }
0x307: {  	v63 =	vadd.s32 v6, v45;
	[tilespmem:v50+s25+$0x0] =	vst.idx.msk $0xffff, v39;
	v47 =	vld [tilespmem:s12+$0xFFFFFE60]  }
0x308: {  	v55 =	vadd.s32 v10, v52;
	[tilespmem:v53+s25+$0x0] =	vst.idx.msk $0xffff, v51;
	v54 =	vld [tilespmem:s12+$0xFFFFFEA0]  }
0x309: {  	v56 =	vadd.s32 v14, v35;
	v50 =	vld [tilespmem:s12+$0xFFFFFEE0];
	[tilespmem:v60+s25+$0x0] =	vst.idx.msk $0xffff, v59  }
0x30a: {  	[tilespmem:v62+s25+$0x0] =	vst.idx.msk $0xffff, v61;
	v61 =	vld [tilespmem:s12+$0xFFFFFE20];
	v62 =	vadd.s32 v2, v33  }
0x30b: {  	v59 =	vadd.s32 v18, v34;
	[tilespmem:v58+s25+$0x0] =	vst.idx.msk $0xffff, v57;
	v58 =	vld [tilespmem:s12+$0xFFFFFF20]  }
0x30c: {  	v57 =	vadd.s32 v31, v38;
	[tilespmem:v63+s25+$0x0] =	vst.idx.msk $0xffff, v47;
	v40 =	vld [tilespmem:s12+$0xFFFFFFF0]  }
0x30d: {  	v60 =	vadd.s32 v26, v36;
	[tilespmem:v55+s25+$0x0] =	vst.idx.msk $0xffff, v54;
	v63 =	vld [tilespmem:s12+$0xFFFFFFA0]  }
0x30e: {  	v46 =	vadd.s32 v22, v37;
	v44 =	vld [tilespmem:s12+$0xFFFFFF60];
	[tilespmem:v56+s25+$0x0] =	vst.idx.msk $0xffff, v50  }
0x30f: {  	v51 =	vadd.s32 v7, v45;
	v50 =	vld [tilespmem:s12+$0xFFFFFE70];
	[tilespmem:v62+s25+$0x0] =	vst.idx.msk $0xffff, v61  }
0x310: {  	v56 =	vadd.s32 v11, v52;
	v55 =	vld [tilespmem:s12+$0xFFFFFEB0];
	[tilespmem:v59+s25+$0x0] =	vst.idx.msk $0xffff, v58  }
0x311: {  	v58 =	vadd.s32 v15, v35;
	[tilespmem:v57+s25+$0x0] =	vst.idx.msk $0xffff, v40;
	v57 =	vld [tilespmem:s12+$0xFFFFFEF0]  }
0x312: {  	[tilespmem:v60+s25+$0x0] =	vst.idx.msk $0xffff, v63;
	v60 =	vadd.s32 v19, v34;
	v59 =	vld [tilespmem:s12+$0xFFFFFF30]  }
0x313: {  	v38 =	vadd.s32 v32, v38;
	[tilespmem:v46+s25+$0x0] =	vst.idx.msk $0xffff, v44;
	v54 =	vld [tilespmem:s12+$0x0]  }
0x314: {  	v48 =	vadd.s32 v3, v33;
	s16 =	simm.s32 $0x9;
	s15 =	simm.s32 $0x8;
	v41 =	vadd.s32 v23, v37;
	[tilespmem:v51+s25+$0x0] =	vst.idx.msk $0xffff, v50;
	v40 =	vld [tilespmem:s12+$0xFFFFFF70]  }
0x315: {  	s20 =	simm.s32 $0xB;
	s21 =	simm.s32 $0xC;
	v53 =	vmov s16;
	v43 =	vadd.s32 v27, v36;
	v63 =	vmov s15;
	v42 =	vld [tilespmem:s12+$0xFFFFFFB0];
	[tilespmem:v56+s25+$0x0] =	vst.idx.msk $0xffff, v55  }
0x316: {  	s23 =	simm.s32 $0xE;
	v47 =	vmov s21;
	v44 =	vmov s20;
	v46 =	vld [tilespmem:s12+$0xFFFFFE30];
	v39 =	vshrl.u32 v63, $0x3;
	[tilespmem:v58+s25+$0x0] =	vst.idx.msk $0xffff, v57  }
0x317: {  	s19 =	simm.s32 $0xA;
	s22 =	simm.s32 $0xD;
	v51 =	vadd.s32 v8, v45;
	v49 =	vld [tilespmem:s12+$0xFFFFFE80];
	v45 =	vshll.u32 v39, v1;
	v39 =	vmov s23;
	[tilespmem:v60+s25+$0x0] =	vst.idx.msk $0xffff, v59  }
0x318: {  	s14 =	simm.s32 $0xF;
	s13 =	simm.s32 $0x10;
	v52 =	vadd.s32 v12, v52;
	v50 =	vld [tilespmem:s12+$0xFFFFFEC0];
	[tilespmem:v38+s25+$0x0] =	vst.idx.msk $0xffff, v54;
	v54 =	vmov s19;
	v38 =	vmov s22  }
.LBB2_9:
0x319: {  	p0 =	slt.u32 s13, $0x78;
	v53 =	vshrl.u32 v53, $0x3;
	v55 =	vmov s14;
	v56 =	vld [tilespmem:s12+$0xFFFFFF00];
	v35 =	vadd.s32 v16, v35;
	[tilespmem:v41+s25+$0x0] =	vst.idx.msk $0xffff, v40  }
0x31a: {  	v40 =	vshrl.u32 v54, $0x3;
	v34 =	vadd.s32 v20, v34;
	v41 =	vshrl.u32 v55, $0x3;
	v54 =	vld [tilespmem:s12+$0xFFFFFF40];
	[tilespmem:v43+s25+$0x0] =	vst.idx.msk $0xffff, v42  }
0x31b: {  	v37 =	vadd.s32 v24, v37;
	v42 =	vshrl.u32 v44, $0x3;
	v41 =	vshll.u32 v41, v1;
	[tilespmem:v48+s25+$0x0] =	vst.idx.msk $0xffff, v46;
	v43 =	vld [tilespmem:s12+$0xFFFFFF80]  }
0x31c: {  	v36 =	vadd.s32 v28, v36;
	v44 =	vshrl.u32 v47, $0x3;
	v41 =	vbroadcast v41, $0x0;
	[tilespmem:v51+s25+$0x0] =	vst.idx.msk $0xffff, v49;
	v46 =	vld [tilespmem:s12+$0xFFFFFFC0]  }
0x31d: {  	v47 =	vshll.u32 v53, v1;
	v49 =	vadd.s32 v4, v33;
	v33 =	vbroadcast v45, $0x0;
	v48 =	vld [tilespmem:s12+$0xFFFFFE40];
	[tilespmem:v52+s25+$0x0] =	vst.idx.msk $0xffff, v50;
	s12 =	sadd.s32 $0x200, s12  }
0x31e: {  	v40 =	vshll.u32 v40, v1;
	v45 =	vbroadcast v47, $0x0;
	v47 =	vld [tilespmem:s12+$0xFFFFFFD0];
	v50 =	vadd.s32 v29, v41;
	[tilespmem:v35+s25+$0x0] =	vst.idx.msk $0xffff, v56  }
0x31f: {  	v55 =	vbroadcast v40, $0x0;
	v52 =	vadd.s32 v0, v33;
	v35 =	vshll.u32 v42, v1;
	v51 =	vld [tilespmem:s12+$0xFFFFFE10];
	[tilespmem:v34+s25+$0x0] =	vst.idx.msk $0xffff, v54  }
0x320: {  	v42 =	vadd.s32 v5, v45;
	v35 =	vbroadcast v35, $0x0;
	v34 =	vshll.u32 v44, v1;
	v40 =	vld [tilespmem:s12+$0xFFFFFE50];
	[tilespmem:v37+s25+$0x0] =	vst.idx.msk $0xffff, v43  }
0x321: {  	v44 =	vadd.s32 v9, v55;
	v34 =	vbroadcast v34, $0x0;
	v37 =	vshrl.u32 v38, $0x3;
	v43 =	vld [tilespmem:s12+$0xFFFFFE90];
	[tilespmem:v36+s25+$0x0] =	vst.idx.msk $0xffff, v46  }
0x322: {  	v39 =	vshrl.u32 v39, $0x3;
	v46 =	vadd.s32 v13, v35;
	v36 =	vshll.u32 v37, v1;
	v38 =	vld [tilespmem:s12+$0xFFFFFED0];
	[tilespmem:v49+s25+$0x0] =	vst.idx.msk $0xffff, v48  }
0x323: {  	v49 =	vadd.s32 v17, v34;
	v37 =	vbroadcast v36, $0x0;
	v36 =	vshll.u32 v39, v1;
	v48 =	vld [tilespmem:s12+$0xFFFFFF10];
	[tilespmem:v50+s25+$0x0] =	vst.idx.msk $0xffff, v47  }
0x324: {  	v36 =	vbroadcast v36, $0x0;
	v47 =	vadd.s32 v30, v41;
	[tilespmem:v52+s25+$0x0] =	vst.idx.msk $0xffff, v51;
	v39 =	vld [tilespmem:s12+$0xFFFFFFE0]  }
0x325: {  	[tilespmem:v42+s25+$0x0] =	vst.idx.msk $0xffff, v40;
	v40 =	vld [tilespmem:s12+$0xFFFFFF50];
	v42 =	vadd.s32 v21, v37  }
0x326: {  	[tilespmem:v44+s25+$0x0] =	vst.idx.msk $0xffff, v43;
	v43 =	vld [tilespmem:s12+$0xFFFFFF90];
	v44 =	vadd.s32 v25, v36  }
0x327: {  	v51 =	vadd.s32 v6, v45;
	v50 =	vld [tilespmem:s12+$0xFFFFFE60];
	[tilespmem:v46+s25+$0x0] =	vst.idx.msk $0xffff, v38  }
0x328: {  	v46 =	vadd.s32 v10, v55;
	v38 =	vld [tilespmem:s12+$0xFFFFFEA0];
	[tilespmem:v49+s25+$0x0] =	vst.idx.msk $0xffff, v48  }
0x329: {  	v49 =	vadd.s32 v14, v35;
	v48 =	vld [tilespmem:s12+$0xFFFFFEE0];
	[tilespmem:v47+s25+$0x0] =	vst.idx.msk $0xffff, v39  }
0x32a: {  	[tilespmem:v42+s25+$0x0] =	vst.idx.msk $0xffff, v40;
	v39 =	vld [tilespmem:s12+$0xFFFFFFF0];
	v40 =	vadd.s32 v31, v41  }
0x32b: {  	v47 =	vadd.s32 v18, v34;
	v42 =	vld [tilespmem:s12+$0xFFFFFF20];
	[tilespmem:v44+s25+$0x0] =	vst.idx.msk $0xffff, v43  }
0x32c: {  	v44 =	vadd.s32 v22, v37;
	[tilespmem:v51+s25+$0x0] =	vst.idx.msk $0xffff, v50;
	v43 =	vld [tilespmem:s12+$0xFFFFFF60]  }
0x32d: {  	[tilespmem:v46+s25+$0x0] =	vst.idx.msk $0xffff, v38;
	v38 =	vld [tilespmem:s12+$0xFFFFFFA0];
	v46 =	vadd.s32 v26, v36  }
0x32e: {  	v51 =	vadd.s32 v2, v33;
	v50 =	vld [tilespmem:s12+$0xFFFFFE20];
	[tilespmem:v49+s25+$0x0] =	vst.idx.msk $0xffff, v48  }
0x32f: {  	v49 =	vadd.s32 v7, v45;
	v48 =	vld [tilespmem:s12+$0xFFFFFE70];
	[tilespmem:v40+s25+$0x0] =	vst.idx.msk $0xffff, v39  }
0x330: {  	[tilespmem:v47+s25+$0x0] =	vst.idx.msk $0xffff, v42;
	v39 =	vld [tilespmem:s12+$0x0];
	v47 =	vadd.s32 v32, v41  }
0x331: {  	v56 =	vadd.s32 v11, v55;
	v52 =	vld [tilespmem:s12+$0xFFFFFEB0];
	[tilespmem:v44+s25+$0x0] =	vst.idx.msk $0xffff, v43  }
0x332: {  	v58 =	vadd.s32 v15, v35;
	v57 =	vld [tilespmem:s12+$0xFFFFFEF0];
	[tilespmem:v46+s25+$0x0] =	vst.idx.msk $0xffff, v38  }
0x333: {  	v60 =	vadd.s32 v19, v34;
	[tilespmem:v51+s25+$0x0] =	vst.idx.msk $0xffff, v50;
	v59 =	vld [tilespmem:s12+$0xFFFFFF30]  }
.Ltmp3:
0x334: {  	s14 =	sadd.s32 $0x1, s13;
	v41 =	vadd.s32 v23, v37;
	v38 =	vmov s13;
	[tilespmem:v49+s25+$0x0] =	vst.idx.msk $0xffff, v48;
	v40 =	vld [tilespmem:s12+$0xFFFFFF70];
	(pc) =	sbr.rel @p0 .LBB2_9-.Ltmp3, $4  }
0x335: {  	s15 =	sadd.s32 $0x3, s13;
	v53 =	vmov s14;
	s14 =	sadd.s32 $0x2, s13;
	v43 =	vadd.s32 v27, v36;
	v50 =	vshrl.u32 v38, $0x3;
	v42 =	vld [tilespmem:s12+$0xFFFFFFB0];
	[tilespmem:v47+s25+$0x0] =	vst.idx.msk $0xffff, v39  }
0x336: {  	v54 =	vmov s14;
	s14 =	sadd.s32 $0x4, s13;
	v44 =	vmov s15;
	s15 =	sadd.s32 $0x5, s13;
	v48 =	vadd.s32 v3, v33;
	v46 =	vld [tilespmem:s12+$0xFFFFFE30];
	[tilespmem:v56+s25+$0x0] =	vst.idx.msk $0xffff, v52  }
0x337: {  	v38 =	vmov s15;
	v51 =	vadd.s32 v8, v45;
	v47 =	vmov s14;
	s14 =	sadd.s32 $0x6, s13;
	v49 =	vld [tilespmem:s12+$0xFFFFFE80];
	[tilespmem:v58+s25+$0x0] =	vst.idx.msk $0xffff, v57  }
0x338: {  	v45 =	vshll.u32 v50, v1;
	v39 =	vmov s14;
	s14 =	sadd.s32 $0x7, s13;
	s13 =	sadd.s32 $0x8, s13;
	v52 =	vadd.s32 v12, v55;
	v50 =	vld [tilespmem:s12+$0xFFFFFEC0];
	[tilespmem:v60+s25+$0x0] =	vst.idx.msk $0xffff, v59  }
0x339: {  	_ =	sdelay $0x2  }
0x33a: {  	v53 =	vshrl.u32 v53, $0x3  }
0x33b: {  	v55 =	vmov s14;
	v56 =	vld [tilespmem:s12+$0xFFFFFF00];
	v35 =	vadd.s32 v16, v35;
	[tilespmem:v41+s25+$0x0] =	vst.idx.msk $0xffff, v40;
	v34 =	vadd.s32 v20, v34  }
0x33c: {  	v61 =	vshrl.u32 v54, $0x3;
	v63 =	vld [tilespmem:s12+$0xFFFFFF40];
	v37 =	vadd.s32 v24, v37;
	v36 =	vadd.s32 v28, v36;
	[tilespmem:v43+s25+$0x0] =	vst.idx.msk $0xffff, v42  }
0x33d: {  	v45 =	vbroadcast v45, $0x0;
	v33 =	vadd.s32 v4, v33;
	v62 =	vshrl.u32 v55, $0x3;
	v43 =	vld [tilespmem:s12+$0xFFFFFF80];
	[tilespmem:v48+s25+$0x0] =	vst.idx.msk $0xffff, v46  }
0x33e: {  	s22 =	sadd.s32 $0x200, s12;
	v38 =	vshrl.u32 v38, $0x3;
	v55 =	vshrl.u32 v44, $0x3;
	v41 =	vshll.u32 v62, v1;
	v46 =	vld [tilespmem:s12+$0xFFFFFFC0];
	[tilespmem:v51+s25+$0x0] =	vst.idx.msk $0xffff, v49  }
0x33f: {  	v40 =	vshll.u32 v61, v1;
	v60 =	vld [tilespmem:s22+$0xFFFFFE10];
	v61 =	vadd.s32 v0, v45;
	v41 =	vbroadcast v41, $0x0;
	[tilespmem:v52+s25+$0x0] =	vst.idx.msk $0xffff, v50  }
0x340: {  	v44 =	vshrl.u32 v47, $0x3;
	v57 =	vshll.u32 v53, v1;
	v40 =	vbroadcast v40, $0x0;
	v48 =	vld [tilespmem:s12+$0xFFFFFE40];
	[tilespmem:v35+s25+$0x0] =	vst.idx.msk $0xffff, v56  }
0x341: {  	v58 =	vld [tilespmem:s22+$0xFFFFFFD0];
	v47 =	vbroadcast v57, $0x0;
	v42 =	vshll.u32 v55, v1;
	v59 =	vadd.s32 v29, v41;
	[tilespmem:v34+s25+$0x0] =	vst.idx.msk $0xffff, v63  }
0x342: {  	v54 =	vld [tilespmem:s22+$0xFFFFFE90];
	v44 =	vshll.u32 v44, v1;
	v42 =	vbroadcast v42, $0x0;
	v55 =	vadd.s32 v9, v40;
	[tilespmem:v37+s25+$0x0] =	vst.idx.msk $0xffff, v43  }
0x343: {  	v38 =	vshll.u32 v38, v1;
	v62 =	vld [tilespmem:s22+$0xFFFFFE50];
	v44 =	vbroadcast v44, $0x0;
	v63 =	vadd.s32 v5, v47;
	[tilespmem:v36+s25+$0x0] =	vst.idx.msk $0xffff, v46  }
0x344: {  	v39 =	vshrl.u32 v39, $0x3;
	v38 =	vbroadcast v38, $0x0;
	v36 =	vld [tilespmem:s22+$0xFFFFFED0];
	v46 =	vadd.s32 v13, v42;
	[tilespmem:v61+s25+$0x0] =	vst.idx.msk $0xffff, v60  }
0x345: {  	v39 =	vshll.u32 v39, v1;
	[tilespmem:v33+s25+$0x0] =	vst.idx.msk $0xffff, v48;
	v33 =	vld [tilespmem:s22+$0xFFFFFF10];
	v48 =	vadd.s32 v17, v44  }
0x346: {  	v35 =	vbroadcast v39, $0x0;
	[tilespmem:v59+s25+$0x0] =	vst.idx.msk $0xffff, v58;
	v58 =	vld [tilespmem:s22+$0xFFFFFF50];
	v59 =	vadd.s32 v21, v38  }
0x347: {  	v57 =	vadd.s32 v30, v41;
	[tilespmem:v55+s25+$0x0] =	vst.idx.msk $0xffff, v54;
	v56 =	vld [tilespmem:s22+$0xFFFFFFE0]  }
0x348: {  	v60 =	vld [tilespmem:s22+$0xFFFFFF90];
	v61 =	vadd.s32 v25, v35;
	[tilespmem:v63+s25+$0x0] =	vst.idx.msk $0xffff, v62  }
0x349: {  	v55 =	vadd.s32 v10, v40;
	v54 =	vld [tilespmem:s22+$0xFFFFFEA0];
	[tilespmem:v46+s25+$0x0] =	vst.idx.msk $0xffff, v36  }
0x34a: {  	v63 =	vadd.s32 v6, v47;
	v62 =	vld [tilespmem:s22+$0xFFFFFE60];
	[tilespmem:v48+s25+$0x0] =	vst.idx.msk $0xffff, v33  }
0x34b: {  	v33 =	vld [tilespmem:s22+$0xFFFFFEE0];
	v48 =	vadd.s32 v14, v42;
	[tilespmem:v59+s25+$0x0] =	vst.idx.msk $0xffff, v58  }
0x34c: {  	[tilespmem:v57+s25+$0x0] =	vst.idx.msk $0xffff, v56;
	v56 =	vld [tilespmem:s22+$0xFFFFFF20];
	v57 =	vadd.s32 v18, v44  }
0x34d: {  	[tilespmem:v61+s25+$0x0] =	vst.idx.msk $0xffff, v60;
	v59 =	vadd.s32 v22, v38;
	v58 =	vld [tilespmem:s22+$0xFFFFFF60]  }
0x34e: {  	v39 =	vadd.s32 v31, v41;
	[tilespmem:v55+s25+$0x0] =	vst.idx.msk $0xffff, v54;
	v34 =	vld [tilespmem:s22+$0xFFFFFFF0]  }
0x34f: {  	v61 =	vadd.s32 v26, v35;
	v60 =	vld [tilespmem:s22+$0xFFFFFFA0];
	[tilespmem:v63+s25+$0x0] =	vst.idx.msk $0xffff, v62  }
0x350: {  	v62 =	vld [tilespmem:s22+$0xFFFFFE20];
	v63 =	vadd.s32 v2, v45;
	[tilespmem:v48+s25+$0x0] =	vst.idx.msk $0xffff, v33  }
0x351: {  	v55 =	vadd.s32 v7, v47;
	v54 =	vld [tilespmem:s22+$0xFFFFFE70];
	[tilespmem:v57+s25+$0x0] =	vst.idx.msk $0xffff, v56  }
0x352: {  	v56 =	vadd.s32 v32, v41;
	v41 =	vld [tilespmem:s22+$0xFFFFFEB0];
	v57 =	vadd.s32 v11, v40;
	[tilespmem:v59+s25+$0x0] =	vst.idx.msk $0xffff, v58  }
0x353: {  	v37 =	vld [tilespmem:s22+$0xFFFFFEF0];
	v58 =	vadd.s32 v15, v42;
	[tilespmem:v39+s25+$0x0] =	vst.idx.msk $0xffff, v34  }
0x354: {  	[tilespmem:v61+s25+$0x0] =	vst.idx.msk $0xffff, v60;
	v34 =	vld [tilespmem:s22+$0x0]  }
0x355: {  	v60 =	vadd.s32 v19, v44;
	[tilespmem:v63+s25+$0x0] =	vst.idx.msk $0xffff, v62;
	v59 =	vld [tilespmem:s22+$0xFFFFFF30]  }
0x356: {  	v62 =	vadd.s32 v23, v38;
	[tilespmem:v55+s25+$0x0] =	vst.idx.msk $0xffff, v54;
	v61 =	vld [tilespmem:s22+$0xFFFFFF70]  }
0x357: {  	v63 =	vld [tilespmem:s22+$0xFFFFFFB0];
	v54 =	vadd.s32 v27, v35;
	[tilespmem:v57+s25+$0x0] =	vst.idx.msk $0xffff, v41  }
0x358: {  	v47 =	vadd.s32 v8, v47;
	v57 =	vld [tilespmem:s22+$0xFFFFFE80];
	[tilespmem:v58+s25+$0x0] =	vst.idx.msk $0xffff, v37  }
0x359: {  	v55 =	vld [tilespmem:s22+$0xFFFFFE30];
	[tilespmem:v56+s25+$0x0] =	vst.idx.msk $0xffff, v34;
	v56 =	vadd.s32 v3, v45  }
0x35a: {  	v40 =	vadd.s32 v12, v40;
	v58 =	vld [tilespmem:s22+$0xFFFFFEC0];
	[tilespmem:v60+s25+$0x0] =	vst.idx.msk $0xffff, v59  }
0x35b: {  	v42 =	vadd.s32 v16, v42;
	v59 =	vld [tilespmem:s22+$0xFFFFFF00];
	[tilespmem:v62+s25+$0x0] =	vst.idx.msk $0xffff, v61  }
0x35c: {  	v61 =	vadd.s32 v20, v44;
	[tilespmem:v54+s25+$0x0] =	vst.idx.msk $0xffff, v63;
	v60 =	vld [tilespmem:s22+$0xFFFFFF40]  }
0x35d: {  	v38 =	vadd.s32 v24, v38;
	v62 =	vld [tilespmem:s22+$0xFFFFFF80];
	[tilespmem:v47+s25+$0x0] =	vst.idx.msk $0xffff, v57  }
0x35e: {  	v35 =	vadd.s32 v28, v35;
	v63 =	vld [tilespmem:s22+$0xFFFFFFC0];
	[tilespmem:v56+s25+$0x0] =	vst.idx.msk $0xffff, v55  }
0x35f: {  	v49 =	vadd.s32 v4, v45;
	[tilespmem:v40+s25+$0x0] =	vst.idx.msk $0xffff, v58;
	v48 =	vld [tilespmem:s22+$0xFFFFFE40]  }
0x360: {  	s7 =	sadd.s32 s7, s6;
	[tilespmem:v42+s25+$0x0] =	vst.idx.msk $0xffff, v59  }
0x361: {  	s10 =	sshll.u32 s10, $0x14;
	s7 =	sshll.u32 s7, $0xA;
	[tilespmem:v61+s25+$0x0] =	vst.idx.msk $0xffff, v60  }
0x362: {  	s7 =	sor.u32 s10, s7;
	[tilespmem:v38+s25+$0x0] =	vst.idx.msk $0xffff, v62  }
0x363: {  	s7 =	sshrl.u32 s7, $0x3;
	[tilespmem:v35+s25+$0x0] =	vst.idx.msk $0xffff, v63  }
0x364: {  	s10 =	sadd.s32 s2, s7;
	s7 =	simm.s32 $0x0;
	[tilespmem:v49+s25+$0x0] =	vst.idx.msk $0xffff, v48  }
0x365: {  	[hbm4b:s10+s7] =	stream.linear.scatter [tilespmem:s25], [sflag:$0x2], $0x80, $0x38;
	[tilespmem:$0x1AE00] =	vst v63  }
0x366: {  	s13 =	simm.s32 $0x16A88;
	s23 =	sadd.s32 $0x10, s10  }
0x367: {  	[hbm4b:s23+s7] =	stream.linear.scatter [tilespmem:s13], [sflag:$0x2], $0x80, $0x38;
	[tilespmem:$0x1AE00] =	vst v63  }
0x368: {  	s15 =	simm.s32 $0x16B10;
	s14 =	sadd.s32 $0x20, s10  }
0x369: {  	[hbm4b:s14+s7] =	stream.linear.scatter [tilespmem:s15], [sflag:$0x2], $0x80, $0x38;
	[tilespmem:$0x1AE00] =	vst v63  }
0x36a: {  	s19 =	simm.s32 $0x16B98;
	s16 =	sadd.s32 $0x30, s10  }
0x36b: {  	[hbm4b:s16+s7] =	stream.linear.scatter [tilespmem:s19], [sflag:$0x2], $0x80, $0x38;
	[tilespmem:$0x1AE00] =	vst v63  }
0x36c: {  	s21 =	simm.s32 $0x16C20;
	s20 =	sadd.s32 $0x40, s10  }
0x36d: {  	[hbm4b:s20+s7] =	stream.linear.scatter [tilespmem:s21], [sflag:$0x2], $0x80, $0x38;
	[tilespmem:$0x1AE00] =	vst v63  }
0x36e: {  	s22 =	sadd.s32 $0x50, s10;
	s23 =	simm.s32 $0x16CA8  }
0x36f: {  	[hbm4b:s22+s7] =	stream.linear.scatter [tilespmem:s23], [sflag:$0x2], $0x80, $0x38;
	[tilespmem:$0x1AE00] =	vst v63  }
0x370: {  	s14 =	sadd.s32 $0x60, s10;
	s15 =	simm.s32 $0x16D30  }
0x371: {  	[hbm4b:s14+s7] =	stream.linear.scatter [tilespmem:s15], [sflag:$0x2], $0x80, $0x38;
	[tilespmem:$0x1AE00] =	vst v63  }
0x372: {  	s16 =	sadd.s32 $0x70, s10;
	s19 =	simm.s32 $0x16DB8  }
0x373: {  	[hbm4b:s16+s7] =	stream.linear.scatter [tilespmem:s19], [sflag:$0x2], $0x80, $0x38;
	[tilespmem:$0x1AE00] =	vst v63  }
0x374: {  	s20 =	sadd.s32 $0x4000, s10;
	s21 =	simm.s32 $0x16E40  }
0x375: {  	[hbm4b:s20+s7] =	stream.linear.scatter [tilespmem:s21], [sflag:$0x2], $0x80, $0x38;
	[tilespmem:$0x1AE00] =	vst v63  }
0x376: {  	s22 =	sadd.s32 $0x4010, s10;
	s23 =	simm.s32 $0x16EC8  }
0x377: {  	[hbm4b:s22+s7] =	stream.linear.scatter [tilespmem:s23], [sflag:$0x2], $0x80, $0x38;
	[tilespmem:$0x1AE00] =	vst v63  }
0x378: {  	s14 =	sadd.s32 $0x4020, s10;
	s15 =	simm.s32 $0x16F50  }
0x379: {  	[hbm4b:s14+s7] =	stream.linear.scatter [tilespmem:s15], [sflag:$0x2], $0x80, $0x38;
	[tilespmem:$0x1AE00] =	vst v63  }
0x37a: {  	s16 =	sadd.s32 $0x4030, s10;
	s19 =	simm.s32 $0x16FD8  }
0x37b: {  	[hbm4b:s16+s7] =	stream.linear.scatter [tilespmem:s19], [sflag:$0x2], $0x80, $0x38;
	[tilespmem:$0x1AE00] =	vst v63  }
0x37c: {  	s20 =	sadd.s32 $0x4040, s10;
	s21 =	simm.s32 $0x17060  }
0x37d: {  	[hbm4b:s20+s7] =	stream.linear.scatter [tilespmem:s21], [sflag:$0x2], $0x80, $0x38;
	[tilespmem:$0x1AE00] =	vst v63  }
0x37e: {  	s22 =	sadd.s32 $0x4050, s10;
	s23 =	simm.s32 $0x170E8  }
0x37f: {  	[hbm4b:s22+s7] =	stream.linear.scatter [tilespmem:s23], [sflag:$0x2], $0x80, $0x38;
	[tilespmem:$0x1AE00] =	vst v63  }
0x380: {  	s14 =	sadd.s32 $0x4060, s10;
	s15 =	simm.s32 $0x17170  }
0x381: {  	[hbm4b:s14+s7] =	stream.linear.scatter [tilespmem:s15], [sflag:$0x2], $0x80, $0x38;
	[tilespmem:$0x1AE00] =	vst v63  }
0x382: {  	s16 =	sadd.s32 $0x4070, s10;
	s19 =	simm.s32 $0x171F8  }
0x383: {  	[hbm4b:s16+s7] =	stream.linear.scatter [tilespmem:s19], [sflag:$0x2], $0x80, $0x38;
	[tilespmem:$0x1AE00] =	vst v63  }
0x384: {  	s20 =	sadd.s32 $0x8000, s10;
	s21 =	simm.s32 $0x17280  }
0x385: {  	[hbm4b:s20+s7] =	stream.linear.scatter [tilespmem:s21], [sflag:$0x2], $0x80, $0x38;
	[tilespmem:$0x1AE00] =	vst v63  }
0x386: {  	s22 =	sadd.s32 $0x8010, s10;
	s23 =	simm.s32 $0x17308  }
0x387: {  	[hbm4b:s22+s7] =	stream.linear.scatter [tilespmem:s23], [sflag:$0x2], $0x80, $0x38;
	[tilespmem:$0x1AE00] =	vst v63  }
0x388: {  	s14 =	sadd.s32 $0x8020, s10;
	s15 =	simm.s32 $0x17390  }
0x389: {  	[hbm4b:s14+s7] =	stream.linear.scatter [tilespmem:s15], [sflag:$0x2], $0x80, $0x38;
	[tilespmem:$0x1AE00] =	vst v63  }
0x38a: {  	s16 =	sadd.s32 $0x8030, s10;
	s19 =	simm.s32 $0x17418  }
0x38b: {  	[hbm4b:s16+s7] =	stream.linear.scatter [tilespmem:s19], [sflag:$0x2], $0x80, $0x38;
	[tilespmem:$0x1AE00] =	vst v63  }
0x38c: {  	s20 =	sadd.s32 $0x8040, s10;
	s21 =	simm.s32 $0x174A0  }
0x38d: {  	[hbm4b:s20+s7] =	stream.linear.scatter [tilespmem:s21], [sflag:$0x2], $0x80, $0x38;
	[tilespmem:$0x1AE00] =	vst v63  }
0x38e: {  	s22 =	sadd.s32 $0x8050, s10;
	s23 =	simm.s32 $0x17528  }
0x38f: {  	[hbm4b:s22+s7] =	stream.linear.scatter [tilespmem:s23], [sflag:$0x2], $0x80, $0x38;
	[tilespmem:$0x1AE00] =	vst v63  }
0x390: {  	s14 =	sadd.s32 $0x8060, s10;
	s15 =	simm.s32 $0x175B0  }
0x391: {  	[hbm4b:s14+s7] =	stream.linear.scatter [tilespmem:s15], [sflag:$0x2], $0x80, $0x38;
	[tilespmem:$0x1AE00] =	vst v63  }
0x392: {  	s16 =	sadd.s32 $0x8070, s10;
	s19 =	simm.s32 $0x17638  }
0x393: {  	[hbm4b:s16+s7] =	stream.linear.scatter [tilespmem:s19], [sflag:$0x2], $0x80, $0x38;
	[tilespmem:$0x1AE00] =	vst v63  }
0x394: {  	s20 =	sadd.s32 $0xC000, s10;
	s21 =	simm.s32 $0x176C0  }
0x395: {  	[hbm4b:s20+s7] =	stream.linear.scatter [tilespmem:s21], [sflag:$0x2], $0x80, $0x38;
	[tilespmem:$0x1AE00] =	vst v63  }
0x396: {  	s22 =	sadd.s32 $0xC010, s10;
	s23 =	simm.s32 $0x17748  }
0x397: {  	[hbm4b:s22+s7] =	stream.linear.scatter [tilespmem:s23], [sflag:$0x2], $0x80, $0x38;
	[tilespmem:$0x1AE00] =	vst v63  }
0x398: {  	s14 =	sadd.s32 $0xC020, s10;
	s15 =	simm.s32 $0x177D0  }
0x399: {  	[hbm4b:s14+s7] =	stream.linear.scatter [tilespmem:s15], [sflag:$0x2], $0x80, $0x38;
	[tilespmem:$0x1AE00] =	vst v63  }
0x39a: {  	s16 =	sadd.s32 $0xC030, s10;
	s19 =	simm.s32 $0x17858  }
0x39b: {  	[hbm4b:s16+s7] =	stream.linear.scatter [tilespmem:s19], [sflag:$0x2], $0x80, $0x38;
	[tilespmem:$0x1AE00] =	vst v63  }
0x39c: {  	s20 =	sadd.s32 $0xC040, s10;
	s21 =	simm.s32 $0x178E0  }
0x39d: {  	[hbm4b:s20+s7] =	stream.linear.scatter [tilespmem:s21], [sflag:$0x2], $0x80, $0x38;
	[tilespmem:$0x1AE00] =	vst v63  }
0x39e: {  	s22 =	sadd.s32 $0xC050, s10;
	s23 =	simm.s32 $0x17968  }
0x39f: {  	[hbm4b:s22+s7] =	stream.linear.scatter [tilespmem:s23], [sflag:$0x2], $0x80, $0x38;
	[tilespmem:$0x1AE00] =	vst v63  }
0x3a0: {  	s13 =	sadd.s32 $0xC060, s10;
	s14 =	simm.s32 $0x179F0  }
0x3a1: {  	[hbm4b:s13+s7] =	stream.linear.scatter [tilespmem:s14], [sflag:$0x2], $0x80, $0x38;
	[tilespmem:$0x1AE00] =	vst v63  }
0x3a2: {  	s15 =	sadd.s32 $0xC070, s10;
	s16 =	simm.s32 $0x17A78  }
0x3a3: {  	[hbm4b:s15+s7] =	stream.linear.scatter [tilespmem:s16], [sflag:$0x2], $0x80, $0x38;
	[tilespmem:$0x1AE00] =	vst v63  }
0x3a4: {  	s12 =	sadd.s32 $0x10000, s10;
	s19 =	simm.s32 $0x17B00  }
0x3a5: {  	[hbm4b:s12+s7] =	stream.linear.scatter [tilespmem:s19], [sflag:$0x2], $0x80, $0x38;
	[tilespmem:$0x1AE00] =	vst v63  }
0x3a6: {  	s20 =	sadd.s32 $0x10, s12;
	s21 =	simm.s32 $0x17B88  }
0x3a7: {  	[hbm4b:s20+s7] =	stream.linear.scatter [tilespmem:s21], [sflag:$0x2], $0x80, $0x38;
	[tilespmem:$0x1AE00] =	vst v63  }
0x3a8: {  	s22 =	sadd.s32 $0x20, s12;
	s23 =	simm.s32 $0x17C10  }
0x3a9: {  	[hbm4b:s22+s7] =	stream.linear.scatter [tilespmem:s23], [sflag:$0x2], $0x80, $0x38;
	[tilespmem:$0x1AE00] =	vst v63  }
0x3aa: {  	s14 =	sadd.s32 $0x30, s12;
	s15 =	simm.s32 $0x17C98  }
0x3ab: {  	[hbm4b:s14+s7] =	stream.linear.scatter [tilespmem:s15], [sflag:$0x2], $0x80, $0x38;
	[tilespmem:$0x1AE00] =	vst v63  }
0x3ac: {  	s16 =	sadd.s32 $0x40, s12;
	s19 =	simm.s32 $0x17D20  }
0x3ad: {  	[hbm4b:s16+s7] =	stream.linear.scatter [tilespmem:s19], [sflag:$0x2], $0x80, $0x38;
	[tilespmem:$0x1AE00] =	vst v63  }
0x3ae: {  	s20 =	sadd.s32 $0x50, s12;
	s21 =	simm.s32 $0x17DA8  }
0x3af: {  	[hbm4b:s20+s7] =	stream.linear.scatter [tilespmem:s21], [sflag:$0x2], $0x80, $0x38;
	[tilespmem:$0x1AE00] =	vst v63  }
0x3b0: {  	s22 =	sadd.s32 $0x60, s12;
	s23 =	simm.s32 $0x17E30  }
0x3b1: {  	[hbm4b:s22+s7] =	stream.linear.scatter [tilespmem:s23], [sflag:$0x2], $0x80, $0x38;
	[tilespmem:$0x1AE00] =	vst v63  }
0x3b2: {  	s12 =	sadd.s32 $0x70, s12;
	s14 =	simm.s32 $0x17EB8  }
0x3b3: {  	[hbm4b:s12+s7] =	stream.linear.scatter [tilespmem:s14], [sflag:$0x2], $0x80, $0x38;
	[tilespmem:$0x1AE00] =	vst v63  }
0x3b4: {  	s15 =	simm.s32 $0x17F40;
	s12 =	sadd.s32 $0x14000, s10  }
0x3b5: {  	[hbm4b:s12+s7] =	stream.linear.scatter [tilespmem:s15], [sflag:$0x2], $0x80, $0x38;
	[tilespmem:$0x1AE00] =	vst v63  }
0x3b6: {  	s19 =	simm.s32 $0x17FC8;
	s16 =	sadd.s32 $0x10, s12  }
0x3b7: {  	[hbm4b:s16+s7] =	stream.linear.scatter [tilespmem:s19], [sflag:$0x2], $0x80, $0x38;
	[tilespmem:$0x1AE00] =	vst v63  }
0x3b8: {  	s21 =	simm.s32 $0x18050;
	s20 =	sadd.s32 $0x20, s12  }
0x3b9: {  	[hbm4b:s20+s7] =	stream.linear.scatter [tilespmem:s21], [sflag:$0x2], $0x80, $0x38;
	[tilespmem:$0x1AE00] =	vst v63  }
0x3ba: {  	s23 =	simm.s32 $0x180D8;
	s22 =	sadd.s32 $0x30, s12  }
0x3bb: {  	[hbm4b:s22+s7] =	stream.linear.scatter [tilespmem:s23], [sflag:$0x2], $0x80, $0x38;
	[tilespmem:$0x1AE00] =	vst v63  }
0x3bc: {  	s14 =	sadd.s32 $0x40, s12;
	s15 =	simm.s32 $0x18160  }
0x3bd: {  	[hbm4b:s14+s7] =	stream.linear.scatter [tilespmem:s15], [sflag:$0x2], $0x80, $0x38;
	[tilespmem:$0x1AE00] =	vst v63  }
0x3be: {  	s16 =	sadd.s32 $0x50, s12;
	s19 =	simm.s32 $0x181E8  }
0x3bf: {  	[hbm4b:s16+s7] =	stream.linear.scatter [tilespmem:s19], [sflag:$0x2], $0x80, $0x38;
	[tilespmem:$0x1AE00] =	vst v63  }
0x3c0: {  	s20 =	sadd.s32 $0x60, s12;
	s21 =	simm.s32 $0x18270  }
0x3c1: {  	[hbm4b:s20+s7] =	stream.linear.scatter [tilespmem:s21], [sflag:$0x2], $0x80, $0x38;
	[tilespmem:$0x1AE00] =	vst v63  }
0x3c2: {  	s12 =	sadd.s32 $0x70, s12;
	s22 =	simm.s32 $0x182F8  }
0x3c3: {  	[hbm4b:s12+s7] =	stream.linear.scatter [tilespmem:s22], [sflag:$0x2], $0x80, $0x38;
	[tilespmem:$0x1AE00] =	vst v63  }
0x3c4: {  	s23 =	simm.s32 $0x18380;
	s12 =	sadd.s32 $0x18000, s10  }
0x3c5: {  	[hbm4b:s12+s7] =	stream.linear.scatter [tilespmem:s23], [sflag:$0x2], $0x80, $0x38;
	[tilespmem:$0x1AE00] =	vst v63  }
0x3c6: {  	s15 =	simm.s32 $0x18408;
	s14 =	sadd.s32 $0x10, s12  }
0x3c7: {  	[hbm4b:s14+s7] =	stream.linear.scatter [tilespmem:s15], [sflag:$0x2], $0x80, $0x38;
	[tilespmem:$0x1AE00] =	vst v63  }
0x3c8: {  	s19 =	simm.s32 $0x18490;
	s16 =	sadd.s32 $0x20, s12  }
0x3c9: {  	[hbm4b:s16+s7] =	stream.linear.scatter [tilespmem:s19], [sflag:$0x2], $0x80, $0x38;
	[tilespmem:$0x1AE00] =	vst v63  }
0x3ca: {  	s21 =	simm.s32 $0x18518;
	s20 =	sadd.s32 $0x30, s12  }
0x3cb: {  	[hbm4b:s20+s7] =	stream.linear.scatter [tilespmem:s21], [sflag:$0x2], $0x80, $0x38;
	[tilespmem:$0x1AE00] =	vst v63  }
0x3cc: {  	s22 =	sadd.s32 $0x40, s12;
	s23 =	simm.s32 $0x185A0  }
0x3cd: {  	[hbm4b:s22+s7] =	stream.linear.scatter [tilespmem:s23], [sflag:$0x2], $0x80, $0x38;
	[tilespmem:$0x1AE00] =	vst v63  }
0x3ce: {  	s14 =	sadd.s32 $0x50, s12;
	s15 =	simm.s32 $0x18628  }
0x3cf: {  	[hbm4b:s14+s7] =	stream.linear.scatter [tilespmem:s15], [sflag:$0x2], $0x80, $0x38;
	[tilespmem:$0x1AE00] =	vst v63  }
0x3d0: {  	s16 =	sadd.s32 $0x60, s12;
	s19 =	simm.s32 $0x186B0  }
0x3d1: {  	[hbm4b:s16+s7] =	stream.linear.scatter [tilespmem:s19], [sflag:$0x2], $0x80, $0x38;
	[tilespmem:$0x1AE00] =	vst v63  }
0x3d2: {  	s12 =	sadd.s32 $0x70, s12;
	s20 =	simm.s32 $0x18738  }
0x3d3: {  	[hbm4b:s12+s7] =	stream.linear.scatter [tilespmem:s20], [sflag:$0x2], $0x80, $0x38;
	[tilespmem:$0x1AE00] =	vst v63  }
0x3d4: {  	s10 =	sadd.s32 $0x1C000, s10;
	s21 =	simm.s32 $0x187C0  }
0x3d5: {  	[hbm4b:s10+s7] =	stream.linear.scatter [tilespmem:s21], [sflag:$0x2], $0x80, $0x38;
	[tilespmem:$0x1AE00] =	vst v63  }
0x3d6: {  	s22 =	sadd.s32 $0x10, s10;
	s23 =	simm.s32 $0x18848  }
0x3d7: {  	[hbm4b:s22+s7] =	stream.linear.scatter [tilespmem:s23], [sflag:$0x2], $0x80, $0x38;
	[tilespmem:$0x1AE00] =	vst v63  }
0x3d8: {  	s14 =	sadd.s32 $0x20, s10;
	s15 =	simm.s32 $0x188D0  }
0x3d9: {  	[hbm4b:s14+s7] =	stream.linear.scatter [tilespmem:s15], [sflag:$0x2], $0x80, $0x38;
	[tilespmem:$0x1AE00] =	vst v63  }
0x3da: {  	s13 =	simm.s32 $0x5;
	s16 =	sadd.s32 $0x30, s10;
	s19 =	simm.s32 $0x18958  }
0x3db: {  	[hbm4b:s16+s7] =	stream.linear.scatter [tilespmem:s19], [sflag:$0x2], $0x80, $0x38;
	[tilespmem:$0x1AE00] =	vst v63  }
0x3dc: {  	v50 =	vmov s7;
	s20 =	sadd.s32 $0x40, s10;
	s21 =	simm.s32 $0x189E0;
	s22 =	sadd.s32 $0x50, s10  }
0x3dd: {  	v33 =	vshrl.u32 v50, $0x3;
	[hbm4b:s20+s7] =	stream.linear.scatter [tilespmem:s21], [sflag:$0x2], $0x80, $0x38;
	[tilespmem:$0x1AE00] =	vst v63  }
0x3de: {  	v33 =	vshll.u32 v33, v1;
	s23 =	simm.s32 $0x18A68;
	s14 =	sadd.s32 $0x60, s10;
	s15 =	simm.s32 $0x18AF0  }
0x3df: {  	v33 =	vbroadcast v33, $0x0;
	[hbm4b:s22+s7] =	stream.linear.scatter [tilespmem:s23], [sflag:$0x2], $0x80, $0x38;
	[tilespmem:$0x1AE00] =	vst v63  }
0x3e0: {  	s10 =	sadd.s32 $0x70, s10;
	s19 =	simm.s32 $0x1;
	s23 =	simm.s32 $0x7  }
0x3e1: {  	v57 =	vadd.s32 v0, v33;
	v51 =	vmov s19;
	[hbm4b:s14+s7] =	stream.linear.scatter [tilespmem:s15], [sflag:$0x2], $0x80, $0x38;
	[tilespmem:$0x1AE00] =	vst v63  }
0x3e2: {  	v39 =	vmov s13;
	s16 =	simm.s32 $0x18B78;
	s20 =	simm.s32 $0x2;
	s21 =	simm.s32 $0x3;
	v34 =	vshrl.u32 v51, $0x3;
	v55 =	vmov s23  }
0x3e3: {  	v52 =	vmov s20;
	v53 =	vmov s21;
	v38 =	vshrl.u32 v55, $0x3;
	[hbm4b:s10+s7] =	stream.linear.scatter [tilespmem:s16], [sflag:$0x2], $0x80, $0x38;
	[tilespmem:$0x1AE00] =	vst v63  }
0x3e4: {  	v34 =	vshll.u32 v34, v1;
	v35 =	vshrl.u32 v52, $0x3;
	v38 =	vshll.u32 v38, v1;
	_ =	swait.ge [sflag:s17], $0x2000  }
0x3e5: {  	s22 =	simm.s32 $0x4;
	v36 =	vshrl.u32 v53, $0x3;
	v45 =	vbroadcast v34, $0x0;
	v38 =	vbroadcast v38, $0x0;
	[sflag:s17] =	ssyncset.done $0x0  }
0x3e6: {  	v54 =	vmov s22;
	v56 =	vshll.u32 v35, v1;
	v58 =	vshll.u32 v36, v1;
	s7 =	simm.s32 $0xE5F0;
	[sflag:s17] =	ssyncadd.s32 $0xFFFFE000  }
0x3e7: {  	v37 =	vshrl.u32 v54, $0x3;
	v53 =	vbroadcast v56, $0x0;
	v42 =	vadd.s32 v29, v38;
	v41 =	vld [tilespmem:s7+$0xFFFFFFD0]  }
0x3e8: {  	s14 =	simm.s32 $0x6;
	v60 =	vadd.s32 v5, v45;
	v35 =	vbroadcast v58, $0x0;
	v55 =	vshrl.u32 v39, $0x3;
	v59 =	vld [tilespmem:s7+$0xFFFFFE50]  }
0x3e9: {  	v40 =	vmov s14;
	v61 =	vshll.u32 v37, v1;
	v63 =	vadd.s32 v9, v53;
	v62 =	vld [tilespmem:s7+$0xFFFFFE90]  }
0x3ea: {  	v36 =	vshll.u32 v55, v1;
	v34 =	vbroadcast v61, $0x0;
	v40 =	vshrl.u32 v40, $0x3;
	v43 =	vld [tilespmem:s7+$0xFFFFFE10]  }
0x3eb: {  	v50 =	vadd.s32 v13, v35;
	v37 =	vbroadcast v36, $0x0;
	v56 =	vshll.u32 v40, v1;
	v39 =	vld [tilespmem:s7+$0xFFFFFED0]  }
0x3ec: {  	v52 =	vadd.s32 v17, v34;
	v36 =	vbroadcast v56, $0x0;
	v51 =	vld [tilespmem:s7+$0xFFFFFF10];
	[tilespmem:v42+s26+$0x0] =	vst.idx.msk $0xffff, v41  }
0x3ed: {  	[tilespmem:v60+s26+$0x0] =	vst.idx.msk $0xffff, v59;
	v59 =	vld [tilespmem:s7+$0xFFFFFF50];
	v60 =	vadd.s32 v21, v37  }
0x3ee: {  	v61 =	vld [tilespmem:s7+$0xFFFFFF90];
	[tilespmem:v63+s26+$0x0] =	vst.idx.msk $0xffff, v62;
	v62 =	vadd.s32 v25, v36  }
0x3ef: {  	v58 =	vadd.s32 v30, v38;
	[tilespmem:v57+s26+$0x0] =	vst.idx.msk $0xffff, v43;
	v57 =	vld [tilespmem:s7+$0xFFFFFFE0]  }
0x3f0: {  	v63 =	vadd.s32 v6, v45;
	[tilespmem:v50+s26+$0x0] =	vst.idx.msk $0xffff, v39;
	v47 =	vld [tilespmem:s7+$0xFFFFFE60]  }
0x3f1: {  	v55 =	vadd.s32 v10, v53;
	[tilespmem:v52+s26+$0x0] =	vst.idx.msk $0xffff, v51;
	v54 =	vld [tilespmem:s7+$0xFFFFFEA0]  }
0x3f2: {  	v56 =	vadd.s32 v14, v35;
	v50 =	vld [tilespmem:s7+$0xFFFFFEE0];
	[tilespmem:v60+s26+$0x0] =	vst.idx.msk $0xffff, v59  }
0x3f3: {  	[tilespmem:v62+s26+$0x0] =	vst.idx.msk $0xffff, v61;
	v61 =	vld [tilespmem:s7+$0xFFFFFE20];
	v62 =	vadd.s32 v2, v33  }
0x3f4: {  	v59 =	vadd.s32 v18, v34;
	[tilespmem:v58+s26+$0x0] =	vst.idx.msk $0xffff, v57;
	v58 =	vld [tilespmem:s7+$0xFFFFFF20]  }
0x3f5: {  	v57 =	vadd.s32 v31, v38;
	[tilespmem:v63+s26+$0x0] =	vst.idx.msk $0xffff, v47;
	v40 =	vld [tilespmem:s7+$0xFFFFFFF0]  }
0x3f6: {  	v46 =	vadd.s32 v22, v37;
	v44 =	vld [tilespmem:s7+$0xFFFFFF60];
	[tilespmem:v55+s26+$0x0] =	vst.idx.msk $0xffff, v54  }
0x3f7: {  	v60 =	vadd.s32 v26, v36;
	v63 =	vld [tilespmem:s7+$0xFFFFFFA0];
	[tilespmem:v56+s26+$0x0] =	vst.idx.msk $0xffff, v50  }
0x3f8: {  	v51 =	vadd.s32 v7, v45;
	v50 =	vld [tilespmem:s7+$0xFFFFFE70];
	[tilespmem:v62+s26+$0x0] =	vst.idx.msk $0xffff, v61  }
0x3f9: {  	v56 =	vadd.s32 v11, v53;
	v55 =	vld [tilespmem:s7+$0xFFFFFEB0];
	[tilespmem:v59+s26+$0x0] =	vst.idx.msk $0xffff, v58  }
0x3fa: {  	v58 =	vadd.s32 v15, v35;
	[tilespmem:v57+s26+$0x0] =	vst.idx.msk $0xffff, v40;
	v57 =	vld [tilespmem:s7+$0xFFFFFEF0]  }
0x3fb: {  	v38 =	vadd.s32 v32, v38;
	[tilespmem:v46+s26+$0x0] =	vst.idx.msk $0xffff, v44;
	v52 =	vld [tilespmem:s7+$0x0]  }
0x3fc: {  	[tilespmem:v60+s26+$0x0] =	vst.idx.msk $0xffff, v63;
	v60 =	vadd.s32 v19, v34;
	v59 =	vld [tilespmem:s7+$0xFFFFFF30]  }
0x3fd: {  	v48 =	vadd.s32 v3, v33;
	s19 =	simm.s32 $0xA;
	s21 =	simm.s32 $0xC;
	v41 =	vadd.s32 v23, v37;
	[tilespmem:v51+s26+$0x0] =	vst.idx.msk $0xffff, v50;
	v40 =	vld [tilespmem:s7+$0xFFFFFF70]  }
0x3fe: {  	s20 =	simm.s32 $0xB;
	s15 =	simm.s32 $0x8;
	v43 =	vadd.s32 v27, v36;
	v54 =	vmov s19;
	v47 =	vmov s21;
	v42 =	vld [tilespmem:s7+$0xFFFFFFB0];
	[tilespmem:v56+s26+$0x0] =	vst.idx.msk $0xffff, v55  }
0x3ff: {  	s16 =	simm.s32 $0x9;
	v53 =	vadd.s32 v12, v53;
	v63 =	vmov s15;
	v44 =	vmov s20;
	v46 =	vld [tilespmem:s7+$0xFFFFFE30];
	[tilespmem:v58+s26+$0x0] =	vst.idx.msk $0xffff, v57  }
0x400: {  	s22 =	simm.s32 $0xD;
	s23 =	simm.s32 $0xE;
	v39 =	vshrl.u32 v63, $0x3;
	v51 =	vmov s16;
	v49 =	vld [tilespmem:s7+$0xFFFFFE80];
	[tilespmem:v38+s26+$0x0] =	vst.idx.msk $0xffff, v52;
	v52 =	vadd.s32 v8, v45  }
0x401: {  	s12 =	simm.s32 $0xF;
	s10 =	simm.s32 $0x10;
	v50 =	vld [tilespmem:s7+$0xFFFFFEC0];
	[tilespmem:v60+s26+$0x0] =	vst.idx.msk $0xffff, v59;
	v38 =	vmov s22;
	v45 =	vshll.u32 v39, v1;
	v39 =	vmov s23  }
.LBB2_11:
0x402: {  	p0 =	slt.u32 s10, $0x78;
	v51 =	vshrl.u32 v51, $0x3;
	v55 =	vmov s12;
	v56 =	vld [tilespmem:s7+$0xFFFFFF00];
	v35 =	vadd.s32 v16, v35;
	[tilespmem:v41+s26+$0x0] =	vst.idx.msk $0xffff, v40  }
0x403: {  	v40 =	vshrl.u32 v54, $0x3;
	v34 =	vadd.s32 v20, v34;
	v41 =	vshrl.u32 v55, $0x3;
	v54 =	vld [tilespmem:s7+$0xFFFFFF40];
	[tilespmem:v43+s26+$0x0] =	vst.idx.msk $0xffff, v42  }
0x404: {  	v37 =	vadd.s32 v24, v37;
	v42 =	vshrl.u32 v44, $0x3;
	v41 =	vshll.u32 v41, v1;
	[tilespmem:v48+s26+$0x0] =	vst.idx.msk $0xffff, v46;
	v43 =	vld [tilespmem:s7+$0xFFFFFF80]  }
0x405: {  	v36 =	vadd.s32 v28, v36;
	v44 =	vshrl.u32 v47, $0x3;
	v41 =	vbroadcast v41, $0x0;
	[tilespmem:v52+s26+$0x0] =	vst.idx.msk $0xffff, v49;
	v46 =	vld [tilespmem:s7+$0xFFFFFFC0]  }
0x406: {  	v47 =	vshll.u32 v51, v1;
	v49 =	vadd.s32 v4, v33;
	v33 =	vbroadcast v45, $0x0;
	v48 =	vld [tilespmem:s7+$0xFFFFFE40];
	[tilespmem:v53+s26+$0x0] =	vst.idx.msk $0xffff, v50;
	s7 =	sadd.s32 $0x200, s7  }
0x407: {  	v40 =	vshll.u32 v40, v1;
	v45 =	vbroadcast v47, $0x0;
	v47 =	vld [tilespmem:s7+$0xFFFFFFD0];
	v50 =	vadd.s32 v29, v41;
	[tilespmem:v35+s26+$0x0] =	vst.idx.msk $0xffff, v56  }
0x408: {  	v53 =	vbroadcast v40, $0x0;
	v52 =	vadd.s32 v0, v33;
	v35 =	vshll.u32 v42, v1;
	v51 =	vld [tilespmem:s7+$0xFFFFFE10];
	[tilespmem:v34+s26+$0x0] =	vst.idx.msk $0xffff, v54  }
0x409: {  	v42 =	vadd.s32 v5, v45;
	v35 =	vbroadcast v35, $0x0;
	v34 =	vshll.u32 v44, v1;
	v40 =	vld [tilespmem:s7+$0xFFFFFE50];
	[tilespmem:v37+s26+$0x0] =	vst.idx.msk $0xffff, v43  }
0x40a: {  	v44 =	vadd.s32 v9, v53;
	v34 =	vbroadcast v34, $0x0;
	v37 =	vshrl.u32 v38, $0x3;
	v43 =	vld [tilespmem:s7+$0xFFFFFE90];
	[tilespmem:v36+s26+$0x0] =	vst.idx.msk $0xffff, v46  }
0x40b: {  	v39 =	vshrl.u32 v39, $0x3;
	v46 =	vadd.s32 v13, v35;
	v36 =	vshll.u32 v37, v1;
	v38 =	vld [tilespmem:s7+$0xFFFFFED0];
	[tilespmem:v49+s26+$0x0] =	vst.idx.msk $0xffff, v48  }
0x40c: {  	v49 =	vadd.s32 v17, v34;
	v37 =	vbroadcast v36, $0x0;
	v36 =	vshll.u32 v39, v1;
	v48 =	vld [tilespmem:s7+$0xFFFFFF10];
	[tilespmem:v50+s26+$0x0] =	vst.idx.msk $0xffff, v47  }
0x40d: {  	v36 =	vbroadcast v36, $0x0;
	v47 =	vadd.s32 v30, v41;
	[tilespmem:v52+s26+$0x0] =	vst.idx.msk $0xffff, v51;
	v39 =	vld [tilespmem:s7+$0xFFFFFFE0]  }
0x40e: {  	[tilespmem:v42+s26+$0x0] =	vst.idx.msk $0xffff, v40;
	v40 =	vld [tilespmem:s7+$0xFFFFFF50];
	v42 =	vadd.s32 v21, v37  }
0x40f: {  	[tilespmem:v44+s26+$0x0] =	vst.idx.msk $0xffff, v43;
	v43 =	vld [tilespmem:s7+$0xFFFFFF90];
	v44 =	vadd.s32 v25, v36  }
0x410: {  	v51 =	vadd.s32 v6, v45;
	v50 =	vld [tilespmem:s7+$0xFFFFFE60];
	[tilespmem:v46+s26+$0x0] =	vst.idx.msk $0xffff, v38  }
0x411: {  	v46 =	vadd.s32 v10, v53;
	v38 =	vld [tilespmem:s7+$0xFFFFFEA0];
	[tilespmem:v49+s26+$0x0] =	vst.idx.msk $0xffff, v48  }
0x412: {  	v49 =	vadd.s32 v14, v35;
	v48 =	vld [tilespmem:s7+$0xFFFFFEE0];
	[tilespmem:v47+s26+$0x0] =	vst.idx.msk $0xffff, v39  }
0x413: {  	[tilespmem:v42+s26+$0x0] =	vst.idx.msk $0xffff, v40;
	v39 =	vld [tilespmem:s7+$0xFFFFFFF0];
	v40 =	vadd.s32 v31, v41  }
0x414: {  	v47 =	vadd.s32 v18, v34;
	v42 =	vld [tilespmem:s7+$0xFFFFFF20];
	[tilespmem:v44+s26+$0x0] =	vst.idx.msk $0xffff, v43  }
0x415: {  	v44 =	vadd.s32 v22, v37;
	[tilespmem:v51+s26+$0x0] =	vst.idx.msk $0xffff, v50;
	v43 =	vld [tilespmem:s7+$0xFFFFFF60]  }
0x416: {  	[tilespmem:v46+s26+$0x0] =	vst.idx.msk $0xffff, v38;
	v38 =	vld [tilespmem:s7+$0xFFFFFFA0];
	v46 =	vadd.s32 v26, v36  }
0x417: {  	v51 =	vadd.s32 v2, v33;
	v50 =	vld [tilespmem:s7+$0xFFFFFE20];
	[tilespmem:v49+s26+$0x0] =	vst.idx.msk $0xffff, v48  }
0x418: {  	v49 =	vadd.s32 v7, v45;
	v48 =	vld [tilespmem:s7+$0xFFFFFE70];
	[tilespmem:v40+s26+$0x0] =	vst.idx.msk $0xffff, v39  }
0x419: {  	[tilespmem:v47+s26+$0x0] =	vst.idx.msk $0xffff, v42;
	v39 =	vld [tilespmem:s7+$0x0];
	v47 =	vadd.s32 v32, v41  }
0x41a: {  	v55 =	vadd.s32 v11, v53;
	v52 =	vld [tilespmem:s7+$0xFFFFFEB0];
	[tilespmem:v44+s26+$0x0] =	vst.idx.msk $0xffff, v43  }
0x41b: {  	v57 =	vadd.s32 v15, v35;
	v56 =	vld [tilespmem:s7+$0xFFFFFEF0];
	[tilespmem:v46+s26+$0x0] =	vst.idx.msk $0xffff, v38  }
0x41c: {  	v59 =	vadd.s32 v19, v34;
	[tilespmem:v51+s26+$0x0] =	vst.idx.msk $0xffff, v50;
	v58 =	vld [tilespmem:s7+$0xFFFFFF30]  }
.Ltmp4:
0x41d: {  	s12 =	sadd.s32 $0x1, s10;
	v41 =	vadd.s32 v23, v37;
	v38 =	vmov s10;
	[tilespmem:v49+s26+$0x0] =	vst.idx.msk $0xffff, v48;
	v40 =	vld [tilespmem:s7+$0xFFFFFF70];
	(pc) =	sbr.rel @p0 .LBB2_11-.Ltmp4, $4  }
0x41e: {  	s13 =	sadd.s32 $0x3, s10;
	v43 =	vadd.s32 v27, v36;
	v50 =	vshrl.u32 v38, $0x3;
	v51 =	vmov s12;
	s12 =	sadd.s32 $0x2, s10;
	v42 =	vld [tilespmem:s7+$0xFFFFFFB0];
	[tilespmem:v47+s26+$0x0] =	vst.idx.msk $0xffff, v39  }
0x41f: {  	v44 =	vmov s13;
	s13 =	sadd.s32 $0x5, s10;
	v54 =	vmov s12;
	s12 =	sadd.s32 $0x4, s10;
	v48 =	vadd.s32 v3, v33;
	v46 =	vld [tilespmem:s7+$0xFFFFFE30];
	[tilespmem:v55+s26+$0x0] =	vst.idx.msk $0xffff, v52  }
0x420: {  	v38 =	vmov s13;
	v47 =	vmov s12;
	s12 =	sadd.s32 $0x6, s10;
	v52 =	vadd.s32 v8, v45;
	v49 =	vld [tilespmem:s7+$0xFFFFFE80];
	[tilespmem:v57+s26+$0x0] =	vst.idx.msk $0xffff, v56  }
0x421: {  	v53 =	vadd.s32 v12, v53;
	v45 =	vshll.u32 v50, v1;
	v39 =	vmov s12;
	s12 =	sadd.s32 $0x7, s10;
	s10 =	sadd.s32 $0x8, s10;
	v50 =	vld [tilespmem:s7+$0xFFFFFEC0];
	[tilespmem:v59+s26+$0x0] =	vst.idx.msk $0xffff, v58  }
0x422: {  	_ =	sdelay $0x2  }
0x423: {  	v55 =	vmov s12  }
0x424: {  	v51 =	vshrl.u32 v51, $0x3;
	v56 =	vld [tilespmem:s7+$0xFFFFFF00];
	v35 =	vadd.s32 v16, v35;
	[tilespmem:v41+s26+$0x0] =	vst.idx.msk $0xffff, v40;
	v57 =	vshrl.u32 v54, $0x3  }
0x425: {  	v59 =	vld [tilespmem:s7+$0xFFFFFF40];
	v34 =	vadd.s32 v20, v34;
	v60 =	vshrl.u32 v44, $0x3;
	v58 =	vshrl.u32 v55, $0x3;
	[tilespmem:v43+s26+$0x0] =	vst.idx.msk $0xffff, v42  }
0x426: {  	v37 =	vadd.s32 v24, v37;
	v62 =	vshrl.u32 v47, $0x3;
	v61 =	vld [tilespmem:s7+$0xFFFFFF80];
	v41 =	vshll.u32 v58, v1;
	[tilespmem:v48+s26+$0x0] =	vst.idx.msk $0xffff, v46  }
0x427: {  	v36 =	vadd.s32 v28, v36;
	v45 =	vbroadcast v45, $0x0;
	v63 =	vld [tilespmem:s7+$0xFFFFFFC0];
	v41 =	vbroadcast v41, $0x0;
	[tilespmem:v52+s26+$0x0] =	vst.idx.msk $0xffff, v49  }
0x428: {  	v33 =	vadd.s32 v4, v33;
	s20 =	sadd.s32 $0x200, s7;
	v38 =	vshrl.u32 v38, $0x3;
	v55 =	vshll.u32 v51, v1;
	v48 =	vld [tilespmem:s7+$0xFFFFFE40];
	[tilespmem:v53+s26+$0x0] =	vst.idx.msk $0xffff, v50  }
0x429: {  	v40 =	vshll.u32 v57, v1;
	v47 =	vbroadcast v55, $0x0;
	v49 =	vld [tilespmem:s20+$0xFFFFFFD0];
	v50 =	vadd.s32 v29, v41;
	[tilespmem:v35+s26+$0x0] =	vst.idx.msk $0xffff, v56  }
0x42a: {  	v42 =	vshll.u32 v60, v1;
	v40 =	vbroadcast v40, $0x0;
	v35 =	vld [tilespmem:s20+$0xFFFFFE10];
	v56 =	vadd.s32 v0, v45;
	[tilespmem:v34+s26+$0x0] =	vst.idx.msk $0xffff, v59  }
0x42b: {  	v57 =	vld [tilespmem:s20+$0xFFFFFE50];
	v44 =	vshll.u32 v62, v1;
	v42 =	vbroadcast v42, $0x0;
	v58 =	vadd.s32 v5, v47;
	[tilespmem:v37+s26+$0x0] =	vst.idx.msk $0xffff, v61  }
0x42c: {  	v38 =	vshll.u32 v38, v1;
	v44 =	vbroadcast v44, $0x0;
	v60 =	vadd.s32 v9, v40;
	v59 =	vld [tilespmem:s20+$0xFFFFFE90];
	[tilespmem:v36+s26+$0x0] =	vst.idx.msk $0xffff, v63  }
0x42d: {  	v38 =	vbroadcast v38, $0x0;
	v62 =	vadd.s32 v13, v42;
	v61 =	vld [tilespmem:s20+$0xFFFFFED0];
	[tilespmem:v33+s26+$0x0] =	vst.idx.msk $0xffff, v48  }
0x42e: {  	v39 =	vshrl.u32 v39, $0x3;
	v63 =	vadd.s32 v17, v44;
	v33 =	vld [tilespmem:s20+$0xFFFFFF10];
	[tilespmem:v50+s26+$0x0] =	vst.idx.msk $0xffff, v49  }
0x42f: {  	v39 =	vshll.u32 v39, v1;
	v34 =	vld [tilespmem:s20+$0xFFFFFF50];
	[tilespmem:v56+s26+$0x0] =	vst.idx.msk $0xffff, v35;
	v56 =	vadd.s32 v21, v38  }
0x430: {  	[tilespmem:v58+s26+$0x0] =	vst.idx.msk $0xffff, v57;
	v35 =	vbroadcast v39, $0x0;
	v49 =	vadd.s32 v30, v41;
	v39 =	vld [tilespmem:s20+$0xFFFFFFE0]  }
0x431: {  	[tilespmem:v60+s26+$0x0] =	vst.idx.msk $0xffff, v59;
	v59 =	vld [tilespmem:s20+$0xFFFFFE60];
	v60 =	vadd.s32 v6, v47  }
0x432: {  	v57 =	vld [tilespmem:s20+$0xFFFFFF90];
	[tilespmem:v62+s26+$0x0] =	vst.idx.msk $0xffff, v61;
	v58 =	vadd.s32 v25, v35  }
0x433: {  	v61 =	vld [tilespmem:s20+$0xFFFFFEA0];
	v62 =	vadd.s32 v10, v40;
	[tilespmem:v63+s26+$0x0] =	vst.idx.msk $0xffff, v33  }
0x434: {  	v33 =	vld [tilespmem:s20+$0xFFFFFEE0];
	v63 =	vadd.s32 v14, v42;
	[tilespmem:v56+s26+$0x0] =	vst.idx.msk $0xffff, v34  }
0x435: {  	v56 =	vadd.s32 v18, v44;
	[tilespmem:v49+s26+$0x0] =	vst.idx.msk $0xffff, v39;
	v49 =	vld [tilespmem:s20+$0xFFFFFF20]  }
0x436: {  	[tilespmem:v60+s26+$0x0] =	vst.idx.msk $0xffff, v59;
	v39 =	vadd.s32 v31, v41;
	v34 =	vld [tilespmem:s20+$0xFFFFFFF0]  }
0x437: {  	[tilespmem:v58+s26+$0x0] =	vst.idx.msk $0xffff, v57;
	v57 =	vld [tilespmem:s20+$0xFFFFFF60];
	v58 =	vadd.s32 v22, v38  }
0x438: {  	[tilespmem:v62+s26+$0x0] =	vst.idx.msk $0xffff, v61;
	v61 =	vld [tilespmem:s20+$0xFFFFFE20];
	v62 =	vadd.s32 v2, v45  }
0x439: {  	v60 =	vadd.s32 v26, v35;
	v59 =	vld [tilespmem:s20+$0xFFFFFFA0];
	[tilespmem:v63+s26+$0x0] =	vst.idx.msk $0xffff, v33  }
0x43a: {  	v55 =	vadd.s32 v11, v40;
	v54 =	vadd.s32 v32, v41;
	v41 =	vld [tilespmem:s20+$0xFFFFFEB0];
	[tilespmem:v56+s26+$0x0] =	vst.idx.msk $0xffff, v49  }
0x43b: {  	v53 =	vadd.s32 v7, v47;
	v63 =	vld [tilespmem:s20+$0xFFFFFE70];
	[tilespmem:v39+s26+$0x0] =	vst.idx.msk $0xffff, v34  }
0x43c: {  	v56 =	vld [tilespmem:s20+$0xFFFFFEF0];
	[tilespmem:v58+s26+$0x0] =	vst.idx.msk $0xffff, v57;
	v57 =	vadd.s32 v15, v42  }
0x43d: {  	[tilespmem:v62+s26+$0x0] =	vst.idx.msk $0xffff, v61;
	v34 =	vld [tilespmem:s20+$0x0]  }
0x43e: {  	v58 =	vld [tilespmem:s20+$0xFFFFFF30];
	[tilespmem:v60+s26+$0x0] =	vst.idx.msk $0xffff, v59;
	v59 =	vadd.s32 v19, v44  }
0x43f: {  	v61 =	vadd.s32 v23, v38;
	[tilespmem:v55+s26+$0x0] =	vst.idx.msk $0xffff, v41;
	v60 =	vld [tilespmem:s20+$0xFFFFFF70]  }
0x440: {  	[tilespmem:v53+s26+$0x0] =	vst.idx.msk $0xffff, v63;
	v63 =	vadd.s32 v27, v35;
	v62 =	vld [tilespmem:s20+$0xFFFFFFB0]  }
0x441: {  	v47 =	vadd.s32 v8, v47;
	v55 =	vld [tilespmem:s20+$0xFFFFFE80];
	[tilespmem:v57+s26+$0x0] =	vst.idx.msk $0xffff, v56  }
0x442: {  	v53 =	vld [tilespmem:s20+$0xFFFFFE30];
	[tilespmem:v54+s26+$0x0] =	vst.idx.msk $0xffff, v34;
	v54 =	vadd.s32 v3, v45  }
0x443: {  	v40 =	vadd.s32 v12, v40;
	v56 =	vld [tilespmem:s20+$0xFFFFFEC0];
	[tilespmem:v59+s26+$0x0] =	vst.idx.msk $0xffff, v58  }
0x444: {  	v42 =	vadd.s32 v16, v42;
	v57 =	vld [tilespmem:s20+$0xFFFFFF00];
	[tilespmem:v61+s26+$0x0] =	vst.idx.msk $0xffff, v60  }
0x445: {  	v59 =	vadd.s32 v20, v44;
	v58 =	vld [tilespmem:s20+$0xFFFFFF40];
	[tilespmem:v63+s26+$0x0] =	vst.idx.msk $0xffff, v62  }
0x446: {  	v38 =	vadd.s32 v24, v38;
	v60 =	vld [tilespmem:s20+$0xFFFFFF80];
	[tilespmem:v47+s26+$0x0] =	vst.idx.msk $0xffff, v55  }
0x447: {  	v35 =	vadd.s32 v28, v35;
	v61 =	vld [tilespmem:s20+$0xFFFFFFC0];
	[tilespmem:v54+s26+$0x0] =	vst.idx.msk $0xffff, v53  }
0x448: {  	v63 =	vadd.s32 v4, v45;
	[tilespmem:v40+s26+$0x0] =	vst.idx.msk $0xffff, v56;
	v62 =	vld [tilespmem:s20+$0xFFFFFE40]  }
0x449: {  	s21 =	sadd.s32 s8, s6;
	[tilespmem:v42+s26+$0x0] =	vst.idx.msk $0xffff, v57  }
0x44a: {  	s5 =	sshll.u32 s5, $0x14;
	s7 =	sshll.u32 s21, $0xA;
	[tilespmem:v59+s26+$0x0] =	vst.idx.msk $0xffff, v58  }
0x44b: {  	s5 =	sor.u32 s5, s7;
	[tilespmem:v38+s26+$0x0] =	vst.idx.msk $0xffff, v60  }
0x44c: {  	s5 =	sshrl.u32 s5, $0x3;
	[tilespmem:v35+s26+$0x0] =	vst.idx.msk $0xffff, v61  }
0x44d: {  	s5 =	sadd.s32 s2, s5;
	[tilespmem:v63+s26+$0x0] =	vst.idx.msk $0xffff, v62  }
0x44e: {  	[hbm4b:s5+s3] =	stream.linear.scatter [tilespmem:s26], [sflag:$0x2], $0x80, $0x38;
	[tilespmem:$0x1AE00] =	vst v63  }
0x44f: {  	s23 =	simm.s32 $0x18C88;
	s22 =	sadd.s32 $0x10, s5  }
0x450: {  	[hbm4b:s22+s3] =	stream.linear.scatter [tilespmem:s23], [sflag:$0x2], $0x80, $0x38;
	[tilespmem:$0x1AE00] =	vst v63  }
0x451: {  	s10 =	simm.s32 $0x18D10;
	s8 =	sadd.s32 $0x20, s5  }
0x452: {  	[hbm4b:s8+s3] =	stream.linear.scatter [tilespmem:s10], [sflag:$0x2], $0x80, $0x38;
	[tilespmem:$0x1AE00] =	vst v63  }
0x453: {  	s13 =	simm.s32 $0x18D98;
	s12 =	sadd.s32 $0x30, s5  }
0x454: {  	[hbm4b:s12+s3] =	stream.linear.scatter [tilespmem:s13], [sflag:$0x2], $0x80, $0x38;
	[tilespmem:$0x1AE00] =	vst v63  }
0x455: {  	s15 =	simm.s32 $0x18E20;
	s14 =	sadd.s32 $0x40, s5  }
0x456: {  	[hbm4b:s14+s3] =	stream.linear.scatter [tilespmem:s15], [sflag:$0x2], $0x80, $0x38;
	[tilespmem:$0x1AE00] =	vst v63  }
0x457: {  	s19 =	simm.s32 $0x18EA8;
	s16 =	sadd.s32 $0x50, s5  }
0x458: {  	[hbm4b:s16+s3] =	stream.linear.scatter [tilespmem:s19], [sflag:$0x2], $0x80, $0x38;
	[tilespmem:$0x1AE00] =	vst v63  }
0x459: {  	s21 =	simm.s32 $0x18F30;
	s20 =	sadd.s32 $0x60, s5  }
0x45a: {  	[hbm4b:s20+s3] =	stream.linear.scatter [tilespmem:s21], [sflag:$0x2], $0x80, $0x38;
	[tilespmem:$0x1AE00] =	vst v63  }
0x45b: {  	s22 =	sadd.s32 $0x70, s5;
	s23 =	simm.s32 $0x18FB8  }
0x45c: {  	[hbm4b:s22+s3] =	stream.linear.scatter [tilespmem:s23], [sflag:$0x2], $0x80, $0x38;
	[tilespmem:$0x1AE00] =	vst v63  }
0x45d: {  	s8 =	sadd.s32 $0x4000, s5;
	s10 =	simm.s32 $0x19040  }
0x45e: {  	[hbm4b:s8+s3] =	stream.linear.scatter [tilespmem:s10], [sflag:$0x2], $0x80, $0x38;
	[tilespmem:$0x1AE00] =	vst v63  }
0x45f: {  	s12 =	sadd.s32 $0x4010, s5;
	s13 =	simm.s32 $0x190C8  }
0x460: {  	[hbm4b:s12+s3] =	stream.linear.scatter [tilespmem:s13], [sflag:$0x2], $0x80, $0x38;
	[tilespmem:$0x1AE00] =	vst v63  }
0x461: {  	s14 =	sadd.s32 $0x4020, s5;
	s15 =	simm.s32 $0x19150  }
0x462: {  	[hbm4b:s14+s3] =	stream.linear.scatter [tilespmem:s15], [sflag:$0x2], $0x80, $0x38;
	[tilespmem:$0x1AE00] =	vst v63  }
0x463: {  	s16 =	sadd.s32 $0x4030, s5;
	s19 =	simm.s32 $0x191D8  }
0x464: {  	[hbm4b:s16+s3] =	stream.linear.scatter [tilespmem:s19], [sflag:$0x2], $0x80, $0x38;
	[tilespmem:$0x1AE00] =	vst v63  }
0x465: {  	s20 =	sadd.s32 $0x4040, s5;
	s21 =	simm.s32 $0x19260  }
0x466: {  	[hbm4b:s20+s3] =	stream.linear.scatter [tilespmem:s21], [sflag:$0x2], $0x80, $0x38;
	[tilespmem:$0x1AE00] =	vst v63  }
0x467: {  	s22 =	sadd.s32 $0x4050, s5;
	s23 =	simm.s32 $0x192E8  }
0x468: {  	[hbm4b:s22+s3] =	stream.linear.scatter [tilespmem:s23], [sflag:$0x2], $0x80, $0x38;
	[tilespmem:$0x1AE00] =	vst v63  }
0x469: {  	s8 =	sadd.s32 $0x4060, s5;
	s10 =	simm.s32 $0x19370  }
0x46a: {  	[hbm4b:s8+s3] =	stream.linear.scatter [tilespmem:s10], [sflag:$0x2], $0x80, $0x38;
	[tilespmem:$0x1AE00] =	vst v63  }
0x46b: {  	s12 =	sadd.s32 $0x4070, s5;
	s13 =	simm.s32 $0x193F8  }
0x46c: {  	[hbm4b:s12+s3] =	stream.linear.scatter [tilespmem:s13], [sflag:$0x2], $0x80, $0x38;
	[tilespmem:$0x1AE00] =	vst v63  }
0x46d: {  	s14 =	sadd.s32 $0x8000, s5;
	s15 =	simm.s32 $0x19480  }
0x46e: {  	[hbm4b:s14+s3] =	stream.linear.scatter [tilespmem:s15], [sflag:$0x2], $0x80, $0x38;
	[tilespmem:$0x1AE00] =	vst v63  }
0x46f: {  	s16 =	sadd.s32 $0x8010, s5;
	s19 =	simm.s32 $0x19508  }
0x470: {  	[hbm4b:s16+s3] =	stream.linear.scatter [tilespmem:s19], [sflag:$0x2], $0x80, $0x38;
	[tilespmem:$0x1AE00] =	vst v63  }
0x471: {  	s20 =	sadd.s32 $0x8020, s5;
	s21 =	simm.s32 $0x19590  }
0x472: {  	[hbm4b:s20+s3] =	stream.linear.scatter [tilespmem:s21], [sflag:$0x2], $0x80, $0x38;
	[tilespmem:$0x1AE00] =	vst v63  }
0x473: {  	s22 =	sadd.s32 $0x8030, s5;
	s23 =	simm.s32 $0x19618  }
0x474: {  	[hbm4b:s22+s3] =	stream.linear.scatter [tilespmem:s23], [sflag:$0x2], $0x80, $0x38;
	[tilespmem:$0x1AE00] =	vst v63  }
0x475: {  	s8 =	sadd.s32 $0x8040, s5;
	s10 =	simm.s32 $0x196A0  }
0x476: {  	[hbm4b:s8+s3] =	stream.linear.scatter [tilespmem:s10], [sflag:$0x2], $0x80, $0x38;
	[tilespmem:$0x1AE00] =	vst v63  }
0x477: {  	s12 =	sadd.s32 $0x8050, s5;
	s13 =	simm.s32 $0x19728  }
0x478: {  	[hbm4b:s12+s3] =	stream.linear.scatter [tilespmem:s13], [sflag:$0x2], $0x80, $0x38;
	[tilespmem:$0x1AE00] =	vst v63  }
0x479: {  	s14 =	sadd.s32 $0x8060, s5;
	s15 =	simm.s32 $0x197B0  }
0x47a: {  	[hbm4b:s14+s3] =	stream.linear.scatter [tilespmem:s15], [sflag:$0x2], $0x80, $0x38;
	[tilespmem:$0x1AE00] =	vst v63  }
0x47b: {  	s16 =	sadd.s32 $0x8070, s5;
	s19 =	simm.s32 $0x19838  }
0x47c: {  	[hbm4b:s16+s3] =	stream.linear.scatter [tilespmem:s19], [sflag:$0x2], $0x80, $0x38;
	[tilespmem:$0x1AE00] =	vst v63  }
0x47d: {  	s20 =	sadd.s32 $0xC000, s5;
	s21 =	simm.s32 $0x198C0  }
0x47e: {  	[hbm4b:s20+s3] =	stream.linear.scatter [tilespmem:s21], [sflag:$0x2], $0x80, $0x38;
	[tilespmem:$0x1AE00] =	vst v63  }
0x47f: {  	s22 =	sadd.s32 $0xC010, s5;
	s23 =	simm.s32 $0x19948  }
0x480: {  	[hbm4b:s22+s3] =	stream.linear.scatter [tilespmem:s23], [sflag:$0x2], $0x80, $0x38;
	[tilespmem:$0x1AE00] =	vst v63  }
0x481: {  	s10 =	sadd.s32 $0xC020, s5;
	s12 =	simm.s32 $0x199D0  }
0x482: {  	[hbm4b:s10+s3] =	stream.linear.scatter [tilespmem:s12], [sflag:$0x2], $0x80, $0x38;
	[tilespmem:$0x1AE00] =	vst v63  }
0x483: {  	s13 =	sadd.s32 $0xC030, s5;
	s14 =	simm.s32 $0x19A58  }
0x484: {  	[hbm4b:s13+s3] =	stream.linear.scatter [tilespmem:s14], [sflag:$0x2], $0x80, $0x38;
	[tilespmem:$0x1AE00] =	vst v63  }
0x485: {  	s15 =	sadd.s32 $0xC040, s5;
	s16 =	simm.s32 $0x19AE0  }
0x486: {  	[hbm4b:s15+s3] =	stream.linear.scatter [tilespmem:s16], [sflag:$0x2], $0x80, $0x38;
	[tilespmem:$0x1AE00] =	vst v63  }
0x487: {  	s19 =	sadd.s32 $0xC050, s5;
	s20 =	simm.s32 $0x19B68  }
0x488: {  	[hbm4b:s19+s3] =	stream.linear.scatter [tilespmem:s20], [sflag:$0x2], $0x80, $0x38;
	[tilespmem:$0x1AE00] =	vst v63  }
0x489: {  	s21 =	sadd.s32 $0xC060, s5  }
0x48a: {  	[hbm4b:s21+s3] =	stream.linear.scatter [tilespmem:s24], [sflag:$0x2], $0x80, $0x38;
	[tilespmem:$0x1AE00] =	vst v63  }
0x48b: {  	s22 =	sadd.s32 $0xC070, s5  }
0x48c: {  	[hbm4b:s22+s3] =	stream.linear.scatter [tilespmem:s28], [sflag:$0x2], $0x80, $0x38;
	[tilespmem:$0x1AE00] =	vst v63  }
0x48d: {  	s7 =	sadd.s32 $0x10000, s5  }
0x48e: {  	[hbm4b:s7+s3] =	stream.linear.scatter [tilespmem:s30], [sflag:$0x2], $0x80, $0x38;
	[tilespmem:$0x1AE00] =	vst v63  }
0x48f: {  	s23 =	sadd.s32 $0x10, s7;
	s10 =	simm.s32 $0x19D88  }
0x490: {  	[hbm4b:s23+s3] =	stream.linear.scatter [tilespmem:s10], [sflag:$0x2], $0x80, $0x38;
	[tilespmem:$0x1AE00] =	vst v63  }
0x491: {  	s12 =	sadd.s32 $0x20, s7;
	s13 =	simm.s32 $0x19E10  }
0x492: {  	[hbm4b:s12+s3] =	stream.linear.scatter [tilespmem:s13], [sflag:$0x2], $0x80, $0x38;
	[tilespmem:$0x1AE00] =	vst v63  }
0x493: {  	s14 =	sadd.s32 $0x30, s7;
	s15 =	simm.s32 $0x19E98  }
0x494: {  	[hbm4b:s14+s3] =	stream.linear.scatter [tilespmem:s15], [sflag:$0x2], $0x80, $0x38;
	[tilespmem:$0x1AE00] =	vst v63  }
0x495: {  	s16 =	sadd.s32 $0x40, s7;
	s19 =	simm.s32 $0x19F20  }
0x496: {  	[hbm4b:s16+s3] =	stream.linear.scatter [tilespmem:s19], [sflag:$0x2], $0x80, $0x38;
	[tilespmem:$0x1AE00] =	vst v63  }
0x497: {  	s20 =	sadd.s32 $0x50, s7;
	s21 =	simm.s32 $0x19FA8  }
0x498: {  	[hbm4b:s20+s3] =	stream.linear.scatter [tilespmem:s21], [sflag:$0x2], $0x80, $0x38;
	[tilespmem:$0x1AE00] =	vst v63  }
0x499: {  	s22 =	sadd.s32 $0x60, s7;
	s23 =	simm.s32 $0x1A030  }
0x49a: {  	[hbm4b:s22+s3] =	stream.linear.scatter [tilespmem:s23], [sflag:$0x2], $0x80, $0x38;
	[tilespmem:$0x1AE00] =	vst v63  }
0x49b: {  	s7 =	sadd.s32 $0x70, s7;
	s12 =	simm.s32 $0x1A0B8  }
0x49c: {  	[hbm4b:s7+s3] =	stream.linear.scatter [tilespmem:s12], [sflag:$0x2], $0x80, $0x38;
	[tilespmem:$0x1AE00] =	vst v63  }
0x49d: {  	s13 =	simm.s32 $0x1A140;
	s7 =	sadd.s32 $0x14000, s5  }
0x49e: {  	[hbm4b:s7+s3] =	stream.linear.scatter [tilespmem:s13], [sflag:$0x2], $0x80, $0x38;
	[tilespmem:$0x1AE00] =	vst v63  }
0x49f: {  	s15 =	simm.s32 $0x1A1C8;
	s14 =	sadd.s32 $0x10, s7  }
0x4a0: {  	[hbm4b:s14+s3] =	stream.linear.scatter [tilespmem:s15], [sflag:$0x2], $0x80, $0x38;
	[tilespmem:$0x1AE00] =	vst v63  }
0x4a1: {  	s19 =	simm.s32 $0x1A250;
	s16 =	sadd.s32 $0x20, s7  }
0x4a2: {  	[hbm4b:s16+s3] =	stream.linear.scatter [tilespmem:s19], [sflag:$0x2], $0x80, $0x38;
	[tilespmem:$0x1AE00] =	vst v63  }
0x4a3: {  	s21 =	simm.s32 $0x1A2D8;
	s20 =	sadd.s32 $0x30, s7  }
0x4a4: {  	[hbm4b:s20+s3] =	stream.linear.scatter [tilespmem:s21], [sflag:$0x2], $0x80, $0x38;
	[tilespmem:$0x1AE00] =	vst v63  }
0x4a5: {  	s23 =	simm.s32 $0x1A360;
	s22 =	sadd.s32 $0x40, s7  }
0x4a6: {  	[hbm4b:s22+s3] =	stream.linear.scatter [tilespmem:s23], [sflag:$0x2], $0x80, $0x38;
	[tilespmem:$0x1AE00] =	vst v63  }
0x4a7: {  	s12 =	sadd.s32 $0x50, s7;
	s13 =	simm.s32 $0x1A3E8  }
0x4a8: {  	[hbm4b:s12+s3] =	stream.linear.scatter [tilespmem:s13], [sflag:$0x2], $0x80, $0x38;
	[tilespmem:$0x1AE00] =	vst v63  }
0x4a9: {  	s14 =	sadd.s32 $0x60, s7;
	s15 =	simm.s32 $0x1A470  }
0x4aa: {  	[hbm4b:s14+s3] =	stream.linear.scatter [tilespmem:s15], [sflag:$0x2], $0x80, $0x38;
	[tilespmem:$0x1AE00] =	vst v63  }
0x4ab: {  	s7 =	sadd.s32 $0x70, s7;
	s16 =	simm.s32 $0x1A4F8  }
0x4ac: {  	[hbm4b:s7+s3] =	stream.linear.scatter [tilespmem:s16], [sflag:$0x2], $0x80, $0x38;
	[tilespmem:$0x1AE00] =	vst v63  }
0x4ad: {  	s19 =	simm.s32 $0x1A580;
	s7 =	sadd.s32 $0x18000, s5  }
0x4ae: {  	[hbm4b:s7+s3] =	stream.linear.scatter [tilespmem:s19], [sflag:$0x2], $0x80, $0x38;
	[tilespmem:$0x1AE00] =	vst v63  }
0x4af: {  	s21 =	simm.s32 $0x1A608;
	s20 =	sadd.s32 $0x10, s7  }
0x4b0: {  	[hbm4b:s20+s3] =	stream.linear.scatter [tilespmem:s21], [sflag:$0x2], $0x80, $0x38;
	[tilespmem:$0x1AE00] =	vst v63  }
0x4b1: {  	s23 =	simm.s32 $0x1A690;
	s22 =	sadd.s32 $0x20, s7  }
0x4b2: {  	[hbm4b:s22+s3] =	stream.linear.scatter [tilespmem:s23], [sflag:$0x2], $0x80, $0x38;
	[tilespmem:$0x1AE00] =	vst v63  }
0x4b3: {  	s13 =	simm.s32 $0x1A718;
	s12 =	sadd.s32 $0x30, s7  }
0x4b4: {  	[hbm4b:s12+s3] =	stream.linear.scatter [tilespmem:s13], [sflag:$0x2], $0x80, $0x38;
	[tilespmem:$0x1AE00] =	vst v63  }
0x4b5: {  	s15 =	simm.s32 $0x1A7A0;
	s14 =	sadd.s32 $0x40, s7  }
0x4b6: {  	[hbm4b:s14+s3] =	stream.linear.scatter [tilespmem:s15], [sflag:$0x2], $0x80, $0x38;
	[tilespmem:$0x1AE00] =	vst v63  }
0x4b7: {  	s16 =	sadd.s32 $0x50, s7;
	s19 =	simm.s32 $0x1A828  }
0x4b8: {  	[hbm4b:s16+s3] =	stream.linear.scatter [tilespmem:s19], [sflag:$0x2], $0x80, $0x38;
	[tilespmem:$0x1AE00] =	vst v63  }
0x4b9: {  	s20 =	sadd.s32 $0x60, s7;
	s21 =	simm.s32 $0x1A8B0  }
0x4ba: {  	[hbm4b:s20+s3] =	stream.linear.scatter [tilespmem:s21], [sflag:$0x2], $0x80, $0x38;
	[tilespmem:$0x1AE00] =	vst v63  }
0x4bb: {  	s7 =	sadd.s32 $0x70, s7;
	s22 =	simm.s32 $0x1A938  }
0x4bc: {  	[hbm4b:s7+s3] =	stream.linear.scatter [tilespmem:s22], [sflag:$0x2], $0x80, $0x38;
	[tilespmem:$0x1AE00] =	vst v63  }
0x4bd: {  	s5 =	sadd.s32 $0x1C000, s5;
	s23 =	simm.s32 $0x1A9C0  }
0x4be: {  	[hbm4b:s5+s3] =	stream.linear.scatter [tilespmem:s23], [sflag:$0x2], $0x80, $0x38;
	[tilespmem:$0x1AE00] =	vst v63  }
0x4bf: {  	s10 =	simm.s32 $0x1AA48;
	s8 =	sadd.s32 $0x10, s5  }
0x4c0: {  	[hbm4b:s8+s3] =	stream.linear.scatter [tilespmem:s10], [sflag:$0x2], $0x80, $0x38;
	[tilespmem:$0x1AE00] =	vst v63  }
0x4c1: {  	s12 =	sadd.s32 $0x20, s5;
	s13 =	simm.s32 $0x1AAD0  }
0x4c2: {  	[hbm4b:s12+s3] =	stream.linear.scatter [tilespmem:s13], [sflag:$0x2], $0x80, $0x38;
	[tilespmem:$0x1AE00] =	vst v63  }
0x4c3: {  	s14 =	sadd.s32 $0x30, s5;
	s15 =	simm.s32 $0x1AB58  }
0x4c4: {  	[hbm4b:s14+s3] =	stream.linear.scatter [tilespmem:s15], [sflag:$0x2], $0x80, $0x38;
	[tilespmem:$0x1AE00] =	vst v63  }
0x4c5: {  	s16 =	sadd.s32 $0x40, s5;
	s19 =	simm.s32 $0x1ABE0  }
0x4c6: {  	[hbm4b:s16+s3] =	stream.linear.scatter [tilespmem:s19], [sflag:$0x2], $0x80, $0x38;
	[tilespmem:$0x1AE00] =	vst v63  }
0x4c7: {  	s20 =	sadd.s32 $0x50, s5;
	s21 =	simm.s32 $0x1AC68  }
0x4c8: {  	[hbm4b:s20+s3] =	stream.linear.scatter [tilespmem:s21], [sflag:$0x2], $0x80, $0x38;
	[tilespmem:$0x1AE00] =	vst v63  }
0x4c9: {  	s22 =	sadd.s32 $0x60, s5;
	s23 =	simm.s32 $0x1ACF0  }
0x4ca: {  	[hbm4b:s22+s3] =	stream.linear.scatter [tilespmem:s23], [sflag:$0x2], $0x80, $0x38;
	[tilespmem:$0x1AE00] =	vst v63  }
0x4cb: {  	s5 =	sadd.s32 $0x70, s5  }
0x4cc: {  	[hbm4b:s5+s3] =	stream.linear.scatter [tilespmem:s31], [sflag:$0x2], $0x80, $0x38;
	[tilespmem:$0x1AE00] =	vst v63  }
0x4cd: {  	_ =	swait.ge [sflag:s0], $0x400  }
0x4ce: {  	[sflag:s0] =	ssyncset.done $0x0  }
0x4cf: {  	[sflag:s0] =	ssyncadd.s32 $0xFFFFFC00  }
0x4d0: {  	_ =	swait.ge [sflag:s0], $0x400  }
0x4d1: {  	[sflag:s0] =	ssyncset.done $0x0  }
0x4d2: {  	[sflag:s0] =	ssyncadd.s32 $0xFFFFFC00  }
0x4d3: {  	_ =	swait.ge [sflag:s0], $0x400  }
0x4d4: {  	[sflag:s0] =	ssyncset.done $0x0  }
0x4d5: {  	[sflag:s0] =	ssyncadd.s32 $0xFFFFFC00  }
0x4d6: {  	_ =	swait.ge [sflag:s0], $0x400  }
0x4d7: {  	[sflag:s0] =	ssyncset.done $0x0  }
0x4d8: {  	[sflag:s0] =	ssyncadd.s32 $0xFFFFFC00  }
0x4d9: {  	_ =	swait.ge [sflag:s0], $0x400  }
0x4da: {  	[sflag:s0] =	ssyncset.done $0x0  }
0x4db: {  	[sflag:s0] =	ssyncadd.s32 $0xFFFFFC00  }
0x4dc: {  	_ =	swait.ge [sflag:s0], $0x400  }
0x4dd: {  	[sflag:s0] =	ssyncset.done $0x0  }
0x4de: {  	[sflag:s0] =	ssyncadd.s32 $0xFFFFFC00  }
0x4df: {  	_ =	swait.ge [sflag:s0], $0x400  }
0x4e0: {  	[sflag:s0] =	ssyncset.done $0x0  }
0x4e1: {  	[sflag:s0] =	ssyncadd.s32 $0xFFFFFC00  }
0x4e2: {  	_ =	swait.ge [sflag:s0], $0x400  }
0x4e3: {  	[sflag:s0] =	ssyncset.done $0x0  }
0x4e4: {  	[sflag:s0] =	ssyncadd.s32 $0xFFFFFC00  }
0x4e5: {  	_ =	swait.ge [sflag:s0], $0x400  }
0x4e6: {  	[sflag:s0] =	ssyncset.done $0x0  }
0x4e7: {  	[sflag:s0] =	ssyncadd.s32 $0xFFFFFC00  }
0x4e8: {  	_ =	swait.ge [sflag:s0], $0x400  }
0x4e9: {  	[sflag:s0] =	ssyncset.done $0x0  }
0x4ea: {  	[sflag:s0] =	ssyncadd.s32 $0xFFFFFC00  }
0x4eb: {  	_ =	swait.ge [sflag:s0], $0x400  }
0x4ec: {  	[sflag:s0] =	ssyncset.done $0x0  }
0x4ed: {  	[sflag:s0] =	ssyncadd.s32 $0xFFFFFC00  }
0x4ee: {  	_ =	swait.ge [sflag:s0], $0x400  }
0x4ef: {  	[sflag:s0] =	ssyncset.done $0x0  }
0x4f0: {  	[sflag:s0] =	ssyncadd.s32 $0xFFFFFC00  }
0x4f1: {  	_ =	swait.ge [sflag:s0], $0x400  }
0x4f2: {  	[sflag:s0] =	ssyncset.done $0x0  }
0x4f3: {  	[sflag:s0] =	ssyncadd.s32 $0xFFFFFC00  }
0x4f4: {  	_ =	swait.ge [sflag:s0], $0x400  }
0x4f5: {  	[sflag:s0] =	ssyncset.done $0x0  }
0x4f6: {  	[sflag:s0] =	ssyncadd.s32 $0xFFFFFC00  }
0x4f7: {  	_ =	swait.ge [sflag:s0], $0x400  }
0x4f8: {  	[sflag:s0] =	ssyncset.done $0x0  }
0x4f9: {  	[sflag:s0] =	ssyncadd.s32 $0xFFFFFC00  }
0x4fa: {  	_ =	swait.ge [sflag:s0], $0x400  }
0x4fb: {  	[sflag:s0] =	ssyncset.done $0x0  }
0x4fc: {  	[sflag:s0] =	ssyncadd.s32 $0xFFFFFC00  }
0x4fd: {  	_ =	swait.ge [sflag:s0], $0x400  }
0x4fe: {  	[sflag:s0] =	ssyncset.done $0x0  }
0x4ff: {  	[sflag:s0] =	ssyncadd.s32 $0xFFFFFC00  }
0x500: {  	_ =	swait.ge [sflag:s0], $0x400  }
0x501: {  	[sflag:s0] =	ssyncset.done $0x0  }
0x502: {  	[sflag:s0] =	ssyncadd.s32 $0xFFFFFC00  }
0x503: {  	_ =	swait.ge [sflag:s0], $0x400  }
0x504: {  	[sflag:s0] =	ssyncset.done $0x0  }
0x505: {  	[sflag:s0] =	ssyncadd.s32 $0xFFFFFC00  }
0x506: {  	_ =	swait.ge [sflag:s0], $0x400  }
0x507: {  	[sflag:s0] =	ssyncset.done $0x0  }
0x508: {  	[sflag:s0] =	ssyncadd.s32 $0xFFFFFC00  }
0x509: {  	_ =	swait.ge [sflag:s0], $0x400  }
0x50a: {  	[sflag:s0] =	ssyncset.done $0x0  }
0x50b: {  	[sflag:s0] =	ssyncadd.s32 $0xFFFFFC00  }
0x50c: {  	_ =	swait.ge [sflag:s0], $0x400  }
0x50d: {  	[sflag:s0] =	ssyncset.done $0x0  }
0x50e: {  	[sflag:s0] =	ssyncadd.s32 $0xFFFFFC00  }
0x50f: {  	_ =	swait.ge [sflag:s0], $0x400  }
0x510: {  	[sflag:s0] =	ssyncset.done $0x0  }
0x511: {  	[sflag:s0] =	ssyncadd.s32 $0xFFFFFC00  }
0x512: {  	_ =	swait.ge [sflag:s0], $0x400  }
0x513: {  	[sflag:s0] =	ssyncset.done $0x0  }
0x514: {  	[sflag:s0] =	ssyncadd.s32 $0xFFFFFC00  }
0x515: {  	_ =	swait.ge [sflag:s0], $0x400  }
0x516: {  	[sflag:s0] =	ssyncset.done $0x0  }
0x517: {  	[sflag:s0] =	ssyncadd.s32 $0xFFFFFC00  }
0x518: {  	_ =	swait.ge [sflag:s0], $0x400  }
0x519: {  	[sflag:s0] =	ssyncset.done $0x0  }
0x51a: {  	[sflag:s0] =	ssyncadd.s32 $0xFFFFFC00  }
0x51b: {  	_ =	swait.ge [sflag:s0], $0x400  }
0x51c: {  	[sflag:s0] =	ssyncset.done $0x0  }
0x51d: {  	[sflag:s0] =	ssyncadd.s32 $0xFFFFFC00  }
0x51e: {  	_ =	swait.ge [sflag:s0], $0x400  }
0x51f: {  	[sflag:s0] =	ssyncset.done $0x0  }
0x520: {  	[sflag:s0] =	ssyncadd.s32 $0xFFFFFC00  }
0x521: {  	_ =	swait.ge [sflag:s0], $0x400  }
0x522: {  	[sflag:s0] =	ssyncset.done $0x0  }
0x523: {  	[sflag:s0] =	ssyncadd.s32 $0xFFFFFC00  }
0x524: {  	_ =	swait.ge [sflag:s0], $0x400  }
0x525: {  	[sflag:s0] =	ssyncset.done $0x0  }
0x526: {  	[sflag:s0] =	ssyncadd.s32 $0xFFFFFC00  }
0x527: {  	_ =	swait.ge [sflag:s0], $0x400  }
0x528: {  	[sflag:s0] =	ssyncset.done $0x0  }
0x529: {  	[sflag:s0] =	ssyncadd.s32 $0xFFFFFC00  }
0x52a: {  	_ =	swait.ge [sflag:s0], $0x400  }
0x52b: {  	[sflag:s0] =	ssyncset.done $0x0  }
0x52c: {  	[sflag:s0] =	ssyncadd.s32 $0xFFFFFC00  }
0x52d: {  	_ =	swait.ge [sflag:s0], $0x400  }
0x52e: {  	[sflag:s0] =	ssyncset.done $0x0  }
0x52f: {  	[sflag:s0] =	ssyncadd.s32 $0xFFFFFC00  }
0x530: {  	_ =	swait.ge [sflag:s0], $0x400  }
0x531: {  	[sflag:s0] =	ssyncset.done $0x0  }
0x532: {  	[sflag:s0] =	ssyncadd.s32 $0xFFFFFC00  }
0x533: {  	_ =	swait.ge [sflag:s0], $0x400  }
0x534: {  	[sflag:s0] =	ssyncset.done $0x0  }
0x535: {  	[sflag:s0] =	ssyncadd.s32 $0xFFFFFC00  }
0x536: {  	_ =	swait.ge [sflag:s0], $0x400  }
0x537: {  	[sflag:s0] =	ssyncset.done $0x0  }
0x538: {  	[sflag:s0] =	ssyncadd.s32 $0xFFFFFC00  }
0x539: {  	_ =	swait.ge [sflag:s0], $0x400  }
0x53a: {  	[sflag:s0] =	ssyncset.done $0x0  }
0x53b: {  	[sflag:s0] =	ssyncadd.s32 $0xFFFFFC00  }
0x53c: {  	_ =	swait.ge [sflag:s0], $0x400  }
0x53d: {  	[sflag:s0] =	ssyncset.done $0x0  }
0x53e: {  	s1 =	sadd.s32 $0x1, s1;
	[sflag:s0] =	ssyncadd.s32 $0xFFFFFC00  }
0x53f: {  	p0 =	sne.s32 s1, $0x28;
	_ =	swait.ge [sflag:s0], $0x400  }
.Ltmp5:
0x540: {  	[sflag:s0] =	ssyncset.done $0x0;
	(pc) =	sbr.rel @p0 .LBB2_2-.Ltmp5, $4  }
0x541: {  	[sflag:s0] =	ssyncadd.s32 $0xFFFFFC00  }
0x542: {  	_ =	swait.ge [sflag:s0], $0x400  }
0x543: {  	[sflag:s0] =	ssyncset.done $0x0  }
0x544: {  	[sflag:s0] =	ssyncadd.s32 $0xFFFFFC00  }
0x545: {  	s5 =	rddreg [dreg:$0x5]  }
0x546: {  	s1 =	rddreg [dreg:$0x4];
	s5 =	sadd.s32 $0x1, s5  }
0x547: {  	p0 =	sne.s32 s5, s1  }
.Ltmp6:
0x548: {  	_ = 	snop;
	(pc) =	sbr.rel @p0 .LBB2_1-.Ltmp6, $1  }
0x549: {  	_ =	sdelay $0x3  }
0x54a: {  	_ =	sfence.sel $0x180000  }
0x54b: {  	[bflag:$0x0] =	sbarrier.arrive $0xFFFF  }
0x54c: {  	_ =	strace $0x90000047  }
0x54d: {  	s0 =	stileid.u32;
	[bflag:$0x2] =	sbarrier.arrive $0xFFFF  }
0x54e: {  	p0 =	sne.s32 s0, $0x0;
	s0 =	rddreg [dreg:$0x2]  }
0x54f: {  	s0 =	sadd.s32 @!p0 $0x100000, s0  }
0x550: {  	[sflag:s0] =	ssyncadd.tile.s32 @!p0 $0x1;
	_ =	shalt  }
.Lfunc_end2:
_tile_overlayer_lowered:
.L_overlay_start_2:
0x551: {  	(tag) =	ssettag $0x2  }
0x552: {  	s0 =	rddreg [dreg:$0x0];
	s2 =	stileid.u32  }
0x553: {  	s1 =	rddreg [dreg:$0x1];
	p0 =	sne.s32 s2, $0x0  }
0x554: {  	s3 =	rddreg [dreg:$0x2];
	[bflag:$0x3] =	sbarrier.arrive $0xFFFF;
	s2 =	simm.s32 @!p0 $0x1C03  }
0x555: {  	[timem:s3], [sflag:s2] =	dma.local @!p0 [hbm:s0], s1  }
0x556: {  	s0 =	simm.s32 @!p0 $0x3  }
0x557: {  	_ =	swait.ge @!p0 [sflag:s0], s1  }
0x558: {  	s1 =	ssub.s32 @!p0 $0x0, s1;
	[sflag:s0] =	ssyncset.done @!p0 $0x0  }
0x559: {  	[sflag:s0] =	ssyncadd.s32 @!p0 s1  }
0x55a: {  	[bflag:$0x3] =	sbarrier.arrive $0xFFFF  }
0x55b: {  	_ =	shalt  }

</sc_bundles>
